<compile_context>
chip_gen: v7x
topology: tpu7x:2x2x1
jax: 0.10.2.dev20260603
libtpu: 0.0.44.dev20260713+nightly
codegen_flags: <defaults>
</compile_context>

<pallas_src>
import functools

import jax
import jax.numpy as jnp
from jax import lax
from jax.experimental import pallas as pl
from jax.experimental.pallas import tpu as pltpu
from jax.experimental.pallas import tpu_sc as plsc

B = 1024
DENSE_DIM = 13
SPARSE_DIM = 26
VOCAB = 1000
EMB = 64
FN = DENSE_DIM + SPARSE_DIM * EMB

NC, NS = 2, 16
NW = NC * NS
B_PER_W = B // NW

_sc_mesh = plsc.VectorSubcoreMesh(
    core_axis_name="c", subcore_axis_name="s", num_cores=NC, num_subcores=NS)


@functools.partial(
    pl.kernel,
    mesh=_sc_mesh,
    out_type=jax.ShapeDtypeStruct((SPARSE_DIM, B, 128), jnp.float32),
    scratch_types=[
        pltpu.VMEM((SPARSE_DIM, 128), jnp.int32),
        pltpu.VMEM((SPARSE_DIM, B_PER_W, 128), jnp.float32),
        pltpu.SemaphoreType.DMA,
        pltpu.SemaphoreType.DMA,
    ],
    compiler_params=pltpu.CompilerParams(use_tc_tiling_on_sc=True),
)
def _sc_gather(table_hbm, idx_hbm, out_hbm, idx_v, rows_v, gsem, wsem):
    wid = lax.axis_index("s") * NC + lax.axis_index("c")
    pltpu.sync_copy(idx_hbm.at[:, wid // 4], idx_v)
    lane0 = (wid % 4) * B_PER_W
    gathers = []
    for f in range(SPARSE_DIM):
        gathers.append(
            pltpu.async_copy(
                table_hbm.at[f].at[idx_v.at[f, pl.ds(lane0, B_PER_W)]],
                rows_v.at[f], gsem))
    for g in gathers:
        g.wait()
    writes = []
    for f in range(SPARSE_DIM):
        writes.append(
            pltpu.async_copy(rows_v.at[f],
                             out_hbm.at[f].at[pl.ds(wid * B_PER_W, B_PER_W)],
                             wsem))
    for wr in writes:
        wr.wait()


def _tc_body(emb_ref, inp_ref, w0_ref, w_ref, V_ref, W1_ref, b1_ref, W2_ref,
             b2_ref, W3_ref, b3_ref, Wo_ref, bo_ref, out_ref):
    parts = [inp_ref[:, :DENSE_DIM]]
    for f in range(SPARSE_DIM):
        parts.append(emb_ref[f, :, :EMB])
    x = jnp.concatenate(parts, axis=1)
    V = V_ref[...]
    xv = jnp.dot(x, V, preferred_element_type=jnp.float32)
    s1 = jnp.sum(xv * xv, axis=1, keepdims=True)
    v2s = jnp.sum(V * V, axis=1, keepdims=True)
    s2 = jnp.dot(x * x, v2s, preferred_element_type=jnp.float32)
    lin = jnp.dot(x, w_ref[...], preferred_element_type=jnp.float32)
    fm = w0_ref[0, 0] + lin + 0.5 * (s1 - s2)
    xb = x.astype(jnp.bfloat16)
    h = jnp.maximum(
        jnp.dot(xb, W1_ref[...].astype(jnp.bfloat16),
                preferred_element_type=jnp.float32) + b1_ref[...], 0.0)
    h = jnp.maximum(
        jnp.dot(h.astype(jnp.bfloat16), W2_ref[...].astype(jnp.bfloat16),
                preferred_element_type=jnp.float32) + b2_ref[...], 0.0)
    h = jnp.maximum(
        jnp.dot(h.astype(jnp.bfloat16), W3_ref[...].astype(jnp.bfloat16),
                preferred_element_type=jnp.float32) + b3_ref[...], 0.0)
    deep = jnp.dot(h, Wo_ref[...], preferred_element_type=jnp.float32) + bo_ref[0, 0]
    out_ref[...] = jax.nn.sigmoid(0.5 * (fm + deep))


_BLK = 1024
_H1, _H2, _H3 = 1024, 512, 256


def _full(shape):
    n = len(shape)
    return pl.BlockSpec(shape, lambda i, n=n: (0,) * n)


_tc_call = pl.pallas_call(
    _tc_body,
    grid=(B // _BLK,),
    in_specs=[
        pl.BlockSpec((SPARSE_DIM, _BLK, 128), lambda i: (0, i, 0)),
        pl.BlockSpec((_BLK, DENSE_DIM + SPARSE_DIM), lambda i: (i, 0)),
        _full((1, 1)),
        _full((FN, 1)),
        _full((FN, 64)),
        _full((FN, _H1)),
        _full((1, _H1)),
        _full((_H1, _H2)),
        _full((1, _H2)),
        _full((_H2, _H3)),
        _full((1, _H3)),
        _full((_H3, 1)),
        _full((1, 1)),
    ],
    out_specs=pl.BlockSpec((_BLK, 1), lambda i: (i, 0)),
    out_shape=jax.ShapeDtypeStruct((B, 1), jnp.float32),
    compiler_params=pltpu.CompilerParams(
        dimension_semantics=("arbitrary",)),
)


def kernel(inputs, tables, w0, w, V, W1, b1, W2, b2, W3, b3, Wo, bo):
    table_pad = jnp.pad(tables, ((0, 0), (0, 0), (0, 128 - EMB)))
    idx3 = (inputs[:, DENSE_DIM:].astype(jnp.int32).T
            .reshape(SPARSE_DIM, 8, 128))
    emb3 = _sc_gather(table_pad, idx3)
    out = _tc_call(emb3, inputs, w0.reshape(1, 1), w, V, W1,
                   b1.reshape(1, _H1), W2, b2.reshape(1, _H2), W3,
                   b3.reshape(1, _H3), Wo, bo.reshape(1, 1))
    return out

# --- scband reference (transcript-rebuilt; emitter-appended) ---
"""Pipeline reference for scband-deep-fm-31662498906729 (READ-ONLY COPY).

The authoritative reference and input builder live on the scoring server;
editing this copy changes nothing except your own understanding.
"""

import jax, jax.numpy as jnp
import numpy as np

B = 1024
DENSE_DIM = 13
SPARSE_DIM = 26
VOCAB = 1000
EMB = 64
K = 64
FN = DENSE_DIM + SPARSE_DIM * EMB  # 1677
H1, H2, H3 = 1024, 512, 256


def setup_inputs(seed: int = 0) -> dict:
    key = jax.random.key(seed)
    ks = jax.random.split(key, 16)
    dense = jax.random.normal(ks[0], (B, DENSE_DIM), dtype=jnp.float32)
    sparse = jax.random.randint(ks[1], (B, SPARSE_DIM), 0, VOCAB).astype(jnp.float32)
    inputs = jnp.concatenate([dense, sparse], axis=1)
    tables = jax.random.normal(ks[2], (SPARSE_DIM, VOCAB, EMB), dtype=jnp.float32) * 0.05
    w0 = jnp.zeros((1,), dtype=jnp.float32)
    w = jax.random.normal(ks[3], (FN, 1), dtype=jnp.float32) * 0.01
    V = jax.random.normal(ks[4], (FN, K), dtype=jnp.float32) * 0.01
    W1 = jax.random.normal(ks[5], (FN, H1), dtype=jnp.float32) * (1.0 / np.sqrt(FN))
    b1 = jnp.zeros((H1,), dtype=jnp.float32)
    W2 = jax.random.normal(ks[6], (H1, H2), dtype=jnp.float32) * (1.0 / np.sqrt(H1))
    b2 = jnp.zeros((H2,), dtype=jnp.float32)
    W3 = jax.random.normal(ks[7], (H2, H3), dtype=jnp.float32) * (1.0 / np.sqrt(H2))
    b3 = jnp.zeros((H3,), dtype=jnp.float32)
    Wo = jax.random.normal(ks[8], (H3, 1), dtype=jnp.float32) * (1.0 / np.sqrt(H3))
    bo = jnp.zeros((1,), dtype=jnp.float32)
    return {"inputs": inputs, "tables": tables, "w0": w0, "w": w, "V": V,
            "W1": W1, "b1": b1, "W2": W2, "b2": b2, "W3": W3, "b3": b3,
            "Wo": Wo, "bo": bo}


def reference(inputs, tables, w0, w, V, W1, b1, W2, b2, W3, b3, Wo, bo):
    dense_inputs = inputs[:, :DENSE_DIM]
    sparse_inputs = inputs[:, DENSE_DIM:].astype(jnp.int32)
    # per-field embedding lookups, concatenated along feature axis
    embs = [jnp.take(tables[i], sparse_inputs[:, i], axis=0) for i in range(SPARSE_DIM)]
    sparse_embed = jnp.concatenate(embs, axis=-1)
    x = jnp.concatenate([dense_inputs, sparse_embed], axis=-1)  # [B, FN]
    # FM layer: linear + 2nd-order interactions
    linear = w0 + x @ w  # [B, 1]
    xv = x @ V  # [B, K]
    inter = 0.5 * jnp.sum(jnp.square(xv) - jnp.square(x) @ jnp.square(V), axis=1, keepdims=True)
    fm_output = linear + inter
    # Deep layer: MLP
    h = jax.nn.relu(x @ W1 + b1)
    h = jax.nn.relu(h @ W2 + b2)
    h = jax.nn.relu(h @ W3 + b3)
    deep_output = h @ Wo + bo
    output = jax.nn.sigmoid(0.5 * (fm_output + deep_output))
    return output

if __name__ == "__main__":
    import jax
    _d = setup_inputs()
    print(jax.jit(kernel)(*tuple(_d.values())))

</pallas_src>

<mosaic_0001>
#map = affine_map<(d0, d1) -> (0, 0, 0)>
module attributes {stable_mosaic.version = 14 : i64} {
  func.func @_sc_gather(%arg0: i32, %arg1: i32, %arg2: memref<26x1000x128xf32, #tpu.memory_space<hbm>>, %arg3: memref<26x8x128xi32, #tpu.memory_space<hbm>>, %arg4: memref<26x1024x128xf32, #tpu.memory_space<hbm>>, %arg5: memref<26x128xi32, #tpu.memory_space<vmem>>, %arg6: memref<26x32x128xf32, #tpu.memory_space<vmem>>, %arg7: memref<!tpu.dma_semaphore, #tpu.memory_space<semaphore_mem>>, %arg8: memref<!tpu.dma_semaphore, #tpu.memory_space<semaphore_mem>>) attributes {dimension_semantics = [#tpu.dimension_semantics<core_parallel>, #tpu.dimension_semantics<subcore_parallel>], iteration_bounds = array<i64: 2, 16>, scalar_prefetch = 0 : i64, scratch_operands = 4 : i64, tpu.core_type = #tpu.core_type<sc_vector_subcore>, window_params = [{transform_indices = #map}, {transform_indices = #map}, {transform_indices = #map}]} {
    %mul3A = arith.constant 2 : i32
    %mul3A_0 = arith.muli %arg1, %mul3A : i32
    %add3A = arith.addi %mul3A_0, %arg0 : i32
    %jit3A = arith.constant 4 : i32
    %div3A = arith.divsi %add3A, %jit3A : i32
    %sign3A = arith.constant 0 : i32
    %sign3A_1 = arith.cmpi sgt, %add3A, %sign3A : i32
    %sign3A_2 = arith.extui %sign3A_1 : i1 to i32
    %sign3A_3 = arith.constant 0 : i32
    %sign3A_4 = arith.cmpi slt, %add3A, %sign3A_3 : i32
    %sign3A_5 = arith.extui %sign3A_4 : i1 to i32
    %sign3A_6 = arith.subi %sign3A_2, %sign3A_5 : i32
    %sign3A_7 = arith.constant 0 : i32
    %sign3A_8 = arith.cmpi sgt, %jit3A, %sign3A_7 : i32
    %sign3A_9 = arith.extui %sign3A_8 : i1 to i32
    %sign3A_10 = arith.constant 0 : i32
    %sign3A_11 = arith.cmpi slt, %jit3A, %sign3A_10 : i32
    %sign3A_12 = arith.extui %sign3A_11 : i1 to i32
    %sign3A_13 = arith.subi %sign3A_9, %sign3A_12 : i32
    %ne3A = arith.cmpi ne, %sign3A_6, %sign3A_13 : i32
    %rem3A = arith.remsi %add3A, %jit3A : i32
    %ne3A_14 = arith.constant 0 : i32
    %ne3A_15 = arith.cmpi ne, %rem3A, %ne3A_14 : i32
    %and3A = arith.andi %ne3A, %ne3A_15 : i1
    %sub3A = arith.constant 1 : i32
    %sub3A_16 = arith.subi %div3A, %sub3A : i32
    %select_n3A = arith.select %and3A, %sub3A_16, %div3A : i32
    "tpu.region"() ({
      %run_scoped3A = tpu.sem_alloc : memref<!tpu.dma_semaphore, #tpu.memory_space<semaphore_mem>>
      %dma_start3A_2059 = arith.constant 0 : i32
      %dma_start3A_2060 = arith.constant 0 : i32
      %dma_start3A_2061 = tpu.memref_slice %arg3[%dma_start3A_2059, %select_n3A, %dma_start3A_2060] : memref<26x8x128xi32, #tpu.memory_space<hbm>> -> memref<26x1x128xi32, #tpu.memory_space<hbm>>
      %dma_start3A_2062 = tpu.memref_squeeze %dma_start3A_2061 : memref<26x1x128xi32, #tpu.memory_space<hbm>> -> memref<26x128xi32, #tpu.memory_space<hbm>>
      %dma_start3A_2063 = arith.constant 0 : i32
      %dma_start3A_2064 = arith.constant 0 : i32
      %dma_start3A_2065 = tpu.memref_slice %arg3[%dma_start3A_2063, %select_n3A, %dma_start3A_2064] : memref<26x8x128xi32, #tpu.memory_space<hbm>> -> memref<26x1x128xi32, #tpu.memory_space<hbm>>
      %dma_start3A_2066 = tpu.memref_squeeze %dma_start3A_2065 : memref<26x1x128xi32, #tpu.memory_space<hbm>> -> memref<26x128xi32, #tpu.memory_space<hbm>>
      tpu.enqueue_dma source(%dma_start3A_2066 : memref<26x128xi32, #tpu.memory_space<hbm>>) target(%arg5 : memref<26x128xi32, #tpu.memory_space<vmem>>) target_semaphore(%run_scoped3A : memref<!tpu.dma_semaphore, #tpu.memory_space<semaphore_mem>>)
      %dma_wait3A_2067 = arith.constant 0 : i32
      %dma_wait3A_2068 = arith.constant 0 : i32
      %dma_wait3A_2069 = tpu.memref_slice %arg3[%dma_wait3A_2067, %select_n3A, %dma_wait3A_2068] : memref<26x8x128xi32, #tpu.memory_space<hbm>> -> memref<26x1x128xi32, #tpu.memory_space<hbm>>
      %dma_wait3A_2070 = tpu.memref_squeeze %dma_wait3A_2069 : memref<26x1x128xi32, #tpu.memory_space<hbm>> -> memref<26x128xi32, #tpu.memory_space<hbm>>
      %dma_wait3A_2071 = arith.constant 0 : i32
      %dma_wait3A_2072 = arith.constant 0 : i32
      %dma_wait3A_2073 = tpu.memref_slice %arg3[%dma_wait3A_2071, %select_n3A, %dma_wait3A_2072] : memref<26x8x128xi32, #tpu.memory_space<hbm>> -> memref<26x1x128xi32, #tpu.memory_space<hbm>>
      %dma_wait3A_2074 = tpu.memref_squeeze %dma_wait3A_2073 : memref<26x1x128xi32, #tpu.memory_space<hbm>> -> memref<26x128xi32, #tpu.memory_space<hbm>>
      tpu.wait_dma2 semaphore(%run_scoped3A : memref<!tpu.dma_semaphore, #tpu.memory_space<semaphore_mem>>) src(%dma_wait3A_2074 : memref<26x128xi32, #tpu.memory_space<hbm>>) dst(%arg5 : memref<26x128xi32, #tpu.memory_space<vmem>>)
      tpu.yield
    }) : () -> ()
    %jit3A_17 = arith.constant 4 : i32
    %eq3A = arith.constant 0 : i32
    %eq3A_18 = arith.cmpi eq, %jit3A_17, %eq3A : i32
    %jit3A_19 = arith.constant 1 : i32
    %select_n3A_20 = arith.select %eq3A_18, %jit3A_19, %jit3A_17 : i32
    %rem3A_21 = arith.remsi %add3A, %select_n3A_20 : i32
    %ne3A_22 = arith.constant 0 : i32
    %ne3A_23 = arith.cmpi ne, %rem3A_21, %ne3A_22 : i32
    %lt3A = arith.constant 0 : i32
    %lt3A_24 = arith.cmpi slt, %rem3A_21, %lt3A : i32
    %lt3A_25 = arith.constant 0 : i32
    %lt3A_26 = arith.cmpi slt, %select_n3A_20, %lt3A_25 : i32
    %ne3A_27 = arith.xori %lt3A_24, %lt3A_26 : i1
    %and3A_28 = arith.andi %ne3A_27, %ne3A_23 : i1
    %add3A_29 = arith.addi %rem3A_21, %select_n3A_20 : i32
    %select_n3A_30 = arith.select %and3A_28, %add3A_29, %rem3A_21 : i32
    %mul3A_31 = arith.constant 32 : i32
    %mul3A_32 = arith.muli %select_n3A_30, %mul3A_31 : i32
    %dma_start3A = arith.constant 0 : i32
    %dma_start3A_33 = arith.constant 0 : i32
    %dma_start3A_34 = arith.constant 0 : i32
    %dma_start3A_35 = arith.constant 0 : i32
    %dma_start3A_36 = arith.constant 0 : i32
    %dma_start3A_37 = tpu.memref_slice %arg6[%dma_start3A_34, %dma_start3A_35, %dma_start3A_36] : memref<26x32x128xf32, #tpu.memory_space<vmem>> -> memref<1x32x128xf32, #tpu.memory_space<vmem>>
    %dma_start3A_38 = tpu.memref_squeeze %dma_start3A_37 : memref<1x32x128xf32, #tpu.memory_space<vmem>> -> memref<32x128xf32, #tpu.memory_space<vmem>>
    %dma_start3A_39 = tpu.memref_slice %arg5[%dma_start3A_33, %mul3A_32] : memref<26x128xi32, #tpu.memory_space<vmem>> -> memref<1x32xi32, #tpu.memory_space<vmem>>
    %dma_start3A_40 = tpu.memref_squeeze %dma_start3A_39 : memref<1x32xi32, #tpu.memory_space<vmem>> -> memref<32xi32, #tpu.memory_space<vmem>>
    %dma_start3A_41 = arith.constant 0 : i32
    %dma_start3A_42 = arith.constant 0 : i32
    %dma_start3A_43 = tpu.memref_slice %arg2[%dma_start3A, %dma_start3A_41, %dma_start3A_42] : memref<26x1000x128xf32, #tpu.memory_space<hbm>> -> memref<1x1000x128xf32, #tpu.memory_space<hbm>>
    %dma_start3A_44 = tpu.memref_squeeze %dma_start3A_43 : memref<1x1000x128xf32, #tpu.memory_space<hbm>> -> memref<1000x128xf32, #tpu.memory_space<hbm>>
    %dma_start3A_45 = arith.constant 0 : i32
    %dma_start3A_46 = arith.constant 0 : i32
    %dma_start3A_47 = tpu.memref_slice %dma_start3A_44[%dma_start3A_45, %dma_start3A_46] : memref<1000x128xf32, #tpu.memory_space<hbm>> -> memref<1000x128xf32, #tpu.memory_space<hbm>>
    tpu.enqueue_indirect_dma source(%dma_start3A_47 : memref<1000x128xf32, #tpu.memory_space<hbm>>) target(%dma_start3A_38 : memref<32x128xf32, #tpu.memory_space<vmem>>) offsets(%dma_start3A_40 : memref<32xi32, #tpu.memory_space<vmem>>) semaphore(%arg7 : memref<!tpu.dma_semaphore, #tpu.memory_space<semaphore_mem>>)
    %dma_start3A_48 = arith.constant 1 : i32
    %dma_start3A_49 = arith.constant 1 : i32
    %dma_start3A_50 = arith.constant 1 : i32
    %dma_start3A_51 = arith.constant 0 : i32
    %dma_start3A_52 = arith.constant 0 : i32
    %dma_start3A_53 = tpu.memref_slice %arg6[%dma_start3A_50, %dma_start3A_51, %dma_start3A_52] : memref<26x32x128xf32, #tpu.memory_space<vmem>> -> memref<1x32x128xf32, #tpu.memory_space<vmem>>
    %dma_start3A_54 = tpu.memref_squeeze %dma_start3A_53 : memref<1x32x128xf32, #tpu.memory_space<vmem>> -> memref<32x128xf32, #tpu.memory_space<vmem>>
    %dma_start3A_55 = tpu.memref_slice %arg5[%dma_start3A_49, %mul3A_32] : memref<26x128xi32, #tpu.memory_space<vmem>> -> memref<1x32xi32, #tpu.memory_space<vmem>>
    %dma_start3A_56 = tpu.memref_squeeze %dma_start3A_55 : memref<1x32xi32, #tpu.memory_space<vmem>> -> memref<32xi32, #tpu.memory_space<vmem>>
    %dma_start3A_57 = arith.constant 0 : i32
    %dma_start3A_58 = arith.constant 0 : i32
    %dma_start3A_59 = tpu.memref_slice %arg2[%dma_start3A_48, %dma_start3A_57, %dma_start3A_58] : memref<26x1000x128xf32, #tpu.memory_space<hbm>> -> memref<1x1000x128xf32, #tpu.memory_space<hbm>>
    %dma_start3A_60 = tpu.memref_squeeze %dma_start3A_59 : memref<1x1000x128xf32, #tpu.memory_space<hbm>> -> memref<1000x128xf32, #tpu.memory_space<hbm>>
    %dma_start3A_61 = arith.constant 0 : i32
    %dma_start3A_62 = arith.constant 0 : i32
    %dma_start3A_63 = tpu.memref_slice %dma_start3A_60[%dma_start3A_61, %dma_start3A_62] : memref<1000x128xf32, #tpu.memory_space<hbm>> -> memref<1000x128xf32, #tpu.memory_space<hbm>>
    tpu.enqueue_indirect_dma source(%dma_start3A_63 : memref<1000x128xf32, #tpu.memory_space<hbm>>) target(%dma_start3A_54 : memref<32x128xf32, #tpu.memory_space<vmem>>) offsets(%dma_start3A_56 : memref<32xi32, #tpu.memory_space<vmem>>) semaphore(%arg7 : memref<!tpu.dma_semaphore, #tpu.memory_space<semaphore_mem>>)
    %dma_start3A_64 = arith.constant 2 : i32
    %dma_start3A_65 = arith.constant 2 : i32
    %dma_start3A_66 = arith.constant 2 : i32
    %dma_start3A_67 = arith.constant 0 : i32
    %dma_start3A_68 = arith.constant 0 : i32
    %dma_start3A_69 = tpu.memref_slice %arg6[%dma_start3A_66, %dma_start3A_67, %dma_start3A_68] : memref<26x32x128xf32, #tpu.memory_space<vmem>> -> memref<1x32x128xf32, #tpu.memory_space<vmem>>
    %dma_start3A_70 = tpu.memref_squeeze %dma_start3A_69 : memref<1x32x128xf32, #tpu.memory_space<vmem>> -> memref<32x128xf32, #tpu.memory_space<vmem>>
    %dma_start3A_71 = tpu.memref_slice %arg5[%dma_start3A_65, %mul3A_32] : memref<26x128xi32, #tpu.memory_space<vmem>> -> memref<1x32xi32, #tpu.memory_space<vmem>>
    %dma_start3A_72 = tpu.memref_squeeze %dma_start3A_71 : memref<1x32xi32, #tpu.memory_space<vmem>> -> memref<32xi32, #tpu.memory_space<vmem>>
    %dma_start3A_73 = arith.constant 0 : i32
    %dma_start3A_74 = arith.constant 0 : i32
    %dma_start3A_75 = tpu.memref_slice %arg2[%dma_start3A_64, %dma_start3A_73, %dma_start3A_74] : memref<26x1000x128xf32, #tpu.memory_space<hbm>> -> memref<1x1000x128xf32, #tpu.memory_space<hbm>>
    %dma_start3A_76 = tpu.memref_squeeze %dma_start3A_75 : memref<1x1000x128xf32, #tpu.memory_space<hbm>> -> memref<1000x128xf32, #tpu.memory_space<hbm>>
    %dma_start3A_77 = arith.constant 0 : i32
    %dma_start3A_78 = arith.constant 0 : i32
    %dma_start3A_79 = tpu.memref_slice %dma_start3A_76[%dma_start3A_77, %dma_start3A_78] : memref<1000x128xf32, #tpu.memory_space<hbm>> -> memref<1000x128xf32, #tpu.memory_space<hbm>>
    tpu.enqueue_indirect_dma source(%dma_start3A_79 : memref<1000x128xf32, #tpu.memory_space<hbm>>) target(%dma_start3A_70 : memref<32x128xf32, #tpu.memory_space<vmem>>) offsets(%dma_start3A_72 : memref<32xi32, #tpu.memory_space<vmem>>) semaphore(%arg7 : memref<!tpu.dma_semaphore, #tpu.memory_space<semaphore_mem>>)
    %dma_start3A_80 = arith.constant 3 : i32
    %dma_start3A_81 = arith.constant 3 : i32
    %dma_start3A_82 = arith.constant 3 : i32
    %dma_start3A_83 = arith.constant 0 : i32
    %dma_start3A_84 = arith.constant 0 : i32
    %dma_start3A_85 = tpu.memref_slice %arg6[%dma_start3A_82, %dma_start3A_83, %dma_start3A_84] : memref<26x32x128xf32, #tpu.memory_space<vmem>> -> memref<1x32x128xf32, #tpu.memory_space<vmem>>
    %dma_start3A_86 = tpu.memref_squeeze %dma_start3A_85 : memref<1x32x128xf32, #tpu.memory_space<vmem>> -> memref<32x128xf32, #tpu.memory_space<vmem>>
    %dma_start3A_87 = tpu.memref_slice %arg5[%dma_start3A_81, %mul3A_32] : memref<26x128xi32, #tpu.memory_space<vmem>> -> memref<1x32xi32, #tpu.memory_space<vmem>>
    %dma_start3A_88 = tpu.memref_squeeze %dma_start3A_87 : memref<1x32xi32, #tpu.memory_space<vmem>> -> memref<32xi32, #tpu.memory_space<vmem>>
    %dma_start3A_89 = arith.constant 0 : i32
    %dma_start3A_90 = arith.constant 0 : i32
    %dma_start3A_91 = tpu.memref_slice %arg2[%dma_start3A_80, %dma_start3A_89, %dma_start3A_90] : memref<26x1000x128xf32, #tpu.memory_space<hbm>> -> memref<1x1000x128xf32, #tpu.memory_space<hbm>>
    %dma_start3A_92 = tpu.memref_squeeze %dma_start3A_91 : memref<1x1000x128xf32, #tpu.memory_space<hbm>> -> memref<1000x128xf32, #tpu.memory_space<hbm>>
    %dma_start3A_93 = arith.constant 0 : i32
    %dma_start3A_94 = arith.constant 0 : i32
    %dma_start3A_95 = tpu.memref_slice %dma_start3A_92[%dma_start3A_93, %dma_start3A_94] : memref<1000x128xf32, #tpu.memory_space<hbm>> -> memref<1000x128xf32, #tpu.memory_space<hbm>>
    tpu.enqueue_indirect_dma source(%dma_start3A_95 : memref<1000x128xf32, #tpu.memory_space<hbm>>) target(%dma_start3A_86 : memref<32x128xf32, #tpu.memory_space<vmem>>) offsets(%dma_start3A_88 : memref<32xi32, #tpu.memory_space<vmem>>) semaphore(%arg7 : memref<!tpu.dma_semaphore, #tpu.memory_space<semaphore_mem>>)
    %dma_start3A_96 = arith.constant 4 : i32
    %dma_start3A_97 = arith.constant 4 : i32
    %dma_start3A_98 = arith.constant 4 : i32
    %dma_start3A_99 = arith.constant 0 : i32
    %dma_start3A_100 = arith.constant 0 : i32
    %dma_start3A_101 = tpu.memref_slice %arg6[%dma_start3A_98, %dma_start3A_99, %dma_start3A_100] : memref<26x32x128xf32, #tpu.memory_space<vmem>> -> memref<1x32x128xf32, #tpu.memory_space<vmem>>
    %dma_start3A_102 = tpu.memref_squeeze %dma_start3A_101 : memref<1x32x128xf32, #tpu.memory_space<vmem>> -> memref<32x128xf32, #tpu.memory_space<vmem>>
    %dma_start3A_103 = tpu.memref_slice %arg5[%dma_start3A_97, %mul3A_32] : memref<26x128xi32, #tpu.memory_space<vmem>> -> memref<1x32xi32, #tpu.memory_space<vmem>>
    %dma_start3A_104 = tpu.memref_squeeze %dma_start3A_103 : memref<1x32xi32, #tpu.memory_space<vmem>> -> memref<32xi32, #tpu.memory_space<vmem>>
    %dma_start3A_105 = arith.constant 0 : i32
    %dma_start3A_106 = arith.constant 0 : i32
    %dma_start3A_107 = tpu.memref_slice %arg2[%dma_start3A_96, %dma_start3A_105, %dma_start3A_106] : memref<26x1000x128xf32, #tpu.memory_space<hbm>> -> memref<1x1000x128xf32, #tpu.memory_space<hbm>>
    %dma_start3A_108 = tpu.memref_squeeze %dma_start3A_107 : memref<1x1000x128xf32, #tpu.memory_space<hbm>> -> memref<1000x128xf32, #tpu.memory_space<hbm>>
    %dma_start3A_109 = arith.constant 0 : i32
    %dma_start3A_110 = arith.constant 0 : i32
    %dma_start3A_111 = tpu.memref_slice %dma_start3A_108[%dma_start3A_109, %dma_start3A_110] : memref<1000x128xf32, #tpu.memory_space<hbm>> -> memref<1000x128xf32, #tpu.memory_space<hbm>>
    tpu.enqueue_indirect_dma source(%dma_start3A_111 : memref<1000x128xf32, #tpu.memory_space<hbm>>) target(%dma_start3A_102 : memref<32x128xf32, #tpu.memory_space<vmem>>) offsets(%dma_start3A_104 : memref<32xi32, #tpu.memory_space<vmem>>) semaphore(%arg7 : memref<!tpu.dma_semaphore, #tpu.memory_space<semaphore_mem>>)
    %dma_start3A_112 = arith.constant 5 : i32
    %dma_start3A_113 = arith.constant 5 : i32
    %dma_start3A_114 = arith.constant 5 : i32
    %dma_start3A_115 = arith.constant 0 : i32
    %dma_start3A_116 = arith.constant 0 : i32
    %dma_start3A_117 = tpu.memref_slice %arg6[%dma_start3A_114, %dma_start3A_115, %dma_start3A_116] : memref<26x32x128xf32, #tpu.memory_space<vmem>> -> memref<1x32x128xf32, #tpu.memory_space<vmem>>
    %dma_start3A_118 = tpu.memref_squeeze %dma_start3A_117 : memref<1x32x128xf32, #tpu.memory_space<vmem>> -> memref<32x128xf32, #tpu.memory_space<vmem>>
    %dma_start3A_119 = tpu.memref_slice %arg5[%dma_start3A_113, %mul3A_32] : memref<26x128xi32, #tpu.memory_space<vmem>> -> memref<1x32xi32, #tpu.memory_space<vmem>>
    %dma_start3A_120 = tpu.memref_squeeze %dma_start3A_119 : memref<1x32xi32, #tpu.memory_space<vmem>> -> memref<32xi32, #tpu.memory_space<vmem>>
    %dma_start3A_121 = arith.constant 0 : i32
    %dma_start3A_122 = arith.constant 0 : i32
    %dma_start3A_123 = tpu.memref_slice %arg2[%dma_start3A_112, %dma_start3A_121, %dma_start3A_122] : memref<26x1000x128xf32, #tpu.memory_space<hbm>> -> memref<1x1000x128xf32, #tpu.memory_space<hbm>>
    %dma_start3A_124 = tpu.memref_squeeze %dma_start3A_123 : memref<1x1000x128xf32, #tpu.memory_space<hbm>> -> memref<1000x128xf32, #tpu.memory_space<hbm>>
    %dma_start3A_125 = arith.constant 0 : i32
    %dma_start3A_126 = arith.constant 0 : i32
    %dma_start3A_127 = tpu.memref_slice %dma_start3A_124[%dma_start3A_125, %dma_start3A_126] : memref<1000x128xf32, #tpu.memory_space<hbm>> -> memref<1000x128xf32, #tpu.memory_space<hbm>>
    tpu.enqueue_indirect_dma source(%dma_start3A_127 : memref<1000x128xf32, #tpu.memory_space<hbm>>) target(%dma_start3A_118 : memref<32x128xf32, #tpu.memory_space<vmem>>) offsets(%dma_start3A_120 : memref<32xi32, #tpu.memory_space<vmem>>) semaphore(%arg7 : memref<!tpu.dma_semaphore, #tpu.memory_space<semaphore_mem>>)
    %dma_start3A_128 = arith.constant 6 : i32
    %dma_start3A_129 = arith.constant 6 : i32
    %dma_start3A_130 = arith.constant 6 : i32
    %dma_start3A_131 = arith.constant 0 : i32
    %dma_start3A_132 = arith.constant 0 : i32
    %dma_start3A_133 = tpu.memref_slice %arg6[%dma_start3A_130, %dma_start3A_131, %dma_start3A_132] : memref<26x32x128xf32, #tpu.memory_space<vmem>> -> memref<1x32x128xf32, #tpu.memory_space<vmem>>
    %dma_start3A_134 = tpu.memref_squeeze %dma_start3A_133 : memref<1x32x128xf32, #tpu.memory_space<vmem>> -> memref<32x128xf32, #tpu.memory_space<vmem>>
    %dma_start3A_135 = tpu.memref_slice %arg5[%dma_start3A_129, %mul3A_32] : memref<26x128xi32, #tpu.memory_space<vmem>> -> memref<1x32xi32, #tpu.memory_space<vmem>>
    %dma_start3A_136 = tpu.memref_squeeze %dma_start3A_135 : memref<1x32xi32, #tpu.memory_space<vmem>> -> memref<32xi32, #tpu.memory_space<vmem>>
    %dma_start3A_137 = arith.constant 0 : i32
    %dma_start3A_138 = arith.constant 0 : i32
    %dma_start3A_139 = tpu.memref_slice %arg2[%dma_start3A_128, %dma_start3A_137, %dma_start3A_138] : memref<26x1000x128xf32, #tpu.memory_space<hbm>> -> memref<1x1000x128xf32, #tpu.memory_space<hbm>>
    %dma_start3A_140 = tpu.memref_squeeze %dma_start3A_139 : memref<1x1000x128xf32, #tpu.memory_space<hbm>> -> memref<1000x128xf32, #tpu.memory_space<hbm>>
    %dma_start3A_141 = arith.constant 0 : i32
    %dma_start3A_142 = arith.constant 0 : i32
    %dma_start3A_143 = tpu.memref_slice %dma_start3A_140[%dma_start3A_141, %dma_start3A_142] : memref<1000x128xf32, #tpu.memory_space<hbm>> -> memref<1000x128xf32, #tpu.memory_space<hbm>>
    tpu.enqueue_indirect_dma source(%dma_start3A_143 : memref<1000x128xf32, #tpu.memory_space<hbm>>) target(%dma_start3A_134 : memref<32x128xf32, #tpu.memory_space<vmem>>) offsets(%dma_start3A_136 : memref<32xi32, #tpu.memory_space<vmem>>) semaphore(%arg7 : memref<!tpu.dma_semaphore, #tpu.memory_space<semaphore_mem>>)
    %dma_start3A_144 = arith.constant 7 : i32
    %dma_start3A_145 = arith.constant 7 : i32
    %dma_start3A_146 = arith.constant 7 : i32
    %dma_start3A_147 = arith.constant 0 : i32
    %dma_start3A_148 = arith.constant 0 : i32
    %dma_start3A_149 = tpu.memref_slice %arg6[%dma_start3A_146, %dma_start3A_147, %dma_start3A_148] : memref<26x32x128xf32, #tpu.memory_space<vmem>> -> memref<1x32x128xf32, #tpu.memory_space<vmem>>
    %dma_start3A_150 = tpu.memref_squeeze %dma_start3A_149 : memref<1x32x128xf32, #tpu.memory_space<vmem>> -> memref<32x128xf32, #tpu.memory_space<vmem>>
    %dma_start3A_151 = tpu.memref_slice %arg5[%dma_start3A_145, %mul3A_32] : memref<26x128xi32, #tpu.memory_space<vmem>> -> memref<1x32xi32, #tpu.memory_space<vmem>>
    %dma_start3A_152 = tpu.memref_squeeze %dma_start3A_151 : memref<1x32xi32, #tpu.memory_space<vmem>> -> memref<32xi32, #tpu.memory_space<vmem>>
    %dma_start3A_153 = arith.constant 0 : i32
    %dma_start3A_154 = arith.constant 0 : i32
    %dma_start3A_155 = tpu.memref_slice %arg2[%dma_start3A_144, %dma_start3A_153, %dma_start3A_154] : memref<26x1000x128xf32, #tpu.memory_space<hbm>> -> memref<1x1000x128xf32, #tpu.memory_space<hbm>>
    %dma_start3A_156 = tpu.memref_squeeze %dma_start3A_155 : memref<1x1000x128xf32, #tpu.memory_space<hbm>> -> memref<1000x128xf32, #tpu.memory_space<hbm>>
    %dma_start3A_157 = arith.constant 0 : i32
    %dma_start3A_158 = arith.constant 0 : i32
    %dma_start3A_159 = tpu.memref_slice %dma_start3A_156[%dma_start3A_157, %dma_start3A_158] : memref<1000x128xf32, #tpu.memory_space<hbm>> -> memref<1000x128xf32, #tpu.memory_space<hbm>>
    tpu.enqueue_indirect_dma source(%dma_start3A_159 : memref<1000x128xf32, #tpu.memory_space<hbm>>) target(%dma_start3A_150 : memref<32x128xf32, #tpu.memory_space<vmem>>) offsets(%dma_start3A_152 : memref<32xi32, #tpu.memory_space<vmem>>) semaphore(%arg7 : memref<!tpu.dma_semaphore, #tpu.memory_space<semaphore_mem>>)
    %dma_start3A_160 = arith.constant 8 : i32
    %dma_start3A_161 = arith.constant 8 : i32
    %dma_start3A_162 = arith.constant 8 : i32
    %dma_start3A_163 = arith.constant 0 : i32
    %dma_start3A_164 = arith.constant 0 : i32
    %dma_start3A_165 = tpu.memref_slice %arg6[%dma_start3A_162, %dma_start3A_163, %dma_start3A_164] : memref<26x32x128xf32, #tpu.memory_space<vmem>> -> memref<1x32x128xf32, #tpu.memory_space<vmem>>
    %dma_start3A_166 = tpu.memref_squeeze %dma_start3A_165 : memref<1x32x128xf32, #tpu.memory_space<vmem>> -> memref<32x128xf32, #tpu.memory_space<vmem>>
    %dma_start3A_167 = tpu.memref_slice %arg5[%dma_start3A_161, %mul3A_32] : memref<26x128xi32, #tpu.memory_space<vmem>> -> memref<1x32xi32, #tpu.memory_space<vmem>>
    %dma_start3A_168 = tpu.memref_squeeze %dma_start3A_167 : memref<1x32xi32, #tpu.memory_space<vmem>> -> memref<32xi32, #tpu.memory_space<vmem>>
    %dma_start3A_169 = arith.constant 0 : i32
    %dma_start3A_170 = arith.constant 0 : i32
    %dma_start3A_171 = tpu.memref_slice %arg2[%dma_start3A_160, %dma_start3A_169, %dma_start3A_170] : memref<26x1000x128xf32, #tpu.memory_space<hbm>> -> memref<1x1000x128xf32, #tpu.memory_space<hbm>>
    %dma_start3A_172 = tpu.memref_squeeze %dma_start3A_171 : memref<1x1000x128xf32, #tpu.memory_space<hbm>> -> memref<1000x128xf32, #tpu.memory_space<hbm>>
    %dma_start3A_173 = arith.constant 0 : i32
    %dma_start3A_174 = arith.constant 0 : i32
    %dma_start3A_175 = tpu.memref_slice %dma_start3A_172[%dma_start3A_173, %dma_start3A_174] : memref<1000x128xf32, #tpu.memory_space<hbm>> -> memref<1000x128xf32, #tpu.memory_space<hbm>>
    tpu.enqueue_indirect_dma source(%dma_start3A_175 : memref<1000x128xf32, #tpu.memory_space<hbm>>) target(%dma_start3A_166 : memref<32x128xf32, #tpu.memory_space<vmem>>) offsets(%dma_start3A_168 : memref<32xi32, #tpu.memory_space<vmem>>) semaphore(%arg7 : memref<!tpu.dma_semaphore, #tpu.memory_space<semaphore_mem>>)
    %dma_start3A_176 = arith.constant 9 : i32
    %dma_start3A_177 = arith.constant 9 : i32
    %dma_start3A_178 = arith.constant 9 : i32
    %dma_start3A_179 = arith.constant 0 : i32
    %dma_start3A_180 = arith.constant 0 : i32
    %dma_start3A_181 = tpu.memref_slice %arg6[%dma_start3A_178, %dma_start3A_179, %dma_start3A_180] : memref<26x32x128xf32, #tpu.memory_space<vmem>> -> memref<1x32x128xf32, #tpu.memory_space<vmem>>
    %dma_start3A_182 = tpu.memref_squeeze %dma_start3A_181 : memref<1x32x128xf32, #tpu.memory_space<vmem>> -> memref<32x128xf32, #tpu.memory_space<vmem>>
    %dma_start3A_183 = tpu.memref_slice %arg5[%dma_start3A_177, %mul3A_32] : memref<26x128xi32, #tpu.memory_space<vmem>> -> memref<1x32xi32, #tpu.memory_space<vmem>>
    %dma_start3A_184 = tpu.memref_squeeze %dma_start3A_183 : memref<1x32xi32, #tpu.memory_space<vmem>> -> memref<32xi32, #tpu.memory_space<vmem>>
    %dma_start3A_185 = arith.constant 0 : i32
    %dma_start3A_186 = arith.constant 0 : i32
    %dma_start3A_187 = tpu.memref_slice %arg2[%dma_start3A_176, %dma_start3A_185, %dma_start3A_186] : memref<26x1000x128xf32, #tpu.memory_space<hbm>> -> memref<1x1000x128xf32, #tpu.memory_space<hbm>>
    %dma_start3A_188 = tpu.memref_squeeze %dma_start3A_187 : memref<1x1000x128xf32, #tpu.memory_space<hbm>> -> memref<1000x128xf32, #tpu.memory_space<hbm>>
    %dma_start3A_189 = arith.constant 0 : i32
    %dma_start3A_190 = arith.constant 0 : i32
    %dma_start3A_191 = tpu.memref_slice %dma_start3A_188[%dma_start3A_189, %dma_start3A_190] : memref<1000x128xf32, #tpu.memory_space<hbm>> -> memref<1000x128xf32, #tpu.memory_space<hbm>>
    tpu.enqueue_indirect_dma source(%dma_start3A_191 : memref<1000x128xf32, #tpu.memory_space<hbm>>) target(%dma_start3A_182 : memref<32x128xf32, #tpu.memory_space<vmem>>) offsets(%dma_start3A_184 : memref<32xi32, #tpu.memory_space<vmem>>) semaphore(%arg7 : memref<!tpu.dma_semaphore, #tpu.memory_space<semaphore_mem>>)
    %dma_start3A_192 = arith.constant 10 : i32
    %dma_start3A_193 = arith.constant 10 : i32
    %dma_start3A_194 = arith.constant 10 : i32
    %dma_start3A_195 = arith.constant 0 : i32
    %dma_start3A_196 = arith.constant 0 : i32
    %dma_start3A_197 = tpu.memref_slice %arg6[%dma_start3A_194, %dma_start3A_195, %dma_start3A_196] : memref<26x32x128xf32, #tpu.memory_space<vmem>> -> memref<1x32x128xf32, #tpu.memory_space<vmem>>
    %dma_start3A_198 = tpu.memref_squeeze %dma_start3A_197 : memref<1x32x128xf32, #tpu.memory_space<vmem>> -> memref<32x128xf32, #tpu.memory_space<vmem>>
    %dma_start3A_199 = tpu.memref_slice %arg5[%dma_start3A_193, %mul3A_32] : memref<26x128xi32, #tpu.memory_space<vmem>> -> memref<1x32xi32, #tpu.memory_space<vmem>>
    %dma_start3A_200 = tpu.memref_squeeze %dma_start3A_199 : memref<1x32xi32, #tpu.memory_space<vmem>> -> memref<32xi32, #tpu.memory_space<vmem>>
    %dma_start3A_201 = arith.constant 0 : i32
    %dma_start3A_202 = arith.constant 0 : i32
    %dma_start3A_203 = tpu.memref_slice %arg2[%dma_start3A_192, %dma_start3A_201, %dma_start3A_202] : memref<26x1000x128xf32, #tpu.memory_space<hbm>> -> memref<1x1000x128xf32, #tpu.memory_space<hbm>>
    %dma_start3A_204 = tpu.memref_squeeze %dma_start3A_203 : memref<1x1000x128xf32, #tpu.memory_space<hbm>> -> memref<1000x128xf32, #tpu.memory_space<hbm>>
    %dma_start3A_205 = arith.constant 0 : i32
    %dma_start3A_206 = arith.constant 0 : i32
    %dma_start3A_207 = tpu.memref_slice %dma_start3A_204[%dma_start3A_205, %dma_start3A_206] : memref<1000x128xf32, #tpu.memory_space<hbm>> -> memref<1000x128xf32, #tpu.memory_space<hbm>>
    tpu.enqueue_indirect_dma source(%dma_start3A_207 : memref<1000x128xf32, #tpu.memory_space<hbm>>) target(%dma_start3A_198 : memref<32x128xf32, #tpu.memory_space<vmem>>) offsets(%dma_start3A_200 : memref<32xi32, #tpu.memory_space<vmem>>) semaphore(%arg7 : memref<!tpu.dma_semaphore, #tpu.memory_space<semaphore_mem>>)
    %dma_start3A_208 = arith.constant 11 : i32
    %dma_start3A_209 = arith.constant 11 : i32
    %dma_start3A_210 = arith.constant 11 : i32
    %dma_start3A_211 = arith.constant 0 : i32
    %dma_start3A_212 = arith.constant 0 : i32
    %dma_start3A_213 = tpu.memref_slice %arg6[%dma_start3A_210, %dma_start3A_211, %dma_start3A_212] : memref<26x32x128xf32, #tpu.memory_space<vmem>> -> memref<1x32x128xf32, #tpu.memory_space<vmem>>
    %dma_start3A_214 = tpu.memref_squeeze %dma_start3A_213 : memref<1x32x128xf32, #tpu.memory_space<vmem>> -> memref<32x128xf32, #tpu.memory_space<vmem>>
    %dma_start3A_215 = tpu.memref_slice %arg5[%dma_start3A_209, %mul3A_32] : memref<26x128xi32, #tpu.memory_space<vmem>> -> memref<1x32xi32, #tpu.memory_space<vmem>>
    %dma_start3A_216 = tpu.memref_squeeze %dma_start3A_215 : memref<1x32xi32, #tpu.memory_space<vmem>> -> memref<32xi32, #tpu.memory_space<vmem>>
    %dma_start3A_217 = arith.constant 0 : i32
    %dma_start3A_218 = arith.constant 0 : i32
    %dma_start3A_219 = tpu.memref_slice %arg2[%dma_start3A_208, %dma_start3A_217, %dma_start3A_218] : memref<26x1000x128xf32, #tpu.memory_space<hbm>> -> memref<1x1000x128xf32, #tpu.memory_space<hbm>>
    %dma_start3A_220 = tpu.memref_squeeze %dma_start3A_219 : memref<1x1000x128xf32, #tpu.memory_space<hbm>> -> memref<1000x128xf32, #tpu.memory_space<hbm>>
    %dma_start3A_221 = arith.constant 0 : i32
    %dma_start3A_222 = arith.constant 0 : i32
    %dma_start3A_223 = tpu.memref_slice %dma_start3A_220[%dma_start3A_221, %dma_start3A_222] : memref<1000x128xf32, #tpu.memory_space<hbm>> -> memref<1000x128xf32, #tpu.memory_space<hbm>>
    tpu.enqueue_indirect_dma source(%dma_start3A_223 : memref<1000x128xf32, #tpu.memory_space<hbm>>) target(%dma_start3A_214 : memref<32x128xf32, #tpu.memory_space<vmem>>) offsets(%dma_start3A_216 : memref<32xi32, #tpu.memory_space<vmem>>) semaphore(%arg7 : memref<!tpu.dma_semaphore, #tpu.memory_space<semaphore_mem>>)
    %dma_start3A_224 = arith.constant 12 : i32
    %dma_start3A_225 = arith.constant 12 : i32
    %dma_start3A_226 = arith.constant 12 : i32
    %dma_start3A_227 = arith.constant 0 : i32
    %dma_start3A_228 = arith.constant 0 : i32
    %dma_start3A_229 = tpu.memref_slice %arg6[%dma_start3A_226, %dma_start3A_227, %dma_start3A_228] : memref<26x32x128xf32, #tpu.memory_space<vmem>> -> memref<1x32x128xf32, #tpu.memory_space<vmem>>
    %dma_start3A_230 = tpu.memref_squeeze %dma_start3A_229 : memref<1x32x128xf32, #tpu.memory_space<vmem>> -> memref<32x128xf32, #tpu.memory_space<vmem>>
    %dma_start3A_231 = tpu.memref_slice %arg5[%dma_start3A_225, %mul3A_32] : memref<26x128xi32, #tpu.memory_space<vmem>> -> memref<1x32xi32, #tpu.memory_space<vmem>>
    %dma_start3A_232 = tpu.memref_squeeze %dma_start3A_231 : memref<1x32xi32, #tpu.memory_space<vmem>> -> memref<32xi32, #tpu.memory_space<vmem>>
    %dma_start3A_233 = arith.constant 0 : i32
    %dma_start3A_234 = arith.constant 0 : i32
    %dma_start3A_235 = tpu.memref_slice %arg2[%dma_start3A_224, %dma_start3A_233, %dma_start3A_234] : memref<26x1000x128xf32, #tpu.memory_space<hbm>> -> memref<1x1000x128xf32, #tpu.memory_space<hbm>>
    %dma_start3A_236 = tpu.memref_squeeze %dma_start3A_235 : memref<1x1000x128xf32, #tpu.memory_space<hbm>> -> memref<1000x128xf32, #tpu.memory_space<hbm>>
    %dma_start3A_237 = arith.constant 0 : i32
    %dma_start3A_238 = arith.constant 0 : i32
    %dma_start3A_239 = tpu.memref_slice %dma_start3A_236[%dma_start3A_237, %dma_start3A_238] : memref<1000x128xf32, #tpu.memory_space<hbm>> -> memref<1000x128xf32, #tpu.memory_space<hbm>>
    tpu.enqueue_indirect_dma source(%dma_start3A_239 : memref<1000x128xf32, #tpu.memory_space<hbm>>) target(%dma_start3A_230 : memref<32x128xf32, #tpu.memory_space<vmem>>) offsets(%dma_start3A_232 : memref<32xi32, #tpu.memory_space<vmem>>) semaphore(%arg7 : memref<!tpu.dma_semaphore, #tpu.memory_space<semaphore_mem>>)
    %dma_start3A_240 = arith.constant 13 : i32
    %dma_start3A_241 = arith.constant 13 : i32
    %dma_start3A_242 = arith.constant 13 : i32
    %dma_start3A_243 = arith.constant 0 : i32
    %dma_start3A_244 = arith.constant 0 : i32
    %dma_start3A_245 = tpu.memref_slice %arg6[%dma_start3A_242, %dma_start3A_243, %dma_start3A_244] : memref<26x32x128xf32, #tpu.memory_space<vmem>> -> memref<1x32x128xf32, #tpu.memory_space<vmem>>
    %dma_start3A_246 = tpu.memref_squeeze %dma_start3A_245 : memref<1x32x128xf32, #tpu.memory_space<vmem>> -> memref<32x128xf32, #tpu.memory_space<vmem>>
    %dma_start3A_247 = tpu.memref_slice %arg5[%dma_start3A_241, %mul3A_32] : memref<26x128xi32, #tpu.memory_space<vmem>> -> memref<1x32xi32, #tpu.memory_space<vmem>>
    %dma_start3A_248 = tpu.memref_squeeze %dma_start3A_247 : memref<1x32xi32, #tpu.memory_space<vmem>> -> memref<32xi32, #tpu.memory_space<vmem>>
    %dma_start3A_249 = arith.constant 0 : i32
    %dma_start3A_250 = arith.constant 0 : i32
    %dma_start3A_251 = tpu.memref_slice %arg2[%dma_start3A_240, %dma_start3A_249, %dma_start3A_250] : memref<26x1000x128xf32, #tpu.memory_space<hbm>> -> memref<1x1000x128xf32, #tpu.memory_space<hbm>>
    %dma_start3A_252 = tpu.memref_squeeze %dma_start3A_251 : memref<1x1000x128xf32, #tpu.memory_space<hbm>> -> memref<1000x128xf32, #tpu.memory_space<hbm>>
    %dma_start3A_253 = arith.constant 0 : i32
    %dma_start3A_254 = arith.constant 0 : i32
    %dma_start3A_255 = tpu.memref_slice %dma_start3A_252[%dma_start3A_253, %dma_start3A_254] : memref<1000x128xf32, #tpu.memory_space<hbm>> -> memref<1000x128xf32, #tpu.memory_space<hbm>>
    tpu.enqueue_indirect_dma source(%dma_start3A_255 : memref<1000x128xf32, #tpu.memory_space<hbm>>) target(%dma_start3A_246 : memref<32x128xf32, #tpu.memory_space<vmem>>) offsets(%dma_start3A_248 : memref<32xi32, #tpu.memory_space<vmem>>) semaphore(%arg7 : memref<!tpu.dma_semaphore, #tpu.memory_space<semaphore_mem>>)
    %dma_start3A_256 = arith.constant 14 : i32
    %dma_start3A_257 = arith.constant 14 : i32
    %dma_start3A_258 = arith.constant 14 : i32
    %dma_start3A_259 = arith.constant 0 : i32
    %dma_start3A_260 = arith.constant 0 : i32
    %dma_start3A_261 = tpu.memref_slice %arg6[%dma_start3A_258, %dma_start3A_259, %dma_start3A_260] : memref<26x32x128xf32, #tpu.memory_space<vmem>> -> memref<1x32x128xf32, #tpu.memory_space<vmem>>
    %dma_start3A_262 = tpu.memref_squeeze %dma_start3A_261 : memref<1x32x128xf32, #tpu.memory_space<vmem>> -> memref<32x128xf32, #tpu.memory_space<vmem>>
    %dma_start3A_263 = tpu.memref_slice %arg5[%dma_start3A_257, %mul3A_32] : memref<26x128xi32, #tpu.memory_space<vmem>> -> memref<1x32xi32, #tpu.memory_space<vmem>>
    %dma_start3A_264 = tpu.memref_squeeze %dma_start3A_263 : memref<1x32xi32, #tpu.memory_space<vmem>> -> memref<32xi32, #tpu.memory_space<vmem>>
    %dma_start3A_265 = arith.constant 0 : i32
    %dma_start3A_266 = arith.constant 0 : i32
    %dma_start3A_267 = tpu.memref_slice %arg2[%dma_start3A_256, %dma_start3A_265, %dma_start3A_266] : memref<26x1000x128xf32, #tpu.memory_space<hbm>> -> memref<1x1000x128xf32, #tpu.memory_space<hbm>>
    %dma_start3A_268 = tpu.memref_squeeze %dma_start3A_267 : memref<1x1000x128xf32, #tpu.memory_space<hbm>> -> memref<1000x128xf32, #tpu.memory_space<hbm>>
    %dma_start3A_269 = arith.constant 0 : i32
    %dma_start3A_270 = arith.constant 0 : i32
    %dma_start3A_271 = tpu.memref_slice %dma_start3A_268[%dma_start3A_269, %dma_start3A_270] : memref<1000x128xf32, #tpu.memory_space<hbm>> -> memref<1000x128xf32, #tpu.memory_space<hbm>>
    tpu.enqueue_indirect_dma source(%dma_start3A_271 : memref<1000x128xf32, #tpu.memory_space<hbm>>) target(%dma_start3A_262 : memref<32x128xf32, #tpu.memory_space<vmem>>) offsets(%dma_start3A_264 : memref<32xi32, #tpu.memory_space<vmem>>) semaphore(%arg7 : memref<!tpu.dma_semaphore, #tpu.memory_space<semaphore_mem>>)
    %dma_start3A_272 = arith.constant 15 : i32
    %dma_start3A_273 = arith.constant 15 : i32
    %dma_start3A_274 = arith.constant 15 : i32
    %dma_start3A_275 = arith.constant 0 : i32
    %dma_start3A_276 = arith.constant 0 : i32
    %dma_start3A_277 = tpu.memref_slice %arg6[%dma_start3A_274, %dma_start3A_275, %dma_start3A_276] : memref<26x32x128xf32, #tpu.memory_space<vmem>> -> memref<1x32x128xf32, #tpu.memory_space<vmem>>
    %dma_start3A_278 = tpu.memref_squeeze %dma_start3A_277 : memref<1x32x128xf32, #tpu.memory_space<vmem>> -> memref<32x128xf32, #tpu.memory_space<vmem>>
    %dma_start3A_279 = tpu.memref_slice %arg5[%dma_start3A_273, %mul3A_32] : memref<26x128xi32, #tpu.memory_space<vmem>> -> memref<1x32xi32, #tpu.memory_space<vmem>>
    %dma_start3A_280 = tpu.memref_squeeze %dma_start3A_279 : memref<1x32xi32, #tpu.memory_space<vmem>> -> memref<32xi32, #tpu.memory_space<vmem>>
    %dma_start3A_281 = arith.constant 0 : i32
    %dma_start3A_282 = arith.constant 0 : i32
    %dma_start3A_283 = tpu.memref_slice %arg2[%dma_start3A_272, %dma_start3A_281, %dma_start3A_282] : memref<26x1000x128xf32, #tpu.memory_space<hbm>> -> memref<1x1000x128xf32, #tpu.memory_space<hbm>>
    %dma_start3A_284 = tpu.memref_squeeze %dma_start3A_283 : memref<1x1000x128xf32, #tpu.memory_space<hbm>> -> memref<1000x128xf32, #tpu.memory_space<hbm>>
    %dma_start3A_285 = arith.constant 0 : i32
    %dma_start3A_286 = arith.constant 0 : i32
    %dma_start3A_287 = tpu.memref_slice %dma_start3A_284[%dma_start3A_285, %dma_start3A_286] : memref<1000x128xf32, #tpu.memory_space<hbm>> -> memref<1000x128xf32, #tpu.memory_space<hbm>>
    tpu.enqueue_indirect_dma source(%dma_start3A_287 : memref<1000x128xf32, #tpu.memory_space<hbm>>) target(%dma_start3A_278 : memref<32x128xf32, #tpu.memory_space<vmem>>) offsets(%dma_start3A_280 : memref<32xi32, #tpu.memory_space<vmem>>) semaphore(%arg7 : memref<!tpu.dma_semaphore, #tpu.memory_space<semaphore_mem>>)
    %dma_start3A_288 = arith.constant 16 : i32
    %dma_start3A_289 = arith.constant 16 : i32
    %dma_start3A_290 = arith.constant 16 : i32
    %dma_start3A_291 = arith.constant 0 : i32
    %dma_start3A_292 = arith.constant 0 : i32
    %dma_start3A_293 = tpu.memref_slice %arg6[%dma_start3A_290, %dma_start3A_291, %dma_start3A_292] : memref<26x32x128xf32, #tpu.memory_space<vmem>> -> memref<1x32x128xf32, #tpu.memory_space<vmem>>
    %dma_start3A_294 = tpu.memref_squeeze %dma_start3A_293 : memref<1x32x128xf32, #tpu.memory_space<vmem>> -> memref<32x128xf32, #tpu.memory_space<vmem>>
    %dma_start3A_295 = tpu.memref_slice %arg5[%dma_start3A_289, %mul3A_32] : memref<26x128xi32, #tpu.memory_space<vmem>> -> memref<1x32xi32, #tpu.memory_space<vmem>>
    %dma_start3A_296 = tpu.memref_squeeze %dma_start3A_295 : memref<1x32xi32, #tpu.memory_space<vmem>> -> memref<32xi32, #tpu.memory_space<vmem>>
    %dma_start3A_297 = arith.constant 0 : i32
    %dma_start3A_298 = arith.constant 0 : i32
    %dma_start3A_299 = tpu.memref_slice %arg2[%dma_start3A_288, %dma_start3A_297, %dma_start3A_298] : memref<26x1000x128xf32, #tpu.memory_space<hbm>> -> memref<1x1000x128xf32, #tpu.memory_space<hbm>>
    %dma_start3A_300 = tpu.memref_squeeze %dma_start3A_299 : memref<1x1000x128xf32, #tpu.memory_space<hbm>> -> memref<1000x128xf32, #tpu.memory_space<hbm>>
    %dma_start3A_301 = arith.constant 0 : i32
    %dma_start3A_302 = arith.constant 0 : i32
    %dma_start3A_303 = tpu.memref_slice %dma_start3A_300[%dma_start3A_301, %dma_start3A_302] : memref<1000x128xf32, #tpu.memory_space<hbm>> -> memref<1000x128xf32, #tpu.memory_space<hbm>>
    tpu.enqueue_indirect_dma source(%dma_start3A_303 : memref<1000x128xf32, #tpu.memory_space<hbm>>) target(%dma_start3A_294 : memref<32x128xf32, #tpu.memory_space<vmem>>) offsets(%dma_start3A_296 : memref<32xi32, #tpu.memory_space<vmem>>) semaphore(%arg7 : memref<!tpu.dma_semaphore, #tpu.memory_space<semaphore_mem>>)
    %dma_start3A_304 = arith.constant 17 : i32
    %dma_start3A_305 = arith.constant 17 : i32
    %dma_start3A_306 = arith.constant 17 : i32
    %dma_start3A_307 = arith.constant 0 : i32
    %dma_start3A_308 = arith.constant 0 : i32
    %dma_start3A_309 = tpu.memref_slice %arg6[%dma_start3A_306, %dma_start3A_307, %dma_start3A_308] : memref<26x32x128xf32, #tpu.memory_space<vmem>> -> memref<1x32x128xf32, #tpu.memory_space<vmem>>
    %dma_start3A_310 = tpu.memref_squeeze %dma_start3A_309 : memref<1x32x128xf32, #tpu.memory_space<vmem>> -> memref<32x128xf32, #tpu.memory_space<vmem>>
    %dma_start3A_311 = tpu.memref_slice %arg5[%dma_start3A_305, %mul3A_32] : memref<26x128xi32, #tpu.memory_space<vmem>> -> memref<1x32xi32, #tpu.memory_space<vmem>>
    %dma_start3A_312 = tpu.memref_squeeze %dma_start3A_311 : memref<1x32xi32, #tpu.memory_space<vmem>> -> memref<32xi32, #tpu.memory_space<vmem>>
    %dma_start3A_313 = arith.constant 0 : i32
    %dma_start3A_314 = arith.constant 0 : i32
    %dma_start3A_315 = tpu.memref_slice %arg2[%dma_start3A_304, %dma_start3A_313, %dma_start3A_314] : memref<26x1000x128xf32, #tpu.memory_space<hbm>> -> memref<1x1000x128xf32, #tpu.memory_space<hbm>>
    %dma_start3A_316 = tpu.memref_squeeze %dma_start3A_315 : memref<1x1000x128xf32, #tpu.memory_space<hbm>> -> memref<1000x128xf32, #tpu.memory_space<hbm>>
    %dma_start3A_317 = arith.constant 0 : i32
    %dma_start3A_318 = arith.constant 0 : i32
    %dma_start3A_319 = tpu.memref_slice %dma_start3A_316[%dma_start3A_317, %dma_start3A_318] : memref<1000x128xf32, #tpu.memory_space<hbm>> -> memref<1000x128xf32, #tpu.memory_space<hbm>>
    tpu.enqueue_indirect_dma source(%dma_start3A_319 : memref<1000x128xf32, #tpu.memory_space<hbm>>) target(%dma_start3A_310 : memref<32x128xf32, #tpu.memory_space<vmem>>) offsets(%dma_start3A_312 : memref<32xi32, #tpu.memory_space<vmem>>) semaphore(%arg7 : memref<!tpu.dma_semaphore, #tpu.memory_space<semaphore_mem>>)
    %dma_start3A_320 = arith.constant 18 : i32
    %dma_start3A_321 = arith.constant 18 : i32
    %dma_start3A_322 = arith.constant 18 : i32
    %dma_start3A_323 = arith.constant 0 : i32
    %dma_start3A_324 = arith.constant 0 : i32
    %dma_start3A_325 = tpu.memref_slice %arg6[%dma_start3A_322, %dma_start3A_323, %dma_start3A_324] : memref<26x32x128xf32, #tpu.memory_space<vmem>> -> memref<1x32x128xf32, #tpu.memory_space<vmem>>
    %dma_start3A_326 = tpu.memref_squeeze %dma_start3A_325 : memref<1x32x128xf32, #tpu.memory_space<vmem>> -> memref<32x128xf32, #tpu.memory_space<vmem>>
    %dma_start3A_327 = tpu.memref_slice %arg5[%dma_start3A_321, %mul3A_32] : memref<26x128xi32, #tpu.memory_space<vmem>> -> memref<1x32xi32, #tpu.memory_space<vmem>>
    %dma_start3A_328 = tpu.memref_squeeze %dma_start3A_327 : memref<1x32xi32, #tpu.memory_space<vmem>> -> memref<32xi32, #tpu.memory_space<vmem>>
    %dma_start3A_329 = arith.constant 0 : i32
    %dma_start3A_330 = arith.constant 0 : i32
    %dma_start3A_331 = tpu.memref_slice %arg2[%dma_start3A_320, %dma_start3A_329, %dma_start3A_330] : memref<26x1000x128xf32, #tpu.memory_space<hbm>> -> memref<1x1000x128xf32, #tpu.memory_space<hbm>>
    %dma_start3A_332 = tpu.memref_squeeze %dma_start3A_331 : memref<1x1000x128xf32, #tpu.memory_space<hbm>> -> memref<1000x128xf32, #tpu.memory_space<hbm>>
    %dma_start3A_333 = arith.constant 0 : i32
    %dma_start3A_334 = arith.constant 0 : i32
    %dma_start3A_335 = tpu.memref_slice %dma_start3A_332[%dma_start3A_333, %dma_start3A_334] : memref<1000x128xf32, #tpu.memory_space<hbm>> -> memref<1000x128xf32, #tpu.memory_space<hbm>>
    tpu.enqueue_indirect_dma source(%dma_start3A_335 : memref<1000x128xf32, #tpu.memory_space<hbm>>) target(%dma_start3A_326 : memref<32x128xf32, #tpu.memory_space<vmem>>) offsets(%dma_start3A_328 : memref<32xi32, #tpu.memory_space<vmem>>) semaphore(%arg7 : memref<!tpu.dma_semaphore, #tpu.memory_space<semaphore_mem>>)
    %dma_start3A_336 = arith.constant 19 : i32
    %dma_start3A_337 = arith.constant 19 : i32
    %dma_start3A_338 = arith.constant 19 : i32
    %dma_start3A_339 = arith.constant 0 : i32
    %dma_start3A_340 = arith.constant 0 : i32
    %dma_start3A_341 = tpu.memref_slice %arg6[%dma_start3A_338, %dma_start3A_339, %dma_start3A_340] : memref<26x32x128xf32, #tpu.memory_space<vmem>> -> memref<1x32x128xf32, #tpu.memory_space<vmem>>
    %dma_start3A_342 = tpu.memref_squeeze %dma_start3A_341 : memref<1x32x128xf32, #tpu.memory_space<vmem>> -> memref<32x128xf32, #tpu.memory_space<vmem>>
    %dma_start3A_343 = tpu.memref_slice %arg5[%dma_start3A_337, %mul3A_32] : memref<26x128xi32, #tpu.memory_space<vmem>> -> memref<1x32xi32, #tpu.memory_space<vmem>>
    %dma_start3A_344 = tpu.memref_squeeze %dma_start3A_343 : memref<1x32xi32, #tpu.memory_space<vmem>> -> memref<32xi32, #tpu.memory_space<vmem>>
    %dma_start3A_345 = arith.constant 0 : i32
    %dma_start3A_346 = arith.constant 0 : i32
    %dma_start3A_347 = tpu.memref_slice %arg2[%dma_start3A_336, %dma_start3A_345, %dma_start3A_346] : memref<26x1000x128xf32, #tpu.memory_space<hbm>> -> memref<1x1000x128xf32, #tpu.memory_space<hbm>>
    %dma_start3A_348 = tpu.memref_squeeze %dma_start3A_347 : memref<1x1000x128xf32, #tpu.memory_space<hbm>> -> memref<1000x128xf32, #tpu.memory_space<hbm>>
    %dma_start3A_349 = arith.constant 0 : i32
    %dma_start3A_350 = arith.constant 0 : i32
    %dma_start3A_351 = tpu.memref_slice %dma_start3A_348[%dma_start3A_349, %dma_start3A_350] : memref<1000x128xf32, #tpu.memory_space<hbm>> -> memref<1000x128xf32, #tpu.memory_space<hbm>>
    tpu.enqueue_indirect_dma source(%dma_start3A_351 : memref<1000x128xf32, #tpu.memory_space<hbm>>) target(%dma_start3A_342 : memref<32x128xf32, #tpu.memory_space<vmem>>) offsets(%dma_start3A_344 : memref<32xi32, #tpu.memory_space<vmem>>) semaphore(%arg7 : memref<!tpu.dma_semaphore, #tpu.memory_space<semaphore_mem>>)
    %dma_start3A_352 = arith.constant 20 : i32
    %dma_start3A_353 = arith.constant 20 : i32
    %dma_start3A_354 = arith.constant 20 : i32
    %dma_start3A_355 = arith.constant 0 : i32
    %dma_start3A_356 = arith.constant 0 : i32
    %dma_start3A_357 = tpu.memref_slice %arg6[%dma_start3A_354, %dma_start3A_355, %dma_start3A_356] : memref<26x32x128xf32, #tpu.memory_space<vmem>> -> memref<1x32x128xf32, #tpu.memory_space<vmem>>
    %dma_start3A_358 = tpu.memref_squeeze %dma_start3A_357 : memref<1x32x128xf32, #tpu.memory_space<vmem>> -> memref<32x128xf32, #tpu.memory_space<vmem>>
    %dma_start3A_359 = tpu.memref_slice %arg5[%dma_start3A_353, %mul3A_32] : memref<26x128xi32, #tpu.memory_space<vmem>> -> memref<1x32xi32, #tpu.memory_space<vmem>>
    %dma_start3A_360 = tpu.memref_squeeze %dma_start3A_359 : memref<1x32xi32, #tpu.memory_space<vmem>> -> memref<32xi32, #tpu.memory_space<vmem>>
    %dma_start3A_361 = arith.constant 0 : i32
    %dma_start3A_362 = arith.constant 0 : i32
    %dma_start3A_363 = tpu.memref_slice %arg2[%dma_start3A_352, %dma_start3A_361, %dma_start3A_362] : memref<26x1000x128xf32, #tpu.memory_space<hbm>> -> memref<1x1000x128xf32, #tpu.memory_space<hbm>>
    %dma_start3A_364 = tpu.memref_squeeze %dma_start3A_363 : memref<1x1000x128xf32, #tpu.memory_space<hbm>> -> memref<1000x128xf32, #tpu.memory_space<hbm>>
    %dma_start3A_365 = arith.constant 0 : i32
    %dma_start3A_366 = arith.constant 0 : i32
    %dma_start3A_367 = tpu.memref_slice %dma_start3A_364[%dma_start3A_365, %dma_start3A_366] : memref<1000x128xf32, #tpu.memory_space<hbm>> -> memref<1000x128xf32, #tpu.memory_space<hbm>>
    tpu.enqueue_indirect_dma source(%dma_start3A_367 : memref<1000x128xf32, #tpu.memory_space<hbm>>) target(%dma_start3A_358 : memref<32x128xf32, #tpu.memory_space<vmem>>) offsets(%dma_start3A_360 : memref<32xi32, #tpu.memory_space<vmem>>) semaphore(%arg7 : memref<!tpu.dma_semaphore, #tpu.memory_space<semaphore_mem>>)
    %dma_start3A_368 = arith.constant 21 : i32
    %dma_start3A_369 = arith.constant 21 : i32
    %dma_start3A_370 = arith.constant 21 : i32
    %dma_start3A_371 = arith.constant 0 : i32
    %dma_start3A_372 = arith.constant 0 : i32
    %dma_start3A_373 = tpu.memref_slice %arg6[%dma_start3A_370, %dma_start3A_371, %dma_start3A_372] : memref<26x32x128xf32, #tpu.memory_space<vmem>> -> memref<1x32x128xf32, #tpu.memory_space<vmem>>
    %dma_start3A_374 = tpu.memref_squeeze %dma_start3A_373 : memref<1x32x128xf32, #tpu.memory_space<vmem>> -> memref<32x128xf32, #tpu.memory_space<vmem>>
    %dma_start3A_375 = tpu.memref_slice %arg5[%dma_start3A_369, %mul3A_32] : memref<26x128xi32, #tpu.memory_space<vmem>> -> memref<1x32xi32, #tpu.memory_space<vmem>>
    %dma_start3A_376 = tpu.memref_squeeze %dma_start3A_375 : memref<1x32xi32, #tpu.memory_space<vmem>> -> memref<32xi32, #tpu.memory_space<vmem>>
    %dma_start3A_377 = arith.constant 0 : i32
    %dma_start3A_378 = arith.constant 0 : i32
    %dma_start3A_379 = tpu.memref_slice %arg2[%dma_start3A_368, %dma_start3A_377, %dma_start3A_378] : memref<26x1000x128xf32, #tpu.memory_space<hbm>> -> memref<1x1000x128xf32, #tpu.memory_space<hbm>>
    %dma_start3A_380 = tpu.memref_squeeze %dma_start3A_379 : memref<1x1000x128xf32, #tpu.memory_space<hbm>> -> memref<1000x128xf32, #tpu.memory_space<hbm>>
    %dma_start3A_381 = arith.constant 0 : i32
    %dma_start3A_382 = arith.constant 0 : i32
    %dma_start3A_383 = tpu.memref_slice %dma_start3A_380[%dma_start3A_381, %dma_start3A_382] : memref<1000x128xf32, #tpu.memory_space<hbm>> -> memref<1000x128xf32, #tpu.memory_space<hbm>>
    tpu.enqueue_indirect_dma source(%dma_start3A_383 : memref<1000x128xf32, #tpu.memory_space<hbm>>) target(%dma_start3A_374 : memref<32x128xf32, #tpu.memory_space<vmem>>) offsets(%dma_start3A_376 : memref<32xi32, #tpu.memory_space<vmem>>) semaphore(%arg7 : memref<!tpu.dma_semaphore, #tpu.memory_space<semaphore_mem>>)
    %dma_start3A_384 = arith.constant 22 : i32
    %dma_start3A_385 = arith.constant 22 : i32
    %dma_start3A_386 = arith.constant 22 : i32
    %dma_start3A_387 = arith.constant 0 : i32
    %dma_start3A_388 = arith.constant 0 : i32
    %dma_start3A_389 = tpu.memref_slice %arg6[%dma_start3A_386, %dma_start3A_387, %dma_start3A_388] : memref<26x32x128xf32, #tpu.memory_space<vmem>> -> memref<1x32x128xf32, #tpu.memory_space<vmem>>
    %dma_start3A_390 = tpu.memref_squeeze %dma_start3A_389 : memref<1x32x128xf32, #tpu.memory_space<vmem>> -> memref<32x128xf32, #tpu.memory_space<vmem>>
    %dma_start3A_391 = tpu.memref_slice %arg5[%dma_start3A_385, %mul3A_32] : memref<26x128xi32, #tpu.memory_space<vmem>> -> memref<1x32xi32, #tpu.memory_space<vmem>>
    %dma_start3A_392 = tpu.memref_squeeze %dma_start3A_391 : memref<1x32xi32, #tpu.memory_space<vmem>> -> memref<32xi32, #tpu.memory_space<vmem>>
    %dma_start3A_393 = arith.constant 0 : i32
    %dma_start3A_394 = arith.constant 0 : i32
    %dma_start3A_395 = tpu.memref_slice %arg2[%dma_start3A_384, %dma_start3A_393, %dma_start3A_394] : memref<26x1000x128xf32, #tpu.memory_space<hbm>> -> memref<1x1000x128xf32, #tpu.memory_space<hbm>>
    %dma_start3A_396 = tpu.memref_squeeze %dma_start3A_395 : memref<1x1000x128xf32, #tpu.memory_space<hbm>> -> memref<1000x128xf32, #tpu.memory_space<hbm>>
    %dma_start3A_397 = arith.constant 0 : i32
    %dma_start3A_398 = arith.constant 0 : i32
    %dma_start3A_399 = tpu.memref_slice %dma_start3A_396[%dma_start3A_397, %dma_start3A_398] : memref<1000x128xf32, #tpu.memory_space<hbm>> -> memref<1000x128xf32, #tpu.memory_space<hbm>>
    tpu.enqueue_indirect_dma source(%dma_start3A_399 : memref<1000x128xf32, #tpu.memory_space<hbm>>) target(%dma_start3A_390 : memref<32x128xf32, #tpu.memory_space<vmem>>) offsets(%dma_start3A_392 : memref<32xi32, #tpu.memory_space<vmem>>) semaphore(%arg7 : memref<!tpu.dma_semaphore, #tpu.memory_space<semaphore_mem>>)
    %dma_start3A_400 = arith.constant 23 : i32
    %dma_start3A_401 = arith.constant 23 : i32
    %dma_start3A_402 = arith.constant 23 : i32
    %dma_start3A_403 = arith.constant 0 : i32
    %dma_start3A_404 = arith.constant 0 : i32
    %dma_start3A_405 = tpu.memref_slice %arg6[%dma_start3A_402, %dma_start3A_403, %dma_start3A_404] : memref<26x32x128xf32, #tpu.memory_space<vmem>> -> memref<1x32x128xf32, #tpu.memory_space<vmem>>
    %dma_start3A_406 = tpu.memref_squeeze %dma_start3A_405 : memref<1x32x128xf32, #tpu.memory_space<vmem>> -> memref<32x128xf32, #tpu.memory_space<vmem>>
    %dma_start3A_407 = tpu.memref_slice %arg5[%dma_start3A_401, %mul3A_32] : memref<26x128xi32, #tpu.memory_space<vmem>> -> memref<1x32xi32, #tpu.memory_space<vmem>>
    %dma_start3A_408 = tpu.memref_squeeze %dma_start3A_407 : memref<1x32xi32, #tpu.memory_space<vmem>> -> memref<32xi32, #tpu.memory_space<vmem>>
    %dma_start3A_409 = arith.constant 0 : i32
    %dma_start3A_410 = arith.constant 0 : i32
    %dma_start3A_411 = tpu.memref_slice %arg2[%dma_start3A_400, %dma_start3A_409, %dma_start3A_410] : memref<26x1000x128xf32, #tpu.memory_space<hbm>> -> memref<1x1000x128xf32, #tpu.memory_space<hbm>>
    %dma_start3A_412 = tpu.memref_squeeze %dma_start3A_411 : memref<1x1000x128xf32, #tpu.memory_space<hbm>> -> memref<1000x128xf32, #tpu.memory_space<hbm>>
    %dma_start3A_413 = arith.constant 0 : i32
    %dma_start3A_414 = arith.constant 0 : i32
    %dma_start3A_415 = tpu.memref_slice %dma_start3A_412[%dma_start3A_413, %dma_start3A_414] : memref<1000x128xf32, #tpu.memory_space<hbm>> -> memref<1000x128xf32, #tpu.memory_space<hbm>>
    tpu.enqueue_indirect_dma source(%dma_start3A_415 : memref<1000x128xf32, #tpu.memory_space<hbm>>) target(%dma_start3A_406 : memref<32x128xf32, #tpu.memory_space<vmem>>) offsets(%dma_start3A_408 : memref<32xi32, #tpu.memory_space<vmem>>) semaphore(%arg7 : memref<!tpu.dma_semaphore, #tpu.memory_space<semaphore_mem>>)
    %dma_start3A_416 = arith.constant 24 : i32
    %dma_start3A_417 = arith.constant 24 : i32
    %dma_start3A_418 = arith.constant 24 : i32
    %dma_start3A_419 = arith.constant 0 : i32
    %dma_start3A_420 = arith.constant 0 : i32
    %dma_start3A_421 = tpu.memref_slice %arg6[%dma_start3A_418, %dma_start3A_419, %dma_start3A_420] : memref<26x32x128xf32, #tpu.memory_space<vmem>> -> memref<1x32x128xf32, #tpu.memory_space<vmem>>
    %dma_start3A_422 = tpu.memref_squeeze %dma_start3A_421 : memref<1x32x128xf32, #tpu.memory_space<vmem>> -> memref<32x128xf32, #tpu.memory_space<vmem>>
    %dma_start3A_423 = tpu.memref_slice %arg5[%dma_start3A_417, %mul3A_32] : memref<26x128xi32, #tpu.memory_space<vmem>> -> memref<1x32xi32, #tpu.memory_space<vmem>>
    %dma_start3A_424 = tpu.memref_squeeze %dma_start3A_423 : memref<1x32xi32, #tpu.memory_space<vmem>> -> memref<32xi32, #tpu.memory_space<vmem>>
    %dma_start3A_425 = arith.constant 0 : i32
    %dma_start3A_426 = arith.constant 0 : i32
    %dma_start3A_427 = tpu.memref_slice %arg2[%dma_start3A_416, %dma_start3A_425, %dma_start3A_426] : memref<26x1000x128xf32, #tpu.memory_space<hbm>> -> memref<1x1000x128xf32, #tpu.memory_space<hbm>>
    %dma_start3A_428 = tpu.memref_squeeze %dma_start3A_427 : memref<1x1000x128xf32, #tpu.memory_space<hbm>> -> memref<1000x128xf32, #tpu.memory_space<hbm>>
    %dma_start3A_429 = arith.constant 0 : i32
    %dma_start3A_430 = arith.constant 0 : i32
    %dma_start3A_431 = tpu.memref_slice %dma_start3A_428[%dma_start3A_429, %dma_start3A_430] : memref<1000x128xf32, #tpu.memory_space<hbm>> -> memref<1000x128xf32, #tpu.memory_space<hbm>>
    tpu.enqueue_indirect_dma source(%dma_start3A_431 : memref<1000x128xf32, #tpu.memory_space<hbm>>) target(%dma_start3A_422 : memref<32x128xf32, #tpu.memory_space<vmem>>) offsets(%dma_start3A_424 : memref<32xi32, #tpu.memory_space<vmem>>) semaphore(%arg7 : memref<!tpu.dma_semaphore, #tpu.memory_space<semaphore_mem>>)
    %dma_start3A_432 = arith.constant 25 : i32
    %dma_start3A_433 = arith.constant 25 : i32
    %dma_start3A_434 = arith.constant 25 : i32
    %dma_start3A_435 = arith.constant 0 : i32
    %dma_start3A_436 = arith.constant 0 : i32
    %dma_start3A_437 = tpu.memref_slice %arg6[%dma_start3A_434, %dma_start3A_435, %dma_start3A_436] : memref<26x32x128xf32, #tpu.memory_space<vmem>> -> memref<1x32x128xf32, #tpu.memory_space<vmem>>
    %dma_start3A_438 = tpu.memref_squeeze %dma_start3A_437 : memref<1x32x128xf32, #tpu.memory_space<vmem>> -> memref<32x128xf32, #tpu.memory_space<vmem>>
    %dma_start3A_439 = tpu.memref_slice %arg5[%dma_start3A_433, %mul3A_32] : memref<26x128xi32, #tpu.memory_space<vmem>> -> memref<1x32xi32, #tpu.memory_space<vmem>>
    %dma_start3A_440 = tpu.memref_squeeze %dma_start3A_439 : memref<1x32xi32, #tpu.memory_space<vmem>> -> memref<32xi32, #tpu.memory_space<vmem>>
    %dma_start3A_441 = arith.constant 0 : i32
    %dma_start3A_442 = arith.constant 0 : i32
    %dma_start3A_443 = tpu.memref_slice %arg2[%dma_start3A_432, %dma_start3A_441, %dma_start3A_442] : memref<26x1000x128xf32, #tpu.memory_space<hbm>> -> memref<1x1000x128xf32, #tpu.memory_space<hbm>>
    %dma_start3A_444 = tpu.memref_squeeze %dma_start3A_443 : memref<1x1000x128xf32, #tpu.memory_space<hbm>> -> memref<1000x128xf32, #tpu.memory_space<hbm>>
    %dma_start3A_445 = arith.constant 0 : i32
    %dma_start3A_446 = arith.constant 0 : i32
    %dma_start3A_447 = tpu.memref_slice %dma_start3A_444[%dma_start3A_445, %dma_start3A_446] : memref<1000x128xf32, #tpu.memory_space<hbm>> -> memref<1000x128xf32, #tpu.memory_space<hbm>>
    tpu.enqueue_indirect_dma source(%dma_start3A_447 : memref<1000x128xf32, #tpu.memory_space<hbm>>) target(%dma_start3A_438 : memref<32x128xf32, #tpu.memory_space<vmem>>) offsets(%dma_start3A_440 : memref<32xi32, #tpu.memory_space<vmem>>) semaphore(%arg7 : memref<!tpu.dma_semaphore, #tpu.memory_space<semaphore_mem>>)
    %dma_wait3A = arith.constant 0 : i32
    %dma_wait3A_448 = arith.constant 0 : i32
    %dma_wait3A_449 = arith.constant 0 : i32
    %dma_wait3A_450 = arith.constant 0 : i32
    %dma_wait3A_451 = arith.constant 0 : i32
    %dma_wait3A_452 = tpu.memref_slice %arg6[%dma_wait3A_449, %dma_wait3A_450, %dma_wait3A_451] : memref<26x32x128xf32, #tpu.memory_space<vmem>> -> memref<1x32x128xf32, #tpu.memory_space<vmem>>
    %dma_wait3A_453 = tpu.memref_squeeze %dma_wait3A_452 : memref<1x32x128xf32, #tpu.memory_space<vmem>> -> memref<32x128xf32, #tpu.memory_space<vmem>>
    %dma_wait3A_454 = tpu.memref_slice %arg5[%dma_wait3A_448, %mul3A_32] : memref<26x128xi32, #tpu.memory_space<vmem>> -> memref<1x32xi32, #tpu.memory_space<vmem>>
    %dma_wait3A_455 = tpu.memref_squeeze %dma_wait3A_454 : memref<1x32xi32, #tpu.memory_space<vmem>> -> memref<32xi32, #tpu.memory_space<vmem>>
    %dma_wait3A_456 = arith.constant 0 : i32
    %dma_wait3A_457 = arith.constant 0 : i32
    %dma_wait3A_458 = tpu.memref_slice %arg2[%dma_wait3A, %dma_wait3A_456, %dma_wait3A_457] : memref<26x1000x128xf32, #tpu.memory_space<hbm>> -> memref<1x1000x128xf32, #tpu.memory_space<hbm>>
    %dma_wait3A_459 = tpu.memref_squeeze %dma_wait3A_458 : memref<1x1000x128xf32, #tpu.memory_space<hbm>> -> memref<1000x128xf32, #tpu.memory_space<hbm>>
    %dma_wait3A_460 = arith.constant 0 : i32
    %dma_wait3A_461 = arith.constant 0 : i32
    %dma_wait3A_462 = tpu.memref_slice %dma_wait3A_459[%dma_wait3A_460, %dma_wait3A_461] : memref<1000x128xf32, #tpu.memory_space<hbm>> -> memref<1000x128xf32, #tpu.memory_space<hbm>>
    tpu.wait_indirect_dma semaphore(%arg7 : memref<!tpu.dma_semaphore, #tpu.memory_space<semaphore_mem>>) src(%dma_wait3A_462 : memref<1000x128xf32, #tpu.memory_space<hbm>>) dst(%dma_wait3A_453 : memref<32x128xf32, #tpu.memory_space<vmem>>)
    %dma_wait3A_463 = arith.constant 1 : i32
    %dma_wait3A_464 = arith.constant 1 : i32
    %dma_wait3A_465 = arith.constant 1 : i32
    %dma_wait3A_466 = arith.constant 0 : i32
    %dma_wait3A_467 = arith.constant 0 : i32
    %dma_wait3A_468 = tpu.memref_slice %arg6[%dma_wait3A_465, %dma_wait3A_466, %dma_wait3A_467] : memref<26x32x128xf32, #tpu.memory_space<vmem>> -> memref<1x32x128xf32, #tpu.memory_space<vmem>>
    %dma_wait3A_469 = tpu.memref_squeeze %dma_wait3A_468 : memref<1x32x128xf32, #tpu.memory_space<vmem>> -> memref<32x128xf32, #tpu.memory_space<vmem>>
    %dma_wait3A_470 = tpu.memref_slice %arg5[%dma_wait3A_464, %mul3A_32] : memref<26x128xi32, #tpu.memory_space<vmem>> -> memref<1x32xi32, #tpu.memory_space<vmem>>
    %dma_wait3A_471 = tpu.memref_squeeze %dma_wait3A_470 : memref<1x32xi32, #tpu.memory_space<vmem>> -> memref<32xi32, #tpu.memory_space<vmem>>
    %dma_wait3A_472 = arith.constant 0 : i32
    %dma_wait3A_473 = arith.constant 0 : i32
    %dma_wait3A_474 = tpu.memref_slice %arg2[%dma_wait3A_463, %dma_wait3A_472, %dma_wait3A_473] : memref<26x1000x128xf32, #tpu.memory_space<hbm>> -> memref<1x1000x128xf32, #tpu.memory_space<hbm>>
    %dma_wait3A_475 = tpu.memref_squeeze %dma_wait3A_474 : memref<1x1000x128xf32, #tpu.memory_space<hbm>> -> memref<1000x128xf32, #tpu.memory_space<hbm>>
    %dma_wait3A_476 = arith.constant 0 : i32
    %dma_wait3A_477 = arith.constant 0 : i32
    %dma_wait3A_478 = tpu.memref_slice %dma_wait3A_475[%dma_wait3A_476, %dma_wait3A_477] : memref<1000x128xf32, #tpu.memory_space<hbm>> -> memref<1000x128xf32, #tpu.memory_space<hbm>>
    tpu.wait_indirect_dma semaphore(%arg7 : memref<!tpu.dma_semaphore, #tpu.memory_space<semaphore_mem>>) src(%dma_wait3A_478 : memref<1000x128xf32, #tpu.memory_space<hbm>>) dst(%dma_wait3A_469 : memref<32x128xf32, #tpu.memory_space<vmem>>)
    %dma_wait3A_479 = arith.constant 2 : i32
    %dma_wait3A_480 = arith.constant 2 : i32
    %dma_wait3A_481 = arith.constant 2 : i32
    %dma_wait3A_482 = arith.constant 0 : i32
    %dma_wait3A_483 = arith.constant 0 : i32
    %dma_wait3A_484 = tpu.memref_slice %arg6[%dma_wait3A_481, %dma_wait3A_482, %dma_wait3A_483] : memref<26x32x128xf32, #tpu.memory_space<vmem>> -> memref<1x32x128xf32, #tpu.memory_space<vmem>>
    %dma_wait3A_485 = tpu.memref_squeeze %dma_wait3A_484 : memref<1x32x128xf32, #tpu.memory_space<vmem>> -> memref<32x128xf32, #tpu.memory_space<vmem>>
    %dma_wait3A_486 = tpu.memref_slice %arg5[%dma_wait3A_480, %mul3A_32] : memref<26x128xi32, #tpu.memory_space<vmem>> -> memref<1x32xi32, #tpu.memory_space<vmem>>
    %dma_wait3A_487 = tpu.memref_squeeze %dma_wait3A_486 : memref<1x32xi32, #tpu.memory_space<vmem>> -> memref<32xi32, #tpu.memory_space<vmem>>
    %dma_wait3A_488 = arith.constant 0 : i32
    %dma_wait3A_489 = arith.constant 0 : i32
    %dma_wait3A_490 = tpu.memref_slice %arg2[%dma_wait3A_479, %dma_wait3A_488, %dma_wait3A_489] : memref<26x1000x128xf32, #tpu.memory_space<hbm>> -> memref<1x1000x128xf32, #tpu.memory_space<hbm>>
    %dma_wait3A_491 = tpu.memref_squeeze %dma_wait3A_490 : memref<1x1000x128xf32, #tpu.memory_space<hbm>> -> memref<1000x128xf32, #tpu.memory_space<hbm>>
    %dma_wait3A_492 = arith.constant 0 : i32
    %dma_wait3A_493 = arith.constant 0 : i32
    %dma_wait3A_494 = tpu.memref_slice %dma_wait3A_491[%dma_wait3A_492, %dma_wait3A_493] : memref<1000x128xf32, #tpu.memory_space<hbm>> -> memref<1000x128xf32, #tpu.memory_space<hbm>>
    tpu.wait_indirect_dma semaphore(%arg7 : memref<!tpu.dma_semaphore, #tpu.memory_space<semaphore_mem>>) src(%dma_wait3A_494 : memref<1000x128xf32, #tpu.memory_space<hbm>>) dst(%dma_wait3A_485 : memref<32x128xf32, #tpu.memory_space<vmem>>)
    %dma_wait3A_495 = arith.constant 3 : i32
    %dma_wait3A_496 = arith.constant 3 : i32
    %dma_wait3A_497 = arith.constant 3 : i32
    %dma_wait3A_498 = arith.constant 0 : i32
    %dma_wait3A_499 = arith.constant 0 : i32
    %dma_wait3A_500 = tpu.memref_slice %arg6[%dma_wait3A_497, %dma_wait3A_498, %dma_wait3A_499] : memref<26x32x128xf32, #tpu.memory_space<vmem>> -> memref<1x32x128xf32, #tpu.memory_space<vmem>>
    %dma_wait3A_501 = tpu.memref_squeeze %dma_wait3A_500 : memref<1x32x128xf32, #tpu.memory_space<vmem>> -> memref<32x128xf32, #tpu.memory_space<vmem>>
    %dma_wait3A_502 = tpu.memref_slice %arg5[%dma_wait3A_496, %mul3A_32] : memref<26x128xi32, #tpu.memory_space<vmem>> -> memref<1x32xi32, #tpu.memory_space<vmem>>
    %dma_wait3A_503 = tpu.memref_squeeze %dma_wait3A_502 : memref<1x32xi32, #tpu.memory_space<vmem>> -> memref<32xi32, #tpu.memory_space<vmem>>
    %dma_wait3A_504 = arith.constant 0 : i32
    %dma_wait3A_505 = arith.constant 0 : i32
    %dma_wait3A_506 = tpu.memref_slice %arg2[%dma_wait3A_495, %dma_wait3A_504, %dma_wait3A_505] : memref<26x1000x128xf32, #tpu.memory_space<hbm>> -> memref<1x1000x128xf32, #tpu.memory_space<hbm>>
    %dma_wait3A_507 = tpu.memref_squeeze %dma_wait3A_506 : memref<1x1000x128xf32, #tpu.memory_space<hbm>> -> memref<1000x128xf32, #tpu.memory_space<hbm>>
    %dma_wait3A_508 = arith.constant 0 : i32
    %dma_wait3A_509 = arith.constant 0 : i32
    %dma_wait3A_510 = tpu.memref_slice %dma_wait3A_507[%dma_wait3A_508, %dma_wait3A_509] : memref<1000x128xf32, #tpu.memory_space<hbm>> -> memref<1000x128xf32, #tpu.memory_space<hbm>>
    tpu.wait_indirect_dma semaphore(%arg7 : memref<!tpu.dma_semaphore, #tpu.memory_space<semaphore_mem>>) src(%dma_wait3A_510 : memref<1000x128xf32, #tpu.memory_space<hbm>>) dst(%dma_wait3A_501 : memref<32x128xf32, #tpu.memory_space<vmem>>)
    %dma_wait3A_511 = arith.constant 4 : i32
    %dma_wait3A_512 = arith.constant 4 : i32
    %dma_wait3A_513 = arith.constant 4 : i32
    %dma_wait3A_514 = arith.constant 0 : i32
    %dma_wait3A_515 = arith.constant 0 : i32
    %dma_wait3A_516 = tpu.memref_slice %arg6[%dma_wait3A_513, %dma_wait3A_514, %dma_wait3A_515] : memref<26x32x128xf32, #tpu.memory_space<vmem>> -> memref<1x32x128xf32, #tpu.memory_space<vmem>>
    %dma_wait3A_517 = tpu.memref_squeeze %dma_wait3A_516 : memref<1x32x128xf32, #tpu.memory_space<vmem>> -> memref<32x128xf32, #tpu.memory_space<vmem>>
    %dma_wait3A_518 = tpu.memref_slice %arg5[%dma_wait3A_512, %mul3A_32] : memref<26x128xi32, #tpu.memory_space<vmem>> -> memref<1x32xi32, #tpu.memory_space<vmem>>
    %dma_wait3A_519 = tpu.memref_squeeze %dma_wait3A_518 : memref<1x32xi32, #tpu.memory_space<vmem>> -> memref<32xi32, #tpu.memory_space<vmem>>
    %dma_wait3A_520 = arith.constant 0 : i32
    %dma_wait3A_521 = arith.constant 0 : i32
    %dma_wait3A_522 = tpu.memref_slice %arg2[%dma_wait3A_511, %dma_wait3A_520, %dma_wait3A_521] : memref<26x1000x128xf32, #tpu.memory_space<hbm>> -> memref<1x1000x128xf32, #tpu.memory_space<hbm>>
    %dma_wait3A_523 = tpu.memref_squeeze %dma_wait3A_522 : memref<1x1000x128xf32, #tpu.memory_space<hbm>> -> memref<1000x128xf32, #tpu.memory_space<hbm>>
    %dma_wait3A_524 = arith.constant 0 : i32
    %dma_wait3A_525 = arith.constant 0 : i32
    %dma_wait3A_526 = tpu.memref_slice %dma_wait3A_523[%dma_wait3A_524, %dma_wait3A_525] : memref<1000x128xf32, #tpu.memory_space<hbm>> -> memref<1000x128xf32, #tpu.memory_space<hbm>>
    tpu.wait_indirect_dma semaphore(%arg7 : memref<!tpu.dma_semaphore, #tpu.memory_space<semaphore_mem>>) src(%dma_wait3A_526 : memref<1000x128xf32, #tpu.memory_space<hbm>>) dst(%dma_wait3A_517 : memref<32x128xf32, #tpu.memory_space<vmem>>)
    %dma_wait3A_527 = arith.constant 5 : i32
    %dma_wait3A_528 = arith.constant 5 : i32
    %dma_wait3A_529 = arith.constant 5 : i32
    %dma_wait3A_530 = arith.constant 0 : i32
    %dma_wait3A_531 = arith.constant 0 : i32
    %dma_wait3A_532 = tpu.memref_slice %arg6[%dma_wait3A_529, %dma_wait3A_530, %dma_wait3A_531] : memref<26x32x128xf32, #tpu.memory_space<vmem>> -> memref<1x32x128xf32, #tpu.memory_space<vmem>>
    %dma_wait3A_533 = tpu.memref_squeeze %dma_wait3A_532 : memref<1x32x128xf32, #tpu.memory_space<vmem>> -> memref<32x128xf32, #tpu.memory_space<vmem>>
    %dma_wait3A_534 = tpu.memref_slice %arg5[%dma_wait3A_528, %mul3A_32] : memref<26x128xi32, #tpu.memory_space<vmem>> -> memref<1x32xi32, #tpu.memory_space<vmem>>
    %dma_wait3A_535 = tpu.memref_squeeze %dma_wait3A_534 : memref<1x32xi32, #tpu.memory_space<vmem>> -> memref<32xi32, #tpu.memory_space<vmem>>
    %dma_wait3A_536 = arith.constant 0 : i32
    %dma_wait3A_537 = arith.constant 0 : i32
    %dma_wait3A_538 = tpu.memref_slice %arg2[%dma_wait3A_527, %dma_wait3A_536, %dma_wait3A_537] : memref<26x1000x128xf32, #tpu.memory_space<hbm>> -> memref<1x1000x128xf32, #tpu.memory_space<hbm>>
    %dma_wait3A_539 = tpu.memref_squeeze %dma_wait3A_538 : memref<1x1000x128xf32, #tpu.memory_space<hbm>> -> memref<1000x128xf32, #tpu.memory_space<hbm>>
    %dma_wait3A_540 = arith.constant 0 : i32
    %dma_wait3A_541 = arith.constant 0 : i32
    %dma_wait3A_542 = tpu.memref_slice %dma_wait3A_539[%dma_wait3A_540, %dma_wait3A_541] : memref<1000x128xf32, #tpu.memory_space<hbm>> -> memref<1000x128xf32, #tpu.memory_space<hbm>>
    tpu.wait_indirect_dma semaphore(%arg7 : memref<!tpu.dma_semaphore, #tpu.memory_space<semaphore_mem>>) src(%dma_wait3A_542 : memref<1000x128xf32, #tpu.memory_space<hbm>>) dst(%dma_wait3A_533 : memref<32x128xf32, #tpu.memory_space<vmem>>)
    %dma_wait3A_543 = arith.constant 6 : i32
    %dma_wait3A_544 = arith.constant 6 : i32
    %dma_wait3A_545 = arith.constant 6 : i32
    %dma_wait3A_546 = arith.constant 0 : i32
    %dma_wait3A_547 = arith.constant 0 : i32
    %dma_wait3A_548 = tpu.memref_slice %arg6[%dma_wait3A_545, %dma_wait3A_546, %dma_wait3A_547] : memref<26x32x128xf32, #tpu.memory_space<vmem>> -> memref<1x32x128xf32, #tpu.memory_space<vmem>>
    %dma_wait3A_549 = tpu.memref_squeeze %dma_wait3A_548 : memref<1x32x128xf32, #tpu.memory_space<vmem>> -> memref<32x128xf32, #tpu.memory_space<vmem>>
    %dma_wait3A_550 = tpu.memref_slice %arg5[%dma_wait3A_544, %mul3A_32] : memref<26x128xi32, #tpu.memory_space<vmem>> -> memref<1x32xi32, #tpu.memory_space<vmem>>
    %dma_wait3A_551 = tpu.memref_squeeze %dma_wait3A_550 : memref<1x32xi32, #tpu.memory_space<vmem>> -> memref<32xi32, #tpu.memory_space<vmem>>
    %dma_wait3A_552 = arith.constant 0 : i32
    %dma_wait3A_553 = arith.constant 0 : i32
    %dma_wait3A_554 = tpu.memref_slice %arg2[%dma_wait3A_543, %dma_wait3A_552, %dma_wait3A_553] : memref<26x1000x128xf32, #tpu.memory_space<hbm>> -> memref<1x1000x128xf32, #tpu.memory_space<hbm>>
    %dma_wait3A_555 = tpu.memref_squeeze %dma_wait3A_554 : memref<1x1000x128xf32, #tpu.memory_space<hbm>> -> memref<1000x128xf32, #tpu.memory_space<hbm>>
    %dma_wait3A_556 = arith.constant 0 : i32
    %dma_wait3A_557 = arith.constant 0 : i32
    %dma_wait3A_558 = tpu.memref_slice %dma_wait3A_555[%dma_wait3A_556, %dma_wait3A_557] : memref<1000x128xf32, #tpu.memory_space<hbm>> -> memref<1000x128xf32, #tpu.memory_space<hbm>>
    tpu.wait_indirect_dma semaphore(%arg7 : memref<!tpu.dma_semaphore, #tpu.memory_space<semaphore_mem>>) src(%dma_wait3A_558 : memref<1000x128xf32, #tpu.memory_space<hbm>>) dst(%dma_wait3A_549 : memref<32x128xf32, #tpu.memory_space<vmem>>)
    %dma_wait3A_559 = arith.constant 7 : i32
    %dma_wait3A_560 = arith.constant 7 : i32
    %dma_wait3A_561 = arith.constant 7 : i32
    %dma_wait3A_562 = arith.constant 0 : i32
    %dma_wait3A_563 = arith.constant 0 : i32
    %dma_wait3A_564 = tpu.memref_slice %arg6[%dma_wait3A_561, %dma_wait3A_562, %dma_wait3A_563] : memref<26x32x128xf32, #tpu.memory_space<vmem>> -> memref<1x32x128xf32, #tpu.memory_space<vmem>>
    %dma_wait3A_565 = tpu.memref_squeeze %dma_wait3A_564 : memref<1x32x128xf32, #tpu.memory_space<vmem>> -> memref<32x128xf32, #tpu.memory_space<vmem>>
    %dma_wait3A_566 = tpu.memref_slice %arg5[%dma_wait3A_560, %mul3A_32] : memref<26x128xi32, #tpu.memory_space<vmem>> -> memref<1x32xi32, #tpu.memory_space<vmem>>
    %dma_wait3A_567 = tpu.memref_squeeze %dma_wait3A_566 : memref<1x32xi32, #tpu.memory_space<vmem>> -> memref<32xi32, #tpu.memory_space<vmem>>
    %dma_wait3A_568 = arith.constant 0 : i32
    %dma_wait3A_569 = arith.constant 0 : i32
    %dma_wait3A_570 = tpu.memref_slice %arg2[%dma_wait3A_559, %dma_wait3A_568, %dma_wait3A_569] : memref<26x1000x128xf32, #tpu.memory_space<hbm>> -> memref<1x1000x128xf32, #tpu.memory_space<hbm>>
    %dma_wait3A_571 = tpu.memref_squeeze %dma_wait3A_570 : memref<1x1000x128xf32, #tpu.memory_space<hbm>> -> memref<1000x128xf32, #tpu.memory_space<hbm>>
    %dma_wait3A_572 = arith.constant 0 : i32
    %dma_wait3A_573 = arith.constant 0 : i32
    %dma_wait3A_574 = tpu.memref_slice %dma_wait3A_571[%dma_wait3A_572, %dma_wait3A_573] : memref<1000x128xf32, #tpu.memory_space<hbm>> -> memref<1000x128xf32, #tpu.memory_space<hbm>>
    tpu.wait_indirect_dma semaphore(%arg7 : memref<!tpu.dma_semaphore, #tpu.memory_space<semaphore_mem>>) src(%dma_wait3A_574 : memref<1000x128xf32, #tpu.memory_space<hbm>>) dst(%dma_wait3A_565 : memref<32x128xf32, #tpu.memory_space<vmem>>)
    %dma_wait3A_575 = arith.constant 8 : i32
    %dma_wait3A_576 = arith.constant 8 : i32
    %dma_wait3A_577 = arith.constant 8 : i32
    %dma_wait3A_578 = arith.constant 0 : i32
    %dma_wait3A_579 = arith.constant 0 : i32
    %dma_wait3A_580 = tpu.memref_slice %arg6[%dma_wait3A_577, %dma_wait3A_578, %dma_wait3A_579] : memref<26x32x128xf32, #tpu.memory_space<vmem>> -> memref<1x32x128xf32, #tpu.memory_space<vmem>>
    %dma_wait3A_581 = tpu.memref_squeeze %dma_wait3A_580 : memref<1x32x128xf32, #tpu.memory_space<vmem>> -> memref<32x128xf32, #tpu.memory_space<vmem>>
    %dma_wait3A_582 = tpu.memref_slice %arg5[%dma_wait3A_576, %mul3A_32] : memref<26x128xi32, #tpu.memory_space<vmem>> -> memref<1x32xi32, #tpu.memory_space<vmem>>
    %dma_wait3A_583 = tpu.memref_squeeze %dma_wait3A_582 : memref<1x32xi32, #tpu.memory_space<vmem>> -> memref<32xi32, #tpu.memory_space<vmem>>
    %dma_wait3A_584 = arith.constant 0 : i32
    %dma_wait3A_585 = arith.constant 0 : i32
    %dma_wait3A_586 = tpu.memref_slice %arg2[%dma_wait3A_575, %dma_wait3A_584, %dma_wait3A_585] : memref<26x1000x128xf32, #tpu.memory_space<hbm>> -> memref<1x1000x128xf32, #tpu.memory_space<hbm>>
    %dma_wait3A_587 = tpu.memref_squeeze %dma_wait3A_586 : memref<1x1000x128xf32, #tpu.memory_space<hbm>> -> memref<1000x128xf32, #tpu.memory_space<hbm>>
    %dma_wait3A_588 = arith.constant 0 : i32
    %dma_wait3A_589 = arith.constant 0 : i32
    %dma_wait3A_590 = tpu.memref_slice %dma_wait3A_587[%dma_wait3A_588, %dma_wait3A_589] : memref<1000x128xf32, #tpu.memory_space<hbm>> -> memref<1000x128xf32, #tpu.memory_space<hbm>>
    tpu.wait_indirect_dma semaphore(%arg7 : memref<!tpu.dma_semaphore, #tpu.memory_space<semaphore_mem>>) src(%dma_wait3A_590 : memref<1000x128xf32, #tpu.memory_space<hbm>>) dst(%dma_wait3A_581 : memref<32x128xf32, #tpu.memory_space<vmem>>)
    %dma_wait3A_591 = arith.constant 9 : i32
    %dma_wait3A_592 = arith.constant 9 : i32
    %dma_wait3A_593 = arith.constant 9 : i32
    %dma_wait3A_594 = arith.constant 0 : i32
    %dma_wait3A_595 = arith.constant 0 : i32
    %dma_wait3A_596 = tpu.memref_slice %arg6[%dma_wait3A_593, %dma_wait3A_594, %dma_wait3A_595] : memref<26x32x128xf32, #tpu.memory_space<vmem>> -> memref<1x32x128xf32, #tpu.memory_space<vmem>>
    %dma_wait3A_597 = tpu.memref_squeeze %dma_wait3A_596 : memref<1x32x128xf32, #tpu.memory_space<vmem>> -> memref<32x128xf32, #tpu.memory_space<vmem>>
    %dma_wait3A_598 = tpu.memref_slice %arg5[%dma_wait3A_592, %mul3A_32] : memref<26x128xi32, #tpu.memory_space<vmem>> -> memref<1x32xi32, #tpu.memory_space<vmem>>
    %dma_wait3A_599 = tpu.memref_squeeze %dma_wait3A_598 : memref<1x32xi32, #tpu.memory_space<vmem>> -> memref<32xi32, #tpu.memory_space<vmem>>
    %dma_wait3A_600 = arith.constant 0 : i32
    %dma_wait3A_601 = arith.constant 0 : i32
    %dma_wait3A_602 = tpu.memref_slice %arg2[%dma_wait3A_591, %dma_wait3A_600, %dma_wait3A_601] : memref<26x1000x128xf32, #tpu.memory_space<hbm>> -> memref<1x1000x128xf32, #tpu.memory_space<hbm>>
    %dma_wait3A_603 = tpu.memref_squeeze %dma_wait3A_602 : memref<1x1000x128xf32, #tpu.memory_space<hbm>> -> memref<1000x128xf32, #tpu.memory_space<hbm>>
    %dma_wait3A_604 = arith.constant 0 : i32
    %dma_wait3A_605 = arith.constant 0 : i32
    %dma_wait3A_606 = tpu.memref_slice %dma_wait3A_603[%dma_wait3A_604, %dma_wait3A_605] : memref<1000x128xf32, #tpu.memory_space<hbm>> -> memref<1000x128xf32, #tpu.memory_space<hbm>>
    tpu.wait_indirect_dma semaphore(%arg7 : memref<!tpu.dma_semaphore, #tpu.memory_space<semaphore_mem>>) src(%dma_wait3A_606 : memref<1000x128xf32, #tpu.memory_space<hbm>>) dst(%dma_wait3A_597 : memref<32x128xf32, #tpu.memory_space<vmem>>)
    %dma_wait3A_607 = arith.constant 10 : i32
    %dma_wait3A_608 = arith.constant 10 : i32
    %dma_wait3A_609 = arith.constant 10 : i32
    %dma_wait3A_610 = arith.constant 0 : i32
    %dma_wait3A_611 = arith.constant 0 : i32
    %dma_wait3A_612 = tpu.memref_slice %arg6[%dma_wait3A_609, %dma_wait3A_610, %dma_wait3A_611] : memref<26x32x128xf32, #tpu.memory_space<vmem>> -> memref<1x32x128xf32, #tpu.memory_space<vmem>>
    %dma_wait3A_613 = tpu.memref_squeeze %dma_wait3A_612 : memref<1x32x128xf32, #tpu.memory_space<vmem>> -> memref<32x128xf32, #tpu.memory_space<vmem>>
    %dma_wait3A_614 = tpu.memref_slice %arg5[%dma_wait3A_608, %mul3A_32] : memref<26x128xi32, #tpu.memory_space<vmem>> -> memref<1x32xi32, #tpu.memory_space<vmem>>
    %dma_wait3A_615 = tpu.memref_squeeze %dma_wait3A_614 : memref<1x32xi32, #tpu.memory_space<vmem>> -> memref<32xi32, #tpu.memory_space<vmem>>
    %dma_wait3A_616 = arith.constant 0 : i32
    %dma_wait3A_617 = arith.constant 0 : i32
    %dma_wait3A_618 = tpu.memref_slice %arg2[%dma_wait3A_607, %dma_wait3A_616, %dma_wait3A_617] : memref<26x1000x128xf32, #tpu.memory_space<hbm>> -> memref<1x1000x128xf32, #tpu.memory_space<hbm>>
    %dma_wait3A_619 = tpu.memref_squeeze %dma_wait3A_618 : memref<1x1000x128xf32, #tpu.memory_space<hbm>> -> memref<1000x128xf32, #tpu.memory_space<hbm>>
    %dma_wait3A_620 = arith.constant 0 : i32
    %dma_wait3A_621 = arith.constant 0 : i32
    %dma_wait3A_622 = tpu.memref_slice %dma_wait3A_619[%dma_wait3A_620, %dma_wait3A_621] : memref<1000x128xf32, #tpu.memory_space<hbm>> -> memref<1000x128xf32, #tpu.memory_space<hbm>>
    tpu.wait_indirect_dma semaphore(%arg7 : memref<!tpu.dma_semaphore, #tpu.memory_space<semaphore_mem>>) src(%dma_wait3A_622 : memref<1000x128xf32, #tpu.memory_space<hbm>>) dst(%dma_wait3A_613 : memref<32x128xf32, #tpu.memory_space<vmem>>)
    %dma_wait3A_623 = arith.constant 11 : i32
    %dma_wait3A_624 = arith.constant 11 : i32
    %dma_wait3A_625 = arith.constant 11 : i32
    %dma_wait3A_626 = arith.constant 0 : i32
    %dma_wait3A_627 = arith.constant 0 : i32
    %dma_wait3A_628 = tpu.memref_slice %arg6[%dma_wait3A_625, %dma_wait3A_626, %dma_wait3A_627] : memref<26x32x128xf32, #tpu.memory_space<vmem>> -> memref<1x32x128xf32, #tpu.memory_space<vmem>>
    %dma_wait3A_629 = tpu.memref_squeeze %dma_wait3A_628 : memref<1x32x128xf32, #tpu.memory_space<vmem>> -> memref<32x128xf32, #tpu.memory_space<vmem>>
    %dma_wait3A_630 = tpu.memref_slice %arg5[%dma_wait3A_624, %mul3A_32] : memref<26x128xi32, #tpu.memory_space<vmem>> -> memref<1x32xi32, #tpu.memory_space<vmem>>
    %dma_wait3A_631 = tpu.memref_squeeze %dma_wait3A_630 : memref<1x32xi32, #tpu.memory_space<vmem>> -> memref<32xi32, #tpu.memory_space<vmem>>
    %dma_wait3A_632 = arith.constant 0 : i32
    %dma_wait3A_633 = arith.constant 0 : i32
    %dma_wait3A_634 = tpu.memref_slice %arg2[%dma_wait3A_623, %dma_wait3A_632, %dma_wait3A_633] : memref<26x1000x128xf32, #tpu.memory_space<hbm>> -> memref<1x1000x128xf32, #tpu.memory_space<hbm>>
    %dma_wait3A_635 = tpu.memref_squeeze %dma_wait3A_634 : memref<1x1000x128xf32, #tpu.memory_space<hbm>> -> memref<1000x128xf32, #tpu.memory_space<hbm>>
    %dma_wait3A_636 = arith.constant 0 : i32
    %dma_wait3A_637 = arith.constant 0 : i32
    %dma_wait3A_638 = tpu.memref_slice %dma_wait3A_635[%dma_wait3A_636, %dma_wait3A_637] : memref<1000x128xf32, #tpu.memory_space<hbm>> -> memref<1000x128xf32, #tpu.memory_space<hbm>>
    tpu.wait_indirect_dma semaphore(%arg7 : memref<!tpu.dma_semaphore, #tpu.memory_space<semaphore_mem>>) src(%dma_wait3A_638 : memref<1000x128xf32, #tpu.memory_space<hbm>>) dst(%dma_wait3A_629 : memref<32x128xf32, #tpu.memory_space<vmem>>)
    %dma_wait3A_639 = arith.constant 12 : i32
    %dma_wait3A_640 = arith.constant 12 : i32
    %dma_wait3A_641 = arith.constant 12 : i32
    %dma_wait3A_642 = arith.constant 0 : i32
    %dma_wait3A_643 = arith.constant 0 : i32
    %dma_wait3A_644 = tpu.memref_slice %arg6[%dma_wait3A_641, %dma_wait3A_642, %dma_wait3A_643] : memref<26x32x128xf32, #tpu.memory_space<vmem>> -> memref<1x32x128xf32, #tpu.memory_space<vmem>>
    %dma_wait3A_645 = tpu.memref_squeeze %dma_wait3A_644 : memref<1x32x128xf32, #tpu.memory_space<vmem>> -> memref<32x128xf32, #tpu.memory_space<vmem>>
    %dma_wait3A_646 = tpu.memref_slice %arg5[%dma_wait3A_640, %mul3A_32] : memref<26x128xi32, #tpu.memory_space<vmem>> -> memref<1x32xi32, #tpu.memory_space<vmem>>
    %dma_wait3A_647 = tpu.memref_squeeze %dma_wait3A_646 : memref<1x32xi32, #tpu.memory_space<vmem>> -> memref<32xi32, #tpu.memory_space<vmem>>
    %dma_wait3A_648 = arith.constant 0 : i32
    %dma_wait3A_649 = arith.constant 0 : i32
    %dma_wait3A_650 = tpu.memref_slice %arg2[%dma_wait3A_639, %dma_wait3A_648, %dma_wait3A_649] : memref<26x1000x128xf32, #tpu.memory_space<hbm>> -> memref<1x1000x128xf32, #tpu.memory_space<hbm>>
    %dma_wait3A_651 = tpu.memref_squeeze %dma_wait3A_650 : memref<1x1000x128xf32, #tpu.memory_space<hbm>> -> memref<1000x128xf32, #tpu.memory_space<hbm>>
    %dma_wait3A_652 = arith.constant 0 : i32
    %dma_wait3A_653 = arith.constant 0 : i32
    %dma_wait3A_654 = tpu.memref_slice %dma_wait3A_651[%dma_wait3A_652, %dma_wait3A_653] : memref<1000x128xf32, #tpu.memory_space<hbm>> -> memref<1000x128xf32, #tpu.memory_space<hbm>>
    tpu.wait_indirect_dma semaphore(%arg7 : memref<!tpu.dma_semaphore, #tpu.memory_space<semaphore_mem>>) src(%dma_wait3A_654 : memref<1000x128xf32, #tpu.memory_space<hbm>>) dst(%dma_wait3A_645 : memref<32x128xf32, #tpu.memory_space<vmem>>)
    %dma_wait3A_655 = arith.constant 13 : i32
    %dma_wait3A_656 = arith.constant 13 : i32
    %dma_wait3A_657 = arith.constant 13 : i32
    %dma_wait3A_658 = arith.constant 0 : i32
    %dma_wait3A_659 = arith.constant 0 : i32
    %dma_wait3A_660 = tpu.memref_slice %arg6[%dma_wait3A_657, %dma_wait3A_658, %dma_wait3A_659] : memref<26x32x128xf32, #tpu.memory_space<vmem>> -> memref<1x32x128xf32, #tpu.memory_space<vmem>>
    %dma_wait3A_661 = tpu.memref_squeeze %dma_wait3A_660 : memref<1x32x128xf32, #tpu.memory_space<vmem>> -> memref<32x128xf32, #tpu.memory_space<vmem>>
    %dma_wait3A_662 = tpu.memref_slice %arg5[%dma_wait3A_656, %mul3A_32] : memref<26x128xi32, #tpu.memory_space<vmem>> -> memref<1x32xi32, #tpu.memory_space<vmem>>
    %dma_wait3A_663 = tpu.memref_squeeze %dma_wait3A_662 : memref<1x32xi32, #tpu.memory_space<vmem>> -> memref<32xi32, #tpu.memory_space<vmem>>
    %dma_wait3A_664 = arith.constant 0 : i32
    %dma_wait3A_665 = arith.constant 0 : i32
    %dma_wait3A_666 = tpu.memref_slice %arg2[%dma_wait3A_655, %dma_wait3A_664, %dma_wait3A_665] : memref<26x1000x128xf32, #tpu.memory_space<hbm>> -> memref<1x1000x128xf32, #tpu.memory_space<hbm>>
    %dma_wait3A_667 = tpu.memref_squeeze %dma_wait3A_666 : memref<1x1000x128xf32, #tpu.memory_space<hbm>> -> memref<1000x128xf32, #tpu.memory_space<hbm>>
    %dma_wait3A_668 = arith.constant 0 : i32
    %dma_wait3A_669 = arith.constant 0 : i32
    %dma_wait3A_670 = tpu.memref_slice %dma_wait3A_667[%dma_wait3A_668, %dma_wait3A_669] : memref<1000x128xf32, #tpu.memory_space<hbm>> -> memref<1000x128xf32, #tpu.memory_space<hbm>>
    tpu.wait_indirect_dma semaphore(%arg7 : memref<!tpu.dma_semaphore, #tpu.memory_space<semaphore_mem>>) src(%dma_wait3A_670 : memref<1000x128xf32, #tpu.memory_space<hbm>>) dst(%dma_wait3A_661 : memref<32x128xf32, #tpu.memory_space<vmem>>)
    %dma_wait3A_671 = arith.constant 14 : i32
    %dma_wait3A_672 = arith.constant 14 : i32
    %dma_wait3A_673 = arith.constant 14 : i32
    %dma_wait3A_674 = arith.constant 0 : i32
    %dma_wait3A_675 = arith.constant 0 : i32
    %dma_wait3A_676 = tpu.memref_slice %arg6[%dma_wait3A_673, %dma_wait3A_674, %dma_wait3A_675] : memref<26x32x128xf32, #tpu.memory_space<vmem>> -> memref<1x32x128xf32, #tpu.memory_space<vmem>>
    %dma_wait3A_677 = tpu.memref_squeeze %dma_wait3A_676 : memref<1x32x128xf32, #tpu.memory_space<vmem>> -> memref<32x128xf32, #tpu.memory_space<vmem>>
    %dma_wait3A_678 = tpu.memref_slice %arg5[%dma_wait3A_672, %mul3A_32] : memref<26x128xi32, #tpu.memory_space<vmem>> -> memref<1x32xi32, #tpu.memory_space<vmem>>
    %dma_wait3A_679 = tpu.memref_squeeze %dma_wait3A_678 : memref<1x32xi32, #tpu.memory_space<vmem>> -> memref<32xi32, #tpu.memory_space<vmem>>
    %dma_wait3A_680 = arith.constant 0 : i32
    %dma_wait3A_681 = arith.constant 0 : i32
    %dma_wait3A_682 = tpu.memref_slice %arg2[%dma_wait3A_671, %dma_wait3A_680, %dma_wait3A_681] : memref<26x1000x128xf32, #tpu.memory_space<hbm>> -> memref<1x1000x128xf32, #tpu.memory_space<hbm>>
    %dma_wait3A_683 = tpu.memref_squeeze %dma_wait3A_682 : memref<1x1000x128xf32, #tpu.memory_space<hbm>> -> memref<1000x128xf32, #tpu.memory_space<hbm>>
    %dma_wait3A_684 = arith.constant 0 : i32
    %dma_wait3A_685 = arith.constant 0 : i32
    %dma_wait3A_686 = tpu.memref_slice %dma_wait3A_683[%dma_wait3A_684, %dma_wait3A_685] : memref<1000x128xf32, #tpu.memory_space<hbm>> -> memref<1000x128xf32, #tpu.memory_space<hbm>>
    tpu.wait_indirect_dma semaphore(%arg7 : memref<!tpu.dma_semaphore, #tpu.memory_space<semaphore_mem>>) src(%dma_wait3A_686 : memref<1000x128xf32, #tpu.memory_space<hbm>>) dst(%dma_wait3A_677 : memref<32x128xf32, #tpu.memory_space<vmem>>)
    %dma_wait3A_687 = arith.constant 15 : i32
    %dma_wait3A_688 = arith.constant 15 : i32
    %dma_wait3A_689 = arith.constant 15 : i32
    %dma_wait3A_690 = arith.constant 0 : i32
    %dma_wait3A_691 = arith.constant 0 : i32
    %dma_wait3A_692 = tpu.memref_slice %arg6[%dma_wait3A_689, %dma_wait3A_690, %dma_wait3A_691] : memref<26x32x128xf32, #tpu.memory_space<vmem>> -> memref<1x32x128xf32, #tpu.memory_space<vmem>>
    %dma_wait3A_693 = tpu.memref_squeeze %dma_wait3A_692 : memref<1x32x128xf32, #tpu.memory_space<vmem>> -> memref<32x128xf32, #tpu.memory_space<vmem>>
    %dma_wait3A_694 = tpu.memref_slice %arg5[%dma_wait3A_688, %mul3A_32] : memref<26x128xi32, #tpu.memory_space<vmem>> -> memref<1x32xi32, #tpu.memory_space<vmem>>
    %dma_wait3A_695 = tpu.memref_squeeze %dma_wait3A_694 : memref<1x32xi32, #tpu.memory_space<vmem>> -> memref<32xi32, #tpu.memory_space<vmem>>
    %dma_wait3A_696 = arith.constant 0 : i32
    %dma_wait3A_697 = arith.constant 0 : i32
    %dma_wait3A_698 = tpu.memref_slice %arg2[%dma_wait3A_687, %dma_wait3A_696, %dma_wait3A_697] : memref<26x1000x128xf32, #tpu.memory_space<hbm>> -> memref<1x1000x128xf32, #tpu.memory_space<hbm>>
    %dma_wait3A_699 = tpu.memref_squeeze %dma_wait3A_698 : memref<1x1000x128xf32, #tpu.memory_space<hbm>> -> memref<1000x128xf32, #tpu.memory_space<hbm>>
    %dma_wait3A_700 = arith.constant 0 : i32
    %dma_wait3A_701 = arith.constant 0 : i32
    %dma_wait3A_702 = tpu.memref_slice %dma_wait3A_699[%dma_wait3A_700, %dma_wait3A_701] : memref<1000x128xf32, #tpu.memory_space<hbm>> -> memref<1000x128xf32, #tpu.memory_space<hbm>>
    tpu.wait_indirect_dma semaphore(%arg7 : memref<!tpu.dma_semaphore, #tpu.memory_space<semaphore_mem>>) src(%dma_wait3A_702 : memref<1000x128xf32, #tpu.memory_space<hbm>>) dst(%dma_wait3A_693 : memref<32x128xf32, #tpu.memory_space<vmem>>)
    %dma_wait3A_703 = arith.constant 16 : i32
    %dma_wait3A_704 = arith.constant 16 : i32
    %dma_wait3A_705 = arith.constant 16 : i32
    %dma_wait3A_706 = arith.constant 0 : i32
    %dma_wait3A_707 = arith.constant 0 : i32
    %dma_wait3A_708 = tpu.memref_slice %arg6[%dma_wait3A_705, %dma_wait3A_706, %dma_wait3A_707] : memref<26x32x128xf32, #tpu.memory_space<vmem>> -> memref<1x32x128xf32, #tpu.memory_space<vmem>>
    %dma_wait3A_709 = tpu.memref_squeeze %dma_wait3A_708 : memref<1x32x128xf32, #tpu.memory_space<vmem>> -> memref<32x128xf32, #tpu.memory_space<vmem>>
    %dma_wait3A_710 = tpu.memref_slice %arg5[%dma_wait3A_704, %mul3A_32] : memref<26x128xi32, #tpu.memory_space<vmem>> -> memref<1x32xi32, #tpu.memory_space<vmem>>
    %dma_wait3A_711 = tpu.memref_squeeze %dma_wait3A_710 : memref<1x32xi32, #tpu.memory_space<vmem>> -> memref<32xi32, #tpu.memory_space<vmem>>
    %dma_wait3A_712 = arith.constant 0 : i32
    %dma_wait3A_713 = arith.constant 0 : i32
    %dma_wait3A_714 = tpu.memref_slice %arg2[%dma_wait3A_703, %dma_wait3A_712, %dma_wait3A_713] : memref<26x1000x128xf32, #tpu.memory_space<hbm>> -> memref<1x1000x128xf32, #tpu.memory_space<hbm>>
    %dma_wait3A_715 = tpu.memref_squeeze %dma_wait3A_714 : memref<1x1000x128xf32, #tpu.memory_space<hbm>> -> memref<1000x128xf32, #tpu.memory_space<hbm>>
    %dma_wait3A_716 = arith.constant 0 : i32
    %dma_wait3A_717 = arith.constant 0 : i32
    %dma_wait3A_718 = tpu.memref_slice %dma_wait3A_715[%dma_wait3A_716, %dma_wait3A_717] : memref<1000x128xf32, #tpu.memory_space<hbm>> -> memref<1000x128xf32, #tpu.memory_space<hbm>>
    tpu.wait_indirect_dma semaphore(%arg7 : memref<!tpu.dma_semaphore, #tpu.memory_space<semaphore_mem>>) src(%dma_wait3A_718 : memref<1000x128xf32, #tpu.memory_space<hbm>>) dst(%dma_wait3A_709 : memref<32x128xf32, #tpu.memory_space<vmem>>)
    %dma_wait3A_719 = arith.constant 17 : i32
    %dma_wait3A_720 = arith.constant 17 : i32
    %dma_wait3A_721 = arith.constant 17 : i32
    %dma_wait3A_722 = arith.constant 0 : i32
    %dma_wait3A_723 = arith.constant 0 : i32
    %dma_wait3A_724 = tpu.memref_slice %arg6[%dma_wait3A_721, %dma_wait3A_722, %dma_wait3A_723] : memref<26x32x128xf32, #tpu.memory_space<vmem>> -> memref<1x32x128xf32, #tpu.memory_space<vmem>>
    %dma_wait3A_725 = tpu.memref_squeeze %dma_wait3A_724 : memref<1x32x128xf32, #tpu.memory_space<vmem>> -> memref<32x128xf32, #tpu.memory_space<vmem>>
    %dma_wait3A_726 = tpu.memref_slice %arg5[%dma_wait3A_720, %mul3A_32] : memref<26x128xi32, #tpu.memory_space<vmem>> -> memref<1x32xi32, #tpu.memory_space<vmem>>
    %dma_wait3A_727 = tpu.memref_squeeze %dma_wait3A_726 : memref<1x32xi32, #tpu.memory_space<vmem>> -> memref<32xi32, #tpu.memory_space<vmem>>
    %dma_wait3A_728 = arith.constant 0 : i32
    %dma_wait3A_729 = arith.constant 0 : i32
    %dma_wait3A_730 = tpu.memref_slice %arg2[%dma_wait3A_719, %dma_wait3A_728, %dma_wait3A_729] : memref<26x1000x128xf32, #tpu.memory_space<hbm>> -> memref<1x1000x128xf32, #tpu.memory_space<hbm>>
    %dma_wait3A_731 = tpu.memref_squeeze %dma_wait3A_730 : memref<1x1000x128xf32, #tpu.memory_space<hbm>> -> memref<1000x128xf32, #tpu.memory_space<hbm>>
    %dma_wait3A_732 = arith.constant 0 : i32
    %dma_wait3A_733 = arith.constant 0 : i32
    %dma_wait3A_734 = tpu.memref_slice %dma_wait3A_731[%dma_wait3A_732, %dma_wait3A_733] : memref<1000x128xf32, #tpu.memory_space<hbm>> -> memref<1000x128xf32, #tpu.memory_space<hbm>>
    tpu.wait_indirect_dma semaphore(%arg7 : memref<!tpu.dma_semaphore, #tpu.memory_space<semaphore_mem>>) src(%dma_wait3A_734 : memref<1000x128xf32, #tpu.memory_space<hbm>>) dst(%dma_wait3A_725 : memref<32x128xf32, #tpu.memory_space<vmem>>)
    %dma_wait3A_735 = arith.constant 18 : i32
    %dma_wait3A_736 = arith.constant 18 : i32
    %dma_wait3A_737 = arith.constant 18 : i32
    %dma_wait3A_738 = arith.constant 0 : i32
    %dma_wait3A_739 = arith.constant 0 : i32
    %dma_wait3A_740 = tpu.memref_slice %arg6[%dma_wait3A_737, %dma_wait3A_738, %dma_wait3A_739] : memref<26x32x128xf32, #tpu.memory_space<vmem>> -> memref<1x32x128xf32, #tpu.memory_space<vmem>>
    %dma_wait3A_741 = tpu.memref_squeeze %dma_wait3A_740 : memref<1x32x128xf32, #tpu.memory_space<vmem>> -> memref<32x128xf32, #tpu.memory_space<vmem>>
    %dma_wait3A_742 = tpu.memref_slice %arg5[%dma_wait3A_736, %mul3A_32] : memref<26x128xi32, #tpu.memory_space<vmem>> -> memref<1x32xi32, #tpu.memory_space<vmem>>
    %dma_wait3A_743 = tpu.memref_squeeze %dma_wait3A_742 : memref<1x32xi32, #tpu.memory_space<vmem>> -> memref<32xi32, #tpu.memory_space<vmem>>
    %dma_wait3A_744 = arith.constant 0 : i32
    %dma_wait3A_745 = arith.constant 0 : i32
    %dma_wait3A_746 = tpu.memref_slice %arg2[%dma_wait3A_735, %dma_wait3A_744, %dma_wait3A_745] : memref<26x1000x128xf32, #tpu.memory_space<hbm>> -> memref<1x1000x128xf32, #tpu.memory_space<hbm>>
    %dma_wait3A_747 = tpu.memref_squeeze %dma_wait3A_746 : memref<1x1000x128xf32, #tpu.memory_space<hbm>> -> memref<1000x128xf32, #tpu.memory_space<hbm>>
    %dma_wait3A_748 = arith.constant 0 : i32
    %dma_wait3A_749 = arith.constant 0 : i32
    %dma_wait3A_750 = tpu.memref_slice %dma_wait3A_747[%dma_wait3A_748, %dma_wait3A_749] : memref<1000x128xf32, #tpu.memory_space<hbm>> -> memref<1000x128xf32, #tpu.memory_space<hbm>>
    tpu.wait_indirect_dma semaphore(%arg7 : memref<!tpu.dma_semaphore, #tpu.memory_space<semaphore_mem>>) src(%dma_wait3A_750 : memref<1000x128xf32, #tpu.memory_space<hbm>>) dst(%dma_wait3A_741 : memref<32x128xf32, #tpu.memory_space<vmem>>)
    %dma_wait3A_751 = arith.constant 19 : i32
    %dma_wait3A_752 = arith.constant 19 : i32
    %dma_wait3A_753 = arith.constant 19 : i32
    %dma_wait3A_754 = arith.constant 0 : i32
    %dma_wait3A_755 = arith.constant 0 : i32
    %dma_wait3A_756 = tpu.memref_slice %arg6[%dma_wait3A_753, %dma_wait3A_754, %dma_wait3A_755] : memref<26x32x128xf32, #tpu.memory_space<vmem>> -> memref<1x32x128xf32, #tpu.memory_space<vmem>>
    %dma_wait3A_757 = tpu.memref_squeeze %dma_wait3A_756 : memref<1x32x128xf32, #tpu.memory_space<vmem>> -> memref<32x128xf32, #tpu.memory_space<vmem>>
    %dma_wait3A_758 = tpu.memref_slice %arg5[%dma_wait3A_752, %mul3A_32] : memref<26x128xi32, #tpu.memory_space<vmem>> -> memref<1x32xi32, #tpu.memory_space<vmem>>
    %dma_wait3A_759 = tpu.memref_squeeze %dma_wait3A_758 : memref<1x32xi32, #tpu.memory_space<vmem>> -> memref<32xi32, #tpu.memory_space<vmem>>
    %dma_wait3A_760 = arith.constant 0 : i32
    %dma_wait3A_761 = arith.constant 0 : i32
    %dma_wait3A_762 = tpu.memref_slice %arg2[%dma_wait3A_751, %dma_wait3A_760, %dma_wait3A_761] : memref<26x1000x128xf32, #tpu.memory_space<hbm>> -> memref<1x1000x128xf32, #tpu.memory_space<hbm>>
    %dma_wait3A_763 = tpu.memref_squeeze %dma_wait3A_762 : memref<1x1000x128xf32, #tpu.memory_space<hbm>> -> memref<1000x128xf32, #tpu.memory_space<hbm>>
    %dma_wait3A_764 = arith.constant 0 : i32
    %dma_wait3A_765 = arith.constant 0 : i32
    %dma_wait3A_766 = tpu.memref_slice %dma_wait3A_763[%dma_wait3A_764, %dma_wait3A_765] : memref<1000x128xf32, #tpu.memory_space<hbm>> -> memref<1000x128xf32, #tpu.memory_space<hbm>>
    tpu.wait_indirect_dma semaphore(%arg7 : memref<!tpu.dma_semaphore, #tpu.memory_space<semaphore_mem>>) src(%dma_wait3A_766 : memref<1000x128xf32, #tpu.memory_space<hbm>>) dst(%dma_wait3A_757 : memref<32x128xf32, #tpu.memory_space<vmem>>)
    %dma_wait3A_767 = arith.constant 20 : i32
    %dma_wait3A_768 = arith.constant 20 : i32
    %dma_wait3A_769 = arith.constant 20 : i32
    %dma_wait3A_770 = arith.constant 0 : i32
    %dma_wait3A_771 = arith.constant 0 : i32
    %dma_wait3A_772 = tpu.memref_slice %arg6[%dma_wait3A_769, %dma_wait3A_770, %dma_wait3A_771] : memref<26x32x128xf32, #tpu.memory_space<vmem>> -> memref<1x32x128xf32, #tpu.memory_space<vmem>>
    %dma_wait3A_773 = tpu.memref_squeeze %dma_wait3A_772 : memref<1x32x128xf32, #tpu.memory_space<vmem>> -> memref<32x128xf32, #tpu.memory_space<vmem>>
    %dma_wait3A_774 = tpu.memref_slice %arg5[%dma_wait3A_768, %mul3A_32] : memref<26x128xi32, #tpu.memory_space<vmem>> -> memref<1x32xi32, #tpu.memory_space<vmem>>
    %dma_wait3A_775 = tpu.memref_squeeze %dma_wait3A_774 : memref<1x32xi32, #tpu.memory_space<vmem>> -> memref<32xi32, #tpu.memory_space<vmem>>
    %dma_wait3A_776 = arith.constant 0 : i32
    %dma_wait3A_777 = arith.constant 0 : i32
    %dma_wait3A_778 = tpu.memref_slice %arg2[%dma_wait3A_767, %dma_wait3A_776, %dma_wait3A_777] : memref<26x1000x128xf32, #tpu.memory_space<hbm>> -> memref<1x1000x128xf32, #tpu.memory_space<hbm>>
    %dma_wait3A_779 = tpu.memref_squeeze %dma_wait3A_778 : memref<1x1000x128xf32, #tpu.memory_space<hbm>> -> memref<1000x128xf32, #tpu.memory_space<hbm>>
    %dma_wait3A_780 = arith.constant 0 : i32
    %dma_wait3A_781 = arith.constant 0 : i32
    %dma_wait3A_782 = tpu.memref_slice %dma_wait3A_779[%dma_wait3A_780, %dma_wait3A_781] : memref<1000x128xf32, #tpu.memory_space<hbm>> -> memref<1000x128xf32, #tpu.memory_space<hbm>>
    tpu.wait_indirect_dma semaphore(%arg7 : memref<!tpu.dma_semaphore, #tpu.memory_space<semaphore_mem>>) src(%dma_wait3A_782 : memref<1000x128xf32, #tpu.memory_space<hbm>>) dst(%dma_wait3A_773 : memref<32x128xf32, #tpu.memory_space<vmem>>)
    %dma_wait3A_783 = arith.constant 21 : i32
    %dma_wait3A_784 = arith.constant 21 : i32
    %dma_wait3A_785 = arith.constant 21 : i32
    %dma_wait3A_786 = arith.constant 0 : i32
    %dma_wait3A_787 = arith.constant 0 : i32
    %dma_wait3A_788 = tpu.memref_slice %arg6[%dma_wait3A_785, %dma_wait3A_786, %dma_wait3A_787] : memref<26x32x128xf32, #tpu.memory_space<vmem>> -> memref<1x32x128xf32, #tpu.memory_space<vmem>>
    %dma_wait3A_789 = tpu.memref_squeeze %dma_wait3A_788 : memref<1x32x128xf32, #tpu.memory_space<vmem>> -> memref<32x128xf32, #tpu.memory_space<vmem>>
    %dma_wait3A_790 = tpu.memref_slice %arg5[%dma_wait3A_784, %mul3A_32] : memref<26x128xi32, #tpu.memory_space<vmem>> -> memref<1x32xi32, #tpu.memory_space<vmem>>
    %dma_wait3A_791 = tpu.memref_squeeze %dma_wait3A_790 : memref<1x32xi32, #tpu.memory_space<vmem>> -> memref<32xi32, #tpu.memory_space<vmem>>
    %dma_wait3A_792 = arith.constant 0 : i32
    %dma_wait3A_793 = arith.constant 0 : i32
    %dma_wait3A_794 = tpu.memref_slice %arg2[%dma_wait3A_783, %dma_wait3A_792, %dma_wait3A_793] : memref<26x1000x128xf32, #tpu.memory_space<hbm>> -> memref<1x1000x128xf32, #tpu.memory_space<hbm>>
    %dma_wait3A_795 = tpu.memref_squeeze %dma_wait3A_794 : memref<1x1000x128xf32, #tpu.memory_space<hbm>> -> memref<1000x128xf32, #tpu.memory_space<hbm>>
    %dma_wait3A_796 = arith.constant 0 : i32
    %dma_wait3A_797 = arith.constant 0 : i32
    %dma_wait3A_798 = tpu.memref_slice %dma_wait3A_795[%dma_wait3A_796, %dma_wait3A_797] : memref<1000x128xf32, #tpu.memory_space<hbm>> -> memref<1000x128xf32, #tpu.memory_space<hbm>>
    tpu.wait_indirect_dma semaphore(%arg7 : memref<!tpu.dma_semaphore, #tpu.memory_space<semaphore_mem>>) src(%dma_wait3A_798 : memref<1000x128xf32, #tpu.memory_space<hbm>>) dst(%dma_wait3A_789 : memref<32x128xf32, #tpu.memory_space<vmem>>)
    %dma_wait3A_799 = arith.constant 22 : i32
    %dma_wait3A_800 = arith.constant 22 : i32
    %dma_wait3A_801 = arith.constant 22 : i32
    %dma_wait3A_802 = arith.constant 0 : i32
    %dma_wait3A_803 = arith.constant 0 : i32
    %dma_wait3A_804 = tpu.memref_slice %arg6[%dma_wait3A_801, %dma_wait3A_802, %dma_wait3A_803] : memref<26x32x128xf32, #tpu.memory_space<vmem>> -> memref<1x32x128xf32, #tpu.memory_space<vmem>>
    %dma_wait3A_805 = tpu.memref_squeeze %dma_wait3A_804 : memref<1x32x128xf32, #tpu.memory_space<vmem>> -> memref<32x128xf32, #tpu.memory_space<vmem>>
    %dma_wait3A_806 = tpu.memref_slice %arg5[%dma_wait3A_800, %mul3A_32] : memref<26x128xi32, #tpu.memory_space<vmem>> -> memref<1x32xi32, #tpu.memory_space<vmem>>
    %dma_wait3A_807 = tpu.memref_squeeze %dma_wait3A_806 : memref<1x32xi32, #tpu.memory_space<vmem>> -> memref<32xi32, #tpu.memory_space<vmem>>
    %dma_wait3A_808 = arith.constant 0 : i32
    %dma_wait3A_809 = arith.constant 0 : i32
    %dma_wait3A_810 = tpu.memref_slice %arg2[%dma_wait3A_799, %dma_wait3A_808, %dma_wait3A_809] : memref<26x1000x128xf32, #tpu.memory_space<hbm>> -> memref<1x1000x128xf32, #tpu.memory_space<hbm>>
    %dma_wait3A_811 = tpu.memref_squeeze %dma_wait3A_810 : memref<1x1000x128xf32, #tpu.memory_space<hbm>> -> memref<1000x128xf32, #tpu.memory_space<hbm>>
    %dma_wait3A_812 = arith.constant 0 : i32
    %dma_wait3A_813 = arith.constant 0 : i32
    %dma_wait3A_814 = tpu.memref_slice %dma_wait3A_811[%dma_wait3A_812, %dma_wait3A_813] : memref<1000x128xf32, #tpu.memory_space<hbm>> -> memref<1000x128xf32, #tpu.memory_space<hbm>>
    tpu.wait_indirect_dma semaphore(%arg7 : memref<!tpu.dma_semaphore, #tpu.memory_space<semaphore_mem>>) src(%dma_wait3A_814 : memref<1000x128xf32, #tpu.memory_space<hbm>>) dst(%dma_wait3A_805 : memref<32x128xf32, #tpu.memory_space<vmem>>)
    %dma_wait3A_815 = arith.constant 23 : i32
    %dma_wait3A_816 = arith.constant 23 : i32
    %dma_wait3A_817 = arith.constant 23 : i32
    %dma_wait3A_818 = arith.constant 0 : i32
    %dma_wait3A_819 = arith.constant 0 : i32
    %dma_wait3A_820 = tpu.memref_slice %arg6[%dma_wait3A_817, %dma_wait3A_818, %dma_wait3A_819] : memref<26x32x128xf32, #tpu.memory_space<vmem>> -> memref<1x32x128xf32, #tpu.memory_space<vmem>>
    %dma_wait3A_821 = tpu.memref_squeeze %dma_wait3A_820 : memref<1x32x128xf32, #tpu.memory_space<vmem>> -> memref<32x128xf32, #tpu.memory_space<vmem>>
    %dma_wait3A_822 = tpu.memref_slice %arg5[%dma_wait3A_816, %mul3A_32] : memref<26x128xi32, #tpu.memory_space<vmem>> -> memref<1x32xi32, #tpu.memory_space<vmem>>
    %dma_wait3A_823 = tpu.memref_squeeze %dma_wait3A_822 : memref<1x32xi32, #tpu.memory_space<vmem>> -> memref<32xi32, #tpu.memory_space<vmem>>
    %dma_wait3A_824 = arith.constant 0 : i32
    %dma_wait3A_825 = arith.constant 0 : i32
    %dma_wait3A_826 = tpu.memref_slice %arg2[%dma_wait3A_815, %dma_wait3A_824, %dma_wait3A_825] : memref<26x1000x128xf32, #tpu.memory_space<hbm>> -> memref<1x1000x128xf32, #tpu.memory_space<hbm>>
    %dma_wait3A_827 = tpu.memref_squeeze %dma_wait3A_826 : memref<1x1000x128xf32, #tpu.memory_space<hbm>> -> memref<1000x128xf32, #tpu.memory_space<hbm>>
    %dma_wait3A_828 = arith.constant 0 : i32
    %dma_wait3A_829 = arith.constant 0 : i32
    %dma_wait3A_830 = tpu.memref_slice %dma_wait3A_827[%dma_wait3A_828, %dma_wait3A_829] : memref<1000x128xf32, #tpu.memory_space<hbm>> -> memref<1000x128xf32, #tpu.memory_space<hbm>>
    tpu.wait_indirect_dma semaphore(%arg7 : memref<!tpu.dma_semaphore, #tpu.memory_space<semaphore_mem>>) src(%dma_wait3A_830 : memref<1000x128xf32, #tpu.memory_space<hbm>>) dst(%dma_wait3A_821 : memref<32x128xf32, #tpu.memory_space<vmem>>)
    %dma_wait3A_831 = arith.constant 24 : i32
    %dma_wait3A_832 = arith.constant 24 : i32
    %dma_wait3A_833 = arith.constant 24 : i32
    %dma_wait3A_834 = arith.constant 0 : i32
    %dma_wait3A_835 = arith.constant 0 : i32
    %dma_wait3A_836 = tpu.memref_slice %arg6[%dma_wait3A_833, %dma_wait3A_834, %dma_wait3A_835] : memref<26x32x128xf32, #tpu.memory_space<vmem>> -> memref<1x32x128xf32, #tpu.memory_space<vmem>>
    %dma_wait3A_837 = tpu.memref_squeeze %dma_wait3A_836 : memref<1x32x128xf32, #tpu.memory_space<vmem>> -> memref<32x128xf32, #tpu.memory_space<vmem>>
    %dma_wait3A_838 = tpu.memref_slice %arg5[%dma_wait3A_832, %mul3A_32] : memref<26x128xi32, #tpu.memory_space<vmem>> -> memref<1x32xi32, #tpu.memory_space<vmem>>
    %dma_wait3A_839 = tpu.memref_squeeze %dma_wait3A_838 : memref<1x32xi32, #tpu.memory_space<vmem>> -> memref<32xi32, #tpu.memory_space<vmem>>
    %dma_wait3A_840 = arith.constant 0 : i32
    %dma_wait3A_841 = arith.constant 0 : i32
    %dma_wait3A_842 = tpu.memref_slice %arg2[%dma_wait3A_831, %dma_wait3A_840, %dma_wait3A_841] : memref<26x1000x128xf32, #tpu.memory_space<hbm>> -> memref<1x1000x128xf32, #tpu.memory_space<hbm>>
    %dma_wait3A_843 = tpu.memref_squeeze %dma_wait3A_842 : memref<1x1000x128xf32, #tpu.memory_space<hbm>> -> memref<1000x128xf32, #tpu.memory_space<hbm>>
    %dma_wait3A_844 = arith.constant 0 : i32
    %dma_wait3A_845 = arith.constant 0 : i32
    %dma_wait3A_846 = tpu.memref_slice %dma_wait3A_843[%dma_wait3A_844, %dma_wait3A_845] : memref<1000x128xf32, #tpu.memory_space<hbm>> -> memref<1000x128xf32, #tpu.memory_space<hbm>>
    tpu.wait_indirect_dma semaphore(%arg7 : memref<!tpu.dma_semaphore, #tpu.memory_space<semaphore_mem>>) src(%dma_wait3A_846 : memref<1000x128xf32, #tpu.memory_space<hbm>>) dst(%dma_wait3A_837 : memref<32x128xf32, #tpu.memory_space<vmem>>)
    %dma_wait3A_847 = arith.constant 25 : i32
    %dma_wait3A_848 = arith.constant 25 : i32
    %dma_wait3A_849 = arith.constant 25 : i32
    %dma_wait3A_850 = arith.constant 0 : i32
    %dma_wait3A_851 = arith.constant 0 : i32
    %dma_wait3A_852 = tpu.memref_slice %arg6[%dma_wait3A_849, %dma_wait3A_850, %dma_wait3A_851] : memref<26x32x128xf32, #tpu.memory_space<vmem>> -> memref<1x32x128xf32, #tpu.memory_space<vmem>>
    %dma_wait3A_853 = tpu.memref_squeeze %dma_wait3A_852 : memref<1x32x128xf32, #tpu.memory_space<vmem>> -> memref<32x128xf32, #tpu.memory_space<vmem>>
    %dma_wait3A_854 = tpu.memref_slice %arg5[%dma_wait3A_848, %mul3A_32] : memref<26x128xi32, #tpu.memory_space<vmem>> -> memref<1x32xi32, #tpu.memory_space<vmem>>
    %dma_wait3A_855 = tpu.memref_squeeze %dma_wait3A_854 : memref<1x32xi32, #tpu.memory_space<vmem>> -> memref<32xi32, #tpu.memory_space<vmem>>
    %dma_wait3A_856 = arith.constant 0 : i32
    %dma_wait3A_857 = arith.constant 0 : i32
    %dma_wait3A_858 = tpu.memref_slice %arg2[%dma_wait3A_847, %dma_wait3A_856, %dma_wait3A_857] : memref<26x1000x128xf32, #tpu.memory_space<hbm>> -> memref<1x1000x128xf32, #tpu.memory_space<hbm>>
    %dma_wait3A_859 = tpu.memref_squeeze %dma_wait3A_858 : memref<1x1000x128xf32, #tpu.memory_space<hbm>> -> memref<1000x128xf32, #tpu.memory_space<hbm>>
    %dma_wait3A_860 = arith.constant 0 : i32
    %dma_wait3A_861 = arith.constant 0 : i32
    %dma_wait3A_862 = tpu.memref_slice %dma_wait3A_859[%dma_wait3A_860, %dma_wait3A_861] : memref<1000x128xf32, #tpu.memory_space<hbm>> -> memref<1000x128xf32, #tpu.memory_space<hbm>>
    tpu.wait_indirect_dma semaphore(%arg7 : memref<!tpu.dma_semaphore, #tpu.memory_space<semaphore_mem>>) src(%dma_wait3A_862 : memref<1000x128xf32, #tpu.memory_space<hbm>>) dst(%dma_wait3A_853 : memref<32x128xf32, #tpu.memory_space<vmem>>)
    %mul3A_863 = arith.constant 32 : i32
    %mul3A_864 = arith.muli %add3A, %mul3A_863 : i32
    %dma_start3A_865 = arith.constant 0 : i32
    %dma_start3A_866 = arith.constant 0 : i32
    %dma_start3A_867 = arith.constant 0 : i32
    %dma_start3A_868 = arith.constant 0 : i32
    %dma_start3A_869 = tpu.memref_slice %arg6[%dma_start3A_865, %dma_start3A_867, %dma_start3A_868] : memref<26x32x128xf32, #tpu.memory_space<vmem>> -> memref<1x32x128xf32, #tpu.memory_space<vmem>>
    %dma_start3A_870 = tpu.memref_squeeze %dma_start3A_869 : memref<1x32x128xf32, #tpu.memory_space<vmem>> -> memref<32x128xf32, #tpu.memory_space<vmem>>
    %dma_start3A_871 = arith.constant 0 : i32
    %dma_start3A_872 = arith.constant 0 : i32
    %dma_start3A_873 = tpu.memref_slice %arg4[%dma_start3A_866, %dma_start3A_871, %dma_start3A_872] : memref<26x1024x128xf32, #tpu.memory_space<hbm>> -> memref<1x1024x128xf32, #tpu.memory_space<hbm>>
    %dma_start3A_874 = tpu.memref_squeeze %dma_start3A_873 : memref<1x1024x128xf32, #tpu.memory_space<hbm>> -> memref<1024x128xf32, #tpu.memory_space<hbm>>
    %dma_start3A_875 = arith.constant 0 : i32
    %dma_start3A_876 = tpu.memref_slice %dma_start3A_874[%mul3A_864, %dma_start3A_875] : memref<1024x128xf32, #tpu.memory_space<hbm>> -> memref<32x128xf32, #tpu.memory_space<hbm>>
    %dma_start3A_877 = arith.constant 0 : i32
    %dma_start3A_878 = arith.constant 0 : i32
    %dma_start3A_879 = tpu.memref_slice %arg4[%dma_start3A_866, %dma_start3A_877, %dma_start3A_878] : memref<26x1024x128xf32, #tpu.memory_space<hbm>> -> memref<1x1024x128xf32, #tpu.memory_space<hbm>>
    %dma_start3A_880 = tpu.memref_squeeze %dma_start3A_879 : memref<1x1024x128xf32, #tpu.memory_space<hbm>> -> memref<1024x128xf32, #tpu.memory_space<hbm>>
    %dma_start3A_881 = arith.constant 0 : i32
    %dma_start3A_882 = tpu.memref_slice %dma_start3A_880[%mul3A_864, %dma_start3A_881] : memref<1024x128xf32, #tpu.memory_space<hbm>> -> memref<32x128xf32, #tpu.memory_space<hbm>>
    %dma_start3A_883 = arith.constant 0 : i32
    %dma_start3A_884 = arith.constant 0 : i32
    %dma_start3A_885 = tpu.memref_slice %arg6[%dma_start3A_865, %dma_start3A_883, %dma_start3A_884] : memref<26x32x128xf32, #tpu.memory_space<vmem>> -> memref<1x32x128xf32, #tpu.memory_space<vmem>>
    %dma_start3A_886 = tpu.memref_squeeze %dma_start3A_885 : memref<1x32x128xf32, #tpu.memory_space<vmem>> -> memref<32x128xf32, #tpu.memory_space<vmem>>
    tpu.enqueue_dma source(%dma_start3A_886 : memref<32x128xf32, #tpu.memory_space<vmem>>) target(%dma_start3A_882 : memref<32x128xf32, #tpu.memory_space<hbm>>) target_semaphore(%arg8 : memref<!tpu.dma_semaphore, #tpu.memory_space<semaphore_mem>>)
    %mul3A_887 = arith.constant 32 : i32
    %mul3A_888 = arith.muli %add3A, %mul3A_887 : i32
    %dma_start3A_889 = arith.constant 1 : i32
    %dma_start3A_890 = arith.constant 1 : i32
    %dma_start3A_891 = arith.constant 0 : i32
    %dma_start3A_892 = arith.constant 0 : i32
    %dma_start3A_893 = tpu.memref_slice %arg6[%dma_start3A_889, %dma_start3A_891, %dma_start3A_892] : memref<26x32x128xf32, #tpu.memory_space<vmem>> -> memref<1x32x128xf32, #tpu.memory_space<vmem>>
    %dma_start3A_894 = tpu.memref_squeeze %dma_start3A_893 : memref<1x32x128xf32, #tpu.memory_space<vmem>> -> memref<32x128xf32, #tpu.memory_space<vmem>>
    %dma_start3A_895 = arith.constant 0 : i32
    %dma_start3A_896 = arith.constant 0 : i32
    %dma_start3A_897 = tpu.memref_slice %arg4[%dma_start3A_890, %dma_start3A_895, %dma_start3A_896] : memref<26x1024x128xf32, #tpu.memory_space<hbm>> -> memref<1x1024x128xf32, #tpu.memory_space<hbm>>
    %dma_start3A_898 = tpu.memref_squeeze %dma_start3A_897 : memref<1x1024x128xf32, #tpu.memory_space<hbm>> -> memref<1024x128xf32, #tpu.memory_space<hbm>>
    %dma_start3A_899 = arith.constant 0 : i32
    %dma_start3A_900 = tpu.memref_slice %dma_start3A_898[%mul3A_888, %dma_start3A_899] : memref<1024x128xf32, #tpu.memory_space<hbm>> -> memref<32x128xf32, #tpu.memory_space<hbm>>
    %dma_start3A_901 = arith.constant 0 : i32
    %dma_start3A_902 = arith.constant 0 : i32
    %dma_start3A_903 = tpu.memref_slice %arg4[%dma_start3A_890, %dma_start3A_901, %dma_start3A_902] : memref<26x1024x128xf32, #tpu.memory_space<hbm>> -> memref<1x1024x128xf32, #tpu.memory_space<hbm>>
    %dma_start3A_904 = tpu.memref_squeeze %dma_start3A_903 : memref<1x1024x128xf32, #tpu.memory_space<hbm>> -> memref<1024x128xf32, #tpu.memory_space<hbm>>
    %dma_start3A_905 = arith.constant 0 : i32
    %dma_start3A_906 = tpu.memref_slice %dma_start3A_904[%mul3A_888, %dma_start3A_905] : memref<1024x128xf32, #tpu.memory_space<hbm>> -> memref<32x128xf32, #tpu.memory_space<hbm>>
    %dma_start3A_907 = arith.constant 0 : i32
    %dma_start3A_908 = arith.constant 0 : i32
    %dma_start3A_909 = tpu.memref_slice %arg6[%dma_start3A_889, %dma_start3A_907, %dma_start3A_908] : memref<26x32x128xf32, #tpu.memory_space<vmem>> -> memref<1x32x128xf32, #tpu.memory_space<vmem>>
    %dma_start3A_910 = tpu.memref_squeeze %dma_start3A_909 : memref<1x32x128xf32, #tpu.memory_space<vmem>> -> memref<32x128xf32, #tpu.memory_space<vmem>>
    tpu.enqueue_dma source(%dma_start3A_910 : memref<32x128xf32, #tpu.memory_space<vmem>>) target(%dma_start3A_906 : memref<32x128xf32, #tpu.memory_space<hbm>>) target_semaphore(%arg8 : memref<!tpu.dma_semaphore, #tpu.memory_space<semaphore_mem>>)
    %mul3A_911 = arith.constant 32 : i32
    %mul3A_912 = arith.muli %add3A, %mul3A_911 : i32
    %dma_start3A_913 = arith.constant 2 : i32
    %dma_start3A_914 = arith.constant 2 : i32
    %dma_start3A_915 = arith.constant 0 : i32
    %dma_start3A_916 = arith.constant 0 : i32
    %dma_start3A_917 = tpu.memref_slice %arg6[%dma_start3A_913, %dma_start3A_915, %dma_start3A_916] : memref<26x32x128xf32, #tpu.memory_space<vmem>> -> memref<1x32x128xf32, #tpu.memory_space<vmem>>
    %dma_start3A_918 = tpu.memref_squeeze %dma_start3A_917 : memref<1x32x128xf32, #tpu.memory_space<vmem>> -> memref<32x128xf32, #tpu.memory_space<vmem>>
    %dma_start3A_919 = arith.constant 0 : i32
    %dma_start3A_920 = arith.constant 0 : i32
    %dma_start3A_921 = tpu.memref_slice %arg4[%dma_start3A_914, %dma_start3A_919, %dma_start3A_920] : memref<26x1024x128xf32, #tpu.memory_space<hbm>> -> memref<1x1024x128xf32, #tpu.memory_space<hbm>>
    %dma_start3A_922 = tpu.memref_squeeze %dma_start3A_921 : memref<1x1024x128xf32, #tpu.memory_space<hbm>> -> memref<1024x128xf32, #tpu.memory_space<hbm>>
    %dma_start3A_923 = arith.constant 0 : i32
    %dma_start3A_924 = tpu.memref_slice %dma_start3A_922[%mul3A_912, %dma_start3A_923] : memref<1024x128xf32, #tpu.memory_space<hbm>> -> memref<32x128xf32, #tpu.memory_space<hbm>>
    %dma_start3A_925 = arith.constant 0 : i32
    %dma_start3A_926 = arith.constant 0 : i32
    %dma_start3A_927 = tpu.memref_slice %arg4[%dma_start3A_914, %dma_start3A_925, %dma_start3A_926] : memref<26x1024x128xf32, #tpu.memory_space<hbm>> -> memref<1x1024x128xf32, #tpu.memory_space<hbm>>
    %dma_start3A_928 = tpu.memref_squeeze %dma_start3A_927 : memref<1x1024x128xf32, #tpu.memory_space<hbm>> -> memref<1024x128xf32, #tpu.memory_space<hbm>>
    %dma_start3A_929 = arith.constant 0 : i32
    %dma_start3A_930 = tpu.memref_slice %dma_start3A_928[%mul3A_912, %dma_start3A_929] : memref<1024x128xf32, #tpu.memory_space<hbm>> -> memref<32x128xf32, #tpu.memory_space<hbm>>
    %dma_start3A_931 = arith.constant 0 : i32
    %dma_start3A_932 = arith.constant 0 : i32
    %dma_start3A_933 = tpu.memref_slice %arg6[%dma_start3A_913, %dma_start3A_931, %dma_start3A_932] : memref<26x32x128xf32, #tpu.memory_space<vmem>> -> memref<1x32x128xf32, #tpu.memory_space<vmem>>
    %dma_start3A_934 = tpu.memref_squeeze %dma_start3A_933 : memref<1x32x128xf32, #tpu.memory_space<vmem>> -> memref<32x128xf32, #tpu.memory_space<vmem>>
    tpu.enqueue_dma source(%dma_start3A_934 : memref<32x128xf32, #tpu.memory_space<vmem>>) target(%dma_start3A_930 : memref<32x128xf32, #tpu.memory_space<hbm>>) target_semaphore(%arg8 : memref<!tpu.dma_semaphore, #tpu.memory_space<semaphore_mem>>)
    %mul3A_935 = arith.constant 32 : i32
    %mul3A_936 = arith.muli %add3A, %mul3A_935 : i32
    %dma_start3A_937 = arith.constant 3 : i32
    %dma_start3A_938 = arith.constant 3 : i32
    %dma_start3A_939 = arith.constant 0 : i32
    %dma_start3A_940 = arith.constant 0 : i32
    %dma_start3A_941 = tpu.memref_slice %arg6[%dma_start3A_937, %dma_start3A_939, %dma_start3A_940] : memref<26x32x128xf32, #tpu.memory_space<vmem>> -> memref<1x32x128xf32, #tpu.memory_space<vmem>>
    %dma_start3A_942 = tpu.memref_squeeze %dma_start3A_941 : memref<1x32x128xf32, #tpu.memory_space<vmem>> -> memref<32x128xf32, #tpu.memory_space<vmem>>
    %dma_start3A_943 = arith.constant 0 : i32
    %dma_start3A_944 = arith.constant 0 : i32
    %dma_start3A_945 = tpu.memref_slice %arg4[%dma_start3A_938, %dma_start3A_943, %dma_start3A_944] : memref<26x1024x128xf32, #tpu.memory_space<hbm>> -> memref<1x1024x128xf32, #tpu.memory_space<hbm>>
    %dma_start3A_946 = tpu.memref_squeeze %dma_start3A_945 : memref<1x1024x128xf32, #tpu.memory_space<hbm>> -> memref<1024x128xf32, #tpu.memory_space<hbm>>
    %dma_start3A_947 = arith.constant 0 : i32
    %dma_start3A_948 = tpu.memref_slice %dma_start3A_946[%mul3A_936, %dma_start3A_947] : memref<1024x128xf32, #tpu.memory_space<hbm>> -> memref<32x128xf32, #tpu.memory_space<hbm>>
    %dma_start3A_949 = arith.constant 0 : i32
    %dma_start3A_950 = arith.constant 0 : i32
    %dma_start3A_951 = tpu.memref_slice %arg4[%dma_start3A_938, %dma_start3A_949, %dma_start3A_950] : memref<26x1024x128xf32, #tpu.memory_space<hbm>> -> memref<1x1024x128xf32, #tpu.memory_space<hbm>>
    %dma_start3A_952 = tpu.memref_squeeze %dma_start3A_951 : memref<1x1024x128xf32, #tpu.memory_space<hbm>> -> memref<1024x128xf32, #tpu.memory_space<hbm>>
    %dma_start3A_953 = arith.constant 0 : i32
    %dma_start3A_954 = tpu.memref_slice %dma_start3A_952[%mul3A_936, %dma_start3A_953] : memref<1024x128xf32, #tpu.memory_space<hbm>> -> memref<32x128xf32, #tpu.memory_space<hbm>>
    %dma_start3A_955 = arith.constant 0 : i32
    %dma_start3A_956 = arith.constant 0 : i32
    %dma_start3A_957 = tpu.memref_slice %arg6[%dma_start3A_937, %dma_start3A_955, %dma_start3A_956] : memref<26x32x128xf32, #tpu.memory_space<vmem>> -> memref<1x32x128xf32, #tpu.memory_space<vmem>>
    %dma_start3A_958 = tpu.memref_squeeze %dma_start3A_957 : memref<1x32x128xf32, #tpu.memory_space<vmem>> -> memref<32x128xf32, #tpu.memory_space<vmem>>
    tpu.enqueue_dma source(%dma_start3A_958 : memref<32x128xf32, #tpu.memory_space<vmem>>) target(%dma_start3A_954 : memref<32x128xf32, #tpu.memory_space<hbm>>) target_semaphore(%arg8 : memref<!tpu.dma_semaphore, #tpu.memory_space<semaphore_mem>>)
    %mul3A_959 = arith.constant 32 : i32
    %mul3A_960 = arith.muli %add3A, %mul3A_959 : i32
    %dma_start3A_961 = arith.constant 4 : i32
    %dma_start3A_962 = arith.constant 4 : i32
    %dma_start3A_963 = arith.constant 0 : i32
    %dma_start3A_964 = arith.constant 0 : i32
    %dma_start3A_965 = tpu.memref_slice %arg6[%dma_start3A_961, %dma_start3A_963, %dma_start3A_964] : memref<26x32x128xf32, #tpu.memory_space<vmem>> -> memref<1x32x128xf32, #tpu.memory_space<vmem>>
    %dma_start3A_966 = tpu.memref_squeeze %dma_start3A_965 : memref<1x32x128xf32, #tpu.memory_space<vmem>> -> memref<32x128xf32, #tpu.memory_space<vmem>>
    %dma_start3A_967 = arith.constant 0 : i32
    %dma_start3A_968 = arith.constant 0 : i32
    %dma_start3A_969 = tpu.memref_slice %arg4[%dma_start3A_962, %dma_start3A_967, %dma_start3A_968] : memref<26x1024x128xf32, #tpu.memory_space<hbm>> -> memref<1x1024x128xf32, #tpu.memory_space<hbm>>
    %dma_start3A_970 = tpu.memref_squeeze %dma_start3A_969 : memref<1x1024x128xf32, #tpu.memory_space<hbm>> -> memref<1024x128xf32, #tpu.memory_space<hbm>>
    %dma_start3A_971 = arith.constant 0 : i32
    %dma_start3A_972 = tpu.memref_slice %dma_start3A_970[%mul3A_960, %dma_start3A_971] : memref<1024x128xf32, #tpu.memory_space<hbm>> -> memref<32x128xf32, #tpu.memory_space<hbm>>
    %dma_start3A_973 = arith.constant 0 : i32
    %dma_start3A_974 = arith.constant 0 : i32
    %dma_start3A_975 = tpu.memref_slice %arg4[%dma_start3A_962, %dma_start3A_973, %dma_start3A_974] : memref<26x1024x128xf32, #tpu.memory_space<hbm>> -> memref<1x1024x128xf32, #tpu.memory_space<hbm>>
    %dma_start3A_976 = tpu.memref_squeeze %dma_start3A_975 : memref<1x1024x128xf32, #tpu.memory_space<hbm>> -> memref<1024x128xf32, #tpu.memory_space<hbm>>
    %dma_start3A_977 = arith.constant 0 : i32
    %dma_start3A_978 = tpu.memref_slice %dma_start3A_976[%mul3A_960, %dma_start3A_977] : memref<1024x128xf32, #tpu.memory_space<hbm>> -> memref<32x128xf32, #tpu.memory_space<hbm>>
    %dma_start3A_979 = arith.constant 0 : i32
    %dma_start3A_980 = arith.constant 0 : i32
    %dma_start3A_981 = tpu.memref_slice %arg6[%dma_start3A_961, %dma_start3A_979, %dma_start3A_980] : memref<26x32x128xf32, #tpu.memory_space<vmem>> -> memref<1x32x128xf32, #tpu.memory_space<vmem>>
    %dma_start3A_982 = tpu.memref_squeeze %dma_start3A_981 : memref<1x32x128xf32, #tpu.memory_space<vmem>> -> memref<32x128xf32, #tpu.memory_space<vmem>>
    tpu.enqueue_dma source(%dma_start3A_982 : memref<32x128xf32, #tpu.memory_space<vmem>>) target(%dma_start3A_978 : memref<32x128xf32, #tpu.memory_space<hbm>>) target_semaphore(%arg8 : memref<!tpu.dma_semaphore, #tpu.memory_space<semaphore_mem>>)
    %mul3A_983 = arith.constant 32 : i32
    %mul3A_984 = arith.muli %add3A, %mul3A_983 : i32
    %dma_start3A_985 = arith.constant 5 : i32
    %dma_start3A_986 = arith.constant 5 : i32
    %dma_start3A_987 = arith.constant 0 : i32
    %dma_start3A_988 = arith.constant 0 : i32
    %dma_start3A_989 = tpu.memref_slice %arg6[%dma_start3A_985, %dma_start3A_987, %dma_start3A_988] : memref<26x32x128xf32, #tpu.memory_space<vmem>> -> memref<1x32x128xf32, #tpu.memory_space<vmem>>
    %dma_start3A_990 = tpu.memref_squeeze %dma_start3A_989 : memref<1x32x128xf32, #tpu.memory_space<vmem>> -> memref<32x128xf32, #tpu.memory_space<vmem>>
    %dma_start3A_991 = arith.constant 0 : i32
    %dma_start3A_992 = arith.constant 0 : i32
    %dma_start3A_993 = tpu.memref_slice %arg4[%dma_start3A_986, %dma_start3A_991, %dma_start3A_992] : memref<26x1024x128xf32, #tpu.memory_space<hbm>> -> memref<1x1024x128xf32, #tpu.memory_space<hbm>>
    %dma_start3A_994 = tpu.memref_squeeze %dma_start3A_993 : memref<1x1024x128xf32, #tpu.memory_space<hbm>> -> memref<1024x128xf32, #tpu.memory_space<hbm>>
    %dma_start3A_995 = arith.constant 0 : i32
    %dma_start3A_996 = tpu.memref_slice %dma_start3A_994[%mul3A_984, %dma_start3A_995] : memref<1024x128xf32, #tpu.memory_space<hbm>> -> memref<32x128xf32, #tpu.memory_space<hbm>>
    %dma_start3A_997 = arith.constant 0 : i32
    %dma_start3A_998 = arith.constant 0 : i32
    %dma_start3A_999 = tpu.memref_slice %arg4[%dma_start3A_986, %dma_start3A_997, %dma_start3A_998] : memref<26x1024x128xf32, #tpu.memory_space<hbm>> -> memref<1x1024x128xf32, #tpu.memory_space<hbm>>
    %dma_start3A_1000 = tpu.memref_squeeze %dma_start3A_999 : memref<1x1024x128xf32, #tpu.memory_space<hbm>> -> memref<1024x128xf32, #tpu.memory_space<hbm>>
    %dma_start3A_1001 = arith.constant 0 : i32
    %dma_start3A_1002 = tpu.memref_slice %dma_start3A_1000[%mul3A_984, %dma_start3A_1001] : memref<1024x128xf32, #tpu.memory_space<hbm>> -> memref<32x128xf32, #tpu.memory_space<hbm>>
    %dma_start3A_1003 = arith.constant 0 : i32
    %dma_start3A_1004 = arith.constant 0 : i32
    %dma_start3A_1005 = tpu.memref_slice %arg6[%dma_start3A_985, %dma_start3A_1003, %dma_start3A_1004] : memref<26x32x128xf32, #tpu.memory_space<vmem>> -> memref<1x32x128xf32, #tpu.memory_space<vmem>>
    %dma_start3A_1006 = tpu.memref_squeeze %dma_start3A_1005 : memref<1x32x128xf32, #tpu.memory_space<vmem>> -> memref<32x128xf32, #tpu.memory_space<vmem>>
    tpu.enqueue_dma source(%dma_start3A_1006 : memref<32x128xf32, #tpu.memory_space<vmem>>) target(%dma_start3A_1002 : memref<32x128xf32, #tpu.memory_space<hbm>>) target_semaphore(%arg8 : memref<!tpu.dma_semaphore, #tpu.memory_space<semaphore_mem>>)
    %mul3A_1007 = arith.constant 32 : i32
    %mul3A_1008 = arith.muli %add3A, %mul3A_1007 : i32
    %dma_start3A_1009 = arith.constant 6 : i32
    %dma_start3A_1010 = arith.constant 6 : i32
    %dma_start3A_1011 = arith.constant 0 : i32
    %dma_start3A_1012 = arith.constant 0 : i32
    %dma_start3A_1013 = tpu.memref_slice %arg6[%dma_start3A_1009, %dma_start3A_1011, %dma_start3A_1012] : memref<26x32x128xf32, #tpu.memory_space<vmem>> -> memref<1x32x128xf32, #tpu.memory_space<vmem>>
    %dma_start3A_1014 = tpu.memref_squeeze %dma_start3A_1013 : memref<1x32x128xf32, #tpu.memory_space<vmem>> -> memref<32x128xf32, #tpu.memory_space<vmem>>
    %dma_start3A_1015 = arith.constant 0 : i32
    %dma_start3A_1016 = arith.constant 0 : i32
    %dma_start3A_1017 = tpu.memref_slice %arg4[%dma_start3A_1010, %dma_start3A_1015, %dma_start3A_1016] : memref<26x1024x128xf32, #tpu.memory_space<hbm>> -> memref<1x1024x128xf32, #tpu.memory_space<hbm>>
    %dma_start3A_1018 = tpu.memref_squeeze %dma_start3A_1017 : memref<1x1024x128xf32, #tpu.memory_space<hbm>> -> memref<1024x128xf32, #tpu.memory_space<hbm>>
    %dma_start3A_1019 = arith.constant 0 : i32
    %dma_start3A_1020 = tpu.memref_slice %dma_start3A_1018[%mul3A_1008, %dma_start3A_1019] : memref<1024x128xf32, #tpu.memory_space<hbm>> -> memref<32x128xf32, #tpu.memory_space<hbm>>
    %dma_start3A_1021 = arith.constant 0 : i32
    %dma_start3A_1022 = arith.constant 0 : i32
    %dma_start3A_1023 = tpu.memref_slice %arg4[%dma_start3A_1010, %dma_start3A_1021, %dma_start3A_1022] : memref<26x1024x128xf32, #tpu.memory_space<hbm>> -> memref<1x1024x128xf32, #tpu.memory_space<hbm>>
    %dma_start3A_1024 = tpu.memref_squeeze %dma_start3A_1023 : memref<1x1024x128xf32, #tpu.memory_space<hbm>> -> memref<1024x128xf32, #tpu.memory_space<hbm>>
    %dma_start3A_1025 = arith.constant 0 : i32
    %dma_start3A_1026 = tpu.memref_slice %dma_start3A_1024[%mul3A_1008, %dma_start3A_1025] : memref<1024x128xf32, #tpu.memory_space<hbm>> -> memref<32x128xf32, #tpu.memory_space<hbm>>
    %dma_start3A_1027 = arith.constant 0 : i32
    %dma_start3A_1028 = arith.constant 0 : i32
    %dma_start3A_1029 = tpu.memref_slice %arg6[%dma_start3A_1009, %dma_start3A_1027, %dma_start3A_1028] : memref<26x32x128xf32, #tpu.memory_space<vmem>> -> memref<1x32x128xf32, #tpu.memory_space<vmem>>
    %dma_start3A_1030 = tpu.memref_squeeze %dma_start3A_1029 : memref<1x32x128xf32, #tpu.memory_space<vmem>> -> memref<32x128xf32, #tpu.memory_space<vmem>>
    tpu.enqueue_dma source(%dma_start3A_1030 : memref<32x128xf32, #tpu.memory_space<vmem>>) target(%dma_start3A_1026 : memref<32x128xf32, #tpu.memory_space<hbm>>) target_semaphore(%arg8 : memref<!tpu.dma_semaphore, #tpu.memory_space<semaphore_mem>>)
    %mul3A_1031 = arith.constant 32 : i32
    %mul3A_1032 = arith.muli %add3A, %mul3A_1031 : i32
    %dma_start3A_1033 = arith.constant 7 : i32
    %dma_start3A_1034 = arith.constant 7 : i32
    %dma_start3A_1035 = arith.constant 0 : i32
    %dma_start3A_1036 = arith.constant 0 : i32
    %dma_start3A_1037 = tpu.memref_slice %arg6[%dma_start3A_1033, %dma_start3A_1035, %dma_start3A_1036] : memref<26x32x128xf32, #tpu.memory_space<vmem>> -> memref<1x32x128xf32, #tpu.memory_space<vmem>>
    %dma_start3A_1038 = tpu.memref_squeeze %dma_start3A_1037 : memref<1x32x128xf32, #tpu.memory_space<vmem>> -> memref<32x128xf32, #tpu.memory_space<vmem>>
    %dma_start3A_1039 = arith.constant 0 : i32
    %dma_start3A_1040 = arith.constant 0 : i32
    %dma_start3A_1041 = tpu.memref_slice %arg4[%dma_start3A_1034, %dma_start3A_1039, %dma_start3A_1040] : memref<26x1024x128xf32, #tpu.memory_space<hbm>> -> memref<1x1024x128xf32, #tpu.memory_space<hbm>>
    %dma_start3A_1042 = tpu.memref_squeeze %dma_start3A_1041 : memref<1x1024x128xf32, #tpu.memory_space<hbm>> -> memref<1024x128xf32, #tpu.memory_space<hbm>>
    %dma_start3A_1043 = arith.constant 0 : i32
    %dma_start3A_1044 = tpu.memref_slice %dma_start3A_1042[%mul3A_1032, %dma_start3A_1043] : memref<1024x128xf32, #tpu.memory_space<hbm>> -> memref<32x128xf32, #tpu.memory_space<hbm>>
    %dma_start3A_1045 = arith.constant 0 : i32
    %dma_start3A_1046 = arith.constant 0 : i32
    %dma_start3A_1047 = tpu.memref_slice %arg4[%dma_start3A_1034, %dma_start3A_1045, %dma_start3A_1046] : memref<26x1024x128xf32, #tpu.memory_space<hbm>> -> memref<1x1024x128xf32, #tpu.memory_space<hbm>>
    %dma_start3A_1048 = tpu.memref_squeeze %dma_start3A_1047 : memref<1x1024x128xf32, #tpu.memory_space<hbm>> -> memref<1024x128xf32, #tpu.memory_space<hbm>>
    %dma_start3A_1049 = arith.constant 0 : i32
    %dma_start3A_1050 = tpu.memref_slice %dma_start3A_1048[%mul3A_1032, %dma_start3A_1049] : memref<1024x128xf32, #tpu.memory_space<hbm>> -> memref<32x128xf32, #tpu.memory_space<hbm>>
    %dma_start3A_1051 = arith.constant 0 : i32
    %dma_start3A_1052 = arith.constant 0 : i32
    %dma_start3A_1053 = tpu.memref_slice %arg6[%dma_start3A_1033, %dma_start3A_1051, %dma_start3A_1052] : memref<26x32x128xf32, #tpu.memory_space<vmem>> -> memref<1x32x128xf32, #tpu.memory_space<vmem>>
    %dma_start3A_1054 = tpu.memref_squeeze %dma_start3A_1053 : memref<1x32x128xf32, #tpu.memory_space<vmem>> -> memref<32x128xf32, #tpu.memory_space<vmem>>
    tpu.enqueue_dma source(%dma_start3A_1054 : memref<32x128xf32, #tpu.memory_space<vmem>>) target(%dma_start3A_1050 : memref<32x128xf32, #tpu.memory_space<hbm>>) target_semaphore(%arg8 : memref<!tpu.dma_semaphore, #tpu.memory_space<semaphore_mem>>)
    %mul3A_1055 = arith.constant 32 : i32
    %mul3A_1056 = arith.muli %add3A, %mul3A_1055 : i32
    %dma_start3A_1057 = arith.constant 8 : i32
    %dma_start3A_1058 = arith.constant 8 : i32
    %dma_start3A_1059 = arith.constant 0 : i32
    %dma_start3A_1060 = arith.constant 0 : i32
    %dma_start3A_1061 = tpu.memref_slice %arg6[%dma_start3A_1057, %dma_start3A_1059, %dma_start3A_1060] : memref<26x32x128xf32, #tpu.memory_space<vmem>> -> memref<1x32x128xf32, #tpu.memory_space<vmem>>
    %dma_start3A_1062 = tpu.memref_squeeze %dma_start3A_1061 : memref<1x32x128xf32, #tpu.memory_space<vmem>> -> memref<32x128xf32, #tpu.memory_space<vmem>>
    %dma_start3A_1063 = arith.constant 0 : i32
    %dma_start3A_1064 = arith.constant 0 : i32
    %dma_start3A_1065 = tpu.memref_slice %arg4[%dma_start3A_1058, %dma_start3A_1063, %dma_start3A_1064] : memref<26x1024x128xf32, #tpu.memory_space<hbm>> -> memref<1x1024x128xf32, #tpu.memory_space<hbm>>
    %dma_start3A_1066 = tpu.memref_squeeze %dma_start3A_1065 : memref<1x1024x128xf32, #tpu.memory_space<hbm>> -> memref<1024x128xf32, #tpu.memory_space<hbm>>
    %dma_start3A_1067 = arith.constant 0 : i32
    %dma_start3A_1068 = tpu.memref_slice %dma_start3A_1066[%mul3A_1056, %dma_start3A_1067] : memref<1024x128xf32, #tpu.memory_space<hbm>> -> memref<32x128xf32, #tpu.memory_space<hbm>>
    %dma_start3A_1069 = arith.constant 0 : i32
    %dma_start3A_1070 = arith.constant 0 : i32
    %dma_start3A_1071 = tpu.memref_slice %arg4[%dma_start3A_1058, %dma_start3A_1069, %dma_start3A_1070] : memref<26x1024x128xf32, #tpu.memory_space<hbm>> -> memref<1x1024x128xf32, #tpu.memory_space<hbm>>
    %dma_start3A_1072 = tpu.memref_squeeze %dma_start3A_1071 : memref<1x1024x128xf32, #tpu.memory_space<hbm>> -> memref<1024x128xf32, #tpu.memory_space<hbm>>
    %dma_start3A_1073 = arith.constant 0 : i32
    %dma_start3A_1074 = tpu.memref_slice %dma_start3A_1072[%mul3A_1056, %dma_start3A_1073] : memref<1024x128xf32, #tpu.memory_space<hbm>> -> memref<32x128xf32, #tpu.memory_space<hbm>>
    %dma_start3A_1075 = arith.constant 0 : i32
    %dma_start3A_1076 = arith.constant 0 : i32
    %dma_start3A_1077 = tpu.memref_slice %arg6[%dma_start3A_1057, %dma_start3A_1075, %dma_start3A_1076] : memref<26x32x128xf32, #tpu.memory_space<vmem>> -> memref<1x32x128xf32, #tpu.memory_space<vmem>>
    %dma_start3A_1078 = tpu.memref_squeeze %dma_start3A_1077 : memref<1x32x128xf32, #tpu.memory_space<vmem>> -> memref<32x128xf32, #tpu.memory_space<vmem>>
    tpu.enqueue_dma source(%dma_start3A_1078 : memref<32x128xf32, #tpu.memory_space<vmem>>) target(%dma_start3A_1074 : memref<32x128xf32, #tpu.memory_space<hbm>>) target_semaphore(%arg8 : memref<!tpu.dma_semaphore, #tpu.memory_space<semaphore_mem>>)
    %mul3A_1079 = arith.constant 32 : i32
    %mul3A_1080 = arith.muli %add3A, %mul3A_1079 : i32
    %dma_start3A_1081 = arith.constant 9 : i32
    %dma_start3A_1082 = arith.constant 9 : i32
    %dma_start3A_1083 = arith.constant 0 : i32
    %dma_start3A_1084 = arith.constant 0 : i32
    %dma_start3A_1085 = tpu.memref_slice %arg6[%dma_start3A_1081, %dma_start3A_1083, %dma_start3A_1084] : memref<26x32x128xf32, #tpu.memory_space<vmem>> -> memref<1x32x128xf32, #tpu.memory_space<vmem>>
    %dma_start3A_1086 = tpu.memref_squeeze %dma_start3A_1085 : memref<1x32x128xf32, #tpu.memory_space<vmem>> -> memref<32x128xf32, #tpu.memory_space<vmem>>
    %dma_start3A_1087 = arith.constant 0 : i32
    %dma_start3A_1088 = arith.constant 0 : i32
    %dma_start3A_1089 = tpu.memref_slice %arg4[%dma_start3A_1082, %dma_start3A_1087, %dma_start3A_1088] : memref<26x1024x128xf32, #tpu.memory_space<hbm>> -> memref<1x1024x128xf32, #tpu.memory_space<hbm>>
    %dma_start3A_1090 = tpu.memref_squeeze %dma_start3A_1089 : memref<1x1024x128xf32, #tpu.memory_space<hbm>> -> memref<1024x128xf32, #tpu.memory_space<hbm>>
    %dma_start3A_1091 = arith.constant 0 : i32
    %dma_start3A_1092 = tpu.memref_slice %dma_start3A_1090[%mul3A_1080, %dma_start3A_1091] : memref<1024x128xf32, #tpu.memory_space<hbm>> -> memref<32x128xf32, #tpu.memory_space<hbm>>
    %dma_start3A_1093 = arith.constant 0 : i32
    %dma_start3A_1094 = arith.constant 0 : i32
    %dma_start3A_1095 = tpu.memref_slice %arg4[%dma_start3A_1082, %dma_start3A_1093, %dma_start3A_1094] : memref<26x1024x128xf32, #tpu.memory_space<hbm>> -> memref<1x1024x128xf32, #tpu.memory_space<hbm>>
    %dma_start3A_1096 = tpu.memref_squeeze %dma_start3A_1095 : memref<1x1024x128xf32, #tpu.memory_space<hbm>> -> memref<1024x128xf32, #tpu.memory_space<hbm>>
    %dma_start3A_1097 = arith.constant 0 : i32
    %dma_start3A_1098 = tpu.memref_slice %dma_start3A_1096[%mul3A_1080, %dma_start3A_1097] : memref<1024x128xf32, #tpu.memory_space<hbm>> -> memref<32x128xf32, #tpu.memory_space<hbm>>
    %dma_start3A_1099 = arith.constant 0 : i32
    %dma_start3A_1100 = arith.constant 0 : i32
    %dma_start3A_1101 = tpu.memref_slice %arg6[%dma_start3A_1081, %dma_start3A_1099, %dma_start3A_1100] : memref<26x32x128xf32, #tpu.memory_space<vmem>> -> memref<1x32x128xf32, #tpu.memory_space<vmem>>
    %dma_start3A_1102 = tpu.memref_squeeze %dma_start3A_1101 : memref<1x32x128xf32, #tpu.memory_space<vmem>> -> memref<32x128xf32, #tpu.memory_space<vmem>>
    tpu.enqueue_dma source(%dma_start3A_1102 : memref<32x128xf32, #tpu.memory_space<vmem>>) target(%dma_start3A_1098 : memref<32x128xf32, #tpu.memory_space<hbm>>) target_semaphore(%arg8 : memref<!tpu.dma_semaphore, #tpu.memory_space<semaphore_mem>>)
    %mul3A_1103 = arith.constant 32 : i32
    %mul3A_1104 = arith.muli %add3A, %mul3A_1103 : i32
    %dma_start3A_1105 = arith.constant 10 : i32
    %dma_start3A_1106 = arith.constant 10 : i32
    %dma_start3A_1107 = arith.constant 0 : i32
    %dma_start3A_1108 = arith.constant 0 : i32
    %dma_start3A_1109 = tpu.memref_slice %arg6[%dma_start3A_1105, %dma_start3A_1107, %dma_start3A_1108] : memref<26x32x128xf32, #tpu.memory_space<vmem>> -> memref<1x32x128xf32, #tpu.memory_space<vmem>>
    %dma_start3A_1110 = tpu.memref_squeeze %dma_start3A_1109 : memref<1x32x128xf32, #tpu.memory_space<vmem>> -> memref<32x128xf32, #tpu.memory_space<vmem>>
    %dma_start3A_1111 = arith.constant 0 : i32
    %dma_start3A_1112 = arith.constant 0 : i32
    %dma_start3A_1113 = tpu.memref_slice %arg4[%dma_start3A_1106, %dma_start3A_1111, %dma_start3A_1112] : memref<26x1024x128xf32, #tpu.memory_space<hbm>> -> memref<1x1024x128xf32, #tpu.memory_space<hbm>>
    %dma_start3A_1114 = tpu.memref_squeeze %dma_start3A_1113 : memref<1x1024x128xf32, #tpu.memory_space<hbm>> -> memref<1024x128xf32, #tpu.memory_space<hbm>>
    %dma_start3A_1115 = arith.constant 0 : i32
    %dma_start3A_1116 = tpu.memref_slice %dma_start3A_1114[%mul3A_1104, %dma_start3A_1115] : memref<1024x128xf32, #tpu.memory_space<hbm>> -> memref<32x128xf32, #tpu.memory_space<hbm>>
    %dma_start3A_1117 = arith.constant 0 : i32
    %dma_start3A_1118 = arith.constant 0 : i32
    %dma_start3A_1119 = tpu.memref_slice %arg4[%dma_start3A_1106, %dma_start3A_1117, %dma_start3A_1118] : memref<26x1024x128xf32, #tpu.memory_space<hbm>> -> memref<1x1024x128xf32, #tpu.memory_space<hbm>>
    %dma_start3A_1120 = tpu.memref_squeeze %dma_start3A_1119 : memref<1x1024x128xf32, #tpu.memory_space<hbm>> -> memref<1024x128xf32, #tpu.memory_space<hbm>>
    %dma_start3A_1121 = arith.constant 0 : i32
    %dma_start3A_1122 = tpu.memref_slice %dma_start3A_1120[%mul3A_1104, %dma_start3A_1121] : memref<1024x128xf32, #tpu.memory_space<hbm>> -> memref<32x128xf32, #tpu.memory_space<hbm>>
    %dma_start3A_1123 = arith.constant 0 : i32
    %dma_start3A_1124 = arith.constant 0 : i32
    %dma_start3A_1125 = tpu.memref_slice %arg6[%dma_start3A_1105, %dma_start3A_1123, %dma_start3A_1124] : memref<26x32x128xf32, #tpu.memory_space<vmem>> -> memref<1x32x128xf32, #tpu.memory_space<vmem>>
    %dma_start3A_1126 = tpu.memref_squeeze %dma_start3A_1125 : memref<1x32x128xf32, #tpu.memory_space<vmem>> -> memref<32x128xf32, #tpu.memory_space<vmem>>
    tpu.enqueue_dma source(%dma_start3A_1126 : memref<32x128xf32, #tpu.memory_space<vmem>>) target(%dma_start3A_1122 : memref<32x128xf32, #tpu.memory_space<hbm>>) target_semaphore(%arg8 : memref<!tpu.dma_semaphore, #tpu.memory_space<semaphore_mem>>)
    %mul3A_1127 = arith.constant 32 : i32
    %mul3A_1128 = arith.muli %add3A, %mul3A_1127 : i32
    %dma_start3A_1129 = arith.constant 11 : i32
    %dma_start3A_1130 = arith.constant 11 : i32
    %dma_start3A_1131 = arith.constant 0 : i32
    %dma_start3A_1132 = arith.constant 0 : i32
    %dma_start3A_1133 = tpu.memref_slice %arg6[%dma_start3A_1129, %dma_start3A_1131, %dma_start3A_1132] : memref<26x32x128xf32, #tpu.memory_space<vmem>> -> memref<1x32x128xf32, #tpu.memory_space<vmem>>
    %dma_start3A_1134 = tpu.memref_squeeze %dma_start3A_1133 : memref<1x32x128xf32, #tpu.memory_space<vmem>> -> memref<32x128xf32, #tpu.memory_space<vmem>>
    %dma_start3A_1135 = arith.constant 0 : i32
    %dma_start3A_1136 = arith.constant 0 : i32
    %dma_start3A_1137 = tpu.memref_slice %arg4[%dma_start3A_1130, %dma_start3A_1135, %dma_start3A_1136] : memref<26x1024x128xf32, #tpu.memory_space<hbm>> -> memref<1x1024x128xf32, #tpu.memory_space<hbm>>
    %dma_start3A_1138 = tpu.memref_squeeze %dma_start3A_1137 : memref<1x1024x128xf32, #tpu.memory_space<hbm>> -> memref<1024x128xf32, #tpu.memory_space<hbm>>
    %dma_start3A_1139 = arith.constant 0 : i32
    %dma_start3A_1140 = tpu.memref_slice %dma_start3A_1138[%mul3A_1128, %dma_start3A_1139] : memref<1024x128xf32, #tpu.memory_space<hbm>> -> memref<32x128xf32, #tpu.memory_space<hbm>>
    %dma_start3A_1141 = arith.constant 0 : i32
    %dma_start3A_1142 = arith.constant 0 : i32
    %dma_start3A_1143 = tpu.memref_slice %arg4[%dma_start3A_1130, %dma_start3A_1141, %dma_start3A_1142] : memref<26x1024x128xf32, #tpu.memory_space<hbm>> -> memref<1x1024x128xf32, #tpu.memory_space<hbm>>
    %dma_start3A_1144 = tpu.memref_squeeze %dma_start3A_1143 : memref<1x1024x128xf32, #tpu.memory_space<hbm>> -> memref<1024x128xf32, #tpu.memory_space<hbm>>
    %dma_start3A_1145 = arith.constant 0 : i32
    %dma_start3A_1146 = tpu.memref_slice %dma_start3A_1144[%mul3A_1128, %dma_start3A_1145] : memref<1024x128xf32, #tpu.memory_space<hbm>> -> memref<32x128xf32, #tpu.memory_space<hbm>>
    %dma_start3A_1147 = arith.constant 0 : i32
    %dma_start3A_1148 = arith.constant 0 : i32
    %dma_start3A_1149 = tpu.memref_slice %arg6[%dma_start3A_1129, %dma_start3A_1147, %dma_start3A_1148] : memref<26x32x128xf32, #tpu.memory_space<vmem>> -> memref<1x32x128xf32, #tpu.memory_space<vmem>>
    %dma_start3A_1150 = tpu.memref_squeeze %dma_start3A_1149 : memref<1x32x128xf32, #tpu.memory_space<vmem>> -> memref<32x128xf32, #tpu.memory_space<vmem>>
    tpu.enqueue_dma source(%dma_start3A_1150 : memref<32x128xf32, #tpu.memory_space<vmem>>) target(%dma_start3A_1146 : memref<32x128xf32, #tpu.memory_space<hbm>>) target_semaphore(%arg8 : memref<!tpu.dma_semaphore, #tpu.memory_space<semaphore_mem>>)
    %mul3A_1151 = arith.constant 32 : i32
    %mul3A_1152 = arith.muli %add3A, %mul3A_1151 : i32
    %dma_start3A_1153 = arith.constant 12 : i32
    %dma_start3A_1154 = arith.constant 12 : i32
    %dma_start3A_1155 = arith.constant 0 : i32
    %dma_start3A_1156 = arith.constant 0 : i32
    %dma_start3A_1157 = tpu.memref_slice %arg6[%dma_start3A_1153, %dma_start3A_1155, %dma_start3A_1156] : memref<26x32x128xf32, #tpu.memory_space<vmem>> -> memref<1x32x128xf32, #tpu.memory_space<vmem>>
    %dma_start3A_1158 = tpu.memref_squeeze %dma_start3A_1157 : memref<1x32x128xf32, #tpu.memory_space<vmem>> -> memref<32x128xf32, #tpu.memory_space<vmem>>
    %dma_start3A_1159 = arith.constant 0 : i32
    %dma_start3A_1160 = arith.constant 0 : i32
    %dma_start3A_1161 = tpu.memref_slice %arg4[%dma_start3A_1154, %dma_start3A_1159, %dma_start3A_1160] : memref<26x1024x128xf32, #tpu.memory_space<hbm>> -> memref<1x1024x128xf32, #tpu.memory_space<hbm>>
    %dma_start3A_1162 = tpu.memref_squeeze %dma_start3A_1161 : memref<1x1024x128xf32, #tpu.memory_space<hbm>> -> memref<1024x128xf32, #tpu.memory_space<hbm>>
    %dma_start3A_1163 = arith.constant 0 : i32
    %dma_start3A_1164 = tpu.memref_slice %dma_start3A_1162[%mul3A_1152, %dma_start3A_1163] : memref<1024x128xf32, #tpu.memory_space<hbm>> -> memref<32x128xf32, #tpu.memory_space<hbm>>
    %dma_start3A_1165 = arith.constant 0 : i32
    %dma_start3A_1166 = arith.constant 0 : i32
    %dma_start3A_1167 = tpu.memref_slice %arg4[%dma_start3A_1154, %dma_start3A_1165, %dma_start3A_1166] : memref<26x1024x128xf32, #tpu.memory_space<hbm>> -> memref<1x1024x128xf32, #tpu.memory_space<hbm>>
    %dma_start3A_1168 = tpu.memref_squeeze %dma_start3A_1167 : memref<1x1024x128xf32, #tpu.memory_space<hbm>> -> memref<1024x128xf32, #tpu.memory_space<hbm>>
    %dma_start3A_1169 = arith.constant 0 : i32
    %dma_start3A_1170 = tpu.memref_slice %dma_start3A_1168[%mul3A_1152, %dma_start3A_1169] : memref<1024x128xf32, #tpu.memory_space<hbm>> -> memref<32x128xf32, #tpu.memory_space<hbm>>
    %dma_start3A_1171 = arith.constant 0 : i32
    %dma_start3A_1172 = arith.constant 0 : i32
    %dma_start3A_1173 = tpu.memref_slice %arg6[%dma_start3A_1153, %dma_start3A_1171, %dma_start3A_1172] : memref<26x32x128xf32, #tpu.memory_space<vmem>> -> memref<1x32x128xf32, #tpu.memory_space<vmem>>
    %dma_start3A_1174 = tpu.memref_squeeze %dma_start3A_1173 : memref<1x32x128xf32, #tpu.memory_space<vmem>> -> memref<32x128xf32, #tpu.memory_space<vmem>>
    tpu.enqueue_dma source(%dma_start3A_1174 : memref<32x128xf32, #tpu.memory_space<vmem>>) target(%dma_start3A_1170 : memref<32x128xf32, #tpu.memory_space<hbm>>) target_semaphore(%arg8 : memref<!tpu.dma_semaphore, #tpu.memory_space<semaphore_mem>>)
    %mul3A_1175 = arith.constant 32 : i32
    %mul3A_1176 = arith.muli %add3A, %mul3A_1175 : i32
    %dma_start3A_1177 = arith.constant 13 : i32
    %dma_start3A_1178 = arith.constant 13 : i32
    %dma_start3A_1179 = arith.constant 0 : i32
    %dma_start3A_1180 = arith.constant 0 : i32
    %dma_start3A_1181 = tpu.memref_slice %arg6[%dma_start3A_1177, %dma_start3A_1179, %dma_start3A_1180] : memref<26x32x128xf32, #tpu.memory_space<vmem>> -> memref<1x32x128xf32, #tpu.memory_space<vmem>>
    %dma_start3A_1182 = tpu.memref_squeeze %dma_start3A_1181 : memref<1x32x128xf32, #tpu.memory_space<vmem>> -> memref<32x128xf32, #tpu.memory_space<vmem>>
    %dma_start3A_1183 = arith.constant 0 : i32
    %dma_start3A_1184 = arith.constant 0 : i32
    %dma_start3A_1185 = tpu.memref_slice %arg4[%dma_start3A_1178, %dma_start3A_1183, %dma_start3A_1184] : memref<26x1024x128xf32, #tpu.memory_space<hbm>> -> memref<1x1024x128xf32, #tpu.memory_space<hbm>>
    %dma_start3A_1186 = tpu.memref_squeeze %dma_start3A_1185 : memref<1x1024x128xf32, #tpu.memory_space<hbm>> -> memref<1024x128xf32, #tpu.memory_space<hbm>>
    %dma_start3A_1187 = arith.constant 0 : i32
    %dma_start3A_1188 = tpu.memref_slice %dma_start3A_1186[%mul3A_1176, %dma_start3A_1187] : memref<1024x128xf32, #tpu.memory_space<hbm>> -> memref<32x128xf32, #tpu.memory_space<hbm>>
    %dma_start3A_1189 = arith.constant 0 : i32
    %dma_start3A_1190 = arith.constant 0 : i32
    %dma_start3A_1191 = tpu.memref_slice %arg4[%dma_start3A_1178, %dma_start3A_1189, %dma_start3A_1190] : memref<26x1024x128xf32, #tpu.memory_space<hbm>> -> memref<1x1024x128xf32, #tpu.memory_space<hbm>>
    %dma_start3A_1192 = tpu.memref_squeeze %dma_start3A_1191 : memref<1x1024x128xf32, #tpu.memory_space<hbm>> -> memref<1024x128xf32, #tpu.memory_space<hbm>>
    %dma_start3A_1193 = arith.constant 0 : i32
    %dma_start3A_1194 = tpu.memref_slice %dma_start3A_1192[%mul3A_1176, %dma_start3A_1193] : memref<1024x128xf32, #tpu.memory_space<hbm>> -> memref<32x128xf32, #tpu.memory_space<hbm>>
    %dma_start3A_1195 = arith.constant 0 : i32
    %dma_start3A_1196 = arith.constant 0 : i32
    %dma_start3A_1197 = tpu.memref_slice %arg6[%dma_start3A_1177, %dma_start3A_1195, %dma_start3A_1196] : memref<26x32x128xf32, #tpu.memory_space<vmem>> -> memref<1x32x128xf32, #tpu.memory_space<vmem>>
    %dma_start3A_1198 = tpu.memref_squeeze %dma_start3A_1197 : memref<1x32x128xf32, #tpu.memory_space<vmem>> -> memref<32x128xf32, #tpu.memory_space<vmem>>
    tpu.enqueue_dma source(%dma_start3A_1198 : memref<32x128xf32, #tpu.memory_space<vmem>>) target(%dma_start3A_1194 : memref<32x128xf32, #tpu.memory_space<hbm>>) target_semaphore(%arg8 : memref<!tpu.dma_semaphore, #tpu.memory_space<semaphore_mem>>)
    %mul3A_1199 = arith.constant 32 : i32
    %mul3A_1200 = arith.muli %add3A, %mul3A_1199 : i32
    %dma_start3A_1201 = arith.constant 14 : i32
    %dma_start3A_1202 = arith.constant 14 : i32
    %dma_start3A_1203 = arith.constant 0 : i32
    %dma_start3A_1204 = arith.constant 0 : i32
    %dma_start3A_1205 = tpu.memref_slice %arg6[%dma_start3A_1201, %dma_start3A_1203, %dma_start3A_1204] : memref<26x32x128xf32, #tpu.memory_space<vmem>> -> memref<1x32x128xf32, #tpu.memory_space<vmem>>
    %dma_start3A_1206 = tpu.memref_squeeze %dma_start3A_1205 : memref<1x32x128xf32, #tpu.memory_space<vmem>> -> memref<32x128xf32, #tpu.memory_space<vmem>>
    %dma_start3A_1207 = arith.constant 0 : i32
    %dma_start3A_1208 = arith.constant 0 : i32
    %dma_start3A_1209 = tpu.memref_slice %arg4[%dma_start3A_1202, %dma_start3A_1207, %dma_start3A_1208] : memref<26x1024x128xf32, #tpu.memory_space<hbm>> -> memref<1x1024x128xf32, #tpu.memory_space<hbm>>
    %dma_start3A_1210 = tpu.memref_squeeze %dma_start3A_1209 : memref<1x1024x128xf32, #tpu.memory_space<hbm>> -> memref<1024x128xf32, #tpu.memory_space<hbm>>
    %dma_start3A_1211 = arith.constant 0 : i32
    %dma_start3A_1212 = tpu.memref_slice %dma_start3A_1210[%mul3A_1200, %dma_start3A_1211] : memref<1024x128xf32, #tpu.memory_space<hbm>> -> memref<32x128xf32, #tpu.memory_space<hbm>>
    %dma_start3A_1213 = arith.constant 0 : i32
    %dma_start3A_1214 = arith.constant 0 : i32
    %dma_start3A_1215 = tpu.memref_slice %arg4[%dma_start3A_1202, %dma_start3A_1213, %dma_start3A_1214] : memref<26x1024x128xf32, #tpu.memory_space<hbm>> -> memref<1x1024x128xf32, #tpu.memory_space<hbm>>
    %dma_start3A_1216 = tpu.memref_squeeze %dma_start3A_1215 : memref<1x1024x128xf32, #tpu.memory_space<hbm>> -> memref<1024x128xf32, #tpu.memory_space<hbm>>
    %dma_start3A_1217 = arith.constant 0 : i32
    %dma_start3A_1218 = tpu.memref_slice %dma_start3A_1216[%mul3A_1200, %dma_start3A_1217] : memref<1024x128xf32, #tpu.memory_space<hbm>> -> memref<32x128xf32, #tpu.memory_space<hbm>>
    %dma_start3A_1219 = arith.constant 0 : i32
    %dma_start3A_1220 = arith.constant 0 : i32
    %dma_start3A_1221 = tpu.memref_slice %arg6[%dma_start3A_1201, %dma_start3A_1219, %dma_start3A_1220] : memref<26x32x128xf32, #tpu.memory_space<vmem>> -> memref<1x32x128xf32, #tpu.memory_space<vmem>>
    %dma_start3A_1222 = tpu.memref_squeeze %dma_start3A_1221 : memref<1x32x128xf32, #tpu.memory_space<vmem>> -> memref<32x128xf32, #tpu.memory_space<vmem>>
    tpu.enqueue_dma source(%dma_start3A_1222 : memref<32x128xf32, #tpu.memory_space<vmem>>) target(%dma_start3A_1218 : memref<32x128xf32, #tpu.memory_space<hbm>>) target_semaphore(%arg8 : memref<!tpu.dma_semaphore, #tpu.memory_space<semaphore_mem>>)
    %mul3A_1223 = arith.constant 32 : i32
    %mul3A_1224 = arith.muli %add3A, %mul3A_1223 : i32
    %dma_start3A_1225 = arith.constant 15 : i32
    %dma_start3A_1226 = arith.constant 15 : i32
    %dma_start3A_1227 = arith.constant 0 : i32
    %dma_start3A_1228 = arith.constant 0 : i32
    %dma_start3A_1229 = tpu.memref_slice %arg6[%dma_start3A_1225, %dma_start3A_1227, %dma_start3A_1228] : memref<26x32x128xf32, #tpu.memory_space<vmem>> -> memref<1x32x128xf32, #tpu.memory_space<vmem>>
    %dma_start3A_1230 = tpu.memref_squeeze %dma_start3A_1229 : memref<1x32x128xf32, #tpu.memory_space<vmem>> -> memref<32x128xf32, #tpu.memory_space<vmem>>
    %dma_start3A_1231 = arith.constant 0 : i32
    %dma_start3A_1232 = arith.constant 0 : i32
    %dma_start3A_1233 = tpu.memref_slice %arg4[%dma_start3A_1226, %dma_start3A_1231, %dma_start3A_1232] : memref<26x1024x128xf32, #tpu.memory_space<hbm>> -> memref<1x1024x128xf32, #tpu.memory_space<hbm>>
    %dma_start3A_1234 = tpu.memref_squeeze %dma_start3A_1233 : memref<1x1024x128xf32, #tpu.memory_space<hbm>> -> memref<1024x128xf32, #tpu.memory_space<hbm>>
    %dma_start3A_1235 = arith.constant 0 : i32
    %dma_start3A_1236 = tpu.memref_slice %dma_start3A_1234[%mul3A_1224, %dma_start3A_1235] : memref<1024x128xf32, #tpu.memory_space<hbm>> -> memref<32x128xf32, #tpu.memory_space<hbm>>
    %dma_start3A_1237 = arith.constant 0 : i32
    %dma_start3A_1238 = arith.constant 0 : i32
    %dma_start3A_1239 = tpu.memref_slice %arg4[%dma_start3A_1226, %dma_start3A_1237, %dma_start3A_1238] : memref<26x1024x128xf32, #tpu.memory_space<hbm>> -> memref<1x1024x128xf32, #tpu.memory_space<hbm>>
    %dma_start3A_1240 = tpu.memref_squeeze %dma_start3A_1239 : memref<1x1024x128xf32, #tpu.memory_space<hbm>> -> memref<1024x128xf32, #tpu.memory_space<hbm>>
    %dma_start3A_1241 = arith.constant 0 : i32
    %dma_start3A_1242 = tpu.memref_slice %dma_start3A_1240[%mul3A_1224, %dma_start3A_1241] : memref<1024x128xf32, #tpu.memory_space<hbm>> -> memref<32x128xf32, #tpu.memory_space<hbm>>
    %dma_start3A_1243 = arith.constant 0 : i32
    %dma_start3A_1244 = arith.constant 0 : i32
    %dma_start3A_1245 = tpu.memref_slice %arg6[%dma_start3A_1225, %dma_start3A_1243, %dma_start3A_1244] : memref<26x32x128xf32, #tpu.memory_space<vmem>> -> memref<1x32x128xf32, #tpu.memory_space<vmem>>
    %dma_start3A_1246 = tpu.memref_squeeze %dma_start3A_1245 : memref<1x32x128xf32, #tpu.memory_space<vmem>> -> memref<32x128xf32, #tpu.memory_space<vmem>>
    tpu.enqueue_dma source(%dma_start3A_1246 : memref<32x128xf32, #tpu.memory_space<vmem>>) target(%dma_start3A_1242 : memref<32x128xf32, #tpu.memory_space<hbm>>) target_semaphore(%arg8 : memref<!tpu.dma_semaphore, #tpu.memory_space<semaphore_mem>>)
    %mul3A_1247 = arith.constant 32 : i32
    %mul3A_1248 = arith.muli %add3A, %mul3A_1247 : i32
    %dma_start3A_1249 = arith.constant 16 : i32
    %dma_start3A_1250 = arith.constant 16 : i32
    %dma_start3A_1251 = arith.constant 0 : i32
    %dma_start3A_1252 = arith.constant 0 : i32
    %dma_start3A_1253 = tpu.memref_slice %arg6[%dma_start3A_1249, %dma_start3A_1251, %dma_start3A_1252] : memref<26x32x128xf32, #tpu.memory_space<vmem>> -> memref<1x32x128xf32, #tpu.memory_space<vmem>>
    %dma_start3A_1254 = tpu.memref_squeeze %dma_start3A_1253 : memref<1x32x128xf32, #tpu.memory_space<vmem>> -> memref<32x128xf32, #tpu.memory_space<vmem>>
    %dma_start3A_1255 = arith.constant 0 : i32
    %dma_start3A_1256 = arith.constant 0 : i32
    %dma_start3A_1257 = tpu.memref_slice %arg4[%dma_start3A_1250, %dma_start3A_1255, %dma_start3A_1256] : memref<26x1024x128xf32, #tpu.memory_space<hbm>> -> memref<1x1024x128xf32, #tpu.memory_space<hbm>>
    %dma_start3A_1258 = tpu.memref_squeeze %dma_start3A_1257 : memref<1x1024x128xf32, #tpu.memory_space<hbm>> -> memref<1024x128xf32, #tpu.memory_space<hbm>>
    %dma_start3A_1259 = arith.constant 0 : i32
    %dma_start3A_1260 = tpu.memref_slice %dma_start3A_1258[%mul3A_1248, %dma_start3A_1259] : memref<1024x128xf32, #tpu.memory_space<hbm>> -> memref<32x128xf32, #tpu.memory_space<hbm>>
    %dma_start3A_1261 = arith.constant 0 : i32
    %dma_start3A_1262 = arith.constant 0 : i32
    %dma_start3A_1263 = tpu.memref_slice %arg4[%dma_start3A_1250, %dma_start3A_1261, %dma_start3A_1262] : memref<26x1024x128xf32, #tpu.memory_space<hbm>> -> memref<1x1024x128xf32, #tpu.memory_space<hbm>>
    %dma_start3A_1264 = tpu.memref_squeeze %dma_start3A_1263 : memref<1x1024x128xf32, #tpu.memory_space<hbm>> -> memref<1024x128xf32, #tpu.memory_space<hbm>>
    %dma_start3A_1265 = arith.constant 0 : i32
    %dma_start3A_1266 = tpu.memref_slice %dma_start3A_1264[%mul3A_1248, %dma_start3A_1265] : memref<1024x128xf32, #tpu.memory_space<hbm>> -> memref<32x128xf32, #tpu.memory_space<hbm>>
    %dma_start3A_1267 = arith.constant 0 : i32
    %dma_start3A_1268 = arith.constant 0 : i32
    %dma_start3A_1269 = tpu.memref_slice %arg6[%dma_start3A_1249, %dma_start3A_1267, %dma_start3A_1268] : memref<26x32x128xf32, #tpu.memory_space<vmem>> -> memref<1x32x128xf32, #tpu.memory_space<vmem>>
    %dma_start3A_1270 = tpu.memref_squeeze %dma_start3A_1269 : memref<1x32x128xf32, #tpu.memory_space<vmem>> -> memref<32x128xf32, #tpu.memory_space<vmem>>
    tpu.enqueue_dma source(%dma_start3A_1270 : memref<32x128xf32, #tpu.memory_space<vmem>>) target(%dma_start3A_1266 : memref<32x128xf32, #tpu.memory_space<hbm>>) target_semaphore(%arg8 : memref<!tpu.dma_semaphore, #tpu.memory_space<semaphore_mem>>)
    %mul3A_1271 = arith.constant 32 : i32
    %mul3A_1272 = arith.muli %add3A, %mul3A_1271 : i32
    %dma_start3A_1273 = arith.constant 17 : i32
    %dma_start3A_1274 = arith.constant 17 : i32
    %dma_start3A_1275 = arith.constant 0 : i32
    %dma_start3A_1276 = arith.constant 0 : i32
    %dma_start3A_1277 = tpu.memref_slice %arg6[%dma_start3A_1273, %dma_start3A_1275, %dma_start3A_1276] : memref<26x32x128xf32, #tpu.memory_space<vmem>> -> memref<1x32x128xf32, #tpu.memory_space<vmem>>
    %dma_start3A_1278 = tpu.memref_squeeze %dma_start3A_1277 : memref<1x32x128xf32, #tpu.memory_space<vmem>> -> memref<32x128xf32, #tpu.memory_space<vmem>>
    %dma_start3A_1279 = arith.constant 0 : i32
    %dma_start3A_1280 = arith.constant 0 : i32
    %dma_start3A_1281 = tpu.memref_slice %arg4[%dma_start3A_1274, %dma_start3A_1279, %dma_start3A_1280] : memref<26x1024x128xf32, #tpu.memory_space<hbm>> -> memref<1x1024x128xf32, #tpu.memory_space<hbm>>
    %dma_start3A_1282 = tpu.memref_squeeze %dma_start3A_1281 : memref<1x1024x128xf32, #tpu.memory_space<hbm>> -> memref<1024x128xf32, #tpu.memory_space<hbm>>
    %dma_start3A_1283 = arith.constant 0 : i32
    %dma_start3A_1284 = tpu.memref_slice %dma_start3A_1282[%mul3A_1272, %dma_start3A_1283] : memref<1024x128xf32, #tpu.memory_space<hbm>> -> memref<32x128xf32, #tpu.memory_space<hbm>>
    %dma_start3A_1285 = arith.constant 0 : i32
    %dma_start3A_1286 = arith.constant 0 : i32
    %dma_start3A_1287 = tpu.memref_slice %arg4[%dma_start3A_1274, %dma_start3A_1285, %dma_start3A_1286] : memref<26x1024x128xf32, #tpu.memory_space<hbm>> -> memref<1x1024x128xf32, #tpu.memory_space<hbm>>
    %dma_start3A_1288 = tpu.memref_squeeze %dma_start3A_1287 : memref<1x1024x128xf32, #tpu.memory_space<hbm>> -> memref<1024x128xf32, #tpu.memory_space<hbm>>
    %dma_start3A_1289 = arith.constant 0 : i32
    %dma_start3A_1290 = tpu.memref_slice %dma_start3A_1288[%mul3A_1272, %dma_start3A_1289] : memref<1024x128xf32, #tpu.memory_space<hbm>> -> memref<32x128xf32, #tpu.memory_space<hbm>>
    %dma_start3A_1291 = arith.constant 0 : i32
    %dma_start3A_1292 = arith.constant 0 : i32
    %dma_start3A_1293 = tpu.memref_slice %arg6[%dma_start3A_1273, %dma_start3A_1291, %dma_start3A_1292] : memref<26x32x128xf32, #tpu.memory_space<vmem>> -> memref<1x32x128xf32, #tpu.memory_space<vmem>>
    %dma_start3A_1294 = tpu.memref_squeeze %dma_start3A_1293 : memref<1x32x128xf32, #tpu.memory_space<vmem>> -> memref<32x128xf32, #tpu.memory_space<vmem>>
    tpu.enqueue_dma source(%dma_start3A_1294 : memref<32x128xf32, #tpu.memory_space<vmem>>) target(%dma_start3A_1290 : memref<32x128xf32, #tpu.memory_space<hbm>>) target_semaphore(%arg8 : memref<!tpu.dma_semaphore, #tpu.memory_space<semaphore_mem>>)
    %mul3A_1295 = arith.constant 32 : i32
    %mul3A_1296 = arith.muli %add3A, %mul3A_1295 : i32
    %dma_start3A_1297 = arith.constant 18 : i32
    %dma_start3A_1298 = arith.constant 18 : i32
    %dma_start3A_1299 = arith.constant 0 : i32
    %dma_start3A_1300 = arith.constant 0 : i32
    %dma_start3A_1301 = tpu.memref_slice %arg6[%dma_start3A_1297, %dma_start3A_1299, %dma_start3A_1300] : memref<26x32x128xf32, #tpu.memory_space<vmem>> -> memref<1x32x128xf32, #tpu.memory_space<vmem>>
    %dma_start3A_1302 = tpu.memref_squeeze %dma_start3A_1301 : memref<1x32x128xf32, #tpu.memory_space<vmem>> -> memref<32x128xf32, #tpu.memory_space<vmem>>
    %dma_start3A_1303 = arith.constant 0 : i32
    %dma_start3A_1304 = arith.constant 0 : i32
    %dma_start3A_1305 = tpu.memref_slice %arg4[%dma_start3A_1298, %dma_start3A_1303, %dma_start3A_1304] : memref<26x1024x128xf32, #tpu.memory_space<hbm>> -> memref<1x1024x128xf32, #tpu.memory_space<hbm>>
    %dma_start3A_1306 = tpu.memref_squeeze %dma_start3A_1305 : memref<1x1024x128xf32, #tpu.memory_space<hbm>> -> memref<1024x128xf32, #tpu.memory_space<hbm>>
    %dma_start3A_1307 = arith.constant 0 : i32
    %dma_start3A_1308 = tpu.memref_slice %dma_start3A_1306[%mul3A_1296, %dma_start3A_1307] : memref<1024x128xf32, #tpu.memory_space<hbm>> -> memref<32x128xf32, #tpu.memory_space<hbm>>
    %dma_start3A_1309 = arith.constant 0 : i32
    %dma_start3A_1310 = arith.constant 0 : i32
    %dma_start3A_1311 = tpu.memref_slice %arg4[%dma_start3A_1298, %dma_start3A_1309, %dma_start3A_1310] : memref<26x1024x128xf32, #tpu.memory_space<hbm>> -> memref<1x1024x128xf32, #tpu.memory_space<hbm>>
    %dma_start3A_1312 = tpu.memref_squeeze %dma_start3A_1311 : memref<1x1024x128xf32, #tpu.memory_space<hbm>> -> memref<1024x128xf32, #tpu.memory_space<hbm>>
    %dma_start3A_1313 = arith.constant 0 : i32
    %dma_start3A_1314 = tpu.memref_slice %dma_start3A_1312[%mul3A_1296, %dma_start3A_1313] : memref<1024x128xf32, #tpu.memory_space<hbm>> -> memref<32x128xf32, #tpu.memory_space<hbm>>
    %dma_start3A_1315 = arith.constant 0 : i32
    %dma_start3A_1316 = arith.constant 0 : i32
    %dma_start3A_1317 = tpu.memref_slice %arg6[%dma_start3A_1297, %dma_start3A_1315, %dma_start3A_1316] : memref<26x32x128xf32, #tpu.memory_space<vmem>> -> memref<1x32x128xf32, #tpu.memory_space<vmem>>
    %dma_start3A_1318 = tpu.memref_squeeze %dma_start3A_1317 : memref<1x32x128xf32, #tpu.memory_space<vmem>> -> memref<32x128xf32, #tpu.memory_space<vmem>>
    tpu.enqueue_dma source(%dma_start3A_1318 : memref<32x128xf32, #tpu.memory_space<vmem>>) target(%dma_start3A_1314 : memref<32x128xf32, #tpu.memory_space<hbm>>) target_semaphore(%arg8 : memref<!tpu.dma_semaphore, #tpu.memory_space<semaphore_mem>>)
    %mul3A_1319 = arith.constant 32 : i32
    %mul3A_1320 = arith.muli %add3A, %mul3A_1319 : i32
    %dma_start3A_1321 = arith.constant 19 : i32
    %dma_start3A_1322 = arith.constant 19 : i32
    %dma_start3A_1323 = arith.constant 0 : i32
    %dma_start3A_1324 = arith.constant 0 : i32
    %dma_start3A_1325 = tpu.memref_slice %arg6[%dma_start3A_1321, %dma_start3A_1323, %dma_start3A_1324] : memref<26x32x128xf32, #tpu.memory_space<vmem>> -> memref<1x32x128xf32, #tpu.memory_space<vmem>>
    %dma_start3A_1326 = tpu.memref_squeeze %dma_start3A_1325 : memref<1x32x128xf32, #tpu.memory_space<vmem>> -> memref<32x128xf32, #tpu.memory_space<vmem>>
    %dma_start3A_1327 = arith.constant 0 : i32
    %dma_start3A_1328 = arith.constant 0 : i32
    %dma_start3A_1329 = tpu.memref_slice %arg4[%dma_start3A_1322, %dma_start3A_1327, %dma_start3A_1328] : memref<26x1024x128xf32, #tpu.memory_space<hbm>> -> memref<1x1024x128xf32, #tpu.memory_space<hbm>>
    %dma_start3A_1330 = tpu.memref_squeeze %dma_start3A_1329 : memref<1x1024x128xf32, #tpu.memory_space<hbm>> -> memref<1024x128xf32, #tpu.memory_space<hbm>>
    %dma_start3A_1331 = arith.constant 0 : i32
    %dma_start3A_1332 = tpu.memref_slice %dma_start3A_1330[%mul3A_1320, %dma_start3A_1331] : memref<1024x128xf32, #tpu.memory_space<hbm>> -> memref<32x128xf32, #tpu.memory_space<hbm>>
    %dma_start3A_1333 = arith.constant 0 : i32
    %dma_start3A_1334 = arith.constant 0 : i32
    %dma_start3A_1335 = tpu.memref_slice %arg4[%dma_start3A_1322, %dma_start3A_1333, %dma_start3A_1334] : memref<26x1024x128xf32, #tpu.memory_space<hbm>> -> memref<1x1024x128xf32, #tpu.memory_space<hbm>>
    %dma_start3A_1336 = tpu.memref_squeeze %dma_start3A_1335 : memref<1x1024x128xf32, #tpu.memory_space<hbm>> -> memref<1024x128xf32, #tpu.memory_space<hbm>>
    %dma_start3A_1337 = arith.constant 0 : i32
    %dma_start3A_1338 = tpu.memref_slice %dma_start3A_1336[%mul3A_1320, %dma_start3A_1337] : memref<1024x128xf32, #tpu.memory_space<hbm>> -> memref<32x128xf32, #tpu.memory_space<hbm>>
    %dma_start3A_1339 = arith.constant 0 : i32
    %dma_start3A_1340 = arith.constant 0 : i32
    %dma_start3A_1341 = tpu.memref_slice %arg6[%dma_start3A_1321, %dma_start3A_1339, %dma_start3A_1340] : memref<26x32x128xf32, #tpu.memory_space<vmem>> -> memref<1x32x128xf32, #tpu.memory_space<vmem>>
    %dma_start3A_1342 = tpu.memref_squeeze %dma_start3A_1341 : memref<1x32x128xf32, #tpu.memory_space<vmem>> -> memref<32x128xf32, #tpu.memory_space<vmem>>
    tpu.enqueue_dma source(%dma_start3A_1342 : memref<32x128xf32, #tpu.memory_space<vmem>>) target(%dma_start3A_1338 : memref<32x128xf32, #tpu.memory_space<hbm>>) target_semaphore(%arg8 : memref<!tpu.dma_semaphore, #tpu.memory_space<semaphore_mem>>)
    %mul3A_1343 = arith.constant 32 : i32
    %mul3A_1344 = arith.muli %add3A, %mul3A_1343 : i32
    %dma_start3A_1345 = arith.constant 20 : i32
    %dma_start3A_1346 = arith.constant 20 : i32
    %dma_start3A_1347 = arith.constant 0 : i32
    %dma_start3A_1348 = arith.constant 0 : i32
    %dma_start3A_1349 = tpu.memref_slice %arg6[%dma_start3A_1345, %dma_start3A_1347, %dma_start3A_1348] : memref<26x32x128xf32, #tpu.memory_space<vmem>> -> memref<1x32x128xf32, #tpu.memory_space<vmem>>
    %dma_start3A_1350 = tpu.memref_squeeze %dma_start3A_1349 : memref<1x32x128xf32, #tpu.memory_space<vmem>> -> memref<32x128xf32, #tpu.memory_space<vmem>>
    %dma_start3A_1351 = arith.constant 0 : i32
    %dma_start3A_1352 = arith.constant 0 : i32
    %dma_start3A_1353 = tpu.memref_slice %arg4[%dma_start3A_1346, %dma_start3A_1351, %dma_start3A_1352] : memref<26x1024x128xf32, #tpu.memory_space<hbm>> -> memref<1x1024x128xf32, #tpu.memory_space<hbm>>
    %dma_start3A_1354 = tpu.memref_squeeze %dma_start3A_1353 : memref<1x1024x128xf32, #tpu.memory_space<hbm>> -> memref<1024x128xf32, #tpu.memory_space<hbm>>
    %dma_start3A_1355 = arith.constant 0 : i32
    %dma_start3A_1356 = tpu.memref_slice %dma_start3A_1354[%mul3A_1344, %dma_start3A_1355] : memref<1024x128xf32, #tpu.memory_space<hbm>> -> memref<32x128xf32, #tpu.memory_space<hbm>>
    %dma_start3A_1357 = arith.constant 0 : i32
    %dma_start3A_1358 = arith.constant 0 : i32
    %dma_start3A_1359 = tpu.memref_slice %arg4[%dma_start3A_1346, %dma_start3A_1357, %dma_start3A_1358] : memref<26x1024x128xf32, #tpu.memory_space<hbm>> -> memref<1x1024x128xf32, #tpu.memory_space<hbm>>
    %dma_start3A_1360 = tpu.memref_squeeze %dma_start3A_1359 : memref<1x1024x128xf32, #tpu.memory_space<hbm>> -> memref<1024x128xf32, #tpu.memory_space<hbm>>
    %dma_start3A_1361 = arith.constant 0 : i32
    %dma_start3A_1362 = tpu.memref_slice %dma_start3A_1360[%mul3A_1344, %dma_start3A_1361] : memref<1024x128xf32, #tpu.memory_space<hbm>> -> memref<32x128xf32, #tpu.memory_space<hbm>>
    %dma_start3A_1363 = arith.constant 0 : i32
    %dma_start3A_1364 = arith.constant 0 : i32
    %dma_start3A_1365 = tpu.memref_slice %arg6[%dma_start3A_1345, %dma_start3A_1363, %dma_start3A_1364] : memref<26x32x128xf32, #tpu.memory_space<vmem>> -> memref<1x32x128xf32, #tpu.memory_space<vmem>>
    %dma_start3A_1366 = tpu.memref_squeeze %dma_start3A_1365 : memref<1x32x128xf32, #tpu.memory_space<vmem>> -> memref<32x128xf32, #tpu.memory_space<vmem>>
    tpu.enqueue_dma source(%dma_start3A_1366 : memref<32x128xf32, #tpu.memory_space<vmem>>) target(%dma_start3A_1362 : memref<32x128xf32, #tpu.memory_space<hbm>>) target_semaphore(%arg8 : memref<!tpu.dma_semaphore, #tpu.memory_space<semaphore_mem>>)
    %mul3A_1367 = arith.constant 32 : i32
    %mul3A_1368 = arith.muli %add3A, %mul3A_1367 : i32
    %dma_start3A_1369 = arith.constant 21 : i32
    %dma_start3A_1370 = arith.constant 21 : i32
    %dma_start3A_1371 = arith.constant 0 : i32
    %dma_start3A_1372 = arith.constant 0 : i32
    %dma_start3A_1373 = tpu.memref_slice %arg6[%dma_start3A_1369, %dma_start3A_1371, %dma_start3A_1372] : memref<26x32x128xf32, #tpu.memory_space<vmem>> -> memref<1x32x128xf32, #tpu.memory_space<vmem>>
    %dma_start3A_1374 = tpu.memref_squeeze %dma_start3A_1373 : memref<1x32x128xf32, #tpu.memory_space<vmem>> -> memref<32x128xf32, #tpu.memory_space<vmem>>
    %dma_start3A_1375 = arith.constant 0 : i32
    %dma_start3A_1376 = arith.constant 0 : i32
    %dma_start3A_1377 = tpu.memref_slice %arg4[%dma_start3A_1370, %dma_start3A_1375, %dma_start3A_1376] : memref<26x1024x128xf32, #tpu.memory_space<hbm>> -> memref<1x1024x128xf32, #tpu.memory_space<hbm>>
    %dma_start3A_1378 = tpu.memref_squeeze %dma_start3A_1377 : memref<1x1024x128xf32, #tpu.memory_space<hbm>> -> memref<1024x128xf32, #tpu.memory_space<hbm>>
    %dma_start3A_1379 = arith.constant 0 : i32
    %dma_start3A_1380 = tpu.memref_slice %dma_start3A_1378[%mul3A_1368, %dma_start3A_1379] : memref<1024x128xf32, #tpu.memory_space<hbm>> -> memref<32x128xf32, #tpu.memory_space<hbm>>
    %dma_start3A_1381 = arith.constant 0 : i32
    %dma_start3A_1382 = arith.constant 0 : i32
    %dma_start3A_1383 = tpu.memref_slice %arg4[%dma_start3A_1370, %dma_start3A_1381, %dma_start3A_1382] : memref<26x1024x128xf32, #tpu.memory_space<hbm>> -> memref<1x1024x128xf32, #tpu.memory_space<hbm>>
    %dma_start3A_1384 = tpu.memref_squeeze %dma_start3A_1383 : memref<1x1024x128xf32, #tpu.memory_space<hbm>> -> memref<1024x128xf32, #tpu.memory_space<hbm>>
    %dma_start3A_1385 = arith.constant 0 : i32
    %dma_start3A_1386 = tpu.memref_slice %dma_start3A_1384[%mul3A_1368, %dma_start3A_1385] : memref<1024x128xf32, #tpu.memory_space<hbm>> -> memref<32x128xf32, #tpu.memory_space<hbm>>
    %dma_start3A_1387 = arith.constant 0 : i32
    %dma_start3A_1388 = arith.constant 0 : i32
    %dma_start3A_1389 = tpu.memref_slice %arg6[%dma_start3A_1369, %dma_start3A_1387, %dma_start3A_1388] : memref<26x32x128xf32, #tpu.memory_space<vmem>> -> memref<1x32x128xf32, #tpu.memory_space<vmem>>
    %dma_start3A_1390 = tpu.memref_squeeze %dma_start3A_1389 : memref<1x32x128xf32, #tpu.memory_space<vmem>> -> memref<32x128xf32, #tpu.memory_space<vmem>>
    tpu.enqueue_dma source(%dma_start3A_1390 : memref<32x128xf32, #tpu.memory_space<vmem>>) target(%dma_start3A_1386 : memref<32x128xf32, #tpu.memory_space<hbm>>) target_semaphore(%arg8 : memref<!tpu.dma_semaphore, #tpu.memory_space<semaphore_mem>>)
    %mul3A_1391 = arith.constant 32 : i32
    %mul3A_1392 = arith.muli %add3A, %mul3A_1391 : i32
    %dma_start3A_1393 = arith.constant 22 : i32
    %dma_start3A_1394 = arith.constant 22 : i32
    %dma_start3A_1395 = arith.constant 0 : i32
    %dma_start3A_1396 = arith.constant 0 : i32
    %dma_start3A_1397 = tpu.memref_slice %arg6[%dma_start3A_1393, %dma_start3A_1395, %dma_start3A_1396] : memref<26x32x128xf32, #tpu.memory_space<vmem>> -> memref<1x32x128xf32, #tpu.memory_space<vmem>>
    %dma_start3A_1398 = tpu.memref_squeeze %dma_start3A_1397 : memref<1x32x128xf32, #tpu.memory_space<vmem>> -> memref<32x128xf32, #tpu.memory_space<vmem>>
    %dma_start3A_1399 = arith.constant 0 : i32
    %dma_start3A_1400 = arith.constant 0 : i32
    %dma_start3A_1401 = tpu.memref_slice %arg4[%dma_start3A_1394, %dma_start3A_1399, %dma_start3A_1400] : memref<26x1024x128xf32, #tpu.memory_space<hbm>> -> memref<1x1024x128xf32, #tpu.memory_space<hbm>>
    %dma_start3A_1402 = tpu.memref_squeeze %dma_start3A_1401 : memref<1x1024x128xf32, #tpu.memory_space<hbm>> -> memref<1024x128xf32, #tpu.memory_space<hbm>>
    %dma_start3A_1403 = arith.constant 0 : i32
    %dma_start3A_1404 = tpu.memref_slice %dma_start3A_1402[%mul3A_1392, %dma_start3A_1403] : memref<1024x128xf32, #tpu.memory_space<hbm>> -> memref<32x128xf32, #tpu.memory_space<hbm>>
    %dma_start3A_1405 = arith.constant 0 : i32
    %dma_start3A_1406 = arith.constant 0 : i32
    %dma_start3A_1407 = tpu.memref_slice %arg4[%dma_start3A_1394, %dma_start3A_1405, %dma_start3A_1406] : memref<26x1024x128xf32, #tpu.memory_space<hbm>> -> memref<1x1024x128xf32, #tpu.memory_space<hbm>>
    %dma_start3A_1408 = tpu.memref_squeeze %dma_start3A_1407 : memref<1x1024x128xf32, #tpu.memory_space<hbm>> -> memref<1024x128xf32, #tpu.memory_space<hbm>>
    %dma_start3A_1409 = arith.constant 0 : i32
    %dma_start3A_1410 = tpu.memref_slice %dma_start3A_1408[%mul3A_1392, %dma_start3A_1409] : memref<1024x128xf32, #tpu.memory_space<hbm>> -> memref<32x128xf32, #tpu.memory_space<hbm>>
    %dma_start3A_1411 = arith.constant 0 : i32
    %dma_start3A_1412 = arith.constant 0 : i32
    %dma_start3A_1413 = tpu.memref_slice %arg6[%dma_start3A_1393, %dma_start3A_1411, %dma_start3A_1412] : memref<26x32x128xf32, #tpu.memory_space<vmem>> -> memref<1x32x128xf32, #tpu.memory_space<vmem>>
    %dma_start3A_1414 = tpu.memref_squeeze %dma_start3A_1413 : memref<1x32x128xf32, #tpu.memory_space<vmem>> -> memref<32x128xf32, #tpu.memory_space<vmem>>
    tpu.enqueue_dma source(%dma_start3A_1414 : memref<32x128xf32, #tpu.memory_space<vmem>>) target(%dma_start3A_1410 : memref<32x128xf32, #tpu.memory_space<hbm>>) target_semaphore(%arg8 : memref<!tpu.dma_semaphore, #tpu.memory_space<semaphore_mem>>)
    %mul3A_1415 = arith.constant 32 : i32
    %mul3A_1416 = arith.muli %add3A, %mul3A_1415 : i32
    %dma_start3A_1417 = arith.constant 23 : i32
    %dma_start3A_1418 = arith.constant 23 : i32
    %dma_start3A_1419 = arith.constant 0 : i32
    %dma_start3A_1420 = arith.constant 0 : i32
    %dma_start3A_1421 = tpu.memref_slice %arg6[%dma_start3A_1417, %dma_start3A_1419, %dma_start3A_1420] : memref<26x32x128xf32, #tpu.memory_space<vmem>> -> memref<1x32x128xf32, #tpu.memory_space<vmem>>
    %dma_start3A_1422 = tpu.memref_squeeze %dma_start3A_1421 : memref<1x32x128xf32, #tpu.memory_space<vmem>> -> memref<32x128xf32, #tpu.memory_space<vmem>>
    %dma_start3A_1423 = arith.constant 0 : i32
    %dma_start3A_1424 = arith.constant 0 : i32
    %dma_start3A_1425 = tpu.memref_slice %arg4[%dma_start3A_1418, %dma_start3A_1423, %dma_start3A_1424] : memref<26x1024x128xf32, #tpu.memory_space<hbm>> -> memref<1x1024x128xf32, #tpu.memory_space<hbm>>
    %dma_start3A_1426 = tpu.memref_squeeze %dma_start3A_1425 : memref<1x1024x128xf32, #tpu.memory_space<hbm>> -> memref<1024x128xf32, #tpu.memory_space<hbm>>
    %dma_start3A_1427 = arith.constant 0 : i32
    %dma_start3A_1428 = tpu.memref_slice %dma_start3A_1426[%mul3A_1416, %dma_start3A_1427] : memref<1024x128xf32, #tpu.memory_space<hbm>> -> memref<32x128xf32, #tpu.memory_space<hbm>>
    %dma_start3A_1429 = arith.constant 0 : i32
    %dma_start3A_1430 = arith.constant 0 : i32
    %dma_start3A_1431 = tpu.memref_slice %arg4[%dma_start3A_1418, %dma_start3A_1429, %dma_start3A_1430] : memref<26x1024x128xf32, #tpu.memory_space<hbm>> -> memref<1x1024x128xf32, #tpu.memory_space<hbm>>
    %dma_start3A_1432 = tpu.memref_squeeze %dma_start3A_1431 : memref<1x1024x128xf32, #tpu.memory_space<hbm>> -> memref<1024x128xf32, #tpu.memory_space<hbm>>
    %dma_start3A_1433 = arith.constant 0 : i32
    %dma_start3A_1434 = tpu.memref_slice %dma_start3A_1432[%mul3A_1416, %dma_start3A_1433] : memref<1024x128xf32, #tpu.memory_space<hbm>> -> memref<32x128xf32, #tpu.memory_space<hbm>>
    %dma_start3A_1435 = arith.constant 0 : i32
    %dma_start3A_1436 = arith.constant 0 : i32
    %dma_start3A_1437 = tpu.memref_slice %arg6[%dma_start3A_1417, %dma_start3A_1435, %dma_start3A_1436] : memref<26x32x128xf32, #tpu.memory_space<vmem>> -> memref<1x32x128xf32, #tpu.memory_space<vmem>>
    %dma_start3A_1438 = tpu.memref_squeeze %dma_start3A_1437 : memref<1x32x128xf32, #tpu.memory_space<vmem>> -> memref<32x128xf32, #tpu.memory_space<vmem>>
    tpu.enqueue_dma source(%dma_start3A_1438 : memref<32x128xf32, #tpu.memory_space<vmem>>) target(%dma_start3A_1434 : memref<32x128xf32, #tpu.memory_space<hbm>>) target_semaphore(%arg8 : memref<!tpu.dma_semaphore, #tpu.memory_space<semaphore_mem>>)
    %mul3A_1439 = arith.constant 32 : i32
    %mul3A_1440 = arith.muli %add3A, %mul3A_1439 : i32
    %dma_start3A_1441 = arith.constant 24 : i32
    %dma_start3A_1442 = arith.constant 24 : i32
    %dma_start3A_1443 = arith.constant 0 : i32
    %dma_start3A_1444 = arith.constant 0 : i32
    %dma_start3A_1445 = tpu.memref_slice %arg6[%dma_start3A_1441, %dma_start3A_1443, %dma_start3A_1444] : memref<26x32x128xf32, #tpu.memory_space<vmem>> -> memref<1x32x128xf32, #tpu.memory_space<vmem>>
    %dma_start3A_1446 = tpu.memref_squeeze %dma_start3A_1445 : memref<1x32x128xf32, #tpu.memory_space<vmem>> -> memref<32x128xf32, #tpu.memory_space<vmem>>
    %dma_start3A_1447 = arith.constant 0 : i32
    %dma_start3A_1448 = arith.constant 0 : i32
    %dma_start3A_1449 = tpu.memref_slice %arg4[%dma_start3A_1442, %dma_start3A_1447, %dma_start3A_1448] : memref<26x1024x128xf32, #tpu.memory_space<hbm>> -> memref<1x1024x128xf32, #tpu.memory_space<hbm>>
    %dma_start3A_1450 = tpu.memref_squeeze %dma_start3A_1449 : memref<1x1024x128xf32, #tpu.memory_space<hbm>> -> memref<1024x128xf32, #tpu.memory_space<hbm>>
    %dma_start3A_1451 = arith.constant 0 : i32
    %dma_start3A_1452 = tpu.memref_slice %dma_start3A_1450[%mul3A_1440, %dma_start3A_1451] : memref<1024x128xf32, #tpu.memory_space<hbm>> -> memref<32x128xf32, #tpu.memory_space<hbm>>
    %dma_start3A_1453 = arith.constant 0 : i32
    %dma_start3A_1454 = arith.constant 0 : i32
    %dma_start3A_1455 = tpu.memref_slice %arg4[%dma_start3A_1442, %dma_start3A_1453, %dma_start3A_1454] : memref<26x1024x128xf32, #tpu.memory_space<hbm>> -> memref<1x1024x128xf32, #tpu.memory_space<hbm>>
    %dma_start3A_1456 = tpu.memref_squeeze %dma_start3A_1455 : memref<1x1024x128xf32, #tpu.memory_space<hbm>> -> memref<1024x128xf32, #tpu.memory_space<hbm>>
    %dma_start3A_1457 = arith.constant 0 : i32
    %dma_start3A_1458 = tpu.memref_slice %dma_start3A_1456[%mul3A_1440, %dma_start3A_1457] : memref<1024x128xf32, #tpu.memory_space<hbm>> -> memref<32x128xf32, #tpu.memory_space<hbm>>
    %dma_start3A_1459 = arith.constant 0 : i32
    %dma_start3A_1460 = arith.constant 0 : i32
    %dma_start3A_1461 = tpu.memref_slice %arg6[%dma_start3A_1441, %dma_start3A_1459, %dma_start3A_1460] : memref<26x32x128xf32, #tpu.memory_space<vmem>> -> memref<1x32x128xf32, #tpu.memory_space<vmem>>
    %dma_start3A_1462 = tpu.memref_squeeze %dma_start3A_1461 : memref<1x32x128xf32, #tpu.memory_space<vmem>> -> memref<32x128xf32, #tpu.memory_space<vmem>>
    tpu.enqueue_dma source(%dma_start3A_1462 : memref<32x128xf32, #tpu.memory_space<vmem>>) target(%dma_start3A_1458 : memref<32x128xf32, #tpu.memory_space<hbm>>) target_semaphore(%arg8 : memref<!tpu.dma_semaphore, #tpu.memory_space<semaphore_mem>>)
    %mul3A_1463 = arith.constant 32 : i32
    %mul3A_1464 = arith.muli %add3A, %mul3A_1463 : i32
    %dma_start3A_1465 = arith.constant 25 : i32
    %dma_start3A_1466 = arith.constant 25 : i32
    %dma_start3A_1467 = arith.constant 0 : i32
    %dma_start3A_1468 = arith.constant 0 : i32
    %dma_start3A_1469 = tpu.memref_slice %arg6[%dma_start3A_1465, %dma_start3A_1467, %dma_start3A_1468] : memref<26x32x128xf32, #tpu.memory_space<vmem>> -> memref<1x32x128xf32, #tpu.memory_space<vmem>>
    %dma_start3A_1470 = tpu.memref_squeeze %dma_start3A_1469 : memref<1x32x128xf32, #tpu.memory_space<vmem>> -> memref<32x128xf32, #tpu.memory_space<vmem>>
    %dma_start3A_1471 = arith.constant 0 : i32
    %dma_start3A_1472 = arith.constant 0 : i32
    %dma_start3A_1473 = tpu.memref_slice %arg4[%dma_start3A_1466, %dma_start3A_1471, %dma_start3A_1472] : memref<26x1024x128xf32, #tpu.memory_space<hbm>> -> memref<1x1024x128xf32, #tpu.memory_space<hbm>>
    %dma_start3A_1474 = tpu.memref_squeeze %dma_start3A_1473 : memref<1x1024x128xf32, #tpu.memory_space<hbm>> -> memref<1024x128xf32, #tpu.memory_space<hbm>>
    %dma_start3A_1475 = arith.constant 0 : i32
    %dma_start3A_1476 = tpu.memref_slice %dma_start3A_1474[%mul3A_1464, %dma_start3A_1475] : memref<1024x128xf32, #tpu.memory_space<hbm>> -> memref<32x128xf32, #tpu.memory_space<hbm>>
    %dma_start3A_1477 = arith.constant 0 : i32
    %dma_start3A_1478 = arith.constant 0 : i32
    %dma_start3A_1479 = tpu.memref_slice %arg4[%dma_start3A_1466, %dma_start3A_1477, %dma_start3A_1478] : memref<26x1024x128xf32, #tpu.memory_space<hbm>> -> memref<1x1024x128xf32, #tpu.memory_space<hbm>>
    %dma_start3A_1480 = tpu.memref_squeeze %dma_start3A_1479 : memref<1x1024x128xf32, #tpu.memory_space<hbm>> -> memref<1024x128xf32, #tpu.memory_space<hbm>>
    %dma_start3A_1481 = arith.constant 0 : i32
    %dma_start3A_1482 = tpu.memref_slice %dma_start3A_1480[%mul3A_1464, %dma_start3A_1481] : memref<1024x128xf32, #tpu.memory_space<hbm>> -> memref<32x128xf32, #tpu.memory_space<hbm>>
    %dma_start3A_1483 = arith.constant 0 : i32
    %dma_start3A_1484 = arith.constant 0 : i32
    %dma_start3A_1485 = tpu.memref_slice %arg6[%dma_start3A_1465, %dma_start3A_1483, %dma_start3A_1484] : memref<26x32x128xf32, #tpu.memory_space<vmem>> -> memref<1x32x128xf32, #tpu.memory_space<vmem>>
    %dma_start3A_1486 = tpu.memref_squeeze %dma_start3A_1485 : memref<1x32x128xf32, #tpu.memory_space<vmem>> -> memref<32x128xf32, #tpu.memory_space<vmem>>
    tpu.enqueue_dma source(%dma_start3A_1486 : memref<32x128xf32, #tpu.memory_space<vmem>>) target(%dma_start3A_1482 : memref<32x128xf32, #tpu.memory_space<hbm>>) target_semaphore(%arg8 : memref<!tpu.dma_semaphore, #tpu.memory_space<semaphore_mem>>)
    %dma_wait3A_1487 = arith.constant 0 : i32
    %dma_wait3A_1488 = arith.constant 0 : i32
    %dma_wait3A_1489 = arith.constant 0 : i32
    %dma_wait3A_1490 = arith.constant 0 : i32
    %dma_wait3A_1491 = tpu.memref_slice %arg6[%dma_wait3A_1487, %dma_wait3A_1489, %dma_wait3A_1490] : memref<26x32x128xf32, #tpu.memory_space<vmem>> -> memref<1x32x128xf32, #tpu.memory_space<vmem>>
    %dma_wait3A_1492 = tpu.memref_squeeze %dma_wait3A_1491 : memref<1x32x128xf32, #tpu.memory_space<vmem>> -> memref<32x128xf32, #tpu.memory_space<vmem>>
    %dma_wait3A_1493 = arith.constant 0 : i32
    %dma_wait3A_1494 = arith.constant 0 : i32
    %dma_wait3A_1495 = tpu.memref_slice %arg4[%dma_wait3A_1488, %dma_wait3A_1493, %dma_wait3A_1494] : memref<26x1024x128xf32, #tpu.memory_space<hbm>> -> memref<1x1024x128xf32, #tpu.memory_space<hbm>>
    %dma_wait3A_1496 = tpu.memref_squeeze %dma_wait3A_1495 : memref<1x1024x128xf32, #tpu.memory_space<hbm>> -> memref<1024x128xf32, #tpu.memory_space<hbm>>
    %dma_wait3A_1497 = arith.constant 0 : i32
    %dma_wait3A_1498 = tpu.memref_slice %dma_wait3A_1496[%mul3A_864, %dma_wait3A_1497] : memref<1024x128xf32, #tpu.memory_space<hbm>> -> memref<32x128xf32, #tpu.memory_space<hbm>>
    %dma_wait3A_1499 = arith.constant 0 : i32
    %dma_wait3A_1500 = arith.constant 0 : i32
    %dma_wait3A_1501 = tpu.memref_slice %arg4[%dma_wait3A_1488, %dma_wait3A_1499, %dma_wait3A_1500] : memref<26x1024x128xf32, #tpu.memory_space<hbm>> -> memref<1x1024x128xf32, #tpu.memory_space<hbm>>
    %dma_wait3A_1502 = tpu.memref_squeeze %dma_wait3A_1501 : memref<1x1024x128xf32, #tpu.memory_space<hbm>> -> memref<1024x128xf32, #tpu.memory_space<hbm>>
    %dma_wait3A_1503 = arith.constant 0 : i32
    %dma_wait3A_1504 = tpu.memref_slice %dma_wait3A_1502[%mul3A_864, %dma_wait3A_1503] : memref<1024x128xf32, #tpu.memory_space<hbm>> -> memref<32x128xf32, #tpu.memory_space<hbm>>
    %dma_wait3A_1505 = arith.constant 0 : i32
    %dma_wait3A_1506 = arith.constant 0 : i32
    %dma_wait3A_1507 = tpu.memref_slice %arg6[%dma_wait3A_1487, %dma_wait3A_1505, %dma_wait3A_1506] : memref<26x32x128xf32, #tpu.memory_space<vmem>> -> memref<1x32x128xf32, #tpu.memory_space<vmem>>
    %dma_wait3A_1508 = tpu.memref_squeeze %dma_wait3A_1507 : memref<1x32x128xf32, #tpu.memory_space<vmem>> -> memref<32x128xf32, #tpu.memory_space<vmem>>
    tpu.wait_dma2 semaphore(%arg8 : memref<!tpu.dma_semaphore, #tpu.memory_space<semaphore_mem>>) src(%dma_wait3A_1508 : memref<32x128xf32, #tpu.memory_space<vmem>>) dst(%dma_wait3A_1504 : memref<32x128xf32, #tpu.memory_space<hbm>>)
    %dma_wait3A_1509 = arith.constant 1 : i32
    %dma_wait3A_1510 = arith.constant 1 : i32
    %dma_wait3A_1511 = arith.constant 0 : i32
    %dma_wait3A_1512 = arith.constant 0 : i32
    %dma_wait3A_1513 = tpu.memref_slice %arg6[%dma_wait3A_1509, %dma_wait3A_1511, %dma_wait3A_1512] : memref<26x32x128xf32, #tpu.memory_space<vmem>> -> memref<1x32x128xf32, #tpu.memory_space<vmem>>
    %dma_wait3A_1514 = tpu.memref_squeeze %dma_wait3A_1513 : memref<1x32x128xf32, #tpu.memory_space<vmem>> -> memref<32x128xf32, #tpu.memory_space<vmem>>
    %dma_wait3A_1515 = arith.constant 0 : i32
    %dma_wait3A_1516 = arith.constant 0 : i32
    %dma_wait3A_1517 = tpu.memref_slice %arg4[%dma_wait3A_1510, %dma_wait3A_1515, %dma_wait3A_1516] : memref<26x1024x128xf32, #tpu.memory_space<hbm>> -> memref<1x1024x128xf32, #tpu.memory_space<hbm>>
    %dma_wait3A_1518 = tpu.memref_squeeze %dma_wait3A_1517 : memref<1x1024x128xf32, #tpu.memory_space<hbm>> -> memref<1024x128xf32, #tpu.memory_space<hbm>>
    %dma_wait3A_1519 = arith.constant 0 : i32
    %dma_wait3A_1520 = tpu.memref_slice %dma_wait3A_1518[%mul3A_888, %dma_wait3A_1519] : memref<1024x128xf32, #tpu.memory_space<hbm>> -> memref<32x128xf32, #tpu.memory_space<hbm>>
    %dma_wait3A_1521 = arith.constant 0 : i32
    %dma_wait3A_1522 = arith.constant 0 : i32
    %dma_wait3A_1523 = tpu.memref_slice %arg4[%dma_wait3A_1510, %dma_wait3A_1521, %dma_wait3A_1522] : memref<26x1024x128xf32, #tpu.memory_space<hbm>> -> memref<1x1024x128xf32, #tpu.memory_space<hbm>>
    %dma_wait3A_1524 = tpu.memref_squeeze %dma_wait3A_1523 : memref<1x1024x128xf32, #tpu.memory_space<hbm>> -> memref<1024x128xf32, #tpu.memory_space<hbm>>
    %dma_wait3A_1525 = arith.constant 0 : i32
    %dma_wait3A_1526 = tpu.memref_slice %dma_wait3A_1524[%mul3A_888, %dma_wait3A_1525] : memref<1024x128xf32, #tpu.memory_space<hbm>> -> memref<32x128xf32, #tpu.memory_space<hbm>>
    %dma_wait3A_1527 = arith.constant 0 : i32
    %dma_wait3A_1528 = arith.constant 0 : i32
    %dma_wait3A_1529 = tpu.memref_slice %arg6[%dma_wait3A_1509, %dma_wait3A_1527, %dma_wait3A_1528] : memref<26x32x128xf32, #tpu.memory_space<vmem>> -> memref<1x32x128xf32, #tpu.memory_space<vmem>>
    %dma_wait3A_1530 = tpu.memref_squeeze %dma_wait3A_1529 : memref<1x32x128xf32, #tpu.memory_space<vmem>> -> memref<32x128xf32, #tpu.memory_space<vmem>>
    tpu.wait_dma2 semaphore(%arg8 : memref<!tpu.dma_semaphore, #tpu.memory_space<semaphore_mem>>) src(%dma_wait3A_1530 : memref<32x128xf32, #tpu.memory_space<vmem>>) dst(%dma_wait3A_1526 : memref<32x128xf32, #tpu.memory_space<hbm>>)
    %dma_wait3A_1531 = arith.constant 2 : i32
    %dma_wait3A_1532 = arith.constant 2 : i32
    %dma_wait3A_1533 = arith.constant 0 : i32
    %dma_wait3A_1534 = arith.constant 0 : i32
    %dma_wait3A_1535 = tpu.memref_slice %arg6[%dma_wait3A_1531, %dma_wait3A_1533, %dma_wait3A_1534] : memref<26x32x128xf32, #tpu.memory_space<vmem>> -> memref<1x32x128xf32, #tpu.memory_space<vmem>>
    %dma_wait3A_1536 = tpu.memref_squeeze %dma_wait3A_1535 : memref<1x32x128xf32, #tpu.memory_space<vmem>> -> memref<32x128xf32, #tpu.memory_space<vmem>>
    %dma_wait3A_1537 = arith.constant 0 : i32
    %dma_wait3A_1538 = arith.constant 0 : i32
    %dma_wait3A_1539 = tpu.memref_slice %arg4[%dma_wait3A_1532, %dma_wait3A_1537, %dma_wait3A_1538] : memref<26x1024x128xf32, #tpu.memory_space<hbm>> -> memref<1x1024x128xf32, #tpu.memory_space<hbm>>
    %dma_wait3A_1540 = tpu.memref_squeeze %dma_wait3A_1539 : memref<1x1024x128xf32, #tpu.memory_space<hbm>> -> memref<1024x128xf32, #tpu.memory_space<hbm>>
    %dma_wait3A_1541 = arith.constant 0 : i32
    %dma_wait3A_1542 = tpu.memref_slice %dma_wait3A_1540[%mul3A_912, %dma_wait3A_1541] : memref<1024x128xf32, #tpu.memory_space<hbm>> -> memref<32x128xf32, #tpu.memory_space<hbm>>
    %dma_wait3A_1543 = arith.constant 0 : i32
    %dma_wait3A_1544 = arith.constant 0 : i32
    %dma_wait3A_1545 = tpu.memref_slice %arg4[%dma_wait3A_1532, %dma_wait3A_1543, %dma_wait3A_1544] : memref<26x1024x128xf32, #tpu.memory_space<hbm>> -> memref<1x1024x128xf32, #tpu.memory_space<hbm>>
    %dma_wait3A_1546 = tpu.memref_squeeze %dma_wait3A_1545 : memref<1x1024x128xf32, #tpu.memory_space<hbm>> -> memref<1024x128xf32, #tpu.memory_space<hbm>>
    %dma_wait3A_1547 = arith.constant 0 : i32
    %dma_wait3A_1548 = tpu.memref_slice %dma_wait3A_1546[%mul3A_912, %dma_wait3A_1547] : memref<1024x128xf32, #tpu.memory_space<hbm>> -> memref<32x128xf32, #tpu.memory_space<hbm>>
    %dma_wait3A_1549 = arith.constant 0 : i32
    %dma_wait3A_1550 = arith.constant 0 : i32
    %dma_wait3A_1551 = tpu.memref_slice %arg6[%dma_wait3A_1531, %dma_wait3A_1549, %dma_wait3A_1550] : memref<26x32x128xf32, #tpu.memory_space<vmem>> -> memref<1x32x128xf32, #tpu.memory_space<vmem>>
    %dma_wait3A_1552 = tpu.memref_squeeze %dma_wait3A_1551 : memref<1x32x128xf32, #tpu.memory_space<vmem>> -> memref<32x128xf32, #tpu.memory_space<vmem>>
    tpu.wait_dma2 semaphore(%arg8 : memref<!tpu.dma_semaphore, #tpu.memory_space<semaphore_mem>>) src(%dma_wait3A_1552 : memref<32x128xf32, #tpu.memory_space<vmem>>) dst(%dma_wait3A_1548 : memref<32x128xf32, #tpu.memory_space<hbm>>)
    %dma_wait3A_1553 = arith.constant 3 : i32
    %dma_wait3A_1554 = arith.constant 3 : i32
    %dma_wait3A_1555 = arith.constant 0 : i32
    %dma_wait3A_1556 = arith.constant 0 : i32
    %dma_wait3A_1557 = tpu.memref_slice %arg6[%dma_wait3A_1553, %dma_wait3A_1555, %dma_wait3A_1556] : memref<26x32x128xf32, #tpu.memory_space<vmem>> -> memref<1x32x128xf32, #tpu.memory_space<vmem>>
    %dma_wait3A_1558 = tpu.memref_squeeze %dma_wait3A_1557 : memref<1x32x128xf32, #tpu.memory_space<vmem>> -> memref<32x128xf32, #tpu.memory_space<vmem>>
    %dma_wait3A_1559 = arith.constant 0 : i32
    %dma_wait3A_1560 = arith.constant 0 : i32
    %dma_wait3A_1561 = tpu.memref_slice %arg4[%dma_wait3A_1554, %dma_wait3A_1559, %dma_wait3A_1560] : memref<26x1024x128xf32, #tpu.memory_space<hbm>> -> memref<1x1024x128xf32, #tpu.memory_space<hbm>>
    %dma_wait3A_1562 = tpu.memref_squeeze %dma_wait3A_1561 : memref<1x1024x128xf32, #tpu.memory_space<hbm>> -> memref<1024x128xf32, #tpu.memory_space<hbm>>
    %dma_wait3A_1563 = arith.constant 0 : i32
    %dma_wait3A_1564 = tpu.memref_slice %dma_wait3A_1562[%mul3A_936, %dma_wait3A_1563] : memref<1024x128xf32, #tpu.memory_space<hbm>> -> memref<32x128xf32, #tpu.memory_space<hbm>>
    %dma_wait3A_1565 = arith.constant 0 : i32
    %dma_wait3A_1566 = arith.constant 0 : i32
    %dma_wait3A_1567 = tpu.memref_slice %arg4[%dma_wait3A_1554, %dma_wait3A_1565, %dma_wait3A_1566] : memref<26x1024x128xf32, #tpu.memory_space<hbm>> -> memref<1x1024x128xf32, #tpu.memory_space<hbm>>
    %dma_wait3A_1568 = tpu.memref_squeeze %dma_wait3A_1567 : memref<1x1024x128xf32, #tpu.memory_space<hbm>> -> memref<1024x128xf32, #tpu.memory_space<hbm>>
    %dma_wait3A_1569 = arith.constant 0 : i32
    %dma_wait3A_1570 = tpu.memref_slice %dma_wait3A_1568[%mul3A_936, %dma_wait3A_1569] : memref<1024x128xf32, #tpu.memory_space<hbm>> -> memref<32x128xf32, #tpu.memory_space<hbm>>
    %dma_wait3A_1571 = arith.constant 0 : i32
    %dma_wait3A_1572 = arith.constant 0 : i32
    %dma_wait3A_1573 = tpu.memref_slice %arg6[%dma_wait3A_1553, %dma_wait3A_1571, %dma_wait3A_1572] : memref<26x32x128xf32, #tpu.memory_space<vmem>> -> memref<1x32x128xf32, #tpu.memory_space<vmem>>
    %dma_wait3A_1574 = tpu.memref_squeeze %dma_wait3A_1573 : memref<1x32x128xf32, #tpu.memory_space<vmem>> -> memref<32x128xf32, #tpu.memory_space<vmem>>
    tpu.wait_dma2 semaphore(%arg8 : memref<!tpu.dma_semaphore, #tpu.memory_space<semaphore_mem>>) src(%dma_wait3A_1574 : memref<32x128xf32, #tpu.memory_space<vmem>>) dst(%dma_wait3A_1570 : memref<32x128xf32, #tpu.memory_space<hbm>>)
    %dma_wait3A_1575 = arith.constant 4 : i32
    %dma_wait3A_1576 = arith.constant 4 : i32
    %dma_wait3A_1577 = arith.constant 0 : i32
    %dma_wait3A_1578 = arith.constant 0 : i32
    %dma_wait3A_1579 = tpu.memref_slice %arg6[%dma_wait3A_1575, %dma_wait3A_1577, %dma_wait3A_1578] : memref<26x32x128xf32, #tpu.memory_space<vmem>> -> memref<1x32x128xf32, #tpu.memory_space<vmem>>
    %dma_wait3A_1580 = tpu.memref_squeeze %dma_wait3A_1579 : memref<1x32x128xf32, #tpu.memory_space<vmem>> -> memref<32x128xf32, #tpu.memory_space<vmem>>
    %dma_wait3A_1581 = arith.constant 0 : i32
    %dma_wait3A_1582 = arith.constant 0 : i32
    %dma_wait3A_1583 = tpu.memref_slice %arg4[%dma_wait3A_1576, %dma_wait3A_1581, %dma_wait3A_1582] : memref<26x1024x128xf32, #tpu.memory_space<hbm>> -> memref<1x1024x128xf32, #tpu.memory_space<hbm>>
    %dma_wait3A_1584 = tpu.memref_squeeze %dma_wait3A_1583 : memref<1x1024x128xf32, #tpu.memory_space<hbm>> -> memref<1024x128xf32, #tpu.memory_space<hbm>>
    %dma_wait3A_1585 = arith.constant 0 : i32
    %dma_wait3A_1586 = tpu.memref_slice %dma_wait3A_1584[%mul3A_960, %dma_wait3A_1585] : memref<1024x128xf32, #tpu.memory_space<hbm>> -> memref<32x128xf32, #tpu.memory_space<hbm>>
    %dma_wait3A_1587 = arith.constant 0 : i32
    %dma_wait3A_1588 = arith.constant 0 : i32
    %dma_wait3A_1589 = tpu.memref_slice %arg4[%dma_wait3A_1576, %dma_wait3A_1587, %dma_wait3A_1588] : memref<26x1024x128xf32, #tpu.memory_space<hbm>> -> memref<1x1024x128xf32, #tpu.memory_space<hbm>>
    %dma_wait3A_1590 = tpu.memref_squeeze %dma_wait3A_1589 : memref<1x1024x128xf32, #tpu.memory_space<hbm>> -> memref<1024x128xf32, #tpu.memory_space<hbm>>
    %dma_wait3A_1591 = arith.constant 0 : i32
    %dma_wait3A_1592 = tpu.memref_slice %dma_wait3A_1590[%mul3A_960, %dma_wait3A_1591] : memref<1024x128xf32, #tpu.memory_space<hbm>> -> memref<32x128xf32, #tpu.memory_space<hbm>>
    %dma_wait3A_1593 = arith.constant 0 : i32
    %dma_wait3A_1594 = arith.constant 0 : i32
    %dma_wait3A_1595 = tpu.memref_slice %arg6[%dma_wait3A_1575, %dma_wait3A_1593, %dma_wait3A_1594] : memref<26x32x128xf32, #tpu.memory_space<vmem>> -> memref<1x32x128xf32, #tpu.memory_space<vmem>>
    %dma_wait3A_1596 = tpu.memref_squeeze %dma_wait3A_1595 : memref<1x32x128xf32, #tpu.memory_space<vmem>> -> memref<32x128xf32, #tpu.memory_space<vmem>>
    tpu.wait_dma2 semaphore(%arg8 : memref<!tpu.dma_semaphore, #tpu.memory_space<semaphore_mem>>) src(%dma_wait3A_1596 : memref<32x128xf32, #tpu.memory_space<vmem>>) dst(%dma_wait3A_1592 : memref<32x128xf32, #tpu.memory_space<hbm>>)
    %dma_wait3A_1597 = arith.constant 5 : i32
    %dma_wait3A_1598 = arith.constant 5 : i32
    %dma_wait3A_1599 = arith.constant 0 : i32
    %dma_wait3A_1600 = arith.constant 0 : i32
    %dma_wait3A_1601 = tpu.memref_slice %arg6[%dma_wait3A_1597, %dma_wait3A_1599, %dma_wait3A_1600] : memref<26x32x128xf32, #tpu.memory_space<vmem>> -> memref<1x32x128xf32, #tpu.memory_space<vmem>>
    %dma_wait3A_1602 = tpu.memref_squeeze %dma_wait3A_1601 : memref<1x32x128xf32, #tpu.memory_space<vmem>> -> memref<32x128xf32, #tpu.memory_space<vmem>>
    %dma_wait3A_1603 = arith.constant 0 : i32
    %dma_wait3A_1604 = arith.constant 0 : i32
    %dma_wait3A_1605 = tpu.memref_slice %arg4[%dma_wait3A_1598, %dma_wait3A_1603, %dma_wait3A_1604] : memref<26x1024x128xf32, #tpu.memory_space<hbm>> -> memref<1x1024x128xf32, #tpu.memory_space<hbm>>
    %dma_wait3A_1606 = tpu.memref_squeeze %dma_wait3A_1605 : memref<1x1024x128xf32, #tpu.memory_space<hbm>> -> memref<1024x128xf32, #tpu.memory_space<hbm>>
    %dma_wait3A_1607 = arith.constant 0 : i32
    %dma_wait3A_1608 = tpu.memref_slice %dma_wait3A_1606[%mul3A_984, %dma_wait3A_1607] : memref<1024x128xf32, #tpu.memory_space<hbm>> -> memref<32x128xf32, #tpu.memory_space<hbm>>
    %dma_wait3A_1609 = arith.constant 0 : i32
    %dma_wait3A_1610 = arith.constant 0 : i32
    %dma_wait3A_1611 = tpu.memref_slice %arg4[%dma_wait3A_1598, %dma_wait3A_1609, %dma_wait3A_1610] : memref<26x1024x128xf32, #tpu.memory_space<hbm>> -> memref<1x1024x128xf32, #tpu.memory_space<hbm>>
    %dma_wait3A_1612 = tpu.memref_squeeze %dma_wait3A_1611 : memref<1x1024x128xf32, #tpu.memory_space<hbm>> -> memref<1024x128xf32, #tpu.memory_space<hbm>>
    %dma_wait3A_1613 = arith.constant 0 : i32
    %dma_wait3A_1614 = tpu.memref_slice %dma_wait3A_1612[%mul3A_984, %dma_wait3A_1613] : memref<1024x128xf32, #tpu.memory_space<hbm>> -> memref<32x128xf32, #tpu.memory_space<hbm>>
    %dma_wait3A_1615 = arith.constant 0 : i32
    %dma_wait3A_1616 = arith.constant 0 : i32
    %dma_wait3A_1617 = tpu.memref_slice %arg6[%dma_wait3A_1597, %dma_wait3A_1615, %dma_wait3A_1616] : memref<26x32x128xf32, #tpu.memory_space<vmem>> -> memref<1x32x128xf32, #tpu.memory_space<vmem>>
    %dma_wait3A_1618 = tpu.memref_squeeze %dma_wait3A_1617 : memref<1x32x128xf32, #tpu.memory_space<vmem>> -> memref<32x128xf32, #tpu.memory_space<vmem>>
    tpu.wait_dma2 semaphore(%arg8 : memref<!tpu.dma_semaphore, #tpu.memory_space<semaphore_mem>>) src(%dma_wait3A_1618 : memref<32x128xf32, #tpu.memory_space<vmem>>) dst(%dma_wait3A_1614 : memref<32x128xf32, #tpu.memory_space<hbm>>)
    %dma_wait3A_1619 = arith.constant 6 : i32
    %dma_wait3A_1620 = arith.constant 6 : i32
    %dma_wait3A_1621 = arith.constant 0 : i32
    %dma_wait3A_1622 = arith.constant 0 : i32
    %dma_wait3A_1623 = tpu.memref_slice %arg6[%dma_wait3A_1619, %dma_wait3A_1621, %dma_wait3A_1622] : memref<26x32x128xf32, #tpu.memory_space<vmem>> -> memref<1x32x128xf32, #tpu.memory_space<vmem>>
    %dma_wait3A_1624 = tpu.memref_squeeze %dma_wait3A_1623 : memref<1x32x128xf32, #tpu.memory_space<vmem>> -> memref<32x128xf32, #tpu.memory_space<vmem>>
    %dma_wait3A_1625 = arith.constant 0 : i32
    %dma_wait3A_1626 = arith.constant 0 : i32
    %dma_wait3A_1627 = tpu.memref_slice %arg4[%dma_wait3A_1620, %dma_wait3A_1625, %dma_wait3A_1626] : memref<26x1024x128xf32, #tpu.memory_space<hbm>> -> memref<1x1024x128xf32, #tpu.memory_space<hbm>>
    %dma_wait3A_1628 = tpu.memref_squeeze %dma_wait3A_1627 : memref<1x1024x128xf32, #tpu.memory_space<hbm>> -> memref<1024x128xf32, #tpu.memory_space<hbm>>
    %dma_wait3A_1629 = arith.constant 0 : i32
    %dma_wait3A_1630 = tpu.memref_slice %dma_wait3A_1628[%mul3A_1008, %dma_wait3A_1629] : memref<1024x128xf32, #tpu.memory_space<hbm>> -> memref<32x128xf32, #tpu.memory_space<hbm>>
    %dma_wait3A_1631 = arith.constant 0 : i32
    %dma_wait3A_1632 = arith.constant 0 : i32
    %dma_wait3A_1633 = tpu.memref_slice %arg4[%dma_wait3A_1620, %dma_wait3A_1631, %dma_wait3A_1632] : memref<26x1024x128xf32, #tpu.memory_space<hbm>> -> memref<1x1024x128xf32, #tpu.memory_space<hbm>>
    %dma_wait3A_1634 = tpu.memref_squeeze %dma_wait3A_1633 : memref<1x1024x128xf32, #tpu.memory_space<hbm>> -> memref<1024x128xf32, #tpu.memory_space<hbm>>
    %dma_wait3A_1635 = arith.constant 0 : i32
    %dma_wait3A_1636 = tpu.memref_slice %dma_wait3A_1634[%mul3A_1008, %dma_wait3A_1635] : memref<1024x128xf32, #tpu.memory_space<hbm>> -> memref<32x128xf32, #tpu.memory_space<hbm>>
    %dma_wait3A_1637 = arith.constant 0 : i32
    %dma_wait3A_1638 = arith.constant 0 : i32
    %dma_wait3A_1639 = tpu.memref_slice %arg6[%dma_wait3A_1619, %dma_wait3A_1637, %dma_wait3A_1638] : memref<26x32x128xf32, #tpu.memory_space<vmem>> -> memref<1x32x128xf32, #tpu.memory_space<vmem>>
    %dma_wait3A_1640 = tpu.memref_squeeze %dma_wait3A_1639 : memref<1x32x128xf32, #tpu.memory_space<vmem>> -> memref<32x128xf32, #tpu.memory_space<vmem>>
    tpu.wait_dma2 semaphore(%arg8 : memref<!tpu.dma_semaphore, #tpu.memory_space<semaphore_mem>>) src(%dma_wait3A_1640 : memref<32x128xf32, #tpu.memory_space<vmem>>) dst(%dma_wait3A_1636 : memref<32x128xf32, #tpu.memory_space<hbm>>)
    %dma_wait3A_1641 = arith.constant 7 : i32
    %dma_wait3A_1642 = arith.constant 7 : i32
    %dma_wait3A_1643 = arith.constant 0 : i32
    %dma_wait3A_1644 = arith.constant 0 : i32
    %dma_wait3A_1645 = tpu.memref_slice %arg6[%dma_wait3A_1641, %dma_wait3A_1643, %dma_wait3A_1644] : memref<26x32x128xf32, #tpu.memory_space<vmem>> -> memref<1x32x128xf32, #tpu.memory_space<vmem>>
    %dma_wait3A_1646 = tpu.memref_squeeze %dma_wait3A_1645 : memref<1x32x128xf32, #tpu.memory_space<vmem>> -> memref<32x128xf32, #tpu.memory_space<vmem>>
    %dma_wait3A_1647 = arith.constant 0 : i32
    %dma_wait3A_1648 = arith.constant 0 : i32
    %dma_wait3A_1649 = tpu.memref_slice %arg4[%dma_wait3A_1642, %dma_wait3A_1647, %dma_wait3A_1648] : memref<26x1024x128xf32, #tpu.memory_space<hbm>> -> memref<1x1024x128xf32, #tpu.memory_space<hbm>>
    %dma_wait3A_1650 = tpu.memref_squeeze %dma_wait3A_1649 : memref<1x1024x128xf32, #tpu.memory_space<hbm>> -> memref<1024x128xf32, #tpu.memory_space<hbm>>
    %dma_wait3A_1651 = arith.constant 0 : i32
    %dma_wait3A_1652 = tpu.memref_slice %dma_wait3A_1650[%mul3A_1032, %dma_wait3A_1651] : memref<1024x128xf32, #tpu.memory_space<hbm>> -> memref<32x128xf32, #tpu.memory_space<hbm>>
    %dma_wait3A_1653 = arith.constant 0 : i32
    %dma_wait3A_1654 = arith.constant 0 : i32
    %dma_wait3A_1655 = tpu.memref_slice %arg4[%dma_wait3A_1642, %dma_wait3A_1653, %dma_wait3A_1654] : memref<26x1024x128xf32, #tpu.memory_space<hbm>> -> memref<1x1024x128xf32, #tpu.memory_space<hbm>>
    %dma_wait3A_1656 = tpu.memref_squeeze %dma_wait3A_1655 : memref<1x1024x128xf32, #tpu.memory_space<hbm>> -> memref<1024x128xf32, #tpu.memory_space<hbm>>
    %dma_wait3A_1657 = arith.constant 0 : i32
    %dma_wait3A_1658 = tpu.memref_slice %dma_wait3A_1656[%mul3A_1032, %dma_wait3A_1657] : memref<1024x128xf32, #tpu.memory_space<hbm>> -> memref<32x128xf32, #tpu.memory_space<hbm>>
    %dma_wait3A_1659 = arith.constant 0 : i32
    %dma_wait3A_1660 = arith.constant 0 : i32
    %dma_wait3A_1661 = tpu.memref_slice %arg6[%dma_wait3A_1641, %dma_wait3A_1659, %dma_wait3A_1660] : memref<26x32x128xf32, #tpu.memory_space<vmem>> -> memref<1x32x128xf32, #tpu.memory_space<vmem>>
    %dma_wait3A_1662 = tpu.memref_squeeze %dma_wait3A_1661 : memref<1x32x128xf32, #tpu.memory_space<vmem>> -> memref<32x128xf32, #tpu.memory_space<vmem>>
    tpu.wait_dma2 semaphore(%arg8 : memref<!tpu.dma_semaphore, #tpu.memory_space<semaphore_mem>>) src(%dma_wait3A_1662 : memref<32x128xf32, #tpu.memory_space<vmem>>) dst(%dma_wait3A_1658 : memref<32x128xf32, #tpu.memory_space<hbm>>)
    %dma_wait3A_1663 = arith.constant 8 : i32
    %dma_wait3A_1664 = arith.constant 8 : i32
    %dma_wait3A_1665 = arith.constant 0 : i32
    %dma_wait3A_1666 = arith.constant 0 : i32
    %dma_wait3A_1667 = tpu.memref_slice %arg6[%dma_wait3A_1663, %dma_wait3A_1665, %dma_wait3A_1666] : memref<26x32x128xf32, #tpu.memory_space<vmem>> -> memref<1x32x128xf32, #tpu.memory_space<vmem>>
    %dma_wait3A_1668 = tpu.memref_squeeze %dma_wait3A_1667 : memref<1x32x128xf32, #tpu.memory_space<vmem>> -> memref<32x128xf32, #tpu.memory_space<vmem>>
    %dma_wait3A_1669 = arith.constant 0 : i32
    %dma_wait3A_1670 = arith.constant 0 : i32
    %dma_wait3A_1671 = tpu.memref_slice %arg4[%dma_wait3A_1664, %dma_wait3A_1669, %dma_wait3A_1670] : memref<26x1024x128xf32, #tpu.memory_space<hbm>> -> memref<1x1024x128xf32, #tpu.memory_space<hbm>>
    %dma_wait3A_1672 = tpu.memref_squeeze %dma_wait3A_1671 : memref<1x1024x128xf32, #tpu.memory_space<hbm>> -> memref<1024x128xf32, #tpu.memory_space<hbm>>
    %dma_wait3A_1673 = arith.constant 0 : i32
    %dma_wait3A_1674 = tpu.memref_slice %dma_wait3A_1672[%mul3A_1056, %dma_wait3A_1673] : memref<1024x128xf32, #tpu.memory_space<hbm>> -> memref<32x128xf32, #tpu.memory_space<hbm>>
    %dma_wait3A_1675 = arith.constant 0 : i32
    %dma_wait3A_1676 = arith.constant 0 : i32
    %dma_wait3A_1677 = tpu.memref_slice %arg4[%dma_wait3A_1664, %dma_wait3A_1675, %dma_wait3A_1676] : memref<26x1024x128xf32, #tpu.memory_space<hbm>> -> memref<1x1024x128xf32, #tpu.memory_space<hbm>>
    %dma_wait3A_1678 = tpu.memref_squeeze %dma_wait3A_1677 : memref<1x1024x128xf32, #tpu.memory_space<hbm>> -> memref<1024x128xf32, #tpu.memory_space<hbm>>
    %dma_wait3A_1679 = arith.constant 0 : i32
    %dma_wait3A_1680 = tpu.memref_slice %dma_wait3A_1678[%mul3A_1056, %dma_wait3A_1679] : memref<1024x128xf32, #tpu.memory_space<hbm>> -> memref<32x128xf32, #tpu.memory_space<hbm>>
    %dma_wait3A_1681 = arith.constant 0 : i32
    %dma_wait3A_1682 = arith.constant 0 : i32
    %dma_wait3A_1683 = tpu.memref_slice %arg6[%dma_wait3A_1663, %dma_wait3A_1681, %dma_wait3A_1682] : memref<26x32x128xf32, #tpu.memory_space<vmem>> -> memref<1x32x128xf32, #tpu.memory_space<vmem>>
    %dma_wait3A_1684 = tpu.memref_squeeze %dma_wait3A_1683 : memref<1x32x128xf32, #tpu.memory_space<vmem>> -> memref<32x128xf32, #tpu.memory_space<vmem>>
    tpu.wait_dma2 semaphore(%arg8 : memref<!tpu.dma_semaphore, #tpu.memory_space<semaphore_mem>>) src(%dma_wait3A_1684 : memref<32x128xf32, #tpu.memory_space<vmem>>) dst(%dma_wait3A_1680 : memref<32x128xf32, #tpu.memory_space<hbm>>)
    %dma_wait3A_1685 = arith.constant 9 : i32
    %dma_wait3A_1686 = arith.constant 9 : i32
    %dma_wait3A_1687 = arith.constant 0 : i32
    %dma_wait3A_1688 = arith.constant 0 : i32
    %dma_wait3A_1689 = tpu.memref_slice %arg6[%dma_wait3A_1685, %dma_wait3A_1687, %dma_wait3A_1688] : memref<26x32x128xf32, #tpu.memory_space<vmem>> -> memref<1x32x128xf32, #tpu.memory_space<vmem>>
    %dma_wait3A_1690 = tpu.memref_squeeze %dma_wait3A_1689 : memref<1x32x128xf32, #tpu.memory_space<vmem>> -> memref<32x128xf32, #tpu.memory_space<vmem>>
    %dma_wait3A_1691 = arith.constant 0 : i32
    %dma_wait3A_1692 = arith.constant 0 : i32
    %dma_wait3A_1693 = tpu.memref_slice %arg4[%dma_wait3A_1686, %dma_wait3A_1691, %dma_wait3A_1692] : memref<26x1024x128xf32, #tpu.memory_space<hbm>> -> memref<1x1024x128xf32, #tpu.memory_space<hbm>>
    %dma_wait3A_1694 = tpu.memref_squeeze %dma_wait3A_1693 : memref<1x1024x128xf32, #tpu.memory_space<hbm>> -> memref<1024x128xf32, #tpu.memory_space<hbm>>
    %dma_wait3A_1695 = arith.constant 0 : i32
    %dma_wait3A_1696 = tpu.memref_slice %dma_wait3A_1694[%mul3A_1080, %dma_wait3A_1695] : memref<1024x128xf32, #tpu.memory_space<hbm>> -> memref<32x128xf32, #tpu.memory_space<hbm>>
    %dma_wait3A_1697 = arith.constant 0 : i32
    %dma_wait3A_1698 = arith.constant 0 : i32
    %dma_wait3A_1699 = tpu.memref_slice %arg4[%dma_wait3A_1686, %dma_wait3A_1697, %dma_wait3A_1698] : memref<26x1024x128xf32, #tpu.memory_space<hbm>> -> memref<1x1024x128xf32, #tpu.memory_space<hbm>>
    %dma_wait3A_1700 = tpu.memref_squeeze %dma_wait3A_1699 : memref<1x1024x128xf32, #tpu.memory_space<hbm>> -> memref<1024x128xf32, #tpu.memory_space<hbm>>
    %dma_wait3A_1701 = arith.constant 0 : i32
    %dma_wait3A_1702 = tpu.memref_slice %dma_wait3A_1700[%mul3A_1080, %dma_wait3A_1701] : memref<1024x128xf32, #tpu.memory_space<hbm>> -> memref<32x128xf32, #tpu.memory_space<hbm>>
    %dma_wait3A_1703 = arith.constant 0 : i32
    %dma_wait3A_1704 = arith.constant 0 : i32
    %dma_wait3A_1705 = tpu.memref_slice %arg6[%dma_wait3A_1685, %dma_wait3A_1703, %dma_wait3A_1704] : memref<26x32x128xf32, #tpu.memory_space<vmem>> -> memref<1x32x128xf32, #tpu.memory_space<vmem>>
    %dma_wait3A_1706 = tpu.memref_squeeze %dma_wait3A_1705 : memref<1x32x128xf32, #tpu.memory_space<vmem>> -> memref<32x128xf32, #tpu.memory_space<vmem>>
    tpu.wait_dma2 semaphore(%arg8 : memref<!tpu.dma_semaphore, #tpu.memory_space<semaphore_mem>>) src(%dma_wait3A_1706 : memref<32x128xf32, #tpu.memory_space<vmem>>) dst(%dma_wait3A_1702 : memref<32x128xf32, #tpu.memory_space<hbm>>)
    %dma_wait3A_1707 = arith.constant 10 : i32
    %dma_wait3A_1708 = arith.constant 10 : i32
    %dma_wait3A_1709 = arith.constant 0 : i32
    %dma_wait3A_1710 = arith.constant 0 : i32
    %dma_wait3A_1711 = tpu.memref_slice %arg6[%dma_wait3A_1707, %dma_wait3A_1709, %dma_wait3A_1710] : memref<26x32x128xf32, #tpu.memory_space<vmem>> -> memref<1x32x128xf32, #tpu.memory_space<vmem>>
    %dma_wait3A_1712 = tpu.memref_squeeze %dma_wait3A_1711 : memref<1x32x128xf32, #tpu.memory_space<vmem>> -> memref<32x128xf32, #tpu.memory_space<vmem>>
    %dma_wait3A_1713 = arith.constant 0 : i32
    %dma_wait3A_1714 = arith.constant 0 : i32
    %dma_wait3A_1715 = tpu.memref_slice %arg4[%dma_wait3A_1708, %dma_wait3A_1713, %dma_wait3A_1714] : memref<26x1024x128xf32, #tpu.memory_space<hbm>> -> memref<1x1024x128xf32, #tpu.memory_space<hbm>>
    %dma_wait3A_1716 = tpu.memref_squeeze %dma_wait3A_1715 : memref<1x1024x128xf32, #tpu.memory_space<hbm>> -> memref<1024x128xf32, #tpu.memory_space<hbm>>
    %dma_wait3A_1717 = arith.constant 0 : i32
    %dma_wait3A_1718 = tpu.memref_slice %dma_wait3A_1716[%mul3A_1104, %dma_wait3A_1717] : memref<1024x128xf32, #tpu.memory_space<hbm>> -> memref<32x128xf32, #tpu.memory_space<hbm>>
    %dma_wait3A_1719 = arith.constant 0 : i32
    %dma_wait3A_1720 = arith.constant 0 : i32
    %dma_wait3A_1721 = tpu.memref_slice %arg4[%dma_wait3A_1708, %dma_wait3A_1719, %dma_wait3A_1720] : memref<26x1024x128xf32, #tpu.memory_space<hbm>> -> memref<1x1024x128xf32, #tpu.memory_space<hbm>>
    %dma_wait3A_1722 = tpu.memref_squeeze %dma_wait3A_1721 : memref<1x1024x128xf32, #tpu.memory_space<hbm>> -> memref<1024x128xf32, #tpu.memory_space<hbm>>
    %dma_wait3A_1723 = arith.constant 0 : i32
    %dma_wait3A_1724 = tpu.memref_slice %dma_wait3A_1722[%mul3A_1104, %dma_wait3A_1723] : memref<1024x128xf32, #tpu.memory_space<hbm>> -> memref<32x128xf32, #tpu.memory_space<hbm>>
    %dma_wait3A_1725 = arith.constant 0 : i32
    %dma_wait3A_1726 = arith.constant 0 : i32
    %dma_wait3A_1727 = tpu.memref_slice %arg6[%dma_wait3A_1707, %dma_wait3A_1725, %dma_wait3A_1726] : memref<26x32x128xf32, #tpu.memory_space<vmem>> -> memref<1x32x128xf32, #tpu.memory_space<vmem>>
    %dma_wait3A_1728 = tpu.memref_squeeze %dma_wait3A_1727 : memref<1x32x128xf32, #tpu.memory_space<vmem>> -> memref<32x128xf32, #tpu.memory_space<vmem>>
    tpu.wait_dma2 semaphore(%arg8 : memref<!tpu.dma_semaphore, #tpu.memory_space<semaphore_mem>>) src(%dma_wait3A_1728 : memref<32x128xf32, #tpu.memory_space<vmem>>) dst(%dma_wait3A_1724 : memref<32x128xf32, #tpu.memory_space<hbm>>)
    %dma_wait3A_1729 = arith.constant 11 : i32
    %dma_wait3A_1730 = arith.constant 11 : i32
    %dma_wait3A_1731 = arith.constant 0 : i32
    %dma_wait3A_1732 = arith.constant 0 : i32
    %dma_wait3A_1733 = tpu.memref_slice %arg6[%dma_wait3A_1729, %dma_wait3A_1731, %dma_wait3A_1732] : memref<26x32x128xf32, #tpu.memory_space<vmem>> -> memref<1x32x128xf32, #tpu.memory_space<vmem>>
    %dma_wait3A_1734 = tpu.memref_squeeze %dma_wait3A_1733 : memref<1x32x128xf32, #tpu.memory_space<vmem>> -> memref<32x128xf32, #tpu.memory_space<vmem>>
    %dma_wait3A_1735 = arith.constant 0 : i32
    %dma_wait3A_1736 = arith.constant 0 : i32
    %dma_wait3A_1737 = tpu.memref_slice %arg4[%dma_wait3A_1730, %dma_wait3A_1735, %dma_wait3A_1736] : memref<26x1024x128xf32, #tpu.memory_space<hbm>> -> memref<1x1024x128xf32, #tpu.memory_space<hbm>>
    %dma_wait3A_1738 = tpu.memref_squeeze %dma_wait3A_1737 : memref<1x1024x128xf32, #tpu.memory_space<hbm>> -> memref<1024x128xf32, #tpu.memory_space<hbm>>
    %dma_wait3A_1739 = arith.constant 0 : i32
    %dma_wait3A_1740 = tpu.memref_slice %dma_wait3A_1738[%mul3A_1128, %dma_wait3A_1739] : memref<1024x128xf32, #tpu.memory_space<hbm>> -> memref<32x128xf32, #tpu.memory_space<hbm>>
    %dma_wait3A_1741 = arith.constant 0 : i32
    %dma_wait3A_1742 = arith.constant 0 : i32
    %dma_wait3A_1743 = tpu.memref_slice %arg4[%dma_wait3A_1730, %dma_wait3A_1741, %dma_wait3A_1742] : memref<26x1024x128xf32, #tpu.memory_space<hbm>> -> memref<1x1024x128xf32, #tpu.memory_space<hbm>>
    %dma_wait3A_1744 = tpu.memref_squeeze %dma_wait3A_1743 : memref<1x1024x128xf32, #tpu.memory_space<hbm>> -> memref<1024x128xf32, #tpu.memory_space<hbm>>
    %dma_wait3A_1745 = arith.constant 0 : i32
    %dma_wait3A_1746 = tpu.memref_slice %dma_wait3A_1744[%mul3A_1128, %dma_wait3A_1745] : memref<1024x128xf32, #tpu.memory_space<hbm>> -> memref<32x128xf32, #tpu.memory_space<hbm>>
    %dma_wait3A_1747 = arith.constant 0 : i32
    %dma_wait3A_1748 = arith.constant 0 : i32
    %dma_wait3A_1749 = tpu.memref_slice %arg6[%dma_wait3A_1729, %dma_wait3A_1747, %dma_wait3A_1748] : memref<26x32x128xf32, #tpu.memory_space<vmem>> -> memref<1x32x128xf32, #tpu.memory_space<vmem>>
    %dma_wait3A_1750 = tpu.memref_squeeze %dma_wait3A_1749 : memref<1x32x128xf32, #tpu.memory_space<vmem>> -> memref<32x128xf32, #tpu.memory_space<vmem>>
    tpu.wait_dma2 semaphore(%arg8 : memref<!tpu.dma_semaphore, #tpu.memory_space<semaphore_mem>>) src(%dma_wait3A_1750 : memref<32x128xf32, #tpu.memory_space<vmem>>) dst(%dma_wait3A_1746 : memref<32x128xf32, #tpu.memory_space<hbm>>)
    %dma_wait3A_1751 = arith.constant 12 : i32
    %dma_wait3A_1752 = arith.constant 12 : i32
    %dma_wait3A_1753 = arith.constant 0 : i32
    %dma_wait3A_1754 = arith.constant 0 : i32
    %dma_wait3A_1755 = tpu.memref_slice %arg6[%dma_wait3A_1751, %dma_wait3A_1753, %dma_wait3A_1754] : memref<26x32x128xf32, #tpu.memory_space<vmem>> -> memref<1x32x128xf32, #tpu.memory_space<vmem>>
    %dma_wait3A_1756 = tpu.memref_squeeze %dma_wait3A_1755 : memref<1x32x128xf32, #tpu.memory_space<vmem>> -> memref<32x128xf32, #tpu.memory_space<vmem>>
    %dma_wait3A_1757 = arith.constant 0 : i32
    %dma_wait3A_1758 = arith.constant 0 : i32
    %dma_wait3A_1759 = tpu.memref_slice %arg4[%dma_wait3A_1752, %dma_wait3A_1757, %dma_wait3A_1758] : memref<26x1024x128xf32, #tpu.memory_space<hbm>> -> memref<1x1024x128xf32, #tpu.memory_space<hbm>>
    %dma_wait3A_1760 = tpu.memref_squeeze %dma_wait3A_1759 : memref<1x1024x128xf32, #tpu.memory_space<hbm>> -> memref<1024x128xf32, #tpu.memory_space<hbm>>
    %dma_wait3A_1761 = arith.constant 0 : i32
    %dma_wait3A_1762 = tpu.memref_slice %dma_wait3A_1760[%mul3A_1152, %dma_wait3A_1761] : memref<1024x128xf32, #tpu.memory_space<hbm>> -> memref<32x128xf32, #tpu.memory_space<hbm>>
    %dma_wait3A_1763 = arith.constant 0 : i32
    %dma_wait3A_1764 = arith.constant 0 : i32
    %dma_wait3A_1765 = tpu.memref_slice %arg4[%dma_wait3A_1752, %dma_wait3A_1763, %dma_wait3A_1764] : memref<26x1024x128xf32, #tpu.memory_space<hbm>> -> memref<1x1024x128xf32, #tpu.memory_space<hbm>>
    %dma_wait3A_1766 = tpu.memref_squeeze %dma_wait3A_1765 : memref<1x1024x128xf32, #tpu.memory_space<hbm>> -> memref<1024x128xf32, #tpu.memory_space<hbm>>
    %dma_wait3A_1767 = arith.constant 0 : i32
    %dma_wait3A_1768 = tpu.memref_slice %dma_wait3A_1766[%mul3A_1152, %dma_wait3A_1767] : memref<1024x128xf32, #tpu.memory_space<hbm>> -> memref<32x128xf32, #tpu.memory_space<hbm>>
    %dma_wait3A_1769 = arith.constant 0 : i32
    %dma_wait3A_1770 = arith.constant 0 : i32
    %dma_wait3A_1771 = tpu.memref_slice %arg6[%dma_wait3A_1751, %dma_wait3A_1769, %dma_wait3A_1770] : memref<26x32x128xf32, #tpu.memory_space<vmem>> -> memref<1x32x128xf32, #tpu.memory_space<vmem>>
    %dma_wait3A_1772 = tpu.memref_squeeze %dma_wait3A_1771 : memref<1x32x128xf32, #tpu.memory_space<vmem>> -> memref<32x128xf32, #tpu.memory_space<vmem>>
    tpu.wait_dma2 semaphore(%arg8 : memref<!tpu.dma_semaphore, #tpu.memory_space<semaphore_mem>>) src(%dma_wait3A_1772 : memref<32x128xf32, #tpu.memory_space<vmem>>) dst(%dma_wait3A_1768 : memref<32x128xf32, #tpu.memory_space<hbm>>)
    %dma_wait3A_1773 = arith.constant 13 : i32
    %dma_wait3A_1774 = arith.constant 13 : i32
    %dma_wait3A_1775 = arith.constant 0 : i32
    %dma_wait3A_1776 = arith.constant 0 : i32
    %dma_wait3A_1777 = tpu.memref_slice %arg6[%dma_wait3A_1773, %dma_wait3A_1775, %dma_wait3A_1776] : memref<26x32x128xf32, #tpu.memory_space<vmem>> -> memref<1x32x128xf32, #tpu.memory_space<vmem>>
    %dma_wait3A_1778 = tpu.memref_squeeze %dma_wait3A_1777 : memref<1x32x128xf32, #tpu.memory_space<vmem>> -> memref<32x128xf32, #tpu.memory_space<vmem>>
    %dma_wait3A_1779 = arith.constant 0 : i32
    %dma_wait3A_1780 = arith.constant 0 : i32
    %dma_wait3A_1781 = tpu.memref_slice %arg4[%dma_wait3A_1774, %dma_wait3A_1779, %dma_wait3A_1780] : memref<26x1024x128xf32, #tpu.memory_space<hbm>> -> memref<1x1024x128xf32, #tpu.memory_space<hbm>>
    %dma_wait3A_1782 = tpu.memref_squeeze %dma_wait3A_1781 : memref<1x1024x128xf32, #tpu.memory_space<hbm>> -> memref<1024x128xf32, #tpu.memory_space<hbm>>
    %dma_wait3A_1783 = arith.constant 0 : i32
    %dma_wait3A_1784 = tpu.memref_slice %dma_wait3A_1782[%mul3A_1176, %dma_wait3A_1783] : memref<1024x128xf32, #tpu.memory_space<hbm>> -> memref<32x128xf32, #tpu.memory_space<hbm>>
    %dma_wait3A_1785 = arith.constant 0 : i32
    %dma_wait3A_1786 = arith.constant 0 : i32
    %dma_wait3A_1787 = tpu.memref_slice %arg4[%dma_wait3A_1774, %dma_wait3A_1785, %dma_wait3A_1786] : memref<26x1024x128xf32, #tpu.memory_space<hbm>> -> memref<1x1024x128xf32, #tpu.memory_space<hbm>>
    %dma_wait3A_1788 = tpu.memref_squeeze %dma_wait3A_1787 : memref<1x1024x128xf32, #tpu.memory_space<hbm>> -> memref<1024x128xf32, #tpu.memory_space<hbm>>
    %dma_wait3A_1789 = arith.constant 0 : i32
    %dma_wait3A_1790 = tpu.memref_slice %dma_wait3A_1788[%mul3A_1176, %dma_wait3A_1789] : memref<1024x128xf32, #tpu.memory_space<hbm>> -> memref<32x128xf32, #tpu.memory_space<hbm>>
    %dma_wait3A_1791 = arith.constant 0 : i32
    %dma_wait3A_1792 = arith.constant 0 : i32
    %dma_wait3A_1793 = tpu.memref_slice %arg6[%dma_wait3A_1773, %dma_wait3A_1791, %dma_wait3A_1792] : memref<26x32x128xf32, #tpu.memory_space<vmem>> -> memref<1x32x128xf32, #tpu.memory_space<vmem>>
    %dma_wait3A_1794 = tpu.memref_squeeze %dma_wait3A_1793 : memref<1x32x128xf32, #tpu.memory_space<vmem>> -> memref<32x128xf32, #tpu.memory_space<vmem>>
    tpu.wait_dma2 semaphore(%arg8 : memref<!tpu.dma_semaphore, #tpu.memory_space<semaphore_mem>>) src(%dma_wait3A_1794 : memref<32x128xf32, #tpu.memory_space<vmem>>) dst(%dma_wait3A_1790 : memref<32x128xf32, #tpu.memory_space<hbm>>)
    %dma_wait3A_1795 = arith.constant 14 : i32
    %dma_wait3A_1796 = arith.constant 14 : i32
    %dma_wait3A_1797 = arith.constant 0 : i32
    %dma_wait3A_1798 = arith.constant 0 : i32
    %dma_wait3A_1799 = tpu.memref_slice %arg6[%dma_wait3A_1795, %dma_wait3A_1797, %dma_wait3A_1798] : memref<26x32x128xf32, #tpu.memory_space<vmem>> -> memref<1x32x128xf32, #tpu.memory_space<vmem>>
    %dma_wait3A_1800 = tpu.memref_squeeze %dma_wait3A_1799 : memref<1x32x128xf32, #tpu.memory_space<vmem>> -> memref<32x128xf32, #tpu.memory_space<vmem>>
    %dma_wait3A_1801 = arith.constant 0 : i32
    %dma_wait3A_1802 = arith.constant 0 : i32
    %dma_wait3A_1803 = tpu.memref_slice %arg4[%dma_wait3A_1796, %dma_wait3A_1801, %dma_wait3A_1802] : memref<26x1024x128xf32, #tpu.memory_space<hbm>> -> memref<1x1024x128xf32, #tpu.memory_space<hbm>>
    %dma_wait3A_1804 = tpu.memref_squeeze %dma_wait3A_1803 : memref<1x1024x128xf32, #tpu.memory_space<hbm>> -> memref<1024x128xf32, #tpu.memory_space<hbm>>
    %dma_wait3A_1805 = arith.constant 0 : i32
    %dma_wait3A_1806 = tpu.memref_slice %dma_wait3A_1804[%mul3A_1200, %dma_wait3A_1805] : memref<1024x128xf32, #tpu.memory_space<hbm>> -> memref<32x128xf32, #tpu.memory_space<hbm>>
    %dma_wait3A_1807 = arith.constant 0 : i32
    %dma_wait3A_1808 = arith.constant 0 : i32
    %dma_wait3A_1809 = tpu.memref_slice %arg4[%dma_wait3A_1796, %dma_wait3A_1807, %dma_wait3A_1808] : memref<26x1024x128xf32, #tpu.memory_space<hbm>> -> memref<1x1024x128xf32, #tpu.memory_space<hbm>>
    %dma_wait3A_1810 = tpu.memref_squeeze %dma_wait3A_1809 : memref<1x1024x128xf32, #tpu.memory_space<hbm>> -> memref<1024x128xf32, #tpu.memory_space<hbm>>
    %dma_wait3A_1811 = arith.constant 0 : i32
    %dma_wait3A_1812 = tpu.memref_slice %dma_wait3A_1810[%mul3A_1200, %dma_wait3A_1811] : memref<1024x128xf32, #tpu.memory_space<hbm>> -> memref<32x128xf32, #tpu.memory_space<hbm>>
    %dma_wait3A_1813 = arith.constant 0 : i32
    %dma_wait3A_1814 = arith.constant 0 : i32
    %dma_wait3A_1815 = tpu.memref_slice %arg6[%dma_wait3A_1795, %dma_wait3A_1813, %dma_wait3A_1814] : memref<26x32x128xf32, #tpu.memory_space<vmem>> -> memref<1x32x128xf32, #tpu.memory_space<vmem>>
    %dma_wait3A_1816 = tpu.memref_squeeze %dma_wait3A_1815 : memref<1x32x128xf32, #tpu.memory_space<vmem>> -> memref<32x128xf32, #tpu.memory_space<vmem>>
    tpu.wait_dma2 semaphore(%arg8 : memref<!tpu.dma_semaphore, #tpu.memory_space<semaphore_mem>>) src(%dma_wait3A_1816 : memref<32x128xf32, #tpu.memory_space<vmem>>) dst(%dma_wait3A_1812 : memref<32x128xf32, #tpu.memory_space<hbm>>)
    %dma_wait3A_1817 = arith.constant 15 : i32
    %dma_wait3A_1818 = arith.constant 15 : i32
    %dma_wait3A_1819 = arith.constant 0 : i32
    %dma_wait3A_1820 = arith.constant 0 : i32
    %dma_wait3A_1821 = tpu.memref_slice %arg6[%dma_wait3A_1817, %dma_wait3A_1819, %dma_wait3A_1820] : memref<26x32x128xf32, #tpu.memory_space<vmem>> -> memref<1x32x128xf32, #tpu.memory_space<vmem>>
    %dma_wait3A_1822 = tpu.memref_squeeze %dma_wait3A_1821 : memref<1x32x128xf32, #tpu.memory_space<vmem>> -> memref<32x128xf32, #tpu.memory_space<vmem>>
    %dma_wait3A_1823 = arith.constant 0 : i32
    %dma_wait3A_1824 = arith.constant 0 : i32
    %dma_wait3A_1825 = tpu.memref_slice %arg4[%dma_wait3A_1818, %dma_wait3A_1823, %dma_wait3A_1824] : memref<26x1024x128xf32, #tpu.memory_space<hbm>> -> memref<1x1024x128xf32, #tpu.memory_space<hbm>>
    %dma_wait3A_1826 = tpu.memref_squeeze %dma_wait3A_1825 : memref<1x1024x128xf32, #tpu.memory_space<hbm>> -> memref<1024x128xf32, #tpu.memory_space<hbm>>
    %dma_wait3A_1827 = arith.constant 0 : i32
    %dma_wait3A_1828 = tpu.memref_slice %dma_wait3A_1826[%mul3A_1224, %dma_wait3A_1827] : memref<1024x128xf32, #tpu.memory_space<hbm>> -> memref<32x128xf32, #tpu.memory_space<hbm>>
    %dma_wait3A_1829 = arith.constant 0 : i32
    %dma_wait3A_1830 = arith.constant 0 : i32
    %dma_wait3A_1831 = tpu.memref_slice %arg4[%dma_wait3A_1818, %dma_wait3A_1829, %dma_wait3A_1830] : memref<26x1024x128xf32, #tpu.memory_space<hbm>> -> memref<1x1024x128xf32, #tpu.memory_space<hbm>>
    %dma_wait3A_1832 = tpu.memref_squeeze %dma_wait3A_1831 : memref<1x1024x128xf32, #tpu.memory_space<hbm>> -> memref<1024x128xf32, #tpu.memory_space<hbm>>
    %dma_wait3A_1833 = arith.constant 0 : i32
    %dma_wait3A_1834 = tpu.memref_slice %dma_wait3A_1832[%mul3A_1224, %dma_wait3A_1833] : memref<1024x128xf32, #tpu.memory_space<hbm>> -> memref<32x128xf32, #tpu.memory_space<hbm>>
    %dma_wait3A_1835 = arith.constant 0 : i32
    %dma_wait3A_1836 = arith.constant 0 : i32
    %dma_wait3A_1837 = tpu.memref_slice %arg6[%dma_wait3A_1817, %dma_wait3A_1835, %dma_wait3A_1836] : memref<26x32x128xf32, #tpu.memory_space<vmem>> -> memref<1x32x128xf32, #tpu.memory_space<vmem>>
    %dma_wait3A_1838 = tpu.memref_squeeze %dma_wait3A_1837 : memref<1x32x128xf32, #tpu.memory_space<vmem>> -> memref<32x128xf32, #tpu.memory_space<vmem>>
    tpu.wait_dma2 semaphore(%arg8 : memref<!tpu.dma_semaphore, #tpu.memory_space<semaphore_mem>>) src(%dma_wait3A_1838 : memref<32x128xf32, #tpu.memory_space<vmem>>) dst(%dma_wait3A_1834 : memref<32x128xf32, #tpu.memory_space<hbm>>)
    %dma_wait3A_1839 = arith.constant 16 : i32
    %dma_wait3A_1840 = arith.constant 16 : i32
    %dma_wait3A_1841 = arith.constant 0 : i32
    %dma_wait3A_1842 = arith.constant 0 : i32
    %dma_wait3A_1843 = tpu.memref_slice %arg6[%dma_wait3A_1839, %dma_wait3A_1841, %dma_wait3A_1842] : memref<26x32x128xf32, #tpu.memory_space<vmem>> -> memref<1x32x128xf32, #tpu.memory_space<vmem>>
    %dma_wait3A_1844 = tpu.memref_squeeze %dma_wait3A_1843 : memref<1x32x128xf32, #tpu.memory_space<vmem>> -> memref<32x128xf32, #tpu.memory_space<vmem>>
    %dma_wait3A_1845 = arith.constant 0 : i32
    %dma_wait3A_1846 = arith.constant 0 : i32
    %dma_wait3A_1847 = tpu.memref_slice %arg4[%dma_wait3A_1840, %dma_wait3A_1845, %dma_wait3A_1846] : memref<26x1024x128xf32, #tpu.memory_space<hbm>> -> memref<1x1024x128xf32, #tpu.memory_space<hbm>>
    %dma_wait3A_1848 = tpu.memref_squeeze %dma_wait3A_1847 : memref<1x1024x128xf32, #tpu.memory_space<hbm>> -> memref<1024x128xf32, #tpu.memory_space<hbm>>
    %dma_wait3A_1849 = arith.constant 0 : i32
    %dma_wait3A_1850 = tpu.memref_slice %dma_wait3A_1848[%mul3A_1248, %dma_wait3A_1849] : memref<1024x128xf32, #tpu.memory_space<hbm>> -> memref<32x128xf32, #tpu.memory_space<hbm>>
    %dma_wait3A_1851 = arith.constant 0 : i32
    %dma_wait3A_1852 = arith.constant 0 : i32
    %dma_wait3A_1853 = tpu.memref_slice %arg4[%dma_wait3A_1840, %dma_wait3A_1851, %dma_wait3A_1852] : memref<26x1024x128xf32, #tpu.memory_space<hbm>> -> memref<1x1024x128xf32, #tpu.memory_space<hbm>>
    %dma_wait3A_1854 = tpu.memref_squeeze %dma_wait3A_1853 : memref<1x1024x128xf32, #tpu.memory_space<hbm>> -> memref<1024x128xf32, #tpu.memory_space<hbm>>
    %dma_wait3A_1855 = arith.constant 0 : i32
    %dma_wait3A_1856 = tpu.memref_slice %dma_wait3A_1854[%mul3A_1248, %dma_wait3A_1855] : memref<1024x128xf32, #tpu.memory_space<hbm>> -> memref<32x128xf32, #tpu.memory_space<hbm>>
    %dma_wait3A_1857 = arith.constant 0 : i32
    %dma_wait3A_1858 = arith.constant 0 : i32
    %dma_wait3A_1859 = tpu.memref_slice %arg6[%dma_wait3A_1839, %dma_wait3A_1857, %dma_wait3A_1858] : memref<26x32x128xf32, #tpu.memory_space<vmem>> -> memref<1x32x128xf32, #tpu.memory_space<vmem>>
    %dma_wait3A_1860 = tpu.memref_squeeze %dma_wait3A_1859 : memref<1x32x128xf32, #tpu.memory_space<vmem>> -> memref<32x128xf32, #tpu.memory_space<vmem>>
    tpu.wait_dma2 semaphore(%arg8 : memref<!tpu.dma_semaphore, #tpu.memory_space<semaphore_mem>>) src(%dma_wait3A_1860 : memref<32x128xf32, #tpu.memory_space<vmem>>) dst(%dma_wait3A_1856 : memref<32x128xf32, #tpu.memory_space<hbm>>)
    %dma_wait3A_1861 = arith.constant 17 : i32
    %dma_wait3A_1862 = arith.constant 17 : i32
    %dma_wait3A_1863 = arith.constant 0 : i32
    %dma_wait3A_1864 = arith.constant 0 : i32
    %dma_wait3A_1865 = tpu.memref_slice %arg6[%dma_wait3A_1861, %dma_wait3A_1863, %dma_wait3A_1864] : memref<26x32x128xf32, #tpu.memory_space<vmem>> -> memref<1x32x128xf32, #tpu.memory_space<vmem>>
    %dma_wait3A_1866 = tpu.memref_squeeze %dma_wait3A_1865 : memref<1x32x128xf32, #tpu.memory_space<vmem>> -> memref<32x128xf32, #tpu.memory_space<vmem>>
    %dma_wait3A_1867 = arith.constant 0 : i32
    %dma_wait3A_1868 = arith.constant 0 : i32
    %dma_wait3A_1869 = tpu.memref_slice %arg4[%dma_wait3A_1862, %dma_wait3A_1867, %dma_wait3A_1868] : memref<26x1024x128xf32, #tpu.memory_space<hbm>> -> memref<1x1024x128xf32, #tpu.memory_space<hbm>>
    %dma_wait3A_1870 = tpu.memref_squeeze %dma_wait3A_1869 : memref<1x1024x128xf32, #tpu.memory_space<hbm>> -> memref<1024x128xf32, #tpu.memory_space<hbm>>
    %dma_wait3A_1871 = arith.constant 0 : i32
    %dma_wait3A_1872 = tpu.memref_slice %dma_wait3A_1870[%mul3A_1272, %dma_wait3A_1871] : memref<1024x128xf32, #tpu.memory_space<hbm>> -> memref<32x128xf32, #tpu.memory_space<hbm>>
    %dma_wait3A_1873 = arith.constant 0 : i32
    %dma_wait3A_1874 = arith.constant 0 : i32
    %dma_wait3A_1875 = tpu.memref_slice %arg4[%dma_wait3A_1862, %dma_wait3A_1873, %dma_wait3A_1874] : memref<26x1024x128xf32, #tpu.memory_space<hbm>> -> memref<1x1024x128xf32, #tpu.memory_space<hbm>>
    %dma_wait3A_1876 = tpu.memref_squeeze %dma_wait3A_1875 : memref<1x1024x128xf32, #tpu.memory_space<hbm>> -> memref<1024x128xf32, #tpu.memory_space<hbm>>
    %dma_wait3A_1877 = arith.constant 0 : i32
    %dma_wait3A_1878 = tpu.memref_slice %dma_wait3A_1876[%mul3A_1272, %dma_wait3A_1877] : memref<1024x128xf32, #tpu.memory_space<hbm>> -> memref<32x128xf32, #tpu.memory_space<hbm>>
    %dma_wait3A_1879 = arith.constant 0 : i32
    %dma_wait3A_1880 = arith.constant 0 : i32
    %dma_wait3A_1881 = tpu.memref_slice %arg6[%dma_wait3A_1861, %dma_wait3A_1879, %dma_wait3A_1880] : memref<26x32x128xf32, #tpu.memory_space<vmem>> -> memref<1x32x128xf32, #tpu.memory_space<vmem>>
    %dma_wait3A_1882 = tpu.memref_squeeze %dma_wait3A_1881 : memref<1x32x128xf32, #tpu.memory_space<vmem>> -> memref<32x128xf32, #tpu.memory_space<vmem>>
    tpu.wait_dma2 semaphore(%arg8 : memref<!tpu.dma_semaphore, #tpu.memory_space<semaphore_mem>>) src(%dma_wait3A_1882 : memref<32x128xf32, #tpu.memory_space<vmem>>) dst(%dma_wait3A_1878 : memref<32x128xf32, #tpu.memory_space<hbm>>)
    %dma_wait3A_1883 = arith.constant 18 : i32
    %dma_wait3A_1884 = arith.constant 18 : i32
    %dma_wait3A_1885 = arith.constant 0 : i32
    %dma_wait3A_1886 = arith.constant 0 : i32
    %dma_wait3A_1887 = tpu.memref_slice %arg6[%dma_wait3A_1883, %dma_wait3A_1885, %dma_wait3A_1886] : memref<26x32x128xf32, #tpu.memory_space<vmem>> -> memref<1x32x128xf32, #tpu.memory_space<vmem>>
    %dma_wait3A_1888 = tpu.memref_squeeze %dma_wait3A_1887 : memref<1x32x128xf32, #tpu.memory_space<vmem>> -> memref<32x128xf32, #tpu.memory_space<vmem>>
    %dma_wait3A_1889 = arith.constant 0 : i32
    %dma_wait3A_1890 = arith.constant 0 : i32
    %dma_wait3A_1891 = tpu.memref_slice %arg4[%dma_wait3A_1884, %dma_wait3A_1889, %dma_wait3A_1890] : memref<26x1024x128xf32, #tpu.memory_space<hbm>> -> memref<1x1024x128xf32, #tpu.memory_space<hbm>>
    %dma_wait3A_1892 = tpu.memref_squeeze %dma_wait3A_1891 : memref<1x1024x128xf32, #tpu.memory_space<hbm>> -> memref<1024x128xf32, #tpu.memory_space<hbm>>
    %dma_wait3A_1893 = arith.constant 0 : i32
    %dma_wait3A_1894 = tpu.memref_slice %dma_wait3A_1892[%mul3A_1296, %dma_wait3A_1893] : memref<1024x128xf32, #tpu.memory_space<hbm>> -> memref<32x128xf32, #tpu.memory_space<hbm>>
    %dma_wait3A_1895 = arith.constant 0 : i32
    %dma_wait3A_1896 = arith.constant 0 : i32
    %dma_wait3A_1897 = tpu.memref_slice %arg4[%dma_wait3A_1884, %dma_wait3A_1895, %dma_wait3A_1896] : memref<26x1024x128xf32, #tpu.memory_space<hbm>> -> memref<1x1024x128xf32, #tpu.memory_space<hbm>>
    %dma_wait3A_1898 = tpu.memref_squeeze %dma_wait3A_1897 : memref<1x1024x128xf32, #tpu.memory_space<hbm>> -> memref<1024x128xf32, #tpu.memory_space<hbm>>
    %dma_wait3A_1899 = arith.constant 0 : i32
    %dma_wait3A_1900 = tpu.memref_slice %dma_wait3A_1898[%mul3A_1296, %dma_wait3A_1899] : memref<1024x128xf32, #tpu.memory_space<hbm>> -> memref<32x128xf32, #tpu.memory_space<hbm>>
    %dma_wait3A_1901 = arith.constant 0 : i32
    %dma_wait3A_1902 = arith.constant 0 : i32
    %dma_wait3A_1903 = tpu.memref_slice %arg6[%dma_wait3A_1883, %dma_wait3A_1901, %dma_wait3A_1902] : memref<26x32x128xf32, #tpu.memory_space<vmem>> -> memref<1x32x128xf32, #tpu.memory_space<vmem>>
    %dma_wait3A_1904 = tpu.memref_squeeze %dma_wait3A_1903 : memref<1x32x128xf32, #tpu.memory_space<vmem>> -> memref<32x128xf32, #tpu.memory_space<vmem>>
    tpu.wait_dma2 semaphore(%arg8 : memref<!tpu.dma_semaphore, #tpu.memory_space<semaphore_mem>>) src(%dma_wait3A_1904 : memref<32x128xf32, #tpu.memory_space<vmem>>) dst(%dma_wait3A_1900 : memref<32x128xf32, #tpu.memory_space<hbm>>)
    %dma_wait3A_1905 = arith.constant 19 : i32
    %dma_wait3A_1906 = arith.constant 19 : i32
    %dma_wait3A_1907 = arith.constant 0 : i32
    %dma_wait3A_1908 = arith.constant 0 : i32
    %dma_wait3A_1909 = tpu.memref_slice %arg6[%dma_wait3A_1905, %dma_wait3A_1907, %dma_wait3A_1908] : memref<26x32x128xf32, #tpu.memory_space<vmem>> -> memref<1x32x128xf32, #tpu.memory_space<vmem>>
    %dma_wait3A_1910 = tpu.memref_squeeze %dma_wait3A_1909 : memref<1x32x128xf32, #tpu.memory_space<vmem>> -> memref<32x128xf32, #tpu.memory_space<vmem>>
    %dma_wait3A_1911 = arith.constant 0 : i32
    %dma_wait3A_1912 = arith.constant 0 : i32
    %dma_wait3A_1913 = tpu.memref_slice %arg4[%dma_wait3A_1906, %dma_wait3A_1911, %dma_wait3A_1912] : memref<26x1024x128xf32, #tpu.memory_space<hbm>> -> memref<1x1024x128xf32, #tpu.memory_space<hbm>>
    %dma_wait3A_1914 = tpu.memref_squeeze %dma_wait3A_1913 : memref<1x1024x128xf32, #tpu.memory_space<hbm>> -> memref<1024x128xf32, #tpu.memory_space<hbm>>
    %dma_wait3A_1915 = arith.constant 0 : i32
    %dma_wait3A_1916 = tpu.memref_slice %dma_wait3A_1914[%mul3A_1320, %dma_wait3A_1915] : memref<1024x128xf32, #tpu.memory_space<hbm>> -> memref<32x128xf32, #tpu.memory_space<hbm>>
    %dma_wait3A_1917 = arith.constant 0 : i32
    %dma_wait3A_1918 = arith.constant 0 : i32
    %dma_wait3A_1919 = tpu.memref_slice %arg4[%dma_wait3A_1906, %dma_wait3A_1917, %dma_wait3A_1918] : memref<26x1024x128xf32, #tpu.memory_space<hbm>> -> memref<1x1024x128xf32, #tpu.memory_space<hbm>>
    %dma_wait3A_1920 = tpu.memref_squeeze %dma_wait3A_1919 : memref<1x1024x128xf32, #tpu.memory_space<hbm>> -> memref<1024x128xf32, #tpu.memory_space<hbm>>
    %dma_wait3A_1921 = arith.constant 0 : i32
    %dma_wait3A_1922 = tpu.memref_slice %dma_wait3A_1920[%mul3A_1320, %dma_wait3A_1921] : memref<1024x128xf32, #tpu.memory_space<hbm>> -> memref<32x128xf32, #tpu.memory_space<hbm>>
    %dma_wait3A_1923 = arith.constant 0 : i32
    %dma_wait3A_1924 = arith.constant 0 : i32
    %dma_wait3A_1925 = tpu.memref_slice %arg6[%dma_wait3A_1905, %dma_wait3A_1923, %dma_wait3A_1924] : memref<26x32x128xf32, #tpu.memory_space<vmem>> -> memref<1x32x128xf32, #tpu.memory_space<vmem>>
    %dma_wait3A_1926 = tpu.memref_squeeze %dma_wait3A_1925 : memref<1x32x128xf32, #tpu.memory_space<vmem>> -> memref<32x128xf32, #tpu.memory_space<vmem>>
    tpu.wait_dma2 semaphore(%arg8 : memref<!tpu.dma_semaphore, #tpu.memory_space<semaphore_mem>>) src(%dma_wait3A_1926 : memref<32x128xf32, #tpu.memory_space<vmem>>) dst(%dma_wait3A_1922 : memref<32x128xf32, #tpu.memory_space<hbm>>)
    %dma_wait3A_1927 = arith.constant 20 : i32
    %dma_wait3A_1928 = arith.constant 20 : i32
    %dma_wait3A_1929 = arith.constant 0 : i32
    %dma_wait3A_1930 = arith.constant 0 : i32
    %dma_wait3A_1931 = tpu.memref_slice %arg6[%dma_wait3A_1927, %dma_wait3A_1929, %dma_wait3A_1930] : memref<26x32x128xf32, #tpu.memory_space<vmem>> -> memref<1x32x128xf32, #tpu.memory_space<vmem>>
    %dma_wait3A_1932 = tpu.memref_squeeze %dma_wait3A_1931 : memref<1x32x128xf32, #tpu.memory_space<vmem>> -> memref<32x128xf32, #tpu.memory_space<vmem>>
    %dma_wait3A_1933 = arith.constant 0 : i32
    %dma_wait3A_1934 = arith.constant 0 : i32
    %dma_wait3A_1935 = tpu.memref_slice %arg4[%dma_wait3A_1928, %dma_wait3A_1933, %dma_wait3A_1934] : memref<26x1024x128xf32, #tpu.memory_space<hbm>> -> memref<1x1024x128xf32, #tpu.memory_space<hbm>>
    %dma_wait3A_1936 = tpu.memref_squeeze %dma_wait3A_1935 : memref<1x1024x128xf32, #tpu.memory_space<hbm>> -> memref<1024x128xf32, #tpu.memory_space<hbm>>
    %dma_wait3A_1937 = arith.constant 0 : i32
    %dma_wait3A_1938 = tpu.memref_slice %dma_wait3A_1936[%mul3A_1344, %dma_wait3A_1937] : memref<1024x128xf32, #tpu.memory_space<hbm>> -> memref<32x128xf32, #tpu.memory_space<hbm>>
    %dma_wait3A_1939 = arith.constant 0 : i32
    %dma_wait3A_1940 = arith.constant 0 : i32
    %dma_wait3A_1941 = tpu.memref_slice %arg4[%dma_wait3A_1928, %dma_wait3A_1939, %dma_wait3A_1940] : memref<26x1024x128xf32, #tpu.memory_space<hbm>> -> memref<1x1024x128xf32, #tpu.memory_space<hbm>>
    %dma_wait3A_1942 = tpu.memref_squeeze %dma_wait3A_1941 : memref<1x1024x128xf32, #tpu.memory_space<hbm>> -> memref<1024x128xf32, #tpu.memory_space<hbm>>
    %dma_wait3A_1943 = arith.constant 0 : i32
    %dma_wait3A_1944 = tpu.memref_slice %dma_wait3A_1942[%mul3A_1344, %dma_wait3A_1943] : memref<1024x128xf32, #tpu.memory_space<hbm>> -> memref<32x128xf32, #tpu.memory_space<hbm>>
    %dma_wait3A_1945 = arith.constant 0 : i32
    %dma_wait3A_1946 = arith.constant 0 : i32
    %dma_wait3A_1947 = tpu.memref_slice %arg6[%dma_wait3A_1927, %dma_wait3A_1945, %dma_wait3A_1946] : memref<26x32x128xf32, #tpu.memory_space<vmem>> -> memref<1x32x128xf32, #tpu.memory_space<vmem>>
    %dma_wait3A_1948 = tpu.memref_squeeze %dma_wait3A_1947 : memref<1x32x128xf32, #tpu.memory_space<vmem>> -> memref<32x128xf32, #tpu.memory_space<vmem>>
    tpu.wait_dma2 semaphore(%arg8 : memref<!tpu.dma_semaphore, #tpu.memory_space<semaphore_mem>>) src(%dma_wait3A_1948 : memref<32x128xf32, #tpu.memory_space<vmem>>) dst(%dma_wait3A_1944 : memref<32x128xf32, #tpu.memory_space<hbm>>)
    %dma_wait3A_1949 = arith.constant 21 : i32
    %dma_wait3A_1950 = arith.constant 21 : i32
    %dma_wait3A_1951 = arith.constant 0 : i32
    %dma_wait3A_1952 = arith.constant 0 : i32
    %dma_wait3A_1953 = tpu.memref_slice %arg6[%dma_wait3A_1949, %dma_wait3A_1951, %dma_wait3A_1952] : memref<26x32x128xf32, #tpu.memory_space<vmem>> -> memref<1x32x128xf32, #tpu.memory_space<vmem>>
    %dma_wait3A_1954 = tpu.memref_squeeze %dma_wait3A_1953 : memref<1x32x128xf32, #tpu.memory_space<vmem>> -> memref<32x128xf32, #tpu.memory_space<vmem>>
    %dma_wait3A_1955 = arith.constant 0 : i32
    %dma_wait3A_1956 = arith.constant 0 : i32
    %dma_wait3A_1957 = tpu.memref_slice %arg4[%dma_wait3A_1950, %dma_wait3A_1955, %dma_wait3A_1956] : memref<26x1024x128xf32, #tpu.memory_space<hbm>> -> memref<1x1024x128xf32, #tpu.memory_space<hbm>>
    %dma_wait3A_1958 = tpu.memref_squeeze %dma_wait3A_1957 : memref<1x1024x128xf32, #tpu.memory_space<hbm>> -> memref<1024x128xf32, #tpu.memory_space<hbm>>
    %dma_wait3A_1959 = arith.constant 0 : i32
    %dma_wait3A_1960 = tpu.memref_slice %dma_wait3A_1958[%mul3A_1368, %dma_wait3A_1959] : memref<1024x128xf32, #tpu.memory_space<hbm>> -> memref<32x128xf32, #tpu.memory_space<hbm>>
    %dma_wait3A_1961 = arith.constant 0 : i32
    %dma_wait3A_1962 = arith.constant 0 : i32
    %dma_wait3A_1963 = tpu.memref_slice %arg4[%dma_wait3A_1950, %dma_wait3A_1961, %dma_wait3A_1962] : memref<26x1024x128xf32, #tpu.memory_space<hbm>> -> memref<1x1024x128xf32, #tpu.memory_space<hbm>>
    %dma_wait3A_1964 = tpu.memref_squeeze %dma_wait3A_1963 : memref<1x1024x128xf32, #tpu.memory_space<hbm>> -> memref<1024x128xf32, #tpu.memory_space<hbm>>
    %dma_wait3A_1965 = arith.constant 0 : i32
    %dma_wait3A_1966 = tpu.memref_slice %dma_wait3A_1964[%mul3A_1368, %dma_wait3A_1965] : memref<1024x128xf32, #tpu.memory_space<hbm>> -> memref<32x128xf32, #tpu.memory_space<hbm>>
    %dma_wait3A_1967 = arith.constant 0 : i32
    %dma_wait3A_1968 = arith.constant 0 : i32
    %dma_wait3A_1969 = tpu.memref_slice %arg6[%dma_wait3A_1949, %dma_wait3A_1967, %dma_wait3A_1968] : memref<26x32x128xf32, #tpu.memory_space<vmem>> -> memref<1x32x128xf32, #tpu.memory_space<vmem>>
    %dma_wait3A_1970 = tpu.memref_squeeze %dma_wait3A_1969 : memref<1x32x128xf32, #tpu.memory_space<vmem>> -> memref<32x128xf32, #tpu.memory_space<vmem>>
    tpu.wait_dma2 semaphore(%arg8 : memref<!tpu.dma_semaphore, #tpu.memory_space<semaphore_mem>>) src(%dma_wait3A_1970 : memref<32x128xf32, #tpu.memory_space<vmem>>) dst(%dma_wait3A_1966 : memref<32x128xf32, #tpu.memory_space<hbm>>)
    %dma_wait3A_1971 = arith.constant 22 : i32
    %dma_wait3A_1972 = arith.constant 22 : i32
    %dma_wait3A_1973 = arith.constant 0 : i32
    %dma_wait3A_1974 = arith.constant 0 : i32
    %dma_wait3A_1975 = tpu.memref_slice %arg6[%dma_wait3A_1971, %dma_wait3A_1973, %dma_wait3A_1974] : memref<26x32x128xf32, #tpu.memory_space<vmem>> -> memref<1x32x128xf32, #tpu.memory_space<vmem>>
    %dma_wait3A_1976 = tpu.memref_squeeze %dma_wait3A_1975 : memref<1x32x128xf32, #tpu.memory_space<vmem>> -> memref<32x128xf32, #tpu.memory_space<vmem>>
    %dma_wait3A_1977 = arith.constant 0 : i32
    %dma_wait3A_1978 = arith.constant 0 : i32
    %dma_wait3A_1979 = tpu.memref_slice %arg4[%dma_wait3A_1972, %dma_wait3A_1977, %dma_wait3A_1978] : memref<26x1024x128xf32, #tpu.memory_space<hbm>> -> memref<1x1024x128xf32, #tpu.memory_space<hbm>>
    %dma_wait3A_1980 = tpu.memref_squeeze %dma_wait3A_1979 : memref<1x1024x128xf32, #tpu.memory_space<hbm>> -> memref<1024x128xf32, #tpu.memory_space<hbm>>
    %dma_wait3A_1981 = arith.constant 0 : i32
    %dma_wait3A_1982 = tpu.memref_slice %dma_wait3A_1980[%mul3A_1392, %dma_wait3A_1981] : memref<1024x128xf32, #tpu.memory_space<hbm>> -> memref<32x128xf32, #tpu.memory_space<hbm>>
    %dma_wait3A_1983 = arith.constant 0 : i32
    %dma_wait3A_1984 = arith.constant 0 : i32
    %dma_wait3A_1985 = tpu.memref_slice %arg4[%dma_wait3A_1972, %dma_wait3A_1983, %dma_wait3A_1984] : memref<26x1024x128xf32, #tpu.memory_space<hbm>> -> memref<1x1024x128xf32, #tpu.memory_space<hbm>>
    %dma_wait3A_1986 = tpu.memref_squeeze %dma_wait3A_1985 : memref<1x1024x128xf32, #tpu.memory_space<hbm>> -> memref<1024x128xf32, #tpu.memory_space<hbm>>
    %dma_wait3A_1987 = arith.constant 0 : i32
    %dma_wait3A_1988 = tpu.memref_slice %dma_wait3A_1986[%mul3A_1392, %dma_wait3A_1987] : memref<1024x128xf32, #tpu.memory_space<hbm>> -> memref<32x128xf32, #tpu.memory_space<hbm>>
    %dma_wait3A_1989 = arith.constant 0 : i32
    %dma_wait3A_1990 = arith.constant 0 : i32
    %dma_wait3A_1991 = tpu.memref_slice %arg6[%dma_wait3A_1971, %dma_wait3A_1989, %dma_wait3A_1990] : memref<26x32x128xf32, #tpu.memory_space<vmem>> -> memref<1x32x128xf32, #tpu.memory_space<vmem>>
    %dma_wait3A_1992 = tpu.memref_squeeze %dma_wait3A_1991 : memref<1x32x128xf32, #tpu.memory_space<vmem>> -> memref<32x128xf32, #tpu.memory_space<vmem>>
    tpu.wait_dma2 semaphore(%arg8 : memref<!tpu.dma_semaphore, #tpu.memory_space<semaphore_mem>>) src(%dma_wait3A_1992 : memref<32x128xf32, #tpu.memory_space<vmem>>) dst(%dma_wait3A_1988 : memref<32x128xf32, #tpu.memory_space<hbm>>)
    %dma_wait3A_1993 = arith.constant 23 : i32
    %dma_wait3A_1994 = arith.constant 23 : i32
    %dma_wait3A_1995 = arith.constant 0 : i32
    %dma_wait3A_1996 = arith.constant 0 : i32
    %dma_wait3A_1997 = tpu.memref_slice %arg6[%dma_wait3A_1993, %dma_wait3A_1995, %dma_wait3A_1996] : memref<26x32x128xf32, #tpu.memory_space<vmem>> -> memref<1x32x128xf32, #tpu.memory_space<vmem>>
    %dma_wait3A_1998 = tpu.memref_squeeze %dma_wait3A_1997 : memref<1x32x128xf32, #tpu.memory_space<vmem>> -> memref<32x128xf32, #tpu.memory_space<vmem>>
    %dma_wait3A_1999 = arith.constant 0 : i32
    %dma_wait3A_2000 = arith.constant 0 : i32
    %dma_wait3A_2001 = tpu.memref_slice %arg4[%dma_wait3A_1994, %dma_wait3A_1999, %dma_wait3A_2000] : memref<26x1024x128xf32, #tpu.memory_space<hbm>> -> memref<1x1024x128xf32, #tpu.memory_space<hbm>>
    %dma_wait3A_2002 = tpu.memref_squeeze %dma_wait3A_2001 : memref<1x1024x128xf32, #tpu.memory_space<hbm>> -> memref<1024x128xf32, #tpu.memory_space<hbm>>
    %dma_wait3A_2003 = arith.constant 0 : i32
    %dma_wait3A_2004 = tpu.memref_slice %dma_wait3A_2002[%mul3A_1416, %dma_wait3A_2003] : memref<1024x128xf32, #tpu.memory_space<hbm>> -> memref<32x128xf32, #tpu.memory_space<hbm>>
    %dma_wait3A_2005 = arith.constant 0 : i32
    %dma_wait3A_2006 = arith.constant 0 : i32
    %dma_wait3A_2007 = tpu.memref_slice %arg4[%dma_wait3A_1994, %dma_wait3A_2005, %dma_wait3A_2006] : memref<26x1024x128xf32, #tpu.memory_space<hbm>> -> memref<1x1024x128xf32, #tpu.memory_space<hbm>>
    %dma_wait3A_2008 = tpu.memref_squeeze %dma_wait3A_2007 : memref<1x1024x128xf32, #tpu.memory_space<hbm>> -> memref<1024x128xf32, #tpu.memory_space<hbm>>
    %dma_wait3A_2009 = arith.constant 0 : i32
    %dma_wait3A_2010 = tpu.memref_slice %dma_wait3A_2008[%mul3A_1416, %dma_wait3A_2009] : memref<1024x128xf32, #tpu.memory_space<hbm>> -> memref<32x128xf32, #tpu.memory_space<hbm>>
    %dma_wait3A_2011 = arith.constant 0 : i32
    %dma_wait3A_2012 = arith.constant 0 : i32
    %dma_wait3A_2013 = tpu.memref_slice %arg6[%dma_wait3A_1993, %dma_wait3A_2011, %dma_wait3A_2012] : memref<26x32x128xf32, #tpu.memory_space<vmem>> -> memref<1x32x128xf32, #tpu.memory_space<vmem>>
    %dma_wait3A_2014 = tpu.memref_squeeze %dma_wait3A_2013 : memref<1x32x128xf32, #tpu.memory_space<vmem>> -> memref<32x128xf32, #tpu.memory_space<vmem>>
    tpu.wait_dma2 semaphore(%arg8 : memref<!tpu.dma_semaphore, #tpu.memory_space<semaphore_mem>>) src(%dma_wait3A_2014 : memref<32x128xf32, #tpu.memory_space<vmem>>) dst(%dma_wait3A_2010 : memref<32x128xf32, #tpu.memory_space<hbm>>)
    %dma_wait3A_2015 = arith.constant 24 : i32
    %dma_wait3A_2016 = arith.constant 24 : i32
    %dma_wait3A_2017 = arith.constant 0 : i32
    %dma_wait3A_2018 = arith.constant 0 : i32
    %dma_wait3A_2019 = tpu.memref_slice %arg6[%dma_wait3A_2015, %dma_wait3A_2017, %dma_wait3A_2018] : memref<26x32x128xf32, #tpu.memory_space<vmem>> -> memref<1x32x128xf32, #tpu.memory_space<vmem>>
    %dma_wait3A_2020 = tpu.memref_squeeze %dma_wait3A_2019 : memref<1x32x128xf32, #tpu.memory_space<vmem>> -> memref<32x128xf32, #tpu.memory_space<vmem>>
    %dma_wait3A_2021 = arith.constant 0 : i32
    %dma_wait3A_2022 = arith.constant 0 : i32
    %dma_wait3A_2023 = tpu.memref_slice %arg4[%dma_wait3A_2016, %dma_wait3A_2021, %dma_wait3A_2022] : memref<26x1024x128xf32, #tpu.memory_space<hbm>> -> memref<1x1024x128xf32, #tpu.memory_space<hbm>>
    %dma_wait3A_2024 = tpu.memref_squeeze %dma_wait3A_2023 : memref<1x1024x128xf32, #tpu.memory_space<hbm>> -> memref<1024x128xf32, #tpu.memory_space<hbm>>
    %dma_wait3A_2025 = arith.constant 0 : i32
    %dma_wait3A_2026 = tpu.memref_slice %dma_wait3A_2024[%mul3A_1440, %dma_wait3A_2025] : memref<1024x128xf32, #tpu.memory_space<hbm>> -> memref<32x128xf32, #tpu.memory_space<hbm>>
    %dma_wait3A_2027 = arith.constant 0 : i32
    %dma_wait3A_2028 = arith.constant 0 : i32
    %dma_wait3A_2029 = tpu.memref_slice %arg4[%dma_wait3A_2016, %dma_wait3A_2027, %dma_wait3A_2028] : memref<26x1024x128xf32, #tpu.memory_space<hbm>> -> memref<1x1024x128xf32, #tpu.memory_space<hbm>>
    %dma_wait3A_2030 = tpu.memref_squeeze %dma_wait3A_2029 : memref<1x1024x128xf32, #tpu.memory_space<hbm>> -> memref<1024x128xf32, #tpu.memory_space<hbm>>
    %dma_wait3A_2031 = arith.constant 0 : i32
    %dma_wait3A_2032 = tpu.memref_slice %dma_wait3A_2030[%mul3A_1440, %dma_wait3A_2031] : memref<1024x128xf32, #tpu.memory_space<hbm>> -> memref<32x128xf32, #tpu.memory_space<hbm>>
    %dma_wait3A_2033 = arith.constant 0 : i32
    %dma_wait3A_2034 = arith.constant 0 : i32
    %dma_wait3A_2035 = tpu.memref_slice %arg6[%dma_wait3A_2015, %dma_wait3A_2033, %dma_wait3A_2034] : memref<26x32x128xf32, #tpu.memory_space<vmem>> -> memref<1x32x128xf32, #tpu.memory_space<vmem>>
    %dma_wait3A_2036 = tpu.memref_squeeze %dma_wait3A_2035 : memref<1x32x128xf32, #tpu.memory_space<vmem>> -> memref<32x128xf32, #tpu.memory_space<vmem>>
    tpu.wait_dma2 semaphore(%arg8 : memref<!tpu.dma_semaphore, #tpu.memory_space<semaphore_mem>>) src(%dma_wait3A_2036 : memref<32x128xf32, #tpu.memory_space<vmem>>) dst(%dma_wait3A_2032 : memref<32x128xf32, #tpu.memory_space<hbm>>)
    %dma_wait3A_2037 = arith.constant 25 : i32
    %dma_wait3A_2038 = arith.constant 25 : i32
    %dma_wait3A_2039 = arith.constant 0 : i32
    %dma_wait3A_2040 = arith.constant 0 : i32
    %dma_wait3A_2041 = tpu.memref_slice %arg6[%dma_wait3A_2037, %dma_wait3A_2039, %dma_wait3A_2040] : memref<26x32x128xf32, #tpu.memory_space<vmem>> -> memref<1x32x128xf32, #tpu.memory_space<vmem>>
    %dma_wait3A_2042 = tpu.memref_squeeze %dma_wait3A_2041 : memref<1x32x128xf32, #tpu.memory_space<vmem>> -> memref<32x128xf32, #tpu.memory_space<vmem>>
    %dma_wait3A_2043 = arith.constant 0 : i32
    %dma_wait3A_2044 = arith.constant 0 : i32
    %dma_wait3A_2045 = tpu.memref_slice %arg4[%dma_wait3A_2038, %dma_wait3A_2043, %dma_wait3A_2044] : memref<26x1024x128xf32, #tpu.memory_space<hbm>> -> memref<1x1024x128xf32, #tpu.memory_space<hbm>>
    %dma_wait3A_2046 = tpu.memref_squeeze %dma_wait3A_2045 : memref<1x1024x128xf32, #tpu.memory_space<hbm>> -> memref<1024x128xf32, #tpu.memory_space<hbm>>
    %dma_wait3A_2047 = arith.constant 0 : i32
    %dma_wait3A_2048 = tpu.memref_slice %dma_wait3A_2046[%mul3A_1464, %dma_wait3A_2047] : memref<1024x128xf32, #tpu.memory_space<hbm>> -> memref<32x128xf32, #tpu.memory_space<hbm>>
    %dma_wait3A_2049 = arith.constant 0 : i32
    %dma_wait3A_2050 = arith.constant 0 : i32
    %dma_wait3A_2051 = tpu.memref_slice %arg4[%dma_wait3A_2038, %dma_wait3A_2049, %dma_wait3A_2050] : memref<26x1024x128xf32, #tpu.memory_space<hbm>> -> memref<1x1024x128xf32, #tpu.memory_space<hbm>>
    %dma_wait3A_2052 = tpu.memref_squeeze %dma_wait3A_2051 : memref<1x1024x128xf32, #tpu.memory_space<hbm>> -> memref<1024x128xf32, #tpu.memory_space<hbm>>
    %dma_wait3A_2053 = arith.constant 0 : i32
    %dma_wait3A_2054 = tpu.memref_slice %dma_wait3A_2052[%mul3A_1464, %dma_wait3A_2053] : memref<1024x128xf32, #tpu.memory_space<hbm>> -> memref<32x128xf32, #tpu.memory_space<hbm>>
    %dma_wait3A_2055 = arith.constant 0 : i32
    %dma_wait3A_2056 = arith.constant 0 : i32
    %dma_wait3A_2057 = tpu.memref_slice %arg6[%dma_wait3A_2037, %dma_wait3A_2055, %dma_wait3A_2056] : memref<26x32x128xf32, #tpu.memory_space<vmem>> -> memref<1x32x128xf32, #tpu.memory_space<vmem>>
    %dma_wait3A_2058 = tpu.memref_squeeze %dma_wait3A_2057 : memref<1x32x128xf32, #tpu.memory_space<vmem>> -> memref<32x128xf32, #tpu.memory_space<vmem>>
    tpu.wait_dma2 semaphore(%arg8 : memref<!tpu.dma_semaphore, #tpu.memory_space<semaphore_mem>>) src(%dma_wait3A_2058 : memref<32x128xf32, #tpu.memory_space<vmem>>) dst(%dma_wait3A_2054 : memref<32x128xf32, #tpu.memory_space<hbm>>)
    return
  }
}

module attributes {stable_mosaic.version = 14 : i64} {
  func.func @_tc_body(%arg0: i32, %arg1: memref<26x1024x128xf32, #tpu.memory_space<vmem>>, %arg2: memref<1024x39xf32, #tpu.memory_space<vmem>>, %arg3: memref<1x1xf32, #tpu.memory_space<vmem>>, %arg4: memref<1677x1xf32, #tpu.memory_space<vmem>>, %arg5: memref<1677x64xf32, #tpu.memory_space<vmem>>, %arg6: memref<1677x1024xf32, #tpu.memory_space<vmem>>, %arg7: memref<1x1024xf32, #tpu.memory_space<vmem>>, %arg8: memref<1024x512xf32, #tpu.memory_space<vmem>>, %arg9: memref<1x512xf32, #tpu.memory_space<vmem>>, %arg10: memref<512x256xf32, #tpu.memory_space<vmem>>, %arg11: memref<1x256xf32, #tpu.memory_space<vmem>>, %arg12: memref<256x1xf32, #tpu.memory_space<vmem>>, %arg13: memref<1x1xf32, #tpu.memory_space<vmem>>, %arg14: memref<1024x1xf32, #tpu.memory_space<vmem>>) attributes {dimension_semantics = [#tpu.dimension_semantics<arbitrary>], iteration_bounds = array<i64: 1>, scalar_prefetch = 0 : i64, scratch_operands = 0 : i64, tpu.core_type = #tpu.core_type<tc>, window_params = [{transform_indices = @transform_0, window_bounds = array<i64: 26, 1024, 128>}, {transform_indices = @transform_1, window_bounds = array<i64: 1024, 39>}, {pipeline_mode = #tpu.pipeline_mode<synchronous>, transform_indices = @transform_2, window_bounds = array<i64: 1, 1>}, {pipeline_mode = #tpu.pipeline_mode<synchronous>, transform_indices = @transform_3, window_bounds = array<i64: 1677, 1>}, {pipeline_mode = #tpu.pipeline_mode<synchronous>, transform_indices = @transform_4, window_bounds = array<i64: 1677, 64>}, {pipeline_mode = #tpu.pipeline_mode<synchronous>, transform_indices = @transform_5, window_bounds = array<i64: 1677, 1024>}, {pipeline_mode = #tpu.pipeline_mode<synchronous>, transform_indices = @transform_6, window_bounds = array<i64: 1, 1024>}, {pipeline_mode = #tpu.pipeline_mode<synchronous>, transform_indices = @transform_7, window_bounds = array<i64: 1024, 512>}, {pipeline_mode = #tpu.pipeline_mode<synchronous>, transform_indices = @transform_8, window_bounds = array<i64: 1, 512>}, {pipeline_mode = #tpu.pipeline_mode<synchronous>, transform_indices = @transform_9, window_bounds = array<i64: 512, 256>}, {pipeline_mode = #tpu.pipeline_mode<synchronous>, transform_indices = @transform_10, window_bounds = array<i64: 1, 256>}, {pipeline_mode = #tpu.pipeline_mode<synchronous>, transform_indices = @transform_11, window_bounds = array<i64: 256, 1>}, {pipeline_mode = #tpu.pipeline_mode<synchronous>, transform_indices = @transform_12, window_bounds = array<i64: 1, 1>}, {transform_indices = @transform_13, window_bounds = array<i64: 1024, 1>}]} {
    %get3A = arith.constant 0 : index
    %get3A_0 = arith.constant 0 : index
    %get3A_1 = vector.load %arg2[%get3A, %get3A_0] : memref<1024x39xf32, #tpu.memory_space<vmem>>, vector<1024x13xf32>
    %get3A_2 = arith.constant 0 : index
    %get3A_3 = arith.constant 0 : index
    %get3A_4 = arith.constant 0 : index
    %get3A_5 = vector.load %arg1[%get3A_2, %get3A_3, %get3A_4] : memref<26x1024x128xf32, #tpu.memory_space<vmem>>, vector<1x1024x64xf32>
    %get3A_6 = vector.shape_cast %get3A_5 : vector<1x1024x64xf32> to vector<1024x64xf32>
    %get3A_7 = arith.constant 1 : index
    %get3A_8 = arith.constant 0 : index
    %get3A_9 = arith.constant 0 : index
    %get3A_10 = vector.load %arg1[%get3A_7, %get3A_8, %get3A_9] : memref<26x1024x128xf32, #tpu.memory_space<vmem>>, vector<1x1024x64xf32>
    %get3A_11 = vector.shape_cast %get3A_10 : vector<1x1024x64xf32> to vector<1024x64xf32>
    %get3A_12 = arith.constant 2 : index
    %get3A_13 = arith.constant 0 : index
    %get3A_14 = arith.constant 0 : index
    %get3A_15 = vector.load %arg1[%get3A_12, %get3A_13, %get3A_14] : memref<26x1024x128xf32, #tpu.memory_space<vmem>>, vector<1x1024x64xf32>
    %get3A_16 = vector.shape_cast %get3A_15 : vector<1x1024x64xf32> to vector<1024x64xf32>
    %get3A_17 = arith.constant 3 : index
    %get3A_18 = arith.constant 0 : index
    %get3A_19 = arith.constant 0 : index
    %get3A_20 = vector.load %arg1[%get3A_17, %get3A_18, %get3A_19] : memref<26x1024x128xf32, #tpu.memory_space<vmem>>, vector<1x1024x64xf32>
    %get3A_21 = vector.shape_cast %get3A_20 : vector<1x1024x64xf32> to vector<1024x64xf32>
    %get3A_22 = arith.constant 4 : index
    %get3A_23 = arith.constant 0 : index
    %get3A_24 = arith.constant 0 : index
    %get3A_25 = vector.load %arg1[%get3A_22, %get3A_23, %get3A_24] : memref<26x1024x128xf32, #tpu.memory_space<vmem>>, vector<1x1024x64xf32>
    %get3A_26 = vector.shape_cast %get3A_25 : vector<1x1024x64xf32> to vector<1024x64xf32>
    %get3A_27 = arith.constant 5 : index
    %get3A_28 = arith.constant 0 : index
    %get3A_29 = arith.constant 0 : index
    %get3A_30 = vector.load %arg1[%get3A_27, %get3A_28, %get3A_29] : memref<26x1024x128xf32, #tpu.memory_space<vmem>>, vector<1x1024x64xf32>
    %get3A_31 = vector.shape_cast %get3A_30 : vector<1x1024x64xf32> to vector<1024x64xf32>
    %get3A_32 = arith.constant 6 : index
    %get3A_33 = arith.constant 0 : index
    %get3A_34 = arith.constant 0 : index
    %get3A_35 = vector.load %arg1[%get3A_32, %get3A_33, %get3A_34] : memref<26x1024x128xf32, #tpu.memory_space<vmem>>, vector<1x1024x64xf32>
    %get3A_36 = vector.shape_cast %get3A_35 : vector<1x1024x64xf32> to vector<1024x64xf32>
    %get3A_37 = arith.constant 7 : index
    %get3A_38 = arith.constant 0 : index
    %get3A_39 = arith.constant 0 : index
    %get3A_40 = vector.load %arg1[%get3A_37, %get3A_38, %get3A_39] : memref<26x1024x128xf32, #tpu.memory_space<vmem>>, vector<1x1024x64xf32>
    %get3A_41 = vector.shape_cast %get3A_40 : vector<1x1024x64xf32> to vector<1024x64xf32>
    %get3A_42 = arith.constant 8 : index
    %get3A_43 = arith.constant 0 : index
    %get3A_44 = arith.constant 0 : index
    %get3A_45 = vector.load %arg1[%get3A_42, %get3A_43, %get3A_44] : memref<26x1024x128xf32, #tpu.memory_space<vmem>>, vector<1x1024x64xf32>
    %get3A_46 = vector.shape_cast %get3A_45 : vector<1x1024x64xf32> to vector<1024x64xf32>
    %get3A_47 = arith.constant 9 : index
    %get3A_48 = arith.constant 0 : index
    %get3A_49 = arith.constant 0 : index
    %get3A_50 = vector.load %arg1[%get3A_47, %get3A_48, %get3A_49] : memref<26x1024x128xf32, #tpu.memory_space<vmem>>, vector<1x1024x64xf32>
    %get3A_51 = vector.shape_cast %get3A_50 : vector<1x1024x64xf32> to vector<1024x64xf32>
    %get3A_52 = arith.constant 10 : index
    %get3A_53 = arith.constant 0 : index
    %get3A_54 = arith.constant 0 : index
    %get3A_55 = vector.load %arg1[%get3A_52, %get3A_53, %get3A_54] : memref<26x1024x128xf32, #tpu.memory_space<vmem>>, vector<1x1024x64xf32>
    %get3A_56 = vector.shape_cast %get3A_55 : vector<1x1024x64xf32> to vector<1024x64xf32>
    %get3A_57 = arith.constant 11 : index
    %get3A_58 = arith.constant 0 : index
    %get3A_59 = arith.constant 0 : index
    %get3A_60 = vector.load %arg1[%get3A_57, %get3A_58, %get3A_59] : memref<26x1024x128xf32, #tpu.memory_space<vmem>>, vector<1x1024x64xf32>
    %get3A_61 = vector.shape_cast %get3A_60 : vector<1x1024x64xf32> to vector<1024x64xf32>
    %get3A_62 = arith.constant 12 : index
    %get3A_63 = arith.constant 0 : index
    %get3A_64 = arith.constant 0 : index
    %get3A_65 = vector.load %arg1[%get3A_62, %get3A_63, %get3A_64] : memref<26x1024x128xf32, #tpu.memory_space<vmem>>, vector<1x1024x64xf32>
    %get3A_66 = vector.shape_cast %get3A_65 : vector<1x1024x64xf32> to vector<1024x64xf32>
    %get3A_67 = arith.constant 13 : index
    %get3A_68 = arith.constant 0 : index
    %get3A_69 = arith.constant 0 : index
    %get3A_70 = vector.load %arg1[%get3A_67, %get3A_68, %get3A_69] : memref<26x1024x128xf32, #tpu.memory_space<vmem>>, vector<1x1024x64xf32>
    %get3A_71 = vector.shape_cast %get3A_70 : vector<1x1024x64xf32> to vector<1024x64xf32>
    %get3A_72 = arith.constant 14 : index
    %get3A_73 = arith.constant 0 : index
    %get3A_74 = arith.constant 0 : index
    %get3A_75 = vector.load %arg1[%get3A_72, %get3A_73, %get3A_74] : memref<26x1024x128xf32, #tpu.memory_space<vmem>>, vector<1x1024x64xf32>
    %get3A_76 = vector.shape_cast %get3A_75 : vector<1x1024x64xf32> to vector<1024x64xf32>
    %get3A_77 = arith.constant 15 : index
    %get3A_78 = arith.constant 0 : index
    %get3A_79 = arith.constant 0 : index
    %get3A_80 = vector.load %arg1[%get3A_77, %get3A_78, %get3A_79] : memref<26x1024x128xf32, #tpu.memory_space<vmem>>, vector<1x1024x64xf32>
    %get3A_81 = vector.shape_cast %get3A_80 : vector<1x1024x64xf32> to vector<1024x64xf32>
    %get3A_82 = arith.constant 16 : index
    %get3A_83 = arith.constant 0 : index
    %get3A_84 = arith.constant 0 : index
    %get3A_85 = vector.load %arg1[%get3A_82, %get3A_83, %get3A_84] : memref<26x1024x128xf32, #tpu.memory_space<vmem>>, vector<1x1024x64xf32>
    %get3A_86 = vector.shape_cast %get3A_85 : vector<1x1024x64xf32> to vector<1024x64xf32>
    %get3A_87 = arith.constant 17 : index
    %get3A_88 = arith.constant 0 : index
    %get3A_89 = arith.constant 0 : index
    %get3A_90 = vector.load %arg1[%get3A_87, %get3A_88, %get3A_89] : memref<26x1024x128xf32, #tpu.memory_space<vmem>>, vector<1x1024x64xf32>
    %get3A_91 = vector.shape_cast %get3A_90 : vector<1x1024x64xf32> to vector<1024x64xf32>
    %get3A_92 = arith.constant 18 : index
    %get3A_93 = arith.constant 0 : index
    %get3A_94 = arith.constant 0 : index
    %get3A_95 = vector.load %arg1[%get3A_92, %get3A_93, %get3A_94] : memref<26x1024x128xf32, #tpu.memory_space<vmem>>, vector<1x1024x64xf32>
    %get3A_96 = vector.shape_cast %get3A_95 : vector<1x1024x64xf32> to vector<1024x64xf32>
    %get3A_97 = arith.constant 19 : index
    %get3A_98 = arith.constant 0 : index
    %get3A_99 = arith.constant 0 : index
    %get3A_100 = vector.load %arg1[%get3A_97, %get3A_98, %get3A_99] : memref<26x1024x128xf32, #tpu.memory_space<vmem>>, vector<1x1024x64xf32>
    %get3A_101 = vector.shape_cast %get3A_100 : vector<1x1024x64xf32> to vector<1024x64xf32>
    %get3A_102 = arith.constant 20 : index
    %get3A_103 = arith.constant 0 : index
    %get3A_104 = arith.constant 0 : index
    %get3A_105 = vector.load %arg1[%get3A_102, %get3A_103, %get3A_104] : memref<26x1024x128xf32, #tpu.memory_space<vmem>>, vector<1x1024x64xf32>
    %get3A_106 = vector.shape_cast %get3A_105 : vector<1x1024x64xf32> to vector<1024x64xf32>
    %get3A_107 = arith.constant 21 : index
    %get3A_108 = arith.constant 0 : index
    %get3A_109 = arith.constant 0 : index
    %get3A_110 = vector.load %arg1[%get3A_107, %get3A_108, %get3A_109] : memref<26x1024x128xf32, #tpu.memory_space<vmem>>, vector<1x1024x64xf32>
    %get3A_111 = vector.shape_cast %get3A_110 : vector<1x1024x64xf32> to vector<1024x64xf32>
    %get3A_112 = arith.constant 22 : index
    %get3A_113 = arith.constant 0 : index
    %get3A_114 = arith.constant 0 : index
    %get3A_115 = vector.load %arg1[%get3A_112, %get3A_113, %get3A_114] : memref<26x1024x128xf32, #tpu.memory_space<vmem>>, vector<1x1024x64xf32>
    %get3A_116 = vector.shape_cast %get3A_115 : vector<1x1024x64xf32> to vector<1024x64xf32>
    %get3A_117 = arith.constant 23 : index
    %get3A_118 = arith.constant 0 : index
    %get3A_119 = arith.constant 0 : index
    %get3A_120 = vector.load %arg1[%get3A_117, %get3A_118, %get3A_119] : memref<26x1024x128xf32, #tpu.memory_space<vmem>>, vector<1x1024x64xf32>
    %get3A_121 = vector.shape_cast %get3A_120 : vector<1x1024x64xf32> to vector<1024x64xf32>
    %get3A_122 = arith.constant 24 : index
    %get3A_123 = arith.constant 0 : index
    %get3A_124 = arith.constant 0 : index
    %get3A_125 = vector.load %arg1[%get3A_122, %get3A_123, %get3A_124] : memref<26x1024x128xf32, #tpu.memory_space<vmem>>, vector<1x1024x64xf32>
    %get3A_126 = vector.shape_cast %get3A_125 : vector<1x1024x64xf32> to vector<1024x64xf32>
    %get3A_127 = arith.constant 25 : index
    %get3A_128 = arith.constant 0 : index
    %get3A_129 = arith.constant 0 : index
    %get3A_130 = vector.load %arg1[%get3A_127, %get3A_128, %get3A_129] : memref<26x1024x128xf32, #tpu.memory_space<vmem>>, vector<1x1024x64xf32>
    %get3A_131 = vector.shape_cast %get3A_130 : vector<1x1024x64xf32> to vector<1024x64xf32>
    %concatenate3A = tpu.concatenate %get3A_1, %get3A_6, %get3A_11, %get3A_16, %get3A_21, %get3A_26, %get3A_31, %get3A_36, %get3A_41, %get3A_46, %get3A_51, %get3A_56, %get3A_61, %get3A_66, %get3A_71, %get3A_76, %get3A_81, %get3A_86, %get3A_91, %get3A_96, %get3A_101, %get3A_106, %get3A_111, %get3A_116, %get3A_121, %get3A_126, %get3A_131 in 1 : vector<1024x13xf32>, vector<1024x64xf32>, vector<1024x64xf32>, vector<1024x64xf32>, vector<1024x64xf32>, vector<1024x64xf32>, vector<1024x64xf32>, vector<1024x64xf32>, vector<1024x64xf32>, vector<1024x64xf32>, vector<1024x64xf32>, vector<1024x64xf32>, vector<1024x64xf32>, vector<1024x64xf32>, vector<1024x64xf32>, vector<1024x64xf32>, vector<1024x64xf32>, vector<1024x64xf32>, vector<1024x64xf32>, vector<1024x64xf32>, vector<1024x64xf32>, vector<1024x64xf32>, vector<1024x64xf32>, vector<1024x64xf32>, vector<1024x64xf32>, vector<1024x64xf32>, vector<1024x64xf32> -> vector<1024x1677xf32>
    %get3A_132 = arith.constant 0 : index
    %get3A_133 = arith.constant 0 : index
    %get3A_134 = vector.load %arg5[%get3A_132, %get3A_133] : memref<1677x64xf32, #tpu.memory_space<vmem>>, vector<1677x64xf32>
    %dot_general3A = arith.constant dense<0.000000e+00> : vector<1024x64xf32>
    %dot_general3A_135 = tpu.matmul %concatenate3A, %get3A_134, %dot_general3A {dimension_numbers = #tpu.dot_dimension_numbers<[1], [0], [0], [1], [0, 0, 1, 1], [], []>, transpose_lhs_hint = false} : vector<1024x1677xf32>, vector<1677x64xf32>, vector<1024x64xf32> -> vector<1024x64xf32>
    %mul3A = arith.mulf %dot_general3A_135, %dot_general3A_135 : vector<1024x64xf32>
    %reduce_sum3A = arith.constant dense<0.000000e+00> : vector<1024xf32>
    %reduce_sum3A_136 = vector.multi_reduction <add>, %mul3A, %reduce_sum3A [1] : vector<1024x64xf32> to vector<1024xf32>
    %broadcast_in_dim3A = vector.shape_cast %reduce_sum3A_136 : vector<1024xf32> to vector<1024x1xf32>
    %mul3A_137 = arith.mulf %get3A_134, %get3A_134 : vector<1677x64xf32>
    %reduce_sum3A_138 = arith.constant dense<0.000000e+00> : vector<1677xf32>
    %reduce_sum3A_139 = vector.multi_reduction <add>, %mul3A_137, %reduce_sum3A_138 [1] : vector<1677x64xf32> to vector<1677xf32>
    %broadcast_in_dim3A_140 = vector.shape_cast %reduce_sum3A_139 : vector<1677xf32> to vector<1677x1xf32>
    %mul3A_141 = arith.mulf %concatenate3A, %concatenate3A : vector<1024x1677xf32>
    %dot_general3A_142 = arith.constant dense<0.000000e+00> : vector<1024x1xf32>
    %dot_general3A_143 = tpu.matmul %mul3A_141, %broadcast_in_dim3A_140, %dot_general3A_142 {dimension_numbers = #tpu.dot_dimension_numbers<[1], [0], [0], [1], [0, 0, 1, 1], [], []>, transpose_lhs_hint = false} : vector<1024x1677xf32>, vector<1677x1xf32>, vector<1024x1xf32> -> vector<1024x1xf32>
    %get3A_144 = arith.constant 0 : index
    %get3A_145 = arith.constant 0 : index
    %get3A_146 = vector.load %arg4[%get3A_144, %get3A_145] : memref<1677x1xf32, #tpu.memory_space<vmem>>, vector<1677x1xf32>
    %dot_general3A_147 = arith.constant dense<0.000000e+00> : vector<1024x1xf32>
    %dot_general3A_148 = tpu.matmul %concatenate3A, %get3A_146, %dot_general3A_147 {dimension_numbers = #tpu.dot_dimension_numbers<[1], [0], [0], [1], [0, 0, 1, 1], [], []>, transpose_lhs_hint = false} : vector<1024x1677xf32>, vector<1677x1xf32>, vector<1024x1xf32> -> vector<1024x1xf32>
    %get3A_149 = arith.constant 0 : index
    %get3A_150 = arith.constant 0 : index
    %get3A_151 = vector.load %arg3[%get3A_149, %get3A_150] : memref<1x1xf32, #tpu.memory_space<vmem>>, vector<1x1xf32>
    %get3A_152 = vector.extract %get3A_151[0, 0] : f32 from vector<1x1xf32>
    %add3A = vector.broadcast %get3A_152 : f32 to vector<1024x1xf32>
    %add3A_153 = arith.addf %add3A, %dot_general3A_148 : vector<1024x1xf32>
    %sub3A = arith.subf %broadcast_in_dim3A, %dot_general3A_143 : vector<1024x1xf32>
    %mul3A_154 = arith.constant 5.000000e-01 : f32
    %mul3A_155 = vector.broadcast %mul3A_154 : f32 to vector<1024x1xf32>
    %mul3A_156 = arith.mulf %mul3A_155, %sub3A : vector<1024x1xf32>
    %add3A_157 = arith.addf %add3A_153, %mul3A_156 : vector<1024x1xf32>
    %convert_element_type3A = arith.truncf %concatenate3A : vector<1024x1677xf32> to vector<1024x1677xbf16>
    %get3A_158 = arith.constant 0 : index
    %get3A_159 = arith.constant 0 : index
    %get3A_160 = vector.load %arg6[%get3A_158, %get3A_159] : memref<1677x1024xf32, #tpu.memory_space<vmem>>, vector<1677x1024xf32>
    %convert_element_type3A_161 = arith.truncf %get3A_160 : vector<1677x1024xf32> to vector<1677x1024xbf16>
    %dot_general3A_162 = arith.constant dense<0.000000e+00> : vector<1024x1024xf32>
    %dot_general3A_163 = tpu.matmul %convert_element_type3A, %convert_element_type3A_161, %dot_general3A_162 {dimension_numbers = #tpu.dot_dimension_numbers<[1], [0], [0], [1], [0, 0, 1, 1], [], []>, transpose_lhs_hint = false} : vector<1024x1677xbf16>, vector<1677x1024xbf16>, vector<1024x1024xf32> -> vector<1024x1024xf32>
    %get3A_164 = arith.constant 0 : index
    %get3A_165 = arith.constant 0 : index
    %get3A_166 = vector.load %arg7[%get3A_164, %get3A_165] : memref<1x1024xf32, #tpu.memory_space<vmem>>, vector<1x1024xf32>
    %add3A_167 = vector.broadcast %get3A_166 : vector<1x1024xf32> to vector<1024x1024xf32>
    %add3A_168 = arith.addf %dot_general3A_163, %add3A_167 : vector<1024x1024xf32>
    %max3A = arith.constant 0.000000e+00 : f32
    %max3A_169 = vector.broadcast %max3A : f32 to vector<1024x1024xf32>
    %max3A_170 = arith.maximumf %add3A_168, %max3A_169 : vector<1024x1024xf32>
    %convert_element_type3A_171 = arith.truncf %max3A_170 : vector<1024x1024xf32> to vector<1024x1024xbf16>
    %get3A_172 = arith.constant 0 : index
    %get3A_173 = arith.constant 0 : index
    %get3A_174 = vector.load %arg8[%get3A_172, %get3A_173] : memref<1024x512xf32, #tpu.memory_space<vmem>>, vector<1024x512xf32>
    %convert_element_type3A_175 = arith.truncf %get3A_174 : vector<1024x512xf32> to vector<1024x512xbf16>
    %dot_general3A_176 = arith.constant dense<0.000000e+00> : vector<1024x512xf32>
    %dot_general3A_177 = tpu.matmul %convert_element_type3A_171, %convert_element_type3A_175, %dot_general3A_176 {dimension_numbers = #tpu.dot_dimension_numbers<[1], [0], [0], [1], [0, 0, 1, 1], [], []>, transpose_lhs_hint = false} : vector<1024x1024xbf16>, vector<1024x512xbf16>, vector<1024x512xf32> -> vector<1024x512xf32>
    %get3A_178 = arith.constant 0 : index
    %get3A_179 = arith.constant 0 : index
    %get3A_180 = vector.load %arg9[%get3A_178, %get3A_179] : memref<1x512xf32, #tpu.memory_space<vmem>>, vector<1x512xf32>
    %add3A_181 = vector.broadcast %get3A_180 : vector<1x512xf32> to vector<1024x512xf32>
    %add3A_182 = arith.addf %dot_general3A_177, %add3A_181 : vector<1024x512xf32>
    %max3A_183 = arith.constant 0.000000e+00 : f32
    %max3A_184 = vector.broadcast %max3A_183 : f32 to vector<1024x512xf32>
    %max3A_185 = arith.maximumf %add3A_182, %max3A_184 : vector<1024x512xf32>
    %convert_element_type3A_186 = arith.truncf %max3A_185 : vector<1024x512xf32> to vector<1024x512xbf16>
    %get3A_187 = arith.constant 0 : index
    %get3A_188 = arith.constant 0 : index
    %get3A_189 = vector.load %arg10[%get3A_187, %get3A_188] : memref<512x256xf32, #tpu.memory_space<vmem>>, vector<512x256xf32>
    %convert_element_type3A_190 = arith.truncf %get3A_189 : vector<512x256xf32> to vector<512x256xbf16>
    %dot_general3A_191 = arith.constant dense<0.000000e+00> : vector<1024x256xf32>
    %dot_general3A_192 = tpu.matmul %convert_element_type3A_186, %convert_element_type3A_190, %dot_general3A_191 {dimension_numbers = #tpu.dot_dimension_numbers<[1], [0], [0], [1], [0, 0, 1, 1], [], []>, transpose_lhs_hint = false} : vector<1024x512xbf16>, vector<512x256xbf16>, vector<1024x256xf32> -> vector<1024x256xf32>
    %get3A_193 = arith.constant 0 : index
    %get3A_194 = arith.constant 0 : index
    %get3A_195 = vector.load %arg11[%get3A_193, %get3A_194] : memref<1x256xf32, #tpu.memory_space<vmem>>, vector<1x256xf32>
    %add3A_196 = vector.broadcast %get3A_195 : vector<1x256xf32> to vector<1024x256xf32>
    %add3A_197 = arith.addf %dot_general3A_192, %add3A_196 : vector<1024x256xf32>
    %max3A_198 = arith.constant 0.000000e+00 : f32
    %max3A_199 = vector.broadcast %max3A_198 : f32 to vector<1024x256xf32>
    %max3A_200 = arith.maximumf %add3A_197, %max3A_199 : vector<1024x256xf32>
    %get3A_201 = arith.constant 0 : index
    %get3A_202 = arith.constant 0 : index
    %get3A_203 = vector.load %arg12[%get3A_201, %get3A_202] : memref<256x1xf32, #tpu.memory_space<vmem>>, vector<256x1xf32>
    %dot_general3A_204 = arith.constant dense<0.000000e+00> : vector<1024x1xf32>
    %dot_general3A_205 = tpu.matmul %max3A_200, %get3A_203, %dot_general3A_204 {dimension_numbers = #tpu.dot_dimension_numbers<[1], [0], [0], [1], [0, 0, 1, 1], [], []>, transpose_lhs_hint = false} : vector<1024x256xf32>, vector<256x1xf32>, vector<1024x1xf32> -> vector<1024x1xf32>
    %get3A_206 = arith.constant 0 : index
    %get3A_207 = arith.constant 0 : index
    %get3A_208 = vector.load %arg13[%get3A_206, %get3A_207] : memref<1x1xf32, #tpu.memory_space<vmem>>, vector<1x1xf32>
    %get3A_209 = vector.extract %get3A_208[0, 0] : f32 from vector<1x1xf32>
    %add3A_210 = vector.broadcast %get3A_209 : f32 to vector<1024x1xf32>
    %add3A_211 = arith.addf %dot_general3A_205, %add3A_210 : vector<1024x1xf32>
    %add3A_212 = arith.addf %add3A_157, %add3A_211 : vector<1024x1xf32>
    %mul3A_213 = arith.constant 5.000000e-01 : f32
    %mul3A_214 = vector.broadcast %mul3A_213 : f32 to vector<1024x1xf32>
    %mul3A_215 = arith.mulf %mul3A_214, %add3A_212 : vector<1024x1xf32>
    %logistic3A = arith.negf %mul3A_215 : vector<1024x1xf32>
    %logistic3A_216 = math.exp %logistic3A : vector<1024x1xf32>
    %logistic3A_217 = arith.constant 1.000000e+00 : f32
    %logistic3A_218 = vector.broadcast %logistic3A_217 : f32 to vector<1024x1xf32>
    %logistic3A_219 = arith.addf %logistic3A_218, %logistic3A_216 : vector<1024x1xf32>
    %logistic3A_220 = arith.divf %logistic3A_218, %logistic3A_219 : vector<1024x1xf32>
    %swap3A = arith.constant 0 : index
    %swap3A_221 = arith.constant 0 : index
    %swap3A_222 = vector.load %arg14[%swap3A, %swap3A_221] : memref<1024x1xf32, #tpu.memory_space<vmem>>, vector<1024x1xf32>
    tpu.vector_store %arg14[%swap3A, %swap3A_221], %logistic3A_220 {strides = array<i32>} : memref<1024x1xf32, #tpu.memory_space<vmem>>, vector<1024x1xf32>,
    return
  }
  func.func @transform_0(%arg0: i32) -> (i32, i32, i32) {
    %c0_i32 = arith.constant 0 : i32
    %c0_i32_0 = arith.constant 0 : i32
    %c0_i32_1 = arith.constant 0 : i32
    return %c0_i32, %arg0, %c0_i32_0 : i32, i32, i32
  }
  func.func @transform_1(%arg0: i32) -> (i32, i32) {
    %c0_i32 = arith.constant 0 : i32
    %c0_i32_0 = arith.constant 0 : i32
    return %arg0, %c0_i32 : i32, i32
  }
  func.func @transform_2(%arg0: i32) -> (i32, i32) {
    %c0_i32 = arith.constant 0 : i32
    %c0_i32_0 = arith.constant 0 : i32
    %c0_i32_1 = arith.constant 0 : i32
    return %c0_i32, %c0_i32_0 : i32, i32
  }
  func.func @transform_3(%arg0: i32) -> (i32, i32) {
    %c0_i32 = arith.constant 0 : i32
    %c0_i32_0 = arith.constant 0 : i32
    %c0_i32_1 = arith.constant 0 : i32
    return %c0_i32, %c0_i32_0 : i32, i32
  }
  func.func @transform_4(%arg0: i32) -> (i32, i32) {
    %c0_i32 = arith.constant 0 : i32
    %c0_i32_0 = arith.constant 0 : i32
    %c0_i32_1 = arith.constant 0 : i32
    return %c0_i32, %c0_i32_0 : i32, i32
  }
  func.func @transform_5(%arg0: i32) -> (i32, i32) {
    %c0_i32 = arith.constant 0 : i32
    %c0_i32_0 = arith.constant 0 : i32
    %c0_i32_1 = arith.constant 0 : i32
    return %c0_i32, %c0_i32_0 : i32, i32
  }
  func.func @transform_6(%arg0: i32) -> (i32, i32) {
    %c0_i32 = arith.constant 0 : i32
    %c0_i32_0 = arith.constant 0 : i32
    %c0_i32_1 = arith.constant 0 : i32
    return %c0_i32, %c0_i32_0 : i32, i32
  }
  func.func @transform_7(%arg0: i32) -> (i32, i32) {
    %c0_i32 = arith.constant 0 : i32
    %c0_i32_0 = arith.constant 0 : i32
    %c0_i32_1 = arith.constant 0 : i32
    return %c0_i32, %c0_i32_0 : i32, i32
  }
  func.func @transform_8(%arg0: i32) -> (i32, i32) {
    %c0_i32 = arith.constant 0 : i32
    %c0_i32_0 = arith.constant 0 : i32
    %c0_i32_1 = arith.constant 0 : i32
    return %c0_i32, %c0_i32_0 : i32, i32
  }
  func.func @transform_9(%arg0: i32) -> (i32, i32) {
    %c0_i32 = arith.constant 0 : i32
    %c0_i32_0 = arith.constant 0 : i32
    %c0_i32_1 = arith.constant 0 : i32
    return %c0_i32, %c0_i32_0 : i32, i32
  }
  func.func @transform_10(%arg0: i32) -> (i32, i32) {
    %c0_i32 = arith.constant 0 : i32
    %c0_i32_0 = arith.constant 0 : i32
    %c0_i32_1 = arith.constant 0 : i32
    return %c0_i32, %c0_i32_0 : i32, i32
  }
  func.func @transform_11(%arg0: i32) -> (i32, i32) {
    %c0_i32 = arith.constant 0 : i32
    %c0_i32_0 = arith.constant 0 : i32
    %c0_i32_1 = arith.constant 0 : i32
    return %c0_i32, %c0_i32_0 : i32, i32
  }
  func.func @transform_12(%arg0: i32) -> (i32, i32) {
    %c0_i32 = arith.constant 0 : i32
    %c0_i32_0 = arith.constant 0 : i32
    %c0_i32_1 = arith.constant 0 : i32
    return %c0_i32, %c0_i32_0 : i32, i32
  }
  func.func @transform_13(%arg0: i32) -> (i32, i32) {
    %c0_i32 = arith.constant 0 : i32
    %c0_i32_0 = arith.constant 0 : i32
    return %arg0, %c0_i32 : i32, i32
  }
}

</mosaic_0001>

<sc_bundles>
// kernel: kernel.4.cloned.1.call-start
scs
__scs_entry_jumppad:
0x0: {  	(pc) =	sbr.rel $0x88, $3  }
0x1: {  	(tag) =	ssettag $0x0;
	lr =	simm.s32 $0x1  }
0x2: {  	[smem:$0x3F94] =	sst lr;
	_ =	strace $0xD0000000  }
0x3: {  	_ = 	snop  }
0x4: {  	_ = 	snop  }
0x5: {  	_ = 	snop  }
0x6: {  	_ = 	snop  }
0x7: {  	_ = 	snop  }
__scs_overlays_trampoline_lowered:
0x8: {  	[smem:$0x3FA3] =	sst s0  }
0x9: {  	[smem:$0x3FA4] =	sst s1  }
0xa: {  	[smem:$0x3FA5] =	sst s2  }
0xb: {  	[smem:$0x3FA6] =	sst s3  }
0xc: {  	[smem:$0x3FA7] =	sst s4  }
0xd: {  	[smem:$0x3FA8] =	sst s5  }
0xe: {  	[smem:$0x3FA9] =	sst s6  }
0xf: {  	[smem:$0x3FAA] =	sst s7  }
0x10: {  	[smem:$0x3FAB] =	sst s8  }
0x11: {  	[smem:$0x3FAC] =	sst s9;
	s0 =	simm.s32 @!p0 $0x0  }
0x12: {  	s1 =	sld [smem:$0x3F92];
	s0 =	simm.s32 @p0 $0x1  }
0x13: {  	[smem:$0x3FAD] =	sst s0;
	s0 =	simm.s32 @!p1 $0x0  }
0x14: {  	s2 =	sld [smem:$0x3F91];
	s0 =	simm.s32 @p1 $0x1  }
0x15: {  	[smem:$0x3FAE] =	sst s0;
	s0 =	simm.s32 @!p2 $0x0  }
0x16: {  	s3 =	sld [smem:$0x3FDB];
	s0 =	simm.s32 @p2 $0x1  }
0x17: {  	s4 =	simm.s32 $0x1BF5;
	[smem:$0x3FB0] =	sst s0  }
0x18: {  	s0 =	sld [smem:$0x3F93];
	_ =	swait.ge [sflag:s4], $0x0  }
0x19: {  	s7 =	sld [smem:$0x3F94]  }
0x1a: {  	s8 =	sadd.s32 $0xFFFFE003, lr  }
0x1b: {  	s9 =	sadd.s32 $0xFFFFFEF7, lr;
	s5 =	simm.s32 $0xFFFFFFFF;
	p2 =	slt.u32 s8, $0xFFFFF086  }
0x1c: {  	p1 =	slt.u32 s9, $0xF7A;
	s5 =	simm.s32 @!p2 $0x0  }
0x1d: {  	s5 =	simm.s32 @p1 $0x1;
	p0 =	seq.s32 s7, s2  }
0x1e: {  	s7 =	smul.u32 @!p0 $0xF7A, s2;
	p2 =	seq.s32 @!p0 s5, $0x0  }
0x1f: {  	s9 =	smul.u32 $0xF7A, s1;
	s8 =	simm.s32 @!p0 $0x1BF5;
	p2 =	por !p2, p0  }
0x20: {  	[sflag:s8] =	ssyncset.s32 @!p0 $0xFFFFF086;
	s6 =	sadd.s32 @!p0 s3, s7;
	s7 =	simm.s32 @!p0 $0x108  }
0x21: {  	s3 =	sadd.s32 s3, s9;
	s6 =	sadd.s32 @!p0 $0x88, s6;
	s7 =	simm.s32 @p2 $0x1082  }
0x22: {  	[simem:s7], [sflag:s8] =	dma.local @!p0 [hbm:s6], $0xF7A  }
0x23: {  	s9 =	sor.u32 $0xD0000000, s2;
	s6 =	simm.s32 $0x108;
	_ =	swait.ge @!p0 [sflag:s8], $0x0  }
0x24: {  	s3 =	sadd.s32 $0x88, s3;
	s6 =	simm.s32 @!p1 $0x1082;
	[sflag:s4] =	ssyncset.s32 $0xFFFFF086  }
0x25: {  	[simem:s6], [sflag:s4] =	dma.local [hbm:s3], $0xF7A  }
0x26: {  	[smem:$0x3F94] =	sst s1;
	(tag) =	ssettag s2;
	_ =	strace s9  }
0x27: {  	s1 =	sld [smem:$0x3FA4]  }
0x28: {  	s2 =	sld [smem:$0x3FA5]  }
0x29: {  	s4 =	sld [smem:$0x3FA7]  }
0x2a: {  	p0 =	seq.s32 s5, $0x0;
	s5 =	sld [smem:$0x3FA8]  }
0x2b: {  	s6 =	sld [smem:$0x3FA9]  }
0x2c: {  	s7 =	sld [smem:$0x3FAA]  }
0x2d: {  	s3 =	simm.s32 $0x108;
	s8 =	sld [smem:$0x3FAB]  }
0x2e: {  	s3 =	simm.s32 @!p0 $0x1082;
	s9 =	sld [smem:$0x3FAC]  }
0x2f: {  	lr =	sadd.s32 s0, s3;
	s0 =	sld [smem:$0x3FA3]  }
0x30: {  	s3 =	sld [smem:$0x3FA6]  }
0x31: {  	[smem:$0x3FAF] =	sst s10  }
0x32: {  	s10 =	sld [smem:$0x3FAD];
	_ =	sdelay $0x3  }
0x33: {  	p0 =	seq.s32 s10, $0x1;
	s10 =	sld [smem:$0x3FAF];
	_ =	sdelay $0x3  }
0x34: {  	[smem:$0x3FAF] =	sst s10  }
0x35: {  	s10 =	sld [smem:$0x3FAE];
	_ =	sdelay $0x3  }
0x36: {  	p1 =	seq.s32 s10, $0x1;
	s10 =	sld [smem:$0x3FAF];
	_ =	sdelay $0x3  }
0x37: {  	[smem:$0x3FAF] =	sst s10  }
0x38: {  	s10 =	sld [smem:$0x3FB0]  }
0x39: {  	_ = 	snop;
	(pc) =	sbr.ind lr, $3  }
0x3a: {  	_ = 	snop  }
0x3b: {  	_ = 	snop  }
0x3c: {  	p2 =	seq.s32 s10, $0x1;
	s10 =	sld [smem:$0x3FAF]  }
0x3d: {  	_ =	shalt  }
0x3e: {  	_ =	shalt  }
0x3f: {  	_ =	shalt  }
0x40: {  	_ =	shalt  }
0x41: {  	_ =	shalt  }
0x42: {  	_ =	shalt  }
0x43: {  	_ =	shalt  }
0x44: {  	_ =	shalt  }
0x45: {  	_ =	shalt  }
0x46: {  	_ =	shalt  }
0x47: {  	_ =	shalt  }
0x48: {  	_ =	shalt  }
0x49: {  	_ =	shalt  }
0x4a: {  	_ =	shalt  }
0x4b: {  	_ =	shalt  }
0x4c: {  	_ =	shalt  }
0x4d: {  	_ =	shalt  }
0x4e: {  	_ =	shalt  }
0x4f: {  	_ =	shalt  }
0x50: {  	_ =	shalt  }
0x51: {  	_ =	shalt  }
0x52: {  	_ =	shalt  }
0x53: {  	_ =	shalt  }
0x54: {  	_ =	shalt  }
0x55: {  	_ =	shalt  }
0x56: {  	_ =	shalt  }
0x57: {  	_ =	shalt  }
0x58: {  	_ =	shalt  }
0x59: {  	_ =	shalt  }
0x5a: {  	_ =	shalt  }
0x5b: {  	_ =	shalt  }
0x5c: {  	_ =	shalt  }
0x5d: {  	_ =	shalt  }
0x5e: {  	_ =	shalt  }
0x5f: {  	_ =	shalt  }
0x60: {  	_ =	shalt  }
0x61: {  	_ =	shalt  }
0x62: {  	_ =	shalt  }
0x63: {  	_ =	shalt  }
0x64: {  	_ =	shalt  }
0x65: {  	_ =	shalt  }
0x66: {  	_ =	shalt  }
0x67: {  	_ =	shalt  }
0x68: {  	_ =	shalt  }
0x69: {  	_ =	shalt  }
0x6a: {  	_ =	shalt  }
0x6b: {  	_ =	shalt  }
0x6c: {  	_ =	shalt  }
0x6d: {  	_ =	shalt  }
0x6e: {  	_ =	shalt  }
0x6f: {  	_ =	shalt  }
0x70: {  	_ =	shalt  }
0x71: {  	_ =	shalt  }
0x72: {  	_ =	shalt  }
0x73: {  	_ =	shalt  }
0x74: {  	_ =	shalt  }
0x75: {  	_ =	shalt  }
0x76: {  	_ =	shalt  }
0x77: {  	_ =	shalt  }
0x78: {  	_ =	shalt  }
0x79: {  	_ =	shalt  }
0x7a: {  	_ =	shalt  }
0x7b: {  	_ =	shalt  }
0x7c: {  	_ =	shalt  }
0x7d: {  	_ =	shalt  }
0x7e: {  	_ =	shalt  }
0x7f: {  	_ =	shalt  }
0x80: {  	_ =	shalt  }
0x81: {  	_ =	shalt  }
0x82: {  	_ =	shalt  }
0x83: {  	_ =	shalt  }
0x84: {  	_ =	shalt  }
0x85: {  	_ =	shalt  }
0x86: {  	_ =	shalt  }
0x87: {  	_ =	shalt  }
.Lfunc_end0:
.L_simem_size_0:
called_computation_lowered:
.L_overlay_start_0:
0x88: {  	s2 =	sld [smem:$0x3FD9]  }
0x89: {  	s3 =	sld [smem:$0x3FFE];
	_ =	sdelay $0x1  }
0x8a: {  	s1 =	srdreg.scid  }
0x8b: {  	s0 =	sand.u32 $0x1, s1  }
0x8c: {  	s16 =	sshll.u32 s0, $0xA;
	s2 =	sadd.s32 s3, s2  }
0x8d: {  	s2 =	sadd.s32 s2, s16  }
0x8e: {  	[smem:$0x3FBB] =	sst s2  }
0x8f: {  	_ = 	snop  }
0x90: {  	(tm) =	ssettm $0x1  }
0x91: {  	s17 =	sld [smem:$0x3FFB];
	_ =	sdelay $0x3  }
0x92: {  	_ =	strace s17  }
0x93: {  	s2 =	sld [smem:$0x3FFC];
	_ =	sdelay $0x3  }
0x94: {  	_ =	strace s2  }
0x95: {  	s2 =	sld [smem:$0x3FFD];
	_ =	sdelay $0x3  }
0x96: {  	_ =	strace s2  }
0x97: {  	_ =	strace $0x8FFFFFFF  }
0x98: {  	s18 =	sld [smem:$0x3FDB];
	_ =	sdelay $0x1  }
0x99: {  	s19 =	simm.s32 $_scs_section_size  }
0x9a: {  	s4 =	simm.s32 $_size__tile_overlayer_lowered;
	s5 =	simm.s32 $_tile_overlayer_lowered  }
0x9b: {  	s22 =	simm.s32 $0x1BFF;
	s21 =	sshll.u32 s5, $0x1;
	s2 =	sadd.s32 s19, s18  }
0x9c: {  	s6 =	simm.s32 $0x0;
	s20 =	sshll.u32 s4, $0x1;
	s4 =	sadd.s32 s21, s2  }
0x9d: {  	[timem:s6], [sflag:s22] =	dma.local [hbm:s4], s20  }
0x9e: {  	_ =	swait.ge [sflag:s22], s20  }
0x9f: {  	s3 =	ssub.s32 $0x0, s20;
	[sflag:s22] =	ssyncset.done $0x0  }
0xa0: {  	[sflag:s22] =	ssyncadd.s32 s3;
	_ =	sdelay $0x1  }
0xa1: {  	s23 =	simm.s32 $0x1B8B  }
0xa2: {  	_ =	swait.ge [sflag:s23], $0x1  }
0xa3: {  	[sflag:s23] =	ssyncset.done $0x0  }
0xa4: {  	s25 =	simm.s32 $0x1B8E;
	s24 =	sld [smem:$0x3FFE];
	[sflag:s23] =	ssyncadd.s32 $0xFFFFFFFF  }
0xa5: {  	s26 =	simm.s32 $execute0_lowered;
	[smem:$0x3FD2] =	sst s25  }
0xa6: {  	s4 =	sshll.u32 s26, $0x1;
	_ =	strace $0x80000046;
	[dreg:$0x1] =	wrdreg $0xFFFFFFFF  }
0xa7: {  	s28 =	simm.s32 $_size_execute0_lowered;
	s2 =	sadd.s32 s2, s4;
	[dreg:$0x0] =	wrdreg $0x0  }
0xa8: {  	s4 =	sshll.u32 s28, $0x1;
	[dreg:$0x2] =	wrdreg s2  }
0xa9: {  	[dreg:$0x3] =	wrdreg s4  }
0xaa: {  	[dreg:$0x4] =	wrdreg $0xC0  }
0xab: {  	_ =	task [dreg:s6], $0x5FFFF  }
0xac: {  	[dreg:$0x1] =	wrdreg $0xFFFFFFFF  }
0xad: {  	[dreg:$0x0] =	wrdreg $0x60  }
0xae: {  	[dreg:$0x2] =	wrdreg s24  }
0xaf: {  	[dreg:$0x3] =	wrdreg $0x9  }
0xb0: {  	_ =	task.clear_ibuf [dreg:s6], $0x4FFFF;
	_ =	strace $0x90000046  }
0xb1: {  	s29 =	simm.s32 $0x9;
	_ =	strace $0x80000048  }
0xb2: {  	_ =	swait.ge [sflag:s29], $0x1  }
0xb3: {  	[sflag:s29] =	ssyncadd.s32 $0xFFFFFFFF  }
0xb4: {  	_ =	strace $0x90000048  }
0xb5: {  	_ =	sfence  }
0xb6: {  	s30 =	sld [smem:$0x0];
	_ =	sdelay $0x2  }
0xb7: {  	s31 =	sshll.u32 s1, $0xD;
	s1 =	sshrl.u32 s1, $0x2  }
0xb8: {  	s3 =	sand.u32 $0x4000, s31;
	s1 =	sadd.s32 s1, s30  }
0xb9: {  	s0 =	sor.u32 s3, s0;
	s1 =	sshll.u32 s1, $0x11  }
0xba: {  	s0 =	sor.u32 s1, s0  }
0xbb: {  	s0 =	sadd.s32 $0x8F2B, s0  }
0xbc: {  	[sflag:s0] =	ssyncadd.remote.s32 $0x1  }
0xbd: {  	_ =	sfence.sel $0xFFFF  }
0xbe: {  	[dreg:$0x0] =	wrdreg $0xFFFFFFFF;
	(pc) =	sbr.abs _section_cstart, $3  }
0xbf: {  	[dreg:$0x1] =	wrdreg $0xFFFFFFFF  }
0xc0: {  	_ =	task.clear_ibuf [dreg:s6], $0x2FFFF;
	_ =	strace $0x9FFFFFFF  }
0xc1: {  	(tm) =	ssettm $0x7FFFFFFF  }
tec
execute0_lowered:
.L_overlay_start_1:
0x0: {  	(tag) =	ssettag $0x1  }
0x1: {  	s0 =	rddreg [dreg:$0x0];
	s21 =	simm.s32 $0x0;
	s1 =	srdreg.scid  }
0x2: {  	[smem:$0x7FF] =	sst s21;
	s4 =	sand.u32 $0x1, s1  }
0x3: {  	s2 =	stileid.u32;
	s25 =	sadd.s32 $0x2C00, s0;
	[smem:$0x7FD] =	sst s4  }
0x4: {  	s28 =	sadd.s32 $0x6A80, s0;
	_ =	strace $0x80000047;
	[dreg:$0x2] =	wrdreg s25  }
0x5: {  	s3 =	sshll.u32 s2, $0x3;
	s30 =	sadd.s32 $0xA900, s0;
	[dreg:$0x5] =	wrdreg s28  }
0x6: {  	s24 =	sshll.u32 s2, $0x1;
	s2 =	sadd.s32 $0xE780, s0;
	[dreg:$0x7] =	wrdreg s30  }
0x7: {  	s7 =	sadd.s32 $0x16480, s0;
	[dreg:$0x9] =	wrdreg s2  }
0x8: {  	s9 =	sadd.s32 $0x1A300, s0;
	[dreg:$0xd] =	wrdreg s7  }
0x9: {  	s11 =	sadd.s32 $0x1E180, s0;
	[dreg:$0xf] =	wrdreg s9  }
0xa: {  	s13 =	sadd.s32 $0x22000, s0;
	[dreg:$0x11] =	wrdreg s11  }
0xb: {  	s15 =	sadd.s32 $0x25E80, s0;
	[dreg:$0x13] =	wrdreg s13  }
0xc: {  	s17 =	sadd.s32 $0x29D00, s0;
	[dreg:$0x15] =	wrdreg s15  }
0xd: {  	s19 =	sadd.s32 $0x2DB80, s0;
	[dreg:$0x17] =	wrdreg s17  }
0xe: {  	s23 =	sadd.s32 $0x31A00, s0;
	[dreg:$0x19] =	wrdreg s19  }
0xf: {  	[dreg:$0x1b] =	wrdreg s23;
	s25 =	sadd.s32 $0x35880, s0  }
0x10: {  	s28 =	sadd.s32 $0x39700, s0;
	[dreg:$0x1d] =	wrdreg s25  }
0x11: {  	s30 =	sadd.s32 $0x3D580, s0;
	[dreg:$0x1f] =	wrdreg s28  }
0x12: {  	s2 =	sadd.s32 $0x41400, s0;
	[smem:$0x7CC] =	sst s30  }
0x13: {  	s7 =	sadd.s32 $0x49100, s0;
	[smem:$0x7CF] =	sst s2  }
0x14: {  	s9 =	sadd.s32 $0x4CF80, s0;
	[smem:$0x7D3] =	sst s7  }
0x15: {  	s11 =	sadd.s32 $0x50E00, s0;
	[smem:$0x7D5] =	sst s9  }
0x16: {  	s13 =	sadd.s32 $0x54C80, s0;
	[smem:$0x7D7] =	sst s11  }
0x17: {  	s3 =	sand.u32 $0x70, s3;
	s15 =	sadd.s32 $0x58B00, s0;
	[smem:$0x7D9] =	sst s13  }
0x18: {  	s1 =	sor.u32 s4, s24;
	s17 =	sadd.s32 $0x5C980, s0;
	[smem:$0x7DB] =	sst s15  }
0x19: {  	s3 =	sadd.s32 s3, s0;
	s19 =	sadd.s32 $0x60800, s0;
	[smem:$0x7DD] =	sst s17  }
0x1a: {  	s5 =	sshll.u32 s1, $0x5;
	s3 =	sadd.s32 $0x1E00, s3;
	[smem:$0x7DF] =	sst s19  }
0x1b: {  	s22 =	sand.u32 $0x60, s5;
	s5 =	sadd.s32 $0x12600, s0;
	[dreg:$0x3] =	wrdreg s3  }
0x1c: {  	s26 =	sor.u32 $0x80, s22;
	[dreg:$0xb] =	wrdreg s5  }
0x1d: {  	s29 =	sor.u32 $0x100, s22;
	[dreg:$0x4] =	wrdreg s26  }
0x1e: {  	s31 =	sor.u32 $0x180, s22;
	[dreg:$0x6] =	wrdreg s29  }
0x1f: {  	s4 =	sor.u32 $0x200, s22;
	[dreg:$0x8] =	wrdreg s31  }
0x20: {  	s6 =	sor.u32 $0x280, s22;
	[dreg:$0xa] =	wrdreg s4  }
0x21: {  	s8 =	sor.u32 $0x300, s22;
	[dreg:$0xc] =	wrdreg s6  }
0x22: {  	s10 =	sor.u32 $0x380, s22;
	[dreg:$0xe] =	wrdreg s8  }
0x23: {  	s12 =	sor.u32 $0x400, s22;
	[dreg:$0x10] =	wrdreg s10  }
0x24: {  	s14 =	sor.u32 $0x480, s22;
	[dreg:$0x12] =	wrdreg s12  }
0x25: {  	s16 =	sor.u32 $0x500, s22;
	[dreg:$0x14] =	wrdreg s14  }
0x26: {  	s18 =	sor.u32 $0x580, s22;
	[dreg:$0x16] =	wrdreg s16  }
0x27: {  	s20 =	sor.u32 $0x600, s22;
	[dreg:$0x18] =	wrdreg s18  }
0x28: {  	s1 =	sshll.u32 s1, $0x9;
	s24 =	sor.u32 $0x680, s22;
	[dreg:$0x1a] =	wrdreg s20  }
0x29: {  	s23 =	sadd.s32 s1, s0;
	s5 =	sadd.s32 $0x45280, s0;
	[dreg:$0x1c] =	wrdreg s24  }
0x2a: {  	s25 =	sadd.s32 $0x68600, s23;
	[smem:$0x7D1] =	sst s5  }
0x2b: {  	s26 =	sor.u32 $0x700, s22;
	[smem:$0x7E3] =	sst s25  }
0x2c: {  	s29 =	sor.u32 $0x780, s22;
	[dreg:$0x1e] =	wrdreg s26  }
0x2d: {  	s31 =	sor.u32 $0x800, s22;
	[smem:$0x7CE] =	sst s29  }
0x2e: {  	s4 =	sor.u32 $0x880, s22;
	[smem:$0x7D0] =	sst s31  }
0x2f: {  	s6 =	sor.u32 $0x900, s22;
	[smem:$0x7D2] =	sst s4  }
0x30: {  	s8 =	sor.u32 $0x980, s22;
	[smem:$0x7D4] =	sst s6  }
0x31: {  	s10 =	sor.u32 $0xA00, s22;
	[smem:$0x7D6] =	sst s8  }
0x32: {  	s12 =	sor.u32 $0xA80, s22;
	[smem:$0x7D8] =	sst s10  }
0x33: {  	s14 =	sor.u32 $0xB00, s22;
	[smem:$0x7DA] =	sst s12  }
0x34: {  	s16 =	sor.u32 $0xB80, s22;
	[smem:$0x7DC] =	sst s14  }
0x35: {  	s18 =	sor.u32 $0xC00, s22;
	[smem:$0x7DE] =	sst s16  }
0x36: {  	s20 =	sor.u32 $0xC80, s22;
	[smem:$0x7E0] =	sst s18  }
0x37: {  	s24 =	sadd.s32 $0x64680, s0;
	[smem:$0x7E2] =	sst s20  }
0x38: {  	[smem:$0x7E1] =	sst s24;
	s26 =	simm.s32 $0x80  }
0x39: {  	s28 =	sadd.s32 $0x6C600, s0;
	s29 =	simm.s32 $0x400;
	[smem:$0x7CB] =	sst s26  }
0x3a: {  	s30 =	sadd.s32 $0x70600, s0;
	s31 =	sadd.s32 s1, s28;
	[smem:$0x7CA] =	sst s29  }
0x3b: {  	s2 =	sadd.s32 $0x74600, s0;
	s6 =	sadd.s32 s1, s30;
	[smem:$0x7E4] =	sst s31  }
0x3c: {  	s7 =	sadd.s32 $0x78600, s0;
	s8 =	sadd.s32 s1, s2;
	[smem:$0x7E5] =	sst s6  }
0x3d: {  	s9 =	sadd.s32 $0x7C600, s0;
	s10 =	sadd.s32 s1, s7;
	[smem:$0x7E6] =	sst s8  }
0x3e: {  	s11 =	sadd.s32 $0x80600, s0;
	s12 =	sadd.s32 s1, s9;
	[smem:$0x7E7] =	sst s10  }
0x3f: {  	s13 =	sadd.s32 $0x84600, s0;
	s14 =	sadd.s32 s1, s11;
	[smem:$0x7E8] =	sst s12  }
0x40: {  	s15 =	sadd.s32 $0x88600, s0;
	s16 =	sadd.s32 s1, s13;
	[smem:$0x7E9] =	sst s14  }
0x41: {  	s17 =	sadd.s32 $0x8C600, s0;
	s18 =	sadd.s32 s1, s15;
	[smem:$0x7EA] =	sst s16  }
0x42: {  	s19 =	sadd.s32 $0x90600, s0;
	s20 =	sadd.s32 s1, s17;
	[smem:$0x7EB] =	sst s18  }
0x43: {  	s23 =	sadd.s32 $0x94600, s0;
	s24 =	sadd.s32 s1, s19;
	[smem:$0x7EC] =	sst s20  }
0x44: {  	s25 =	sadd.s32 $0x98600, s0;
	[smem:$0x7ED] =	sst s24;
	s26 =	sadd.s32 s1, s23  }
0x45: {  	s28 =	sadd.s32 $0x9C600, s0;
	s29 =	sadd.s32 s1, s25;
	[smem:$0x7EE] =	sst s26  }
0x46: {  	s30 =	sadd.s32 $0xA0600, s0;
	s31 =	sadd.s32 s1, s28;
	[smem:$0x7EF] =	sst s29  }
0x47: {  	s2 =	sadd.s32 $0xA4600, s0;
	s6 =	sadd.s32 s1, s30;
	[smem:$0x7F0] =	sst s31  }
0x48: {  	s7 =	sadd.s32 $0xA8600, s0;
	s8 =	sadd.s32 s1, s2;
	[smem:$0x7F1] =	sst s6  }
0x49: {  	s9 =	sadd.s32 $0xAC600, s0;
	s10 =	sadd.s32 s1, s7;
	[smem:$0x7F2] =	sst s8  }
0x4a: {  	s11 =	sadd.s32 $0xB0600, s0;
	s12 =	sadd.s32 s1, s9;
	[smem:$0x7F3] =	sst s10  }
0x4b: {  	s13 =	sadd.s32 $0xB4600, s0;
	s14 =	sadd.s32 s1, s11;
	[smem:$0x7F4] =	sst s12  }
0x4c: {  	s15 =	sadd.s32 $0xB8600, s0;
	s16 =	sadd.s32 s1, s13;
	[smem:$0x7F5] =	sst s14  }
0x4d: {  	s17 =	sadd.s32 $0xBC600, s0;
	s18 =	sadd.s32 s1, s15;
	[smem:$0x7F6] =	sst s16  }
0x4e: {  	s19 =	sadd.s32 $0xC0600, s0;
	s20 =	sadd.s32 s1, s17;
	[smem:$0x7F7] =	sst s18  }
0x4f: {  	s24 =	sadd.s32 s1, s19;
	[smem:$0x7F8] =	sst s20  }
0x50: {  	[smem:$0x7F9] =	sst s24  }
0x51: {  	s26 =	rddreg [dreg:$0x3]  }
0x52: {  	s23 =	sadd.s32 $0xC4600, s0;
	s29 =	sld [smem:$0x7CA]  }
0x53: {  	s28 =	sadd.s32 $0xC8600, s0;
	s25 =	sadd.s32 s1, s23;
	s7 =	sld [smem:$0x7CB]  }
0x54: {  	s0 =	sadd.s32 $0xCC600, s0;
	s4 =	sadd.s32 s1, s28;
	[smem:$0x7FA] =	sst s25  }
0x55: {  	s0 =	sadd.s32 s1, s0;
	[smem:$0x7FB] =	sst s4  }
0x56: {  	s30 =	simm.s32 $0x3;
	[smem:$0x7FC] =	sst s0  }
0x57: {  	[tilespmem:s21], [sflag:$0x3] =	stream.strided.gather [hbm4b:s26+s7], $0xD00, s29, s7, $0x38;
	[tilespmem:$0x1B000] =	vst v63  }
0x58: {  	_ =	swait.ge [sflag:s30], $0xD00  }
0x59: {  	s0 =	sld [smem:$0x7CC]  }
0x5a: {  	s1 =	rddreg [dreg:$0x1f]  }
0x5b: {  	s3 =	rddreg [dreg:$0x1d]  }
0x5c: {  	s7 =	rddreg [dreg:$0x1b]  }
0x5d: {  	s8 =	rddreg [dreg:$0x19]  }
0x5e: {  	s9 =	rddreg [dreg:$0x17]  }
0x5f: {  	s31 =	rddreg [dreg:$0x15]  }
0x60: {  	s11 =	rddreg [dreg:$0x13]  }
0x61: {  	s12 =	rddreg [dreg:$0x11]  }
0x62: {  	s13 =	rddreg [dreg:$0xf]  }
0x63: {  	s14 =	rddreg [dreg:$0xd]  }
0x64: {  	s15 =	rddreg [dreg:$0xa]  }
0x65: {  	s16 =	rddreg [dreg:$0x4]  }
0x66: {  	s17 =	rddreg [dreg:$0x5]  }
0x67: {  	s18 =	rddreg [dreg:$0x2]  }
0x68: {  	s19 =	rddreg [dreg:$0x9]  }
0x69: {  	s20 =	rddreg [dreg:$0x7]  }
0x6a: {  	[smem:$0x7CD] =	sst s22  }
0x6b: {  	s4 =	rddreg [dreg:$0x6]  }
0x6c: {  	s23 =	rddreg [dreg:$0xc]  }
0x6d: {  	s24 =	rddreg [dreg:$0xe]  }
0x6e: {  	s25 =	rddreg [dreg:$0x10]  }
0x6f: {  	s26 =	rddreg [dreg:$0x12]  }
0x70: {  	s10 =	simm.s32 $0x20;
	[sflag:s30] =	ssyncset.done $0x0;
	s28 =	rddreg [dreg:$0x14]  }
0x71: {  	s6 =	simm.s32 $0x1000;
	s29 =	rddreg [dreg:$0x16];
	[sflag:s30] =	ssyncadd.s32 $0xFFFFF300  }
0x72: {  	[tilespmem:s6], [sflag:$0x1] =	stream.indirect.gather [hbm4b:s18+s10], $0x80, s22, s10, $0xb8;
	[tilespmem:$0x1B000] =	vst v63  }
0x73: {  	s5 =	simm.s32 $0x2000;
	s2 =	rddreg [dreg:$0x1c]  }
0x74: {  	[tilespmem:s5], [sflag:$0x1] =	stream.indirect.gather [hbm4b:s17+s10], $0x80, s16, s10, $0xb8;
	[tilespmem:$0x1B000] =	vst v63  }
0x75: {  	s30 =	rddreg [dreg:$0x18];
	s22 =	simm.s32 $0x3000  }
0x76: {  	[tilespmem:s22], [sflag:$0x1] =	stream.indirect.gather [hbm4b:s20+s10], $0x80, s4, s10, $0xb8;
	[tilespmem:$0x1B000] =	vst v63  }
0x77: {  	s18 =	simm.s32 $0x4000;
	s17 =	rddreg [dreg:$0x8]  }
0x78: {  	[tilespmem:s18], [sflag:$0x1] =	stream.indirect.gather [hbm4b:s19+s10], $0x80, s17, s10, $0xb8;
	[tilespmem:$0x1B000] =	vst v63  }
0x79: {  	s20 =	rddreg [dreg:$0xb];
	s19 =	simm.s32 $0x5000  }
0x7a: {  	[tilespmem:s19], [sflag:$0x1] =	stream.indirect.gather [hbm4b:s20+s10], $0x80, s15, s10, $0xb8;
	[tilespmem:$0x1B000] =	vst v63  }
0x7b: {  	s17 =	simm.s32 $0x6000;
	s20 =	rddreg [dreg:$0x1e]  }
0x7c: {  	[tilespmem:s17], [sflag:$0x1] =	stream.indirect.gather [hbm4b:s14+s10], $0x80, s23, s10, $0xb8;
	[tilespmem:$0x1B000] =	vst v63  }
0x7d: {  	s16 =	simm.s32 $0x7000;
	s23 =	sld [smem:$0x7CE]  }
0x7e: {  	[tilespmem:s16], [sflag:$0x1] =	stream.indirect.gather [hbm4b:s13+s10], $0x80, s24, s10, $0xb8;
	[tilespmem:$0x1B000] =	vst v63  }
0x7f: {  	s15 =	simm.s32 $0x8000;
	s24 =	sld [smem:$0x7CF]  }
0x80: {  	[tilespmem:s15], [sflag:$0x1] =	stream.indirect.gather [hbm4b:s12+s10], $0x80, s25, s10, $0xb8;
	[tilespmem:$0x1B000] =	vst v63  }
0x81: {  	s14 =	simm.s32 $0x9000;
	s25 =	sld [smem:$0x7D0]  }
0x82: {  	[tilespmem:s14], [sflag:$0x1] =	stream.indirect.gather [hbm4b:s11+s10], $0x80, s26, s10, $0xb8;
	[tilespmem:$0x1B000] =	vst v63  }
0x83: {  	s13 =	simm.s32 $0xA000;
	s26 =	sld [smem:$0x7D1]  }
0x84: {  	[tilespmem:s13], [sflag:$0x1] =	stream.indirect.gather [hbm4b:s31+s10], $0x80, s28, s10, $0xb8;
	[tilespmem:$0x1B000] =	vst v63  }
0x85: {  	s31 =	rddreg [dreg:$0x1a]  }
0x86: {  	s12 =	simm.s32 $0xB000;
	s28 =	sld [smem:$0x7D2]  }
0x87: {  	[tilespmem:s12], [sflag:$0x1] =	stream.indirect.gather [hbm4b:s9+s10], $0x80, s29, s10, $0xb8;
	[tilespmem:$0x1B000] =	vst v63  }
0x88: {  	s11 =	simm.s32 $0xC000;
	s29 =	sld [smem:$0x7D3]  }
0x89: {  	[tilespmem:s11], [sflag:$0x1] =	stream.indirect.gather [hbm4b:s8+s10], $0x80, s30, s10, $0xb8;
	[tilespmem:$0x1B000] =	vst v63  }
0x8a: {  	s4 =	simm.s32 $0xD000;
	s30 =	sld [smem:$0x7D4]  }
0x8b: {  	[tilespmem:s4], [sflag:$0x1] =	stream.indirect.gather [hbm4b:s7+s10], $0x80, s31, s10, $0xb8;
	[tilespmem:$0x1B000] =	vst v63  }
0x8c: {  	s9 =	simm.s32 $0xE000;
	s31 =	sld [smem:$0x7D5]  }
0x8d: {  	[tilespmem:s9], [sflag:$0x1] =	stream.indirect.gather [hbm4b:s3+s10], $0x80, s2, s10, $0xb8;
	[tilespmem:$0x1B000] =	vst v63  }
0x8e: {  	s8 =	simm.s32 $0xF000;
	s7 =	sld [smem:$0x7D7]  }
0x8f: {  	[tilespmem:s8], [sflag:$0x1] =	stream.indirect.gather [hbm4b:s1+s10], $0x80, s20, s10, $0xb8;
	[tilespmem:$0x1B000] =	vst v63  }
0x90: {  	s2 =	sld [smem:$0x7D6];
	s20 =	simm.s32 $0x10000  }
0x91: {  	[tilespmem:s20], [sflag:$0x1] =	stream.indirect.gather [hbm4b:s0+s10], $0x80, s23, s10, $0xb8;
	[tilespmem:$0x1B000] =	vst v63  }
0x92: {  	s3 =	sld [smem:$0x7DC];
	s23 =	simm.s32 $0x11000  }
0x93: {  	[tilespmem:s23], [sflag:$0x1] =	stream.indirect.gather [hbm4b:s24+s10], $0x80, s25, s10, $0xb8;
	[tilespmem:$0x1B000] =	vst v63  }
0x94: {  	s1 =	sld [smem:$0x7DB];
	s24 =	simm.s32 $0x12000  }
0x95: {  	[tilespmem:s24], [sflag:$0x1] =	stream.indirect.gather [hbm4b:s26+s10], $0x80, s28, s10, $0xb8;
	[tilespmem:$0x1B000] =	vst v63  }
0x96: {  	s0 =	sld [smem:$0x7DF];
	s25 =	simm.s32 $0x13000  }
0x97: {  	[tilespmem:s25], [sflag:$0x1] =	stream.indirect.gather [hbm4b:s29+s10], $0x80, s30, s10, $0xb8;
	[tilespmem:$0x1B000] =	vst v63  }
0x98: {  	s29 =	sld [smem:$0x7D8]  }
0x99: {  	s26 =	simm.s32 $0x14000;
	s30 =	sld [smem:$0x7D9]  }
0x9a: {  	[tilespmem:s26], [sflag:$0x1] =	stream.indirect.gather [hbm4b:s31+s10], $0x80, s2, s10, $0xb8;
	[tilespmem:$0x1B000] =	vst v63  }
0x9b: {  	s28 =	simm.s32 $0x15000;
	s31 =	sld [smem:$0x7DA]  }
0x9c: {  	[tilespmem:s28], [sflag:$0x1] =	stream.indirect.gather [hbm4b:s7+s10], $0x80, s29, s10, $0xb8;
	[tilespmem:$0x1B000] =	vst v63  }
0x9d: {  	s2 =	sld [smem:$0x7DE];
	s29 =	simm.s32 $0x16000  }
0x9e: {  	[tilespmem:s29], [sflag:$0x1] =	stream.indirect.gather [hbm4b:s30+s10], $0x80, s31, s10, $0xb8;
	[tilespmem:$0x1B000] =	vst v63  }
0x9f: {  	s7 =	sld [smem:$0x7DD];
	s30 =	simm.s32 $0x17000  }
0xa0: {  	[tilespmem:s30], [sflag:$0x1] =	stream.indirect.gather [hbm4b:s1+s10], $0x80, s3, s10, $0xb8;
	[tilespmem:$0x1B000] =	vst v63  }
0xa1: {  	s1 =	sld [smem:$0x7E0]  }
0xa2: {  	s31 =	simm.s32 $0x18000;
	s3 =	sld [smem:$0x7E1]  }
0xa3: {  	[tilespmem:s31], [sflag:$0x1] =	stream.indirect.gather [hbm4b:s7+s10], $0x80, s2, s10, $0xb8;
	[tilespmem:$0x1B000] =	vst v63  }
0xa4: {  	s2 =	simm.s32 $0x19000;
	s7 =	sld [smem:$0x7E2]  }
0xa5: {  	[tilespmem:s2], [sflag:$0x1] =	stream.indirect.gather [hbm4b:s0+s10], $0x80, s1, s10, $0xb8;
	[tilespmem:$0x1B000] =	vst v63  }
0xa6: {  	s0 =	simm.s32 $0x1A000;
	s1 =	simm.s32 $0x1  }
0xa7: {  	[tilespmem:s0], [sflag:$0x1] =	stream.indirect.gather [hbm4b:s3+s10], $0x80, s7, s10, $0xb8;
	[tilespmem:$0x1B000] =	vst v63  }
0xa8: {  	_ =	swait.ge [sflag:s1], $0x1000  }
0xa9: {  	[sflag:s1] =	ssyncset.done $0x0  }
0xaa: {  	[sflag:s1] =	ssyncadd.s32 $0xFFFFF000  }
0xab: {  	_ =	swait.ge [sflag:s1], $0x1000  }
0xac: {  	[sflag:s1] =	ssyncset.done $0x0  }
0xad: {  	[sflag:s1] =	ssyncadd.s32 $0xFFFFF000  }
0xae: {  	_ =	swait.ge [sflag:s1], $0x1000  }
0xaf: {  	[sflag:s1] =	ssyncset.done $0x0  }
0xb0: {  	[sflag:s1] =	ssyncadd.s32 $0xFFFFF000  }
0xb1: {  	_ =	swait.ge [sflag:s1], $0x1000  }
0xb2: {  	[sflag:s1] =	ssyncset.done $0x0  }
0xb3: {  	[sflag:s1] =	ssyncadd.s32 $0xFFFFF000  }
0xb4: {  	_ =	swait.ge [sflag:s1], $0x1000  }
0xb5: {  	[sflag:s1] =	ssyncset.done $0x0  }
0xb6: {  	[sflag:s1] =	ssyncadd.s32 $0xFFFFF000  }
0xb7: {  	_ =	swait.ge [sflag:s1], $0x1000  }
0xb8: {  	[sflag:s1] =	ssyncset.done $0x0  }
0xb9: {  	[sflag:s1] =	ssyncadd.s32 $0xFFFFF000  }
0xba: {  	_ =	swait.ge [sflag:s1], $0x1000  }
0xbb: {  	[sflag:s1] =	ssyncset.done $0x0  }
0xbc: {  	[sflag:s1] =	ssyncadd.s32 $0xFFFFF000  }
0xbd: {  	_ =	swait.ge [sflag:s1], $0x1000  }
0xbe: {  	[sflag:s1] =	ssyncset.done $0x0  }
0xbf: {  	[sflag:s1] =	ssyncadd.s32 $0xFFFFF000  }
0xc0: {  	_ =	swait.ge [sflag:s1], $0x1000  }
0xc1: {  	[sflag:s1] =	ssyncset.done $0x0  }
0xc2: {  	[sflag:s1] =	ssyncadd.s32 $0xFFFFF000  }
0xc3: {  	_ =	swait.ge [sflag:s1], $0x1000  }
0xc4: {  	[sflag:s1] =	ssyncset.done $0x0  }
0xc5: {  	[sflag:s1] =	ssyncadd.s32 $0xFFFFF000  }
0xc6: {  	_ =	swait.ge [sflag:s1], $0x1000  }
0xc7: {  	[sflag:s1] =	ssyncset.done $0x0  }
0xc8: {  	[sflag:s1] =	ssyncadd.s32 $0xFFFFF000  }
0xc9: {  	_ =	swait.ge [sflag:s1], $0x1000  }
0xca: {  	[sflag:s1] =	ssyncset.done $0x0  }
0xcb: {  	[sflag:s1] =	ssyncadd.s32 $0xFFFFF000  }
0xcc: {  	_ =	swait.ge [sflag:s1], $0x1000  }
0xcd: {  	[sflag:s1] =	ssyncset.done $0x0  }
0xce: {  	[sflag:s1] =	ssyncadd.s32 $0xFFFFF000  }
0xcf: {  	_ =	swait.ge [sflag:s1], $0x1000  }
0xd0: {  	[sflag:s1] =	ssyncset.done $0x0  }
0xd1: {  	[sflag:s1] =	ssyncadd.s32 $0xFFFFF000  }
0xd2: {  	_ =	swait.ge [sflag:s1], $0x1000  }
0xd3: {  	[sflag:s1] =	ssyncset.done $0x0  }
0xd4: {  	[sflag:s1] =	ssyncadd.s32 $0xFFFFF000  }
0xd5: {  	_ =	swait.ge [sflag:s1], $0x1000  }
0xd6: {  	[sflag:s1] =	ssyncset.done $0x0  }
0xd7: {  	[sflag:s1] =	ssyncadd.s32 $0xFFFFF000  }
0xd8: {  	_ =	swait.ge [sflag:s1], $0x1000  }
0xd9: {  	[sflag:s1] =	ssyncset.done $0x0  }
0xda: {  	[sflag:s1] =	ssyncadd.s32 $0xFFFFF000  }
0xdb: {  	_ =	swait.ge [sflag:s1], $0x1000  }
0xdc: {  	[sflag:s1] =	ssyncset.done $0x0  }
0xdd: {  	[sflag:s1] =	ssyncadd.s32 $0xFFFFF000  }
0xde: {  	_ =	swait.ge [sflag:s1], $0x1000  }
0xdf: {  	[sflag:s1] =	ssyncset.done $0x0  }
0xe0: {  	[sflag:s1] =	ssyncadd.s32 $0xFFFFF000  }
0xe1: {  	_ =	swait.ge [sflag:s1], $0x1000  }
0xe2: {  	[sflag:s1] =	ssyncset.done $0x0  }
0xe3: {  	[sflag:s1] =	ssyncadd.s32 $0xFFFFF000  }
0xe4: {  	_ =	swait.ge [sflag:s1], $0x1000  }
0xe5: {  	[sflag:s1] =	ssyncset.done $0x0  }
0xe6: {  	[sflag:s1] =	ssyncadd.s32 $0xFFFFF000  }
0xe7: {  	_ =	swait.ge [sflag:s1], $0x1000  }
0xe8: {  	[sflag:s1] =	ssyncset.done $0x0  }
0xe9: {  	[sflag:s1] =	ssyncadd.s32 $0xFFFFF000  }
0xea: {  	_ =	swait.ge [sflag:s1], $0x1000  }
0xeb: {  	[sflag:s1] =	ssyncset.done $0x0  }
0xec: {  	[sflag:s1] =	ssyncadd.s32 $0xFFFFF000  }
0xed: {  	_ =	swait.ge [sflag:s1], $0x1000  }
0xee: {  	[sflag:s1] =	ssyncset.done $0x0  }
0xef: {  	[sflag:s1] =	ssyncadd.s32 $0xFFFFF000  }
0xf0: {  	_ =	swait.ge [sflag:s1], $0x1000  }
0xf1: {  	[sflag:s1] =	ssyncset.done $0x0  }
0xf2: {  	[sflag:s1] =	ssyncadd.s32 $0xFFFFF000  }
0xf3: {  	_ =	swait.ge [sflag:s1], $0x1000  }
0xf4: {  	s3 =	sld [smem:$0x7E3]  }
0xf5: {  	[sflag:s1] =	ssyncset.done $0x0  }
0xf6: {  	s7 =	sld [smem:$0x7E4];
	[sflag:s1] =	ssyncadd.s32 $0xFFFFF000  }
0xf7: {  	[hbm4b:s3+s21] =	stream.linear.scatter [tilespmem:s6], [sflag:$0x2], $0x1000, $0x38;
	[tilespmem:$0x1B000] =	vst v63  }
0xf8: {  	s3 =	sld [smem:$0x7E5]  }
0xf9: {  	[hbm4b:s7+s21] =	stream.linear.scatter [tilespmem:s5], [sflag:$0x2], $0x1000, $0x38;
	[tilespmem:$0x1B000] =	vst v63  }
0xfa: {  	s6 =	sld [smem:$0x7E6]  }
0xfb: {  	[hbm4b:s3+s21] =	stream.linear.scatter [tilespmem:s22], [sflag:$0x2], $0x1000, $0x38;
	[tilespmem:$0x1B000] =	vst v63  }
0xfc: {  	s22 =	sld [smem:$0x7E7]  }
0xfd: {  	[hbm4b:s6+s21] =	stream.linear.scatter [tilespmem:s18], [sflag:$0x2], $0x1000, $0x38;
	[tilespmem:$0x1B000] =	vst v63  }
0xfe: {  	s5 =	sld [smem:$0x7E8]  }
0xff: {  	[hbm4b:s22+s21] =	stream.linear.scatter [tilespmem:s19], [sflag:$0x2], $0x1000, $0x38;
	[tilespmem:$0x1B000] =	vst v63  }
0x100: {  	s6 =	sld [smem:$0x7E9]  }
0x101: {  	[hbm4b:s5+s21] =	stream.linear.scatter [tilespmem:s17], [sflag:$0x2], $0x1000, $0x38;
	[tilespmem:$0x1B000] =	vst v63  }
0x102: {  	s18 =	sld [smem:$0x7EA]  }
0x103: {  	[hbm4b:s6+s21] =	stream.linear.scatter [tilespmem:s16], [sflag:$0x2], $0x1000, $0x38;
	[tilespmem:$0x1B000] =	vst v63  }
0x104: {  	s19 =	sld [smem:$0x7EB]  }
0x105: {  	[hbm4b:s18+s21] =	stream.linear.scatter [tilespmem:s15], [sflag:$0x2], $0x1000, $0x38;
	[tilespmem:$0x1B000] =	vst v63  }
0x106: {  	s22 =	sld [smem:$0x7EC]  }
0x107: {  	[hbm4b:s19+s21] =	stream.linear.scatter [tilespmem:s14], [sflag:$0x2], $0x1000, $0x38;
	[tilespmem:$0x1B000] =	vst v63  }
0x108: {  	s5 =	sld [smem:$0x7ED]  }
0x109: {  	[hbm4b:s22+s21] =	stream.linear.scatter [tilespmem:s13], [sflag:$0x2], $0x1000, $0x38;
	[tilespmem:$0x1B000] =	vst v63  }
0x10a: {  	s6 =	sld [smem:$0x7EE]  }
0x10b: {  	[hbm4b:s5+s21] =	stream.linear.scatter [tilespmem:s12], [sflag:$0x2], $0x1000, $0x38;
	[tilespmem:$0x1B000] =	vst v63  }
0x10c: {  	s13 =	sld [smem:$0x7EF]  }
0x10d: {  	[hbm4b:s6+s21] =	stream.linear.scatter [tilespmem:s11], [sflag:$0x2], $0x1000, $0x38;
	[tilespmem:$0x1B000] =	vst v63  }
0x10e: {  	s14 =	sld [smem:$0x7F0]  }
0x10f: {  	[hbm4b:s13+s21] =	stream.linear.scatter [tilespmem:s4], [sflag:$0x2], $0x1000, $0x38;
	[tilespmem:$0x1B000] =	vst v63  }
0x110: {  	s15 =	sld [smem:$0x7F1]  }
0x111: {  	[hbm4b:s14+s21] =	stream.linear.scatter [tilespmem:s9], [sflag:$0x2], $0x1000, $0x38;
	[tilespmem:$0x1B000] =	vst v63  }
0x112: {  	s16 =	sld [smem:$0x7F2]  }
0x113: {  	[hbm4b:s15+s21] =	stream.linear.scatter [tilespmem:s8], [sflag:$0x2], $0x1000, $0x38;
	[tilespmem:$0x1B000] =	vst v63  }
0x114: {  	s17 =	sld [smem:$0x7F3]  }
0x115: {  	[hbm4b:s16+s21] =	stream.linear.scatter [tilespmem:s20], [sflag:$0x2], $0x1000, $0x38;
	[tilespmem:$0x1B000] =	vst v63  }
0x116: {  	s18 =	sld [smem:$0x7F4]  }
0x117: {  	[hbm4b:s17+s21] =	stream.linear.scatter [tilespmem:s23], [sflag:$0x2], $0x1000, $0x38;
	[tilespmem:$0x1B000] =	vst v63  }
0x118: {  	s19 =	sld [smem:$0x7F5]  }
0x119: {  	[hbm4b:s18+s21] =	stream.linear.scatter [tilespmem:s24], [sflag:$0x2], $0x1000, $0x38;
	[tilespmem:$0x1B000] =	vst v63  }
0x11a: {  	s20 =	sld [smem:$0x7F6]  }
0x11b: {  	[hbm4b:s19+s21] =	stream.linear.scatter [tilespmem:s25], [sflag:$0x2], $0x1000, $0x38;
	[tilespmem:$0x1B000] =	vst v63  }
0x11c: {  	s22 =	sld [smem:$0x7F7]  }
0x11d: {  	[hbm4b:s20+s21] =	stream.linear.scatter [tilespmem:s26], [sflag:$0x2], $0x1000, $0x38;
	[tilespmem:$0x1B000] =	vst v63  }
0x11e: {  	s23 =	sld [smem:$0x7F8]  }
0x11f: {  	[hbm4b:s22+s21] =	stream.linear.scatter [tilespmem:s28], [sflag:$0x2], $0x1000, $0x38;
	[tilespmem:$0x1B000] =	vst v63  }
0x120: {  	s24 =	sld [smem:$0x7F9]  }
0x121: {  	[hbm4b:s23+s21] =	stream.linear.scatter [tilespmem:s29], [sflag:$0x2], $0x1000, $0x38;
	[tilespmem:$0x1B000] =	vst v63  }
0x122: {  	s25 =	sld [smem:$0x7FA]  }
0x123: {  	[hbm4b:s24+s21] =	stream.linear.scatter [tilespmem:s30], [sflag:$0x2], $0x1000, $0x38;
	[tilespmem:$0x1B000] =	vst v63  }
0x124: {  	s26 =	sld [smem:$0x7FB]  }
0x125: {  	[hbm4b:s25+s21] =	stream.linear.scatter [tilespmem:s31], [sflag:$0x2], $0x1000, $0x38;
	[tilespmem:$0x1B000] =	vst v63  }
0x126: {  	s28 =	sld [smem:$0x7FC]  }
0x127: {  	[hbm4b:s26+s21] =	stream.linear.scatter [tilespmem:s2], [sflag:$0x2], $0x1000, $0x38;
	[tilespmem:$0x1B000] =	vst v63  }
0x128: {  	s3 =	simm.s32 $0x2  }
0x129: {  	[hbm4b:s28+s21] =	stream.linear.scatter [tilespmem:s0], [sflag:$0x2], $0x1000, $0x38;
	[tilespmem:$0x1B000] =	vst v63  }
0x12a: {  	_ =	swait.ge [sflag:s3], $0x1000  }
0x12b: {  	[sflag:s3] =	ssyncset.done $0x0  }
0x12c: {  	[sflag:s3] =	ssyncadd.s32 $0xFFFFF000  }
0x12d: {  	_ =	swait.ge [sflag:s3], $0x1000  }
0x12e: {  	[sflag:s3] =	ssyncset.done $0x0  }
0x12f: {  	[sflag:s3] =	ssyncadd.s32 $0xFFFFF000  }
0x130: {  	_ =	swait.ge [sflag:s3], $0x1000  }
0x131: {  	[sflag:s3] =	ssyncset.done $0x0  }
0x132: {  	[sflag:s3] =	ssyncadd.s32 $0xFFFFF000  }
0x133: {  	_ =	swait.ge [sflag:s3], $0x1000  }
0x134: {  	[sflag:s3] =	ssyncset.done $0x0  }
0x135: {  	[sflag:s3] =	ssyncadd.s32 $0xFFFFF000  }
0x136: {  	_ =	swait.ge [sflag:s3], $0x1000  }
0x137: {  	[sflag:s3] =	ssyncset.done $0x0  }
0x138: {  	[sflag:s3] =	ssyncadd.s32 $0xFFFFF000  }
0x139: {  	_ =	swait.ge [sflag:s3], $0x1000  }
0x13a: {  	[sflag:s3] =	ssyncset.done $0x0  }
0x13b: {  	[sflag:s3] =	ssyncadd.s32 $0xFFFFF000  }
0x13c: {  	_ =	swait.ge [sflag:s3], $0x1000  }
0x13d: {  	[sflag:s3] =	ssyncset.done $0x0  }
0x13e: {  	[sflag:s3] =	ssyncadd.s32 $0xFFFFF000  }
0x13f: {  	_ =	swait.ge [sflag:s3], $0x1000  }
0x140: {  	[sflag:s3] =	ssyncset.done $0x0  }
0x141: {  	[sflag:s3] =	ssyncadd.s32 $0xFFFFF000  }
0x142: {  	_ =	swait.ge [sflag:s3], $0x1000  }
0x143: {  	[sflag:s3] =	ssyncset.done $0x0  }
0x144: {  	[sflag:s3] =	ssyncadd.s32 $0xFFFFF000  }
0x145: {  	_ =	swait.ge [sflag:s3], $0x1000  }
0x146: {  	[sflag:s3] =	ssyncset.done $0x0  }
0x147: {  	[sflag:s3] =	ssyncadd.s32 $0xFFFFF000  }
0x148: {  	_ =	swait.ge [sflag:s3], $0x1000  }
0x149: {  	[sflag:s3] =	ssyncset.done $0x0  }
0x14a: {  	[sflag:s3] =	ssyncadd.s32 $0xFFFFF000  }
0x14b: {  	_ =	swait.ge [sflag:s3], $0x1000  }
0x14c: {  	[sflag:s3] =	ssyncset.done $0x0  }
0x14d: {  	[sflag:s3] =	ssyncadd.s32 $0xFFFFF000  }
0x14e: {  	_ =	swait.ge [sflag:s3], $0x1000  }
0x14f: {  	[sflag:s3] =	ssyncset.done $0x0  }
0x150: {  	[sflag:s3] =	ssyncadd.s32 $0xFFFFF000  }
0x151: {  	_ =	swait.ge [sflag:s3], $0x1000  }
0x152: {  	[sflag:s3] =	ssyncset.done $0x0  }
0x153: {  	[sflag:s3] =	ssyncadd.s32 $0xFFFFF000  }
0x154: {  	_ =	swait.ge [sflag:s3], $0x1000  }
0x155: {  	[sflag:s3] =	ssyncset.done $0x0  }
0x156: {  	[sflag:s3] =	ssyncadd.s32 $0xFFFFF000  }
0x157: {  	_ =	swait.ge [sflag:s3], $0x1000  }
0x158: {  	s29 =	sld [smem:$0x7FD];
	_ =	sdelay $0x2  }
0x159: {  	s30 =	ssub.s32 $0x2, s29  }
0x15a: {  	s31 =	sshrl.u32 s30, $0x1  }
0x15b: {  	s6 =	ssub.s32 s30, s31  }
0x15c: {  	s6 =	smax.u32 s6, $0x1  }
0x15d: {  	[sflag:s3] =	ssyncset.done $0x0;
	p0 =	sne.s32 s6, $0x1  }
.Ltmp0:
0x15e: {  	[sflag:s3] =	ssyncadd.s32 $0xFFFFF000;
	(pc) =	sbr.rel @!p0 .LBB2_3-.Ltmp0, $4  }
0x15f: {  	_ =	swait.ge [sflag:s3], $0x1000  }
0x160: {  	[sflag:s3] =	ssyncset.done $0x0  }
0x161: {  	[sflag:s3] =	ssyncadd.s32 $0xFFFFF000  }
0x162: {  	_ =	swait.ge [sflag:s3], $0x1000;
	s0 =	sadd.s32 $0xFFFFFFFF, s6  }
0x163: {  	s5 =	simm.s32 $0x0  }
.LBB2_2:
0x164: {  	s4 =	sadd.s32 $0xFFFFFFFF, s0;
	[sflag:s3] =	ssyncset.done $0x0  }
0x165: {  	[smem:$0x7C9] =	sst s4;
	[sflag:s3] =	ssyncadd.s32 $0xFFFFF000  }
0x166: {  	_ =	swait.ge [sflag:s3], $0x1000  }
0x167: {  	[sflag:s3] =	ssyncset.done $0x0  }
0x168: {  	[sflag:s3] =	ssyncadd.s32 $0xFFFFF000  }
0x169: {  	_ =	swait.ge [sflag:s3], $0x1000  }
0x16a: {  	[sflag:s3] =	ssyncset.done $0x0  }
0x16b: {  	[sflag:s3] =	ssyncadd.s32 $0xFFFFF000  }
0x16c: {  	_ =	swait.ge [sflag:s3], $0x1000  }
0x16d: {  	[sflag:s3] =	ssyncset.done $0x0  }
0x16e: {  	[sflag:s3] =	ssyncadd.s32 $0xFFFFF000  }
0x16f: {  	_ =	swait.ge [sflag:s3], $0x1000  }
0x170: {  	[sflag:s3] =	ssyncset.done $0x0  }
0x171: {  	[sflag:s3] =	ssyncadd.s32 $0xFFFFF000  }
0x172: {  	_ =	swait.ge [sflag:s3], $0x1000  }
0x173: {  	[sflag:s3] =	ssyncset.done $0x0  }
0x174: {  	[sflag:s3] =	ssyncadd.s32 $0xFFFFF000  }
0x175: {  	_ =	swait.ge [sflag:s3], $0x1000  }
0x176: {  	[sflag:s3] =	ssyncset.done $0x0  }
0x177: {  	[sflag:s3] =	ssyncadd.s32 $0xFFFFF000  }
0x178: {  	_ =	swait.ge [sflag:s3], $0x1000  }
0x179: {  	[sflag:s3] =	ssyncset.done $0x0  }
0x17a: {  	[sflag:s3] =	ssyncadd.s32 $0xFFFFF000  }
0x17b: {  	_ =	swait.ge [sflag:s3], $0x1000  }
0x17c: {  	s8 =	sld [smem:$0x7CA]  }
0x17d: {  	s9 =	sld [smem:$0x7CB]  }
0x17e: {  	[sflag:s3] =	ssyncset.done $0x0  }
0x17f: {  	s6 =	simm.s32 $0x3;
	s7 =	rddreg [dreg:$0x3];
	[sflag:s3] =	ssyncadd.s32 $0xFFFFF000  }
0x180: {  	[tilespmem:s5], [sflag:$0x3] =	stream.strided.gather [hbm4b:s7+s9], $0xD00, s8, s9, $0x38;
	[tilespmem:$0x1B000] =	vst v63  }
0x181: {  	_ =	swait.ge [sflag:s6], $0xD00  }
0x182: {  	s2 =	sld [smem:$0x7E1]  }
0x183: {  	s7 =	sld [smem:$0x7DF]  }
0x184: {  	s8 =	sld [smem:$0x7DD]  }
0x185: {  	s11 =	sld [smem:$0x7D9]  }
0x186: {  	s12 =	sld [smem:$0x7D7]  }
0x187: {  	s13 =	sld [smem:$0x7D5]  }
0x188: {  	s14 =	sld [smem:$0x7D3]  }
0x189: {  	s15 =	sld [smem:$0x7D1]  }
0x18a: {  	s16 =	sld [smem:$0x7CF]  }
0x18b: {  	s17 =	sld [smem:$0x7CC]  }
0x18c: {  	s18 =	rddreg [dreg:$0x1f]  }
0x18d: {  	s19 =	rddreg [dreg:$0x1d]  }
0x18e: {  	s20 =	rddreg [dreg:$0x1b]  }
0x18f: {  	s21 =	rddreg [dreg:$0x19]  }
0x190: {  	s22 =	rddreg [dreg:$0x17]  }
0x191: {  	s23 =	rddreg [dreg:$0x15]  }
0x192: {  	s24 =	rddreg [dreg:$0x13]  }
0x193: {  	s25 =	rddreg [dreg:$0x11]  }
0x194: {  	s26 =	rddreg [dreg:$0xf]  }
0x195: {  	s28 =	rddreg [dreg:$0xd]  }
0x196: {  	s29 =	rddreg [dreg:$0xa]  }
0x197: {  	s30 =	rddreg [dreg:$0xb]  }
0x198: {  	s31 =	rddreg [dreg:$0x4]  }
0x199: {  	p0 =	sne.s32 s0, $0x1;
	s0 =	rddreg [dreg:$0x5]  }
0x19a: {  	[sflag:s6] =	ssyncset.done $0x0;
	s4 =	rddreg [dreg:$0x2]  }
0x19b: {  	[sflag:s6] =	ssyncadd.s32 $0xFFFFF300;
	s6 =	rddreg [dreg:$0x9]  }
0x19c: {  	[smem:$0x7C8] =	sst s2  }
0x19d: {  	[smem:$0x7C6] =	sst s8  }
0x19e: {  	s8 =	sld [smem:$0x7CD]  }
0x19f: {  	[smem:$0x7C7] =	sst s7  }
0x1a0: {  	s9 =	simm.s32 $0x1000;
	s7 =	sld [smem:$0x7DB]  }
0x1a1: {  	[tilespmem:s9], [sflag:$0x1] =	stream.indirect.gather [hbm4b:s4+s10], $0x80, s8, s10, $0xb8;
	[tilespmem:$0x1B000] =	vst v63  }
0x1a2: {  	s2 =	rddreg [dreg:$0x7];
	s8 =	simm.s32 $0x2000  }
0x1a3: {  	[tilespmem:s8], [sflag:$0x1] =	stream.indirect.gather [hbm4b:s0+s10], $0x80, s31, s10, $0xb8;
	[tilespmem:$0x1B000] =	vst v63  }
0x1a4: {  	s4 =	rddreg [dreg:$0x6];
	s31 =	simm.s32 $0x3000  }
0x1a5: {  	[tilespmem:s31], [sflag:$0x1] =	stream.indirect.gather [hbm4b:s2+s10], $0x80, s4, s10, $0xb8;
	[tilespmem:$0x1B000] =	vst v63  }
0x1a6: {  	s9 =	rddreg [dreg:$0x8];
	s4 =	simm.s32 $0x4000  }
0x1a7: {  	[tilespmem:s4], [sflag:$0x1] =	stream.indirect.gather [hbm4b:s6+s10], $0x80, s9, s10, $0xb8;
	[tilespmem:$0x1B000] =	vst v63  }
0x1a8: {  	s9 =	rddreg [dreg:$0xc]  }
0x1a9: {  	s4 =	simm.s32 $0x5000;
	s6 =	rddreg [dreg:$0xe]  }
0x1aa: {  	[tilespmem:s4], [sflag:$0x1] =	stream.indirect.gather [hbm4b:s30+s10], $0x80, s29, s10, $0xb8;
	[tilespmem:$0x1B000] =	vst v63  }
0x1ab: {  	s29 =	simm.s32 $0x6000;
	s30 =	rddreg [dreg:$0x12]  }
0x1ac: {  	[tilespmem:s29], [sflag:$0x1] =	stream.indirect.gather [hbm4b:s28+s10], $0x80, s9, s10, $0xb8;
	[tilespmem:$0x1B000] =	vst v63  }
0x1ad: {  	s4 =	rddreg [dreg:$0x14];
	s28 =	simm.s32 $0x7000  }
0x1ae: {  	[tilespmem:s28], [sflag:$0x1] =	stream.indirect.gather [hbm4b:s26+s10], $0x80, s6, s10, $0xb8;
	[tilespmem:$0x1B000] =	vst v63  }
0x1af: {  	s9 =	rddreg [dreg:$0x10];
	s26 =	simm.s32 $0x8000  }
0x1b0: {  	[tilespmem:s26], [sflag:$0x1] =	stream.indirect.gather [hbm4b:s25+s10], $0x80, s9, s10, $0xb8;
	[tilespmem:$0x1B000] =	vst v63  }
0x1b1: {  	s6 =	rddreg [dreg:$0x16];
	s25 =	simm.s32 $0x9000  }
0x1b2: {  	[tilespmem:s25], [sflag:$0x1] =	stream.indirect.gather [hbm4b:s24+s10], $0x80, s30, s10, $0xb8;
	[tilespmem:$0x1B000] =	vst v63  }
0x1b3: {  	s9 =	rddreg [dreg:$0x18];
	s24 =	simm.s32 $0xA000  }
0x1b4: {  	[tilespmem:s24], [sflag:$0x1] =	stream.indirect.gather [hbm4b:s23+s10], $0x80, s4, s10, $0xb8;
	[tilespmem:$0x1B000] =	vst v63  }
0x1b5: {  	s30 =	rddreg [dreg:$0x1a];
	s23 =	simm.s32 $0xB000  }
0x1b6: {  	[tilespmem:s23], [sflag:$0x1] =	stream.indirect.gather [hbm4b:s22+s10], $0x80, s6, s10, $0xb8;
	[tilespmem:$0x1B000] =	vst v63  }
0x1b7: {  	s4 =	rddreg [dreg:$0x1c];
	s22 =	simm.s32 $0xC000  }
0x1b8: {  	[tilespmem:s22], [sflag:$0x1] =	stream.indirect.gather [hbm4b:s21+s10], $0x80, s9, s10, $0xb8;
	[tilespmem:$0x1B000] =	vst v63  }
0x1b9: {  	s6 =	rddreg [dreg:$0x1e];
	s21 =	simm.s32 $0xD000  }
0x1ba: {  	[tilespmem:s21], [sflag:$0x1] =	stream.indirect.gather [hbm4b:s20+s10], $0x80, s30, s10, $0xb8;
	[tilespmem:$0x1B000] =	vst v63  }
0x1bb: {  	s9 =	sld [smem:$0x7CE];
	s20 =	simm.s32 $0xE000  }
0x1bc: {  	[tilespmem:s20], [sflag:$0x1] =	stream.indirect.gather [hbm4b:s19+s10], $0x80, s4, s10, $0xb8;
	[tilespmem:$0x1B000] =	vst v63  }
0x1bd: {  	s30 =	sld [smem:$0x7D0];
	s19 =	simm.s32 $0xF000  }
0x1be: {  	[tilespmem:s19], [sflag:$0x1] =	stream.indirect.gather [hbm4b:s18+s10], $0x80, s6, s10, $0xb8;
	[tilespmem:$0x1B000] =	vst v63  }
0x1bf: {  	s4 =	sld [smem:$0x7D2];
	s18 =	simm.s32 $0x10000  }
0x1c0: {  	[tilespmem:s18], [sflag:$0x1] =	stream.indirect.gather [hbm4b:s17+s10], $0x80, s9, s10, $0xb8;
	[tilespmem:$0x1B000] =	vst v63  }
0x1c1: {  	s6 =	sld [smem:$0x7D4];
	s17 =	simm.s32 $0x11000  }
0x1c2: {  	[tilespmem:s17], [sflag:$0x1] =	stream.indirect.gather [hbm4b:s16+s10], $0x80, s30, s10, $0xb8;
	[tilespmem:$0x1B000] =	vst v63  }
0x1c3: {  	s9 =	sld [smem:$0x7D6];
	s16 =	simm.s32 $0x12000  }
0x1c4: {  	[tilespmem:s16], [sflag:$0x1] =	stream.indirect.gather [hbm4b:s15+s10], $0x80, s4, s10, $0xb8;
	[tilespmem:$0x1B000] =	vst v63  }
0x1c5: {  	s30 =	sld [smem:$0x7D8];
	s15 =	simm.s32 $0x13000  }
0x1c6: {  	[tilespmem:s15], [sflag:$0x1] =	stream.indirect.gather [hbm4b:s14+s10], $0x80, s6, s10, $0xb8;
	[tilespmem:$0x1B000] =	vst v63  }
0x1c7: {  	s4 =	sld [smem:$0x7DA];
	s14 =	simm.s32 $0x14000  }
0x1c8: {  	[tilespmem:s14], [sflag:$0x1] =	stream.indirect.gather [hbm4b:s13+s10], $0x80, s9, s10, $0xb8;
	[tilespmem:$0x1B000] =	vst v63  }
0x1c9: {  	s6 =	sld [smem:$0x7DC];
	s13 =	simm.s32 $0x15000  }
0x1ca: {  	[tilespmem:s13], [sflag:$0x1] =	stream.indirect.gather [hbm4b:s12+s10], $0x80, s30, s10, $0xb8;
	[tilespmem:$0x1B000] =	vst v63  }
0x1cb: {  	s9 =	sld [smem:$0x7DE];
	s12 =	simm.s32 $0x16000  }
0x1cc: {  	[tilespmem:s12], [sflag:$0x1] =	stream.indirect.gather [hbm4b:s11+s10], $0x80, s4, s10, $0xb8;
	[tilespmem:$0x1B000] =	vst v63  }
0x1cd: {  	s30 =	sld [smem:$0x7C6];
	s11 =	simm.s32 $0x17000  }
0x1ce: {  	[tilespmem:s11], [sflag:$0x1] =	stream.indirect.gather [hbm4b:s7+s10], $0x80, s6, s10, $0xb8;
	[tilespmem:$0x1B000] =	vst v63  }
0x1cf: {  	s2 =	sld [smem:$0x7E0];
	s7 =	simm.s32 $0x18000  }
0x1d0: {  	[tilespmem:s7], [sflag:$0x1] =	stream.indirect.gather [hbm4b:s30+s10], $0x80, s9, s10, $0xb8;
	[tilespmem:$0x1B000] =	vst v63  }
0x1d1: {  	s30 =	sld [smem:$0x7C7]  }
0x1d2: {  	s4 =	sld [smem:$0x7C8]  }
0x1d3: {  	s6 =	sld [smem:$0x7E2];
	s9 =	simm.s32 $0x19000  }
0x1d4: {  	[tilespmem:s9], [sflag:$0x1] =	stream.indirect.gather [hbm4b:s30+s10], $0x80, s2, s10, $0xb8;
	[tilespmem:$0x1B000] =	vst v63  }
0x1d5: {  	s30 =	simm.s32 $0x1A000  }
0x1d6: {  	[tilespmem:s30], [sflag:$0x1] =	stream.indirect.gather [hbm4b:s4+s10], $0x80, s6, s10, $0xb8;
	[tilespmem:$0x1B000] =	vst v63  }
0x1d7: {  	_ =	swait.ge [sflag:s1], $0x1000  }
0x1d8: {  	[sflag:s1] =	ssyncset.done $0x0  }
0x1d9: {  	[sflag:s1] =	ssyncadd.s32 $0xFFFFF000  }
0x1da: {  	_ =	swait.ge [sflag:s1], $0x1000  }
0x1db: {  	[sflag:s1] =	ssyncset.done $0x0  }
0x1dc: {  	[sflag:s1] =	ssyncadd.s32 $0xFFFFF000  }
0x1dd: {  	_ =	swait.ge [sflag:s1], $0x1000  }
0x1de: {  	[sflag:s1] =	ssyncset.done $0x0  }
0x1df: {  	[sflag:s1] =	ssyncadd.s32 $0xFFFFF000  }
0x1e0: {  	_ =	swait.ge [sflag:s1], $0x1000  }
0x1e1: {  	[sflag:s1] =	ssyncset.done $0x0  }
0x1e2: {  	[sflag:s1] =	ssyncadd.s32 $0xFFFFF000  }
0x1e3: {  	_ =	swait.ge [sflag:s1], $0x1000  }
0x1e4: {  	[sflag:s1] =	ssyncset.done $0x0  }
0x1e5: {  	[sflag:s1] =	ssyncadd.s32 $0xFFFFF000  }
0x1e6: {  	_ =	swait.ge [sflag:s1], $0x1000  }
0x1e7: {  	[sflag:s1] =	ssyncset.done $0x0  }
0x1e8: {  	[sflag:s1] =	ssyncadd.s32 $0xFFFFF000  }
0x1e9: {  	_ =	swait.ge [sflag:s1], $0x1000  }
0x1ea: {  	[sflag:s1] =	ssyncset.done $0x0  }
0x1eb: {  	[sflag:s1] =	ssyncadd.s32 $0xFFFFF000  }
0x1ec: {  	_ =	swait.ge [sflag:s1], $0x1000  }
0x1ed: {  	[sflag:s1] =	ssyncset.done $0x0  }
0x1ee: {  	[sflag:s1] =	ssyncadd.s32 $0xFFFFF000  }
0x1ef: {  	_ =	swait.ge [sflag:s1], $0x1000  }
0x1f0: {  	[sflag:s1] =	ssyncset.done $0x0  }
0x1f1: {  	[sflag:s1] =	ssyncadd.s32 $0xFFFFF000  }
0x1f2: {  	_ =	swait.ge [sflag:s1], $0x1000  }
0x1f3: {  	[sflag:s1] =	ssyncset.done $0x0  }
0x1f4: {  	[sflag:s1] =	ssyncadd.s32 $0xFFFFF000  }
0x1f5: {  	_ =	swait.ge [sflag:s1], $0x1000  }
0x1f6: {  	[sflag:s1] =	ssyncset.done $0x0  }
0x1f7: {  	[sflag:s1] =	ssyncadd.s32 $0xFFFFF000  }
0x1f8: {  	_ =	swait.ge [sflag:s1], $0x1000  }
0x1f9: {  	[sflag:s1] =	ssyncset.done $0x0  }
0x1fa: {  	[sflag:s1] =	ssyncadd.s32 $0xFFFFF000  }
0x1fb: {  	_ =	swait.ge [sflag:s1], $0x1000  }
0x1fc: {  	[sflag:s1] =	ssyncset.done $0x0  }
0x1fd: {  	[sflag:s1] =	ssyncadd.s32 $0xFFFFF000  }
0x1fe: {  	_ =	swait.ge [sflag:s1], $0x1000  }
0x1ff: {  	[sflag:s1] =	ssyncset.done $0x0  }
0x200: {  	[sflag:s1] =	ssyncadd.s32 $0xFFFFF000  }
0x201: {  	_ =	swait.ge [sflag:s1], $0x1000  }
0x202: {  	[sflag:s1] =	ssyncset.done $0x0  }
0x203: {  	[sflag:s1] =	ssyncadd.s32 $0xFFFFF000  }
0x204: {  	_ =	swait.ge [sflag:s1], $0x1000  }
0x205: {  	[sflag:s1] =	ssyncset.done $0x0  }
0x206: {  	[sflag:s1] =	ssyncadd.s32 $0xFFFFF000  }
0x207: {  	_ =	swait.ge [sflag:s1], $0x1000  }
0x208: {  	[sflag:s1] =	ssyncset.done $0x0  }
0x209: {  	[sflag:s1] =	ssyncadd.s32 $0xFFFFF000  }
0x20a: {  	_ =	swait.ge [sflag:s1], $0x1000  }
0x20b: {  	[sflag:s1] =	ssyncset.done $0x0  }
0x20c: {  	[sflag:s1] =	ssyncadd.s32 $0xFFFFF000  }
0x20d: {  	_ =	swait.ge [sflag:s1], $0x1000  }
0x20e: {  	[sflag:s1] =	ssyncset.done $0x0  }
0x20f: {  	[sflag:s1] =	ssyncadd.s32 $0xFFFFF000  }
0x210: {  	_ =	swait.ge [sflag:s1], $0x1000  }
0x211: {  	[sflag:s1] =	ssyncset.done $0x0  }
0x212: {  	[sflag:s1] =	ssyncadd.s32 $0xFFFFF000  }
0x213: {  	_ =	swait.ge [sflag:s1], $0x1000  }
0x214: {  	[sflag:s1] =	ssyncset.done $0x0  }
0x215: {  	[sflag:s1] =	ssyncadd.s32 $0xFFFFF000  }
0x216: {  	_ =	swait.ge [sflag:s1], $0x1000  }
0x217: {  	[sflag:s1] =	ssyncset.done $0x0  }
0x218: {  	[sflag:s1] =	ssyncadd.s32 $0xFFFFF000  }
0x219: {  	_ =	swait.ge [sflag:s1], $0x1000  }
0x21a: {  	[sflag:s1] =	ssyncset.done $0x0  }
0x21b: {  	[sflag:s1] =	ssyncadd.s32 $0xFFFFF000  }
0x21c: {  	_ =	swait.ge [sflag:s1], $0x1000  }
0x21d: {  	[sflag:s1] =	ssyncset.done $0x0  }
0x21e: {  	[sflag:s1] =	ssyncadd.s32 $0xFFFFF000  }
0x21f: {  	_ =	swait.ge [sflag:s1], $0x1000  }
0x220: {  	[sflag:s1] =	ssyncset.done $0x0  }
0x221: {  	[sflag:s1] =	ssyncadd.s32 $0xFFFFF000  }
0x222: {  	_ =	swait.ge [sflag:s1], $0x1000  }
0x223: {  	s0 =	sld [smem:$0x7E3]  }
0x224: {  	[sflag:s1] =	ssyncset.done $0x0  }
0x225: {  	s6 =	simm.s32 $0x1000;
	s2 =	sld [smem:$0x7E4];
	[sflag:s1] =	ssyncadd.s32 $0xFFFFF000  }
0x226: {  	[hbm4b:s0+s5] =	stream.linear.scatter [tilespmem:s6], [sflag:$0x2], $0x1000, $0x38;
	[tilespmem:$0x1B000] =	vst v63  }
0x227: {  	s4 =	sld [smem:$0x7E5]  }
0x228: {  	[hbm4b:s2+s5] =	stream.linear.scatter [tilespmem:s8], [sflag:$0x2], $0x1000, $0x38;
	[tilespmem:$0x1B000] =	vst v63  }
0x229: {  	s0 =	sld [smem:$0x7E6]  }
0x22a: {  	[hbm4b:s4+s5] =	stream.linear.scatter [tilespmem:s31], [sflag:$0x2], $0x1000, $0x38;
	[tilespmem:$0x1B000] =	vst v63  }
0x22b: {  	s6 =	simm.s32 $0x4000;
	s2 =	sld [smem:$0x7E7]  }
0x22c: {  	[hbm4b:s0+s5] =	stream.linear.scatter [tilespmem:s6], [sflag:$0x2], $0x1000, $0x38;
	[tilespmem:$0x1B000] =	vst v63  }
0x22d: {  	s8 =	simm.s32 $0x5000;
	s4 =	sld [smem:$0x7E8]  }
0x22e: {  	[hbm4b:s2+s5] =	stream.linear.scatter [tilespmem:s8], [sflag:$0x2], $0x1000, $0x38;
	[tilespmem:$0x1B000] =	vst v63  }
0x22f: {  	s0 =	sld [smem:$0x7E9]  }
0x230: {  	[hbm4b:s4+s5] =	stream.linear.scatter [tilespmem:s29], [sflag:$0x2], $0x1000, $0x38;
	[tilespmem:$0x1B000] =	vst v63  }
0x231: {  	s31 =	sld [smem:$0x7EA]  }
0x232: {  	[hbm4b:s0+s5] =	stream.linear.scatter [tilespmem:s28], [sflag:$0x2], $0x1000, $0x38;
	[tilespmem:$0x1B000] =	vst v63  }
0x233: {  	s6 =	sld [smem:$0x7EB]  }
0x234: {  	[hbm4b:s31+s5] =	stream.linear.scatter [tilespmem:s26], [sflag:$0x2], $0x1000, $0x38;
	[tilespmem:$0x1B000] =	vst v63  }
0x235: {  	s8 =	sld [smem:$0x7EC]  }
0x236: {  	[hbm4b:s6+s5] =	stream.linear.scatter [tilespmem:s25], [sflag:$0x2], $0x1000, $0x38;
	[tilespmem:$0x1B000] =	vst v63  }
0x237: {  	s26 =	sld [smem:$0x7ED]  }
0x238: {  	[hbm4b:s8+s5] =	stream.linear.scatter [tilespmem:s24], [sflag:$0x2], $0x1000, $0x38;
	[tilespmem:$0x1B000] =	vst v63  }
0x239: {  	s28 =	sld [smem:$0x7EE]  }
0x23a: {  	[hbm4b:s26+s5] =	stream.linear.scatter [tilespmem:s23], [sflag:$0x2], $0x1000, $0x38;
	[tilespmem:$0x1B000] =	vst v63  }
0x23b: {  	s29 =	sld [smem:$0x7EF]  }
0x23c: {  	[hbm4b:s28+s5] =	stream.linear.scatter [tilespmem:s22], [sflag:$0x2], $0x1000, $0x38;
	[tilespmem:$0x1B000] =	vst v63  }
0x23d: {  	s31 =	sld [smem:$0x7F0]  }
0x23e: {  	[hbm4b:s29+s5] =	stream.linear.scatter [tilespmem:s21], [sflag:$0x2], $0x1000, $0x38;
	[tilespmem:$0x1B000] =	vst v63  }
0x23f: {  	s6 =	sld [smem:$0x7F1]  }
0x240: {  	[hbm4b:s31+s5] =	stream.linear.scatter [tilespmem:s20], [sflag:$0x2], $0x1000, $0x38;
	[tilespmem:$0x1B000] =	vst v63  }
0x241: {  	s8 =	sld [smem:$0x7F2]  }
0x242: {  	[hbm4b:s6+s5] =	stream.linear.scatter [tilespmem:s19], [sflag:$0x2], $0x1000, $0x38;
	[tilespmem:$0x1B000] =	vst v63  }
0x243: {  	s20 =	sld [smem:$0x7F3]  }
0x244: {  	[hbm4b:s8+s5] =	stream.linear.scatter [tilespmem:s18], [sflag:$0x2], $0x1000, $0x38;
	[tilespmem:$0x1B000] =	vst v63  }
0x245: {  	s21 =	sld [smem:$0x7F4]  }
0x246: {  	[hbm4b:s20+s5] =	stream.linear.scatter [tilespmem:s17], [sflag:$0x2], $0x1000, $0x38;
	[tilespmem:$0x1B000] =	vst v63  }
0x247: {  	s22 =	sld [smem:$0x7F5]  }
0x248: {  	[hbm4b:s21+s5] =	stream.linear.scatter [tilespmem:s16], [sflag:$0x2], $0x1000, $0x38;
	[tilespmem:$0x1B000] =	vst v63  }
0x249: {  	s23 =	sld [smem:$0x7F6]  }
0x24a: {  	[hbm4b:s22+s5] =	stream.linear.scatter [tilespmem:s15], [sflag:$0x2], $0x1000, $0x38;
	[tilespmem:$0x1B000] =	vst v63  }
0x24b: {  	s24 =	sld [smem:$0x7F7]  }
0x24c: {  	[hbm4b:s23+s5] =	stream.linear.scatter [tilespmem:s14], [sflag:$0x2], $0x1000, $0x38;
	[tilespmem:$0x1B000] =	vst v63  }
0x24d: {  	s25 =	sld [smem:$0x7F8]  }
0x24e: {  	[hbm4b:s24+s5] =	stream.linear.scatter [tilespmem:s13], [sflag:$0x2], $0x1000, $0x38;
	[tilespmem:$0x1B000] =	vst v63  }
0x24f: {  	s26 =	sld [smem:$0x7F9]  }
0x250: {  	[hbm4b:s25+s5] =	stream.linear.scatter [tilespmem:s12], [sflag:$0x2], $0x1000, $0x38;
	[tilespmem:$0x1B000] =	vst v63  }
0x251: {  	s28 =	sld [smem:$0x7FA]  }
0x252: {  	[hbm4b:s26+s5] =	stream.linear.scatter [tilespmem:s11], [sflag:$0x2], $0x1000, $0x38;
	[tilespmem:$0x1B000] =	vst v63  }
0x253: {  	s29 =	sld [smem:$0x7FB]  }
0x254: {  	[hbm4b:s28+s5] =	stream.linear.scatter [tilespmem:s7], [sflag:$0x2], $0x1000, $0x38;
	[tilespmem:$0x1B000] =	vst v63  }
0x255: {  	s31 =	sld [smem:$0x7FC]  }
0x256: {  	[hbm4b:s29+s5] =	stream.linear.scatter [tilespmem:s9], [sflag:$0x2], $0x1000, $0x38;
	[tilespmem:$0x1B000] =	vst v63  }
0x257: {  	_ = 	snop  }
0x258: {  	[hbm4b:s31+s5] =	stream.linear.scatter [tilespmem:s30], [sflag:$0x2], $0x1000, $0x38;
	[tilespmem:$0x1B000] =	vst v63  }
0x259: {  	s0 =	sld [smem:$0x7C9];
	_ =	swait.ge [sflag:s3], $0x1000  }
0x25a: {  	[sflag:s3] =	ssyncset.done $0x0  }
0x25b: {  	[sflag:s3] =	ssyncadd.s32 $0xFFFFF000  }
0x25c: {  	_ =	swait.ge [sflag:s3], $0x1000  }
0x25d: {  	[sflag:s3] =	ssyncset.done $0x0  }
0x25e: {  	[sflag:s3] =	ssyncadd.s32 $0xFFFFF000  }
0x25f: {  	_ =	swait.ge [sflag:s3], $0x1000  }
0x260: {  	[sflag:s3] =	ssyncset.done $0x0  }
0x261: {  	[sflag:s3] =	ssyncadd.s32 $0xFFFFF000  }
0x262: {  	_ =	swait.ge [sflag:s3], $0x1000  }
0x263: {  	[sflag:s3] =	ssyncset.done $0x0  }
0x264: {  	[sflag:s3] =	ssyncadd.s32 $0xFFFFF000  }
0x265: {  	_ =	swait.ge [sflag:s3], $0x1000  }
0x266: {  	[sflag:s3] =	ssyncset.done $0x0  }
0x267: {  	[sflag:s3] =	ssyncadd.s32 $0xFFFFF000  }
0x268: {  	_ =	swait.ge [sflag:s3], $0x1000  }
0x269: {  	[sflag:s3] =	ssyncset.done $0x0  }
0x26a: {  	[sflag:s3] =	ssyncadd.s32 $0xFFFFF000  }
0x26b: {  	_ =	swait.ge [sflag:s3], $0x1000  }
0x26c: {  	[sflag:s3] =	ssyncset.done $0x0  }
0x26d: {  	[sflag:s3] =	ssyncadd.s32 $0xFFFFF000  }
0x26e: {  	_ =	swait.ge [sflag:s3], $0x1000  }
0x26f: {  	[sflag:s3] =	ssyncset.done $0x0  }
0x270: {  	[sflag:s3] =	ssyncadd.s32 $0xFFFFF000  }
0x271: {  	_ =	swait.ge [sflag:s3], $0x1000  }
0x272: {  	[sflag:s3] =	ssyncset.done $0x0  }
0x273: {  	[sflag:s3] =	ssyncadd.s32 $0xFFFFF000  }
0x274: {  	_ =	swait.ge [sflag:s3], $0x1000  }
0x275: {  	[sflag:s3] =	ssyncset.done $0x0  }
0x276: {  	[sflag:s3] =	ssyncadd.s32 $0xFFFFF000  }
0x277: {  	_ =	swait.ge [sflag:s3], $0x1000  }
0x278: {  	[sflag:s3] =	ssyncset.done $0x0  }
0x279: {  	[sflag:s3] =	ssyncadd.s32 $0xFFFFF000  }
0x27a: {  	_ =	swait.ge [sflag:s3], $0x1000  }
0x27b: {  	[sflag:s3] =	ssyncset.done $0x0  }
0x27c: {  	[sflag:s3] =	ssyncadd.s32 $0xFFFFF000  }
0x27d: {  	_ =	swait.ge [sflag:s3], $0x1000  }
0x27e: {  	[sflag:s3] =	ssyncset.done $0x0  }
0x27f: {  	[sflag:s3] =	ssyncadd.s32 $0xFFFFF000  }
0x280: {  	_ =	swait.ge [sflag:s3], $0x1000  }
0x281: {  	[sflag:s3] =	ssyncset.done $0x0  }
0x282: {  	[sflag:s3] =	ssyncadd.s32 $0xFFFFF000  }
0x283: {  	_ =	swait.ge [sflag:s3], $0x1000  }
0x284: {  	[sflag:s3] =	ssyncset.done $0x0  }
0x285: {  	[sflag:s3] =	ssyncadd.s32 $0xFFFFF000  }
0x286: {  	_ =	swait.ge [sflag:s3], $0x1000  }
0x287: {  	[sflag:s3] =	ssyncset.done $0x0  }
.Ltmp1:
0x288: {  	[sflag:s3] =	ssyncadd.s32 $0xFFFFF000;
	(pc) =	sbr.rel @p0 .LBB2_2-.Ltmp1, $4  }
0x289: {  	_ =	swait.ge [sflag:s3], $0x1000  }
0x28a: {  	[sflag:s3] =	ssyncset.done $0x0  }
0x28b: {  	[sflag:s3] =	ssyncadd.s32 $0xFFFFF000  }
0x28c: {  	_ =	swait.ge [sflag:s3], $0x1000  }
.LBB2_3:
0x28d: {  	[sflag:s3] =	ssyncset.done $0x0  }
0x28e: {  	[sflag:s3] =	ssyncadd.s32 $0xFFFFF000  }
0x28f: {  	_ =	swait.ge [sflag:s3], $0x1000  }
0x290: {  	[sflag:s3] =	ssyncset.done $0x0  }
0x291: {  	[sflag:s3] =	ssyncadd.s32 $0xFFFFF000  }
0x292: {  	_ =	swait.ge [sflag:s3], $0x1000  }
0x293: {  	[sflag:s3] =	ssyncset.done $0x0  }
0x294: {  	[sflag:s3] =	ssyncadd.s32 $0xFFFFF000  }
0x295: {  	_ =	swait.ge [sflag:s3], $0x1000  }
0x296: {  	[sflag:s3] =	ssyncset.done $0x0  }
0x297: {  	[sflag:s3] =	ssyncadd.s32 $0xFFFFF000  }
0x298: {  	_ =	swait.ge [sflag:s3], $0x1000  }
0x299: {  	[sflag:s3] =	ssyncset.done $0x0  }
0x29a: {  	[sflag:s3] =	ssyncadd.s32 $0xFFFFF000  }
0x29b: {  	_ =	swait.ge [sflag:s3], $0x1000  }
0x29c: {  	[sflag:s3] =	ssyncset.done $0x0  }
0x29d: {  	[sflag:s3] =	ssyncadd.s32 $0xFFFFF000  }
0x29e: {  	_ =	swait.ge [sflag:s3], $0x1000  }
0x29f: {  	[sflag:s3] =	ssyncset.done $0x0  }
0x2a0: {  	[sflag:s3] =	ssyncadd.s32 $0xFFFFF000  }
0x2a1: {  	_ =	swait.ge [sflag:s3], $0x1000  }
0x2a2: {  	[sflag:s3] =	ssyncset.done $0x0  }
0x2a3: {  	[sflag:s3] =	ssyncadd.s32 $0xFFFFF000  }
0x2a4: {  	_ =	swait.ge [sflag:s3], $0x1000  }
0x2a5: {  	[sflag:s3] =	ssyncset.done $0x0  }
0x2a6: {  	[sflag:s3] =	ssyncadd.s32 $0xFFFFF000  }
0x2a7: {  	_ =	sfence.sel $0x180000  }
0x2a8: {  	[bflag:$0x0] =	sbarrier.arrive $0xFFFF  }
0x2a9: {  	_ =	strace $0x90000047  }
0x2aa: {  	s0 =	stileid.u32;
	[bflag:$0x2] =	sbarrier.arrive $0xFFFF  }
0x2ab: {  	p0 =	sne.s32 s0, $0x0;
	s0 =	rddreg [dreg:$0x1]  }
0x2ac: {  	s0 =	sadd.s32 @!p0 $0x100000, s0  }
0x2ad: {  	[sflag:s0] =	ssyncadd.tile.s32 @!p0 $0x1;
	_ =	shalt  }
.Lfunc_end2:
_tile_overlayer_lowered:
.L_overlay_start_2:
0x2ae: {  	(tag) =	ssettag $0x2  }
0x2af: {  	s0 =	rddreg [dreg:$0x0];
	s2 =	stileid.u32  }
0x2b0: {  	s1 =	rddreg [dreg:$0x1];
	p0 =	sne.s32 s2, $0x0  }
0x2b1: {  	s3 =	rddreg [dreg:$0x2];
	[bflag:$0x3] =	sbarrier.arrive $0xFFFF;
	s2 =	simm.s32 @!p0 $0x1C03  }
0x2b2: {  	[timem:s3], [sflag:s2] =	dma.local @!p0 [hbm:s0], s1  }
0x2b3: {  	s0 =	simm.s32 @!p0 $0x3  }
0x2b4: {  	_ =	swait.ge @!p0 [sflag:s0], s1  }
0x2b5: {  	s1 =	ssub.s32 @!p0 $0x0, s1;
	[sflag:s0] =	ssyncset.done @!p0 $0x0  }
0x2b6: {  	[sflag:s0] =	ssyncadd.s32 @!p0 s1  }
0x2b7: {  	[bflag:$0x3] =	sbarrier.arrive $0xFFFF  }
0x2b8: {  	_ =	shalt  }

</sc_bundles>
